<compile_context>
chip_gen: v7x
topology: tpu7x:2x2x1
jax: 0.10.2.dev20260603
libtpu: 0.0.44.dev20260713+nightly
codegen_flags: <defaults>
</compile_context>

<pallas_src>
import functools

import jax
import jax.numpy as jnp
from jax import lax
from jax.experimental import pallas as pl
from jax.experimental.pallas import tpu as pltpu
from jax.experimental.pallas import tpu_sc as plsc

_COLS = 25600
_SC_BLOCKS = 100
_NUM_WORKERS = 32


def _stats_tail_kernel(w_ref, k_ref, wt_ref, xt_ref, stats_ref, tail_ref):
    wv = w_ref[...]
    m = jnp.max(wv)
    d = jnp.sum(jnp.exp(wv - m))
    coeff = jnp.round(k_ref[0, 0]) / (jnp.float32(wv.size) * d)
    stats_ref[...] = jnp.stack([jnp.full((16,), m), jnp.full((16,), coeff)])
    e_t = jnp.exp(wt_ref[...] - m) * coeff
    tail_ref[...] = jax.lax.dot_general(
        e_t, xt_ref[...], (((1,), (0,)), ((), ())),
        preferred_element_type=jnp.float32)


def _stats_kernel(w_ref, k_ref, out_ref):
    wv = w_ref[...]
    m = jnp.max(wv)
    d = jnp.sum(jnp.exp(wv - m))
    coeff = jnp.round(k_ref[0, 0]) / (jnp.float32(wv.size) * d)
    out_ref[...] = jnp.stack([jnp.full((16,), m), jnp.full((16,), coeff)])


def _wsum_tc_grid_kernel(stats_ref, w_ref, x_ref, out_ref):
    i = pl.program_id(0)
    m = stats_ref[0, 0]
    coeff = stats_ref[1, 0]
    e = jnp.exp(w_ref[0] - m) * coeff
    part = jax.lax.dot_general(
        e, x_ref[...], (((1,), (0,)), ((), ())),
        preferred_element_type=jnp.float32)

    @pl.when(i == 0)
    def _init():
        out_ref[...] = jnp.zeros_like(out_ref)

    out_ref[...] += part


def _combine_kernel(tc_ref, sc_ref, out_ref):
    a = sc_ref[...].reshape(_NUM_WORKERS, 64, 16)
    out_ref[...] = tc_ref[...] + jnp.sum(a, axis=(0, 2)).reshape(1, 64)


def _make_sc_wsum(sc0, t):
    mesh = plsc.VectorSubcoreMesh(core_axis_name="c", subcore_axis_name="s")
    max_blk = (_SC_BLOCKS + _NUM_WORKERS - 1) // _NUM_WORKERS

    @functools.partial(
        pl.kernel,
        out_type=jax.ShapeDtypeStruct((_NUM_WORKERS * t * 16,), jnp.float32),
        mesh=mesh,
        scratch_types=[
            pltpu.VMEM((t, 512), jnp.float32),
            pltpu.VMEM((t, 512), jnp.float32),
            pltpu.VMEM((max_blk * 1024,), jnp.float32),
            pltpu.VMEM((2, 16), jnp.float32),
            pltpu.VMEM((t * 16,), jnp.float32),
            pltpu.SemaphoreType.DMA,
            pltpu.SemaphoreType.DMA,
            pltpu.SemaphoreType.DMA,
        ],
    )
    def sc_fn(stats_hbm, w_hbm, xt_hbm, out_hbm,
              xa, xb, eb, sb, acc, sxa, sxb, sw):
        cid = lax.axis_index("c")
        sid = lax.axis_index("s")
        wid = sid * 2 + cid
        nblk = (_SC_BLOCKS - wid + _NUM_WORKERS - 1) // _NUM_WORKERS

        pltpu.sync_copy(stats_hbm, sb)
        mv = sb[0, pl.ds(0, 16)]
        cv = sb[1, pl.ds(0, 16)]

        def load_w(i, carry):
            c0 = sc0 + (wid + i * _NUM_WORKERS) * 1024
            pltpu.async_copy(
                w_hbm.at[pl.ds(c0, 1024)], eb.at[pl.ds(i * 1024, 1024)], sw)
            pltpu.make_async_copy(
                w_hbm.at[pl.ds(0, 1024)], eb.at[pl.ds(0, 1024)], sw).wait()
            return carry
        lax.fori_loop(0, nblk, load_w, 0)

        def expgrp(g, carry):
            ev = eb[pl.ds(g * 16, 16)]
            eb[pl.ds(g * 16, 16)] = jnp.exp(ev - mv) * cv
            return carry
        lax.fori_loop(0, nblk * 64, expgrp, 0)

        def zgrp(i, carry):
            acc[pl.ds(i * 16, 16)] = jnp.zeros((16,), jnp.float32)
            return carry
        lax.fori_loop(0, t, zgrp, 0)

        xbufs = (xa, xb)
        sxs = (sxa, sxb)

        def col0_of(q):
            blk = wid + (q // 2) * _NUM_WORKERS
            return sc0 + blk * 1024 + (q % 2) * 512

        def start(q, p):
            pltpu.async_copy(
                xt_hbm.at[:, pl.ds(col0_of(q), 512)], xbufs[p], sxs[p])

        def wait(p):
            pltpu.make_async_copy(
                xt_hbm.at[:, pl.ds(0, 512)], xbufs[p], sxs[p]).wait()

        def process(q, p):
            ebase = (q // 2) * 1024 + (q % 2) * 512

            def colgrp(g, carry):
                ev = eb[pl.ds(ebase + g * 16, 16)]
                for tt in range(t):
                    prod = ev * xbufs[p][tt, pl.ds(g * 16, 16)]
                    plsc.addupdate(acc.at[pl.ds(tt * 16, 16)], prod)
                return carry
            lax.fori_loop(0, 32, colgrp, 0)

        nq = 2 * nblk
        start(0, 0)
        start(1, 1)

        def body(i, carry):
            q0 = 2 * i
            wait(0)
            process(q0, 0)

            @pl.when(q0 + 2 < nq)
            def _():
                start(q0 + 2, 0)

            wait(1)
            process(q0 + 1, 1)

            @pl.when(q0 + 3 < nq)
            def _():
                start(q0 + 3, 1)

            return carry

        lax.fori_loop(0, nq // 2, body, 0)
        pltpu.sync_copy(acc, out_hbm.at[pl.ds(wid * t * 16, t * 16)])

    return sc_fn


def _make_xt_kernel(n, t, b, nb):
    def body(stats_ref, tailp_ref, w_ref, xt_ref, out_ref,
             xa, xb_, wa, wb, sb, tb, acc, sxa, sxb, swa, swb):
        pltpu.sync_copy(stats_ref, sb)
        pltpu.sync_copy(tailp_ref, tb)
        m = sb[0, 0]
        coeff = sb[1, 0]

        xbufs = (xa, xb_)
        wbufs = (wa, wb)
        sxs = (sxa, sxb)
        sws = (swa, swb)

        def start(j, p):
            pltpu.async_copy(xt_ref.at[:, pl.ds(j * b, b)], xbufs[p], sxs[p])
            pltpu.async_copy(w_ref.at[pl.ds(j * b, b)], wbufs[p], sws[p])

        def wait(p):
            pltpu.make_async_copy(
                xt_ref.at[:, pl.ds(0, b)], xbufs[p], sxs[p]).wait()
            pltpu.make_async_copy(
                w_ref.at[pl.ds(0, b)], wbufs[p], sws[p]).wait()

        def process(p):
            e = (jnp.exp(wbufs[p][...] - m) * coeff).reshape(1, b)
            acc[...] += xbufs[p][...] * e

        start(0, 0)
        if nb > 1:
            start(1, 1)
        acc[...] = jnp.zeros_like(acc)

        def pair(i, carry):
            j0 = 2 * i
            wait(0)
            process(0)

            @pl.when(j0 + 2 < nb)
            def _():
                start(j0 + 2, 0)

            wait(1)
            process(1)

            @pl.when(j0 + 3 < nb)
            def _():
                start(j0 + 3, 1)

            return carry

        jax.lax.fori_loop(0, nb // 2, pair, 0)
        if nb % 2 == 1:
            wait((nb - 1) % 2)
            process((nb - 1) % 2)
        out_ref[...] = jnp.sum(acc[...], axis=1).reshape(1, t) + tb[...]

    return pl.pallas_call(
        body,
        out_shape=jax.ShapeDtypeStruct((1, t), jnp.float32),
        in_specs=[
            pl.BlockSpec(memory_space=pltpu.HBM),
            pl.BlockSpec(memory_space=pltpu.HBM),
            pl.BlockSpec(memory_space=pltpu.HBM),
            pl.BlockSpec(memory_space=pltpu.HBM),
        ],
        out_specs=pl.BlockSpec((1, t), lambda: (0, 0)),
        scratch_shapes=[
            pltpu.VMEM((t, b), jnp.float32),
            pltpu.VMEM((t, b), jnp.float32),
            pltpu.VMEM((b,), jnp.float32),
            pltpu.VMEM((b,), jnp.float32),
            pltpu.VMEM((2, 16), jnp.float32),
            pltpu.VMEM((1, t), jnp.float32),
            pltpu.VMEM((t, b), jnp.float32),
            pltpu.SemaphoreType.DMA,
            pltpu.SemaphoreType.DMA,
            pltpu.SemaphoreType.DMA,
            pltpu.SemaphoreType.DMA,
        ],
    )


def _pick_block(n):
    for b in (8000, 10000, 5000, 4096, 4000, 2048, 2000, 1000):
        if n % b == 0:
            return b
    return n


def kernel(x, w, k_param):
    n, t = x.shape
    rows = 1000 if n % 1000 == 0 else 1
    w2d = w.reshape(n // rows, rows)
    k2d = k_param.reshape(1, 1)

    bc = _COLS
    nb = n // bc
    tail = n - nb * bc
    sc_cols = _SC_BLOCKS * 1024
    use_xt = (t == 64 and nb >= 2 and tail % 8 == 0 and tail > 0
              and bc % 1024 == 0 and sc_cols % bc == 0
              and nb * bc - sc_cols >= 2 * bc)

    if use_xt:
        wt = w[n - tail:].reshape(1, tail)
        xtail = x[n - tail:]
        stats, tailp = pl.pallas_call(
            _stats_tail_kernel,
            out_shape=(
                jax.ShapeDtypeStruct((2, 16), jnp.float32),
                jax.ShapeDtypeStruct((1, t), jnp.float32),
            ),
            in_specs=[
                pl.BlockSpec((n // rows, rows), lambda: (0, 0)),
                pl.BlockSpec((1, 1), lambda: (0, 0)),
                pl.BlockSpec((1, tail), lambda: (0, 0)),
                pl.BlockSpec((tail, t), lambda: (0, 0)),
            ],
            out_specs=(
                pl.BlockSpec((2, 16), lambda: (0, 0)),
                pl.BlockSpec((1, t), lambda: (0, 0)),
            ),
        )(w2d, k2d, wt, xtail)
        sc0 = nb * bc - sc_cols
        nb_tc = sc0 // bc
        sc_part = _make_sc_wsum(sc0, t)(stats, w, x.T)
        tc_part = _make_xt_kernel(n, t, bc, nb_tc)(stats, tailp, w, x.T)
        out = pl.pallas_call(
            _combine_kernel,
            out_shape=jax.ShapeDtypeStruct((1, t), jnp.float32),
            in_specs=[
                pl.BlockSpec((1, t), lambda: (0, 0)),
                pl.BlockSpec((_NUM_WORKERS * t, 16), lambda: (0, 0)),
            ],
            out_specs=pl.BlockSpec((1, t), lambda: (0, 0)),
        )(tc_part, sc_part.reshape(_NUM_WORKERS * t, 16))
    else:
        stats = pl.pallas_call(
            _stats_kernel,
            out_shape=jax.ShapeDtypeStruct((2, 16), jnp.float32),
            in_specs=[
                pl.BlockSpec((n // rows, rows), lambda: (0, 0)),
                pl.BlockSpec((1, 1), lambda: (0, 0)),
            ],
            out_specs=pl.BlockSpec((2, 16), lambda: (0, 0)),
        )(w2d, k2d)
        b = _pick_block(n)
        out = pl.pallas_call(
            _wsum_tc_grid_kernel,
            grid=(n // b,),
            out_shape=jax.ShapeDtypeStruct((1, t), jnp.float32),
            in_specs=[
                pl.BlockSpec((2, 16), lambda i: (0, 0)),
                pl.BlockSpec((1, 1, b), lambda i: (i, 0, 0)),
                pl.BlockSpec((b, t), lambda i: (i, 0)),
            ],
            out_specs=pl.BlockSpec((1, t), lambda i: (0, 0)),
        )(stats, w.reshape(n // b, 1, b), x)

    return out.reshape(t)

# --- scband reference (transcript-rebuilt; emitter-appended) ---
"""Pipeline reference for scband-model-88416196755814 (READ-ONLY COPY).

The authoritative reference and input builder live on the scoring server;
editing this copy changes nothing except your own understanding.
"""

import jax, jax.numpy as jnp
import numpy as np

N = 1000000
T = 64

def setup_inputs(seed: int = 0) -> dict:
    key = jax.random.key(seed)
    kx, = jax.random.split(key, 1)
    x = jax.random.normal(kx, (N, T), dtype=jnp.float32)
    # learned parameters per __init__(n)
    w = jnp.ones((N,), dtype=jnp.float32) / N
    k_param = jnp.asarray(float(N), dtype=jnp.float32)
    return {"x": x, "w": w, "k_param": k_param}

def reference(x, w, k_param):
    # k = int(round(k.detach())) in the torch module
    k = w.shape[0]
    w_k, idx = jax.lax.top_k(w, k)
    w_s = jax.nn.softmax(w_k)
    x_k = x[idx]
    out = jnp.matmul(w_s, x_k)
    out = out * (jnp.round(k_param) / jnp.float32(k))
    return jnp.squeeze(out)

if __name__ == "__main__":
    import jax
    _d = setup_inputs()
    print(jax.jit(kernel)(*tuple(_d.values())))

</pallas_src>

<mosaic_0001>
#map = affine_map<(d0, d1) -> (0, 0)>
#map1 = affine_map<(d0, d1) -> (0)>
module attributes {stable_mosaic.version = 14 : i64} {
  func.func @sc_fn(%arg0: i32, %arg1: i32, %arg2: memref<2x16xf32, #tpu.memory_space<hbm>>, %arg3: memref<1000000xf32, #tpu.memory_space<hbm>>, %arg4: memref<64x1000000xf32, #tpu.memory_space<hbm>>, %arg5: memref<32768xf32, #tpu.memory_space<hbm>>, %arg6: memref<64x512xf32, #tpu.memory_space<vmem>>, %arg7: memref<64x512xf32, #tpu.memory_space<vmem>>, %arg8: memref<4096xf32, #tpu.memory_space<vmem>>, %arg9: memref<2x16xf32, #tpu.memory_space<vmem>>, %arg10: memref<1024xf32, #tpu.memory_space<vmem>>, %arg11: memref<!tpu.dma_semaphore, #tpu.memory_space<semaphore_mem>>, %arg12: memref<!tpu.dma_semaphore, #tpu.memory_space<semaphore_mem>>, %arg13: memref<!tpu.dma_semaphore, #tpu.memory_space<semaphore_mem>>) attributes {dimension_semantics = [#tpu.dimension_semantics<core_parallel>, #tpu.dimension_semantics<subcore_parallel>], iteration_bounds = array<i64: 2, 16>, scalar_prefetch = 0 : i64, scratch_operands = 8 : i64, tpu.core_type = #tpu.core_type<sc_vector_subcore>, window_params = [{transform_indices = #map}, {transform_indices = #map1}, {transform_indices = #map}, {transform_indices = #map1}]} {
    %mul3A = arith.constant 2 : i32
    %mul3A_0 = arith.muli %arg1, %mul3A : i32
    %add3A = arith.addi %mul3A_0, %arg0 : i32
    %sub3A = arith.constant 100 : i32
    %sub3A_1 = arith.subi %sub3A, %add3A : i32
    %add3A_2 = arith.constant 32 : i32
    %add3A_3 = arith.addi %sub3A_1, %add3A_2 : i32
    %sub3A_4 = arith.constant 1 : i32
    %sub3A_5 = arith.subi %add3A_3, %sub3A_4 : i32
    %jit3A = arith.constant 32 : i32
    %div3A = arith.divsi %sub3A_5, %jit3A : i32
    %sign3A = arith.constant 0 : i32
    %sign3A_6 = arith.cmpi sgt, %sub3A_5, %sign3A : i32
    %sign3A_7 = arith.extui %sign3A_6 : i1 to i32
    %sign3A_8 = arith.constant 0 : i32
    %sign3A_9 = arith.cmpi slt, %sub3A_5, %sign3A_8 : i32
    %sign3A_10 = arith.extui %sign3A_9 : i1 to i32
    %sign3A_11 = arith.subi %sign3A_7, %sign3A_10 : i32
    %sign3A_12 = arith.constant 0 : i32
    %sign3A_13 = arith.cmpi sgt, %jit3A, %sign3A_12 : i32
    %sign3A_14 = arith.extui %sign3A_13 : i1 to i32
    %sign3A_15 = arith.constant 0 : i32
    %sign3A_16 = arith.cmpi slt, %jit3A, %sign3A_15 : i32
    %sign3A_17 = arith.extui %sign3A_16 : i1 to i32
    %sign3A_18 = arith.subi %sign3A_14, %sign3A_17 : i32
    %ne3A = arith.cmpi ne, %sign3A_11, %sign3A_18 : i32
    %rem3A = arith.remsi %sub3A_5, %jit3A : i32
    %ne3A_19 = arith.constant 0 : i32
    %ne3A_20 = arith.cmpi ne, %rem3A, %ne3A_19 : i32
    %and3A = arith.andi %ne3A, %ne3A_20 : i1
    %sub3A_21 = arith.constant 1 : i32
    %sub3A_22 = arith.subi %div3A, %sub3A_21 : i32
    %select_n3A = arith.select %and3A, %sub3A_22, %div3A : i32
    "tpu.region"() ({
      %run_scoped3A = tpu.sem_alloc : memref<!tpu.dma_semaphore, #tpu.memory_space<semaphore_mem>>
      tpu.enqueue_dma source(%arg2 : memref<2x16xf32, #tpu.memory_space<hbm>>) target(%arg9 : memref<2x16xf32, #tpu.memory_space<vmem>>) target_semaphore(%run_scoped3A : memref<!tpu.dma_semaphore, #tpu.memory_space<semaphore_mem>>)
      tpu.wait_dma2 semaphore(%run_scoped3A : memref<!tpu.dma_semaphore, #tpu.memory_space<semaphore_mem>>) src(%arg2 : memref<2x16xf32, #tpu.memory_space<hbm>>) dst(%arg9 : memref<2x16xf32, #tpu.memory_space<vmem>>)
      tpu.yield
    }) : () -> ()
    %get3A = arith.constant 0 : i32
    %get3A_23 = arith.index_cast %get3A : i32 to index
    %get3A_24 = arith.constant 0 : index
    %get3A_25 = tpu.vector_load %arg9[%get3A_23, %get3A_24] {strides = array<i32>} : memref<2x16xf32, #tpu.memory_space<vmem>>, vector<1x16xf32>,
    %get3A_26 = vector.shape_cast %get3A_25 : vector<1x16xf32> to vector<16xf32>
    %get3A_27 = arith.constant 1 : i32
    %get3A_28 = arith.index_cast %get3A_27 : i32 to index
    %get3A_29 = arith.constant 0 : index
    %get3A_30 = tpu.vector_load %arg9[%get3A_28, %get3A_29] {strides = array<i32>} : memref<2x16xf32, #tpu.memory_space<vmem>>, vector<1x16xf32>,
    %get3A_31 = vector.shape_cast %get3A_30 : vector<1x16xf32> to vector<16xf32>
    %while3A = arith.constant 0 : i32
    %while3A_32 = arith.constant 0 : i32
    %while3A_33 = arith.subi %select_n3A, %while3A_32 : i32
    %while3A_34 = arith.addi %while3A_32, %while3A_33 : i32
    %while3A_35 = arith.constant 1 : i32
    %while3A_36 = arith.divsi %while3A_33, %while3A_35 : i32
    %while3A_37 = arith.muli %while3A_36, %while3A_35 : i32
    %while3A_38 = arith.addi %while3A_32, %while3A_37 : i32
    %while3A_39 = arith.constant 1 : i32
    scf.for %while3A_121 = %while3A_32 to %while3A_38 step %while3A_39  : i32 {
      %mul3A_122 = arith.constant 32 : i32
      %mul3A_123 = arith.muli %while3A_121, %mul3A_122 : i32
      %add3A_124 = arith.addi %add3A, %mul3A_123 : i32
      %mul3A_125 = arith.constant 1024 : i32
      %mul3A_126 = arith.muli %add3A_124, %mul3A_125 : i32
      %add3A_127 = arith.constant 896000 : i32
      %add3A_128 = arith.addi %add3A_127, %mul3A_126 : i32
      %mul3A_129 = arith.constant 1024 : i32
      %mul3A_130 = arith.muli %while3A_121, %mul3A_129 : i32
      %dma_start3A_131 = tpu.memref_slice %arg8[%mul3A_130] : memref<4096xf32, #tpu.memory_space<vmem>> -> memref<1024xf32, #tpu.memory_space<vmem>>
      %dma_start3A_132 = tpu.memref_slice %arg3[%add3A_128] : memref<1000000xf32, #tpu.memory_space<hbm>> -> memref<1024xf32, #tpu.memory_space<hbm>>
      %dma_start3A_133 = tpu.memref_slice %arg8[%mul3A_130] : memref<4096xf32, #tpu.memory_space<vmem>> -> memref<1024xf32, #tpu.memory_space<vmem>>
      %dma_start3A_134 = tpu.memref_slice %arg3[%add3A_128] : memref<1000000xf32, #tpu.memory_space<hbm>> -> memref<1024xf32, #tpu.memory_space<hbm>>
      tpu.enqueue_dma source(%dma_start3A_134 : memref<1024xf32, #tpu.memory_space<hbm>>) target(%dma_start3A_133 : memref<1024xf32, #tpu.memory_space<vmem>>) target_semaphore(%arg13 : memref<!tpu.dma_semaphore, #tpu.memory_space<semaphore_mem>>)
      %dma_wait3A = arith.constant 0 : i32
      %dma_wait3A_135 = tpu.memref_slice %arg8[%dma_wait3A] : memref<4096xf32, #tpu.memory_space<vmem>> -> memref<1024xf32, #tpu.memory_space<vmem>>
      %dma_wait3A_136 = arith.constant 0 : i32
      %dma_wait3A_137 = tpu.memref_slice %arg3[%dma_wait3A_136] : memref<1000000xf32, #tpu.memory_space<hbm>> -> memref<1024xf32, #tpu.memory_space<hbm>>
      %dma_wait3A_138 = arith.constant 0 : i32
      %dma_wait3A_139 = tpu.memref_slice %arg8[%dma_wait3A_138] : memref<4096xf32, #tpu.memory_space<vmem>> -> memref<1024xf32, #tpu.memory_space<vmem>>
      %dma_wait3A_140 = arith.constant 0 : i32
      %dma_wait3A_141 = tpu.memref_slice %arg3[%dma_wait3A_140] : memref<1000000xf32, #tpu.memory_space<hbm>> -> memref<1024xf32, #tpu.memory_space<hbm>>
      tpu.wait_dma2 semaphore(%arg13 : memref<!tpu.dma_semaphore, #tpu.memory_space<semaphore_mem>>) src(%dma_wait3A_141 : memref<1024xf32, #tpu.memory_space<hbm>>) dst(%dma_wait3A_139 : memref<1024xf32, #tpu.memory_space<vmem>>)
    }
    %while3A_40 = arith.constant 1 : i32
    scf.for %while3A_121 = %while3A_38 to %while3A_34 step %while3A_40  : i32 {
      %mul3A_122 = arith.constant 32 : i32
      %mul3A_123 = arith.muli %while3A_121, %mul3A_122 : i32
      %add3A_124 = arith.addi %add3A, %mul3A_123 : i32
      %mul3A_125 = arith.constant 1024 : i32
      %mul3A_126 = arith.muli %add3A_124, %mul3A_125 : i32
      %add3A_127 = arith.constant 896000 : i32
      %add3A_128 = arith.addi %add3A_127, %mul3A_126 : i32
      %mul3A_129 = arith.constant 1024 : i32
      %mul3A_130 = arith.muli %while3A_121, %mul3A_129 : i32
      %dma_start3A_131 = tpu.memref_slice %arg8[%mul3A_130] : memref<4096xf32, #tpu.memory_space<vmem>> -> memref<1024xf32, #tpu.memory_space<vmem>>
      %dma_start3A_132 = tpu.memref_slice %arg3[%add3A_128] : memref<1000000xf32, #tpu.memory_space<hbm>> -> memref<1024xf32, #tpu.memory_space<hbm>>
      %dma_start3A_133 = tpu.memref_slice %arg8[%mul3A_130] : memref<4096xf32, #tpu.memory_space<vmem>> -> memref<1024xf32, #tpu.memory_space<vmem>>
      %dma_start3A_134 = tpu.memref_slice %arg3[%add3A_128] : memref<1000000xf32, #tpu.memory_space<hbm>> -> memref<1024xf32, #tpu.memory_space<hbm>>
      tpu.enqueue_dma source(%dma_start3A_134 : memref<1024xf32, #tpu.memory_space<hbm>>) target(%dma_start3A_133 : memref<1024xf32, #tpu.memory_space<vmem>>) target_semaphore(%arg13 : memref<!tpu.dma_semaphore, #tpu.memory_space<semaphore_mem>>)
      %dma_wait3A = arith.constant 0 : i32
      %dma_wait3A_135 = tpu.memref_slice %arg8[%dma_wait3A] : memref<4096xf32, #tpu.memory_space<vmem>> -> memref<1024xf32, #tpu.memory_space<vmem>>
      %dma_wait3A_136 = arith.constant 0 : i32
      %dma_wait3A_137 = tpu.memref_slice %arg3[%dma_wait3A_136] : memref<1000000xf32, #tpu.memory_space<hbm>> -> memref<1024xf32, #tpu.memory_space<hbm>>
      %dma_wait3A_138 = arith.constant 0 : i32
      %dma_wait3A_139 = tpu.memref_slice %arg8[%dma_wait3A_138] : memref<4096xf32, #tpu.memory_space<vmem>> -> memref<1024xf32, #tpu.memory_space<vmem>>
      %dma_wait3A_140 = arith.constant 0 : i32
      %dma_wait3A_141 = tpu.memref_slice %arg3[%dma_wait3A_140] : memref<1000000xf32, #tpu.memory_space<hbm>> -> memref<1024xf32, #tpu.memory_space<hbm>>
      tpu.wait_dma2 semaphore(%arg13 : memref<!tpu.dma_semaphore, #tpu.memory_space<semaphore_mem>>) src(%dma_wait3A_141 : memref<1024xf32, #tpu.memory_space<hbm>>) dst(%dma_wait3A_139 : memref<1024xf32, #tpu.memory_space<vmem>>)
    }
    %mul3A_41 = arith.constant 64 : i32
    %mul3A_42 = arith.muli %select_n3A, %mul3A_41 : i32
    %while3A_43 = arith.constant 0 : i32
    %while3A_44 = arith.constant 0 : i32
    %while3A_45 = arith.subi %mul3A_42, %while3A_44 : i32
    %while3A_46 = arith.addi %while3A_44, %while3A_45 : i32
    %while3A_47 = arith.constant 1 : i32
    %while3A_48 = arith.divsi %while3A_45, %while3A_47 : i32
    %while3A_49 = arith.muli %while3A_48, %while3A_47 : i32
    %while3A_50 = arith.addi %while3A_44, %while3A_49 : i32
    %while3A_51 = arith.constant 1 : i32
    scf.for %while3A_121 = %while3A_44 to %while3A_50 step %while3A_51  : i32 {
      %mul3A_122 = arith.constant 16 : i32
      %mul3A_123 = arith.muli %while3A_121, %mul3A_122 : i32
      %get3A_124 = arith.index_cast %mul3A_123 : i32 to index
      %get3A_125 = tpu.vector_load %arg8[%get3A_124] {strides = array<i32>} : memref<4096xf32, #tpu.memory_space<vmem>>, vector<16xf32>,
      %get3A_126 = vector.shape_cast %get3A_125 : vector<16xf32> to vector<16xf32>
      %sub3A_127 = arith.subf %get3A_126, %get3A_26 : vector<16xf32>
      %exp3A = math.exp %sub3A_127 : vector<16xf32>
      %mul3A_128 = arith.mulf %exp3A, %get3A_31 : vector<16xf32>
      %mul3A_129 = arith.constant 16 : i32
      %mul3A_130 = arith.muli %while3A_121, %mul3A_129 : i32
      %swap3A = arith.index_cast %mul3A_130 : i32 to index
      %swap3A_131 = tpu.vector_load %arg8[%swap3A] {strides = array<i32>} : memref<4096xf32, #tpu.memory_space<vmem>>, vector<16xf32>,
      %swap3A_132 = vector.shape_cast %swap3A_131 : vector<16xf32> to vector<16xf32>
      %swap3A_133 = vector.shape_cast %mul3A_128 : vector<16xf32> to vector<16xf32>
      tpu.vector_store %arg8[%swap3A], %swap3A_133 {strides = array<i32>} : memref<4096xf32, #tpu.memory_space<vmem>>, vector<16xf32>,
    }
    %while3A_52 = arith.constant 1 : i32
    scf.for %while3A_121 = %while3A_50 to %while3A_46 step %while3A_52  : i32 {
      %mul3A_122 = arith.constant 16 : i32
      %mul3A_123 = arith.muli %while3A_121, %mul3A_122 : i32
      %get3A_124 = arith.index_cast %mul3A_123 : i32 to index
      %get3A_125 = tpu.vector_load %arg8[%get3A_124] {strides = array<i32>} : memref<4096xf32, #tpu.memory_space<vmem>>, vector<16xf32>,
      %get3A_126 = vector.shape_cast %get3A_125 : vector<16xf32> to vector<16xf32>
      %sub3A_127 = arith.subf %get3A_126, %get3A_26 : vector<16xf32>
      %exp3A = math.exp %sub3A_127 : vector<16xf32>
      %mul3A_128 = arith.mulf %exp3A, %get3A_31 : vector<16xf32>
      %mul3A_129 = arith.constant 16 : i32
      %mul3A_130 = arith.muli %while3A_121, %mul3A_129 : i32
      %swap3A = arith.index_cast %mul3A_130 : i32 to index
      %swap3A_131 = tpu.vector_load %arg8[%swap3A] {strides = array<i32>} : memref<4096xf32, #tpu.memory_space<vmem>>, vector<16xf32>,
      %swap3A_132 = vector.shape_cast %swap3A_131 : vector<16xf32> to vector<16xf32>
      %swap3A_133 = vector.shape_cast %mul3A_128 : vector<16xf32> to vector<16xf32>
      tpu.vector_store %arg8[%swap3A], %swap3A_133 {strides = array<i32>} : memref<4096xf32, #tpu.memory_space<vmem>>, vector<16xf32>,
    }
    %scan3A = arith.constant 0 : i32
    %scan3A_53 = arith.constant 0 : i32
    %scan3A_54 = arith.constant 64 : i32
    %scan3A_55 = arith.addi %scan3A_53, %scan3A_54 : i32
    %scan3A_56 = arith.constant 1 : i32
    scf.for %scan3A_121 = %scan3A_53 to %scan3A_55 step %scan3A_56  : i32 {
      %broadcast_in_dim3A = arith.constant 0.000000e+00 : f32
      %broadcast_in_dim3A_122 = vector.broadcast %broadcast_in_dim3A : f32 to vector<16xf32>
      %mul3A_123 = arith.constant 16 : i32
      %mul3A_124 = arith.muli %scan3A_121, %mul3A_123 : i32
      %swap3A = arith.index_cast %mul3A_124 : i32 to index
      %swap3A_125 = tpu.vector_load %arg10[%swap3A] {strides = array<i32>} : memref<1024xf32, #tpu.memory_space<vmem>>, vector<16xf32>,
      %swap3A_126 = vector.shape_cast %swap3A_125 : vector<16xf32> to vector<16xf32>
      %swap3A_127 = vector.shape_cast %broadcast_in_dim3A_122 : vector<16xf32> to vector<16xf32>
      tpu.vector_store %arg10[%swap3A], %swap3A_127 {strides = array<i32>} : memref<1024xf32, #tpu.memory_space<vmem>>, vector<16xf32>,
    }
    %scan3A_57 = arith.constant 64 : i32
    %mul3A_58 = arith.constant 2 : i32
    %mul3A_59 = arith.muli %mul3A_58, %select_n3A : i32
    %add3A_60 = arith.constant 0 : i32
    %add3A_61 = arith.addi %add3A, %add3A_60 : i32
    %mul3A_62 = arith.constant 1024 : i32
    %mul3A_63 = arith.muli %add3A_61, %mul3A_62 : i32
    %add3A_64 = arith.constant 896000 : i32
    %add3A_65 = arith.addi %add3A_64, %mul3A_63 : i32
    %add3A_66 = arith.constant 0 : i32
    %add3A_67 = arith.addi %add3A_65, %add3A_66 : i32
    %dma_start3A = arith.constant 0 : i32
    %dma_start3A_68 = tpu.memref_slice %arg4[%dma_start3A, %add3A_67] : memref<64x1000000xf32, #tpu.memory_space<hbm>> -> memref<64x512xf32, #tpu.memory_space<hbm>>
    %dma_start3A_69 = arith.constant 0 : i32
    %dma_start3A_70 = tpu.memref_slice %arg4[%dma_start3A_69, %add3A_67] : memref<64x1000000xf32, #tpu.memory_space<hbm>> -> memref<64x512xf32, #tpu.memory_space<hbm>>
    tpu.enqueue_dma source(%dma_start3A_70 : memref<64x512xf32, #tpu.memory_space<hbm>>) target(%arg6 : memref<64x512xf32, #tpu.memory_space<vmem>>) target_semaphore(%arg11 : memref<!tpu.dma_semaphore, #tpu.memory_space<semaphore_mem>>)
    %add3A_71 = arith.constant 0 : i32
    %add3A_72 = arith.addi %add3A, %add3A_71 : i32
    %mul3A_73 = arith.constant 1024 : i32
    %mul3A_74 = arith.muli %add3A_72, %mul3A_73 : i32
    %add3A_75 = arith.constant 896000 : i32
    %add3A_76 = arith.addi %add3A_75, %mul3A_74 : i32
    %add3A_77 = arith.constant 512 : i32
    %add3A_78 = arith.addi %add3A_76, %add3A_77 : i32
    %dma_start3A_79 = arith.constant 0 : i32
    %dma_start3A_80 = tpu.memref_slice %arg4[%dma_start3A_79, %add3A_78] : memref<64x1000000xf32, #tpu.memory_space<hbm>> -> memref<64x512xf32, #tpu.memory_space<hbm>>
    %dma_start3A_81 = arith.constant 0 : i32
    %dma_start3A_82 = tpu.memref_slice %arg4[%dma_start3A_81, %add3A_78] : memref<64x1000000xf32, #tpu.memory_space<hbm>> -> memref<64x512xf32, #tpu.memory_space<hbm>>
    tpu.enqueue_dma source(%dma_start3A_82 : memref<64x512xf32, #tpu.memory_space<hbm>>) target(%arg7 : memref<64x512xf32, #tpu.memory_space<vmem>>) target_semaphore(%arg12 : memref<!tpu.dma_semaphore, #tpu.memory_space<semaphore_mem>>)
    %jit3A_83 = arith.constant 2 : i32
    %div3A_84 = arith.divsi %mul3A_59, %jit3A_83 : i32
    %sign3A_85 = arith.constant 0 : i32
    %sign3A_86 = arith.cmpi sgt, %mul3A_59, %sign3A_85 : i32
    %sign3A_87 = arith.extui %sign3A_86 : i1 to i32
    %sign3A_88 = arith.constant 0 : i32
    %sign3A_89 = arith.cmpi slt, %mul3A_59, %sign3A_88 : i32
    %sign3A_90 = arith.extui %sign3A_89 : i1 to i32
    %sign3A_91 = arith.subi %sign3A_87, %sign3A_90 : i32
    %sign3A_92 = arith.constant 0 : i32
    %sign3A_93 = arith.cmpi sgt, %jit3A_83, %sign3A_92 : i32
    %sign3A_94 = arith.extui %sign3A_93 : i1 to i32
    %sign3A_95 = arith.constant 0 : i32
    %sign3A_96 = arith.cmpi slt, %jit3A_83, %sign3A_95 : i32
    %sign3A_97 = arith.extui %sign3A_96 : i1 to i32
    %sign3A_98 = arith.subi %sign3A_94, %sign3A_97 : i32
    %ne3A_99 = arith.cmpi ne, %sign3A_91, %sign3A_98 : i32
    %rem3A_100 = arith.remsi %mul3A_59, %jit3A_83 : i32
    %ne3A_101 = arith.constant 0 : i32
    %ne3A_102 = arith.cmpi ne, %rem3A_100, %ne3A_101 : i32
    %and3A_103 = arith.andi %ne3A_99, %ne3A_102 : i1
    %sub3A_104 = arith.constant 1 : i32
    %sub3A_105 = arith.subi %div3A_84, %sub3A_104 : i32
    %select_n3A_106 = arith.select %and3A_103, %sub3A_105, %div3A_84 : i32
    %while3A_107 = arith.constant 0 : i32
    %while3A_108 = arith.constant 0 : i32
    %while3A_109 = arith.subi %select_n3A_106, %while3A_108 : i32
    %while3A_110 = arith.addi %while3A_108, %while3A_109 : i32
    %while3A_111 = arith.constant 1 : i32
    %while3A_112 = arith.divsi %while3A_109, %while3A_111 : i32
    %while3A_113 = arith.muli %while3A_112, %while3A_111 : i32
    %while3A_114 = arith.addi %while3A_108, %while3A_113 : i32
    %while3A_115 = arith.constant 1 : i32
    scf.for %while3A_121 = %while3A_108 to %while3A_114 step %while3A_115  : i32 {
      %mul3A_122 = arith.constant 2 : i32
      %mul3A_123 = arith.muli %mul3A_122, %while3A_121 : i32
      %dma_wait3A = arith.constant 0 : i32
      %dma_wait3A_124 = arith.constant 0 : i32
      %dma_wait3A_125 = tpu.memref_slice %arg4[%dma_wait3A, %dma_wait3A_124] : memref<64x1000000xf32, #tpu.memory_space<hbm>> -> memref<64x512xf32, #tpu.memory_space<hbm>>
      %dma_wait3A_126 = arith.constant 0 : i32
      %dma_wait3A_127 = arith.constant 0 : i32
      %dma_wait3A_128 = tpu.memref_slice %arg4[%dma_wait3A_126, %dma_wait3A_127] : memref<64x1000000xf32, #tpu.memory_space<hbm>> -> memref<64x512xf32, #tpu.memory_space<hbm>>
      tpu.wait_dma2 semaphore(%arg11 : memref<!tpu.dma_semaphore, #tpu.memory_space<semaphore_mem>>) src(%dma_wait3A_128 : memref<64x512xf32, #tpu.memory_space<hbm>>) dst(%arg6 : memref<64x512xf32, #tpu.memory_space<vmem>>)
      %jit3A_129 = arith.constant 2 : i32
      %div3A_130 = arith.divsi %mul3A_123, %jit3A_129 : i32
      %sign3A_131 = arith.constant 0 : i32
      %sign3A_132 = arith.cmpi sgt, %mul3A_123, %sign3A_131 : i32
      %sign3A_133 = arith.extui %sign3A_132 : i1 to i32
      %sign3A_134 = arith.constant 0 : i32
      %sign3A_135 = arith.cmpi slt, %mul3A_123, %sign3A_134 : i32
      %sign3A_136 = arith.extui %sign3A_135 : i1 to i32
      %sign3A_137 = arith.subi %sign3A_133, %sign3A_136 : i32
      %sign3A_138 = arith.constant 0 : i32
      %sign3A_139 = arith.cmpi sgt, %jit3A_129, %sign3A_138 : i32
      %sign3A_140 = arith.extui %sign3A_139 : i1 to i32
      %sign3A_141 = arith.constant 0 : i32
      %sign3A_142 = arith.cmpi slt, %jit3A_129, %sign3A_141 : i32
      %sign3A_143 = arith.extui %sign3A_142 : i1 to i32
      %sign3A_144 = arith.subi %sign3A_140, %sign3A_143 : i32
      %ne3A_145 = arith.cmpi ne, %sign3A_137, %sign3A_144 : i32
      %rem3A_146 = arith.remsi %mul3A_123, %jit3A_129 : i32
      %ne3A_147 = arith.constant 0 : i32
      %ne3A_148 = arith.cmpi ne, %rem3A_146, %ne3A_147 : i32
      %and3A_149 = arith.andi %ne3A_145, %ne3A_148 : i1
      %sub3A_150 = arith.constant 1 : i32
      %sub3A_151 = arith.subi %div3A_130, %sub3A_150 : i32
      %select_n3A_152 = arith.select %and3A_149, %sub3A_151, %div3A_130 : i32
      %mul3A_153 = arith.constant 1024 : i32
      %mul3A_154 = arith.muli %select_n3A_152, %mul3A_153 : i32
      %jit3A_155 = arith.constant 2 : i32
      %eq3A = arith.constant 0 : i32
      %eq3A_156 = arith.cmpi eq, %jit3A_155, %eq3A : i32
      %jit3A_157 = arith.constant 1 : i32
      %select_n3A_158 = arith.select %eq3A_156, %jit3A_157, %jit3A_155 : i32
      %rem3A_159 = arith.remsi %mul3A_123, %select_n3A_158 : i32
      %ne3A_160 = arith.constant 0 : i32
      %ne3A_161 = arith.cmpi ne, %rem3A_159, %ne3A_160 : i32
      %lt3A = arith.constant 0 : i32
      %lt3A_162 = arith.cmpi slt, %rem3A_159, %lt3A : i32
      %lt3A_163 = arith.constant 0 : i32
      %lt3A_164 = arith.cmpi slt, %select_n3A_158, %lt3A_163 : i32
      %ne3A_165 = arith.xori %lt3A_162, %lt3A_164 : i1
      %and3A_166 = arith.andi %ne3A_165, %ne3A_161 : i1
      %add3A_167 = arith.addi %rem3A_159, %select_n3A_158 : i32
      %select_n3A_168 = arith.select %and3A_166, %add3A_167, %rem3A_159 : i32
      %mul3A_169 = arith.constant 512 : i32
      %mul3A_170 = arith.muli %select_n3A_168, %mul3A_169 : i32
      %add3A_171 = arith.addi %mul3A_154, %mul3A_170 : i32
      %scan3A_172 = arith.constant 0 : i32
      %scan3A_173 = arith.constant 0 : i32
      %scan3A_174 = arith.constant 32 : i32
      %scan3A_175 = arith.addi %scan3A_173, %scan3A_174 : i32
      %scan3A_176 = arith.constant 1 : i32
      scf.for %scan3A_247 = %scan3A_173 to %scan3A_175 step %scan3A_176  : i32 {
        %mul3A_248 = arith.constant 16 : i32
        %mul3A_249 = arith.muli %scan3A_247, %mul3A_248 : i32
        %add3A_250 = arith.addi %add3A_171, %mul3A_249 : i32
        %get3A_251 = arith.index_cast %add3A_250 : i32 to index
        %get3A_252 = tpu.vector_load %arg8[%get3A_251] {strides = array<i32>} : memref<4096xf32, #tpu.memory_space<vmem>>, vector<16xf32>,
        %get3A_253 = vector.shape_cast %get3A_252 : vector<16xf32> to vector<16xf32>
        %mul3A_254 = arith.constant 16 : i32
        %mul3A_255 = arith.muli %scan3A_247, %mul3A_254 : i32
        %get3A_256 = arith.constant 0 : i32
        %get3A_257 = arith.index_cast %get3A_256 : i32 to index
        %get3A_258 = arith.index_cast %mul3A_255 : i32 to index
        %get3A_259 = tpu.vector_load %arg6[%get3A_257, %get3A_258] {strides = array<i32>} : memref<64x512xf32, #tpu.memory_space<vmem>>, vector<1x16xf32>,
        %get3A_260 = vector.shape_cast %get3A_259 : vector<1x16xf32> to vector<16xf32>
        %mul3A_261 = arith.mulf %get3A_253, %get3A_260 : vector<16xf32>
        %swap3A = arith.constant 0 : index
        %swap3A_262 = tpu.vector_load %arg10[%swap3A] {strides = array<i32>} : memref<1024xf32, #tpu.memory_space<vmem>>, vector<16xf32>,
        %swap3A_263 = vector.shape_cast %swap3A_262 : vector<16xf32> to vector<16xf32>
        %swap3A_264 = vector.shape_cast %mul3A_261 : vector<16xf32> to vector<16xf32>
        tpu.vector_store %arg10[%swap3A], %swap3A_264 {add = true, strides = array<i32>} : memref<1024xf32, #tpu.memory_space<vmem>>, vector<16xf32>,
        %mul3A_265 = arith.constant 16 : i32
        %mul3A_266 = arith.muli %scan3A_247, %mul3A_265 : i32
        %get3A_267 = arith.constant 1 : i32
        %get3A_268 = arith.index_cast %get3A_267 : i32 to index
        %get3A_269 = arith.index_cast %mul3A_266 : i32 to index
        %get3A_270 = tpu.vector_load %arg6[%get3A_268, %get3A_269] {strides = array<i32>} : memref<64x512xf32, #tpu.memory_space<vmem>>, vector<1x16xf32>,
        %get3A_271 = vector.shape_cast %get3A_270 : vector<1x16xf32> to vector<16xf32>
        %mul3A_272 = arith.mulf %get3A_253, %get3A_271 : vector<16xf32>
        %swap3A_273 = arith.constant 16 : index
        %swap3A_274 = tpu.vector_load %arg10[%swap3A_273] {strides = array<i32>} : memref<1024xf32, #tpu.memory_space<vmem>>, vector<16xf32>,
        %swap3A_275 = vector.shape_cast %swap3A_274 : vector<16xf32> to vector<16xf32>
        %swap3A_276 = vector.shape_cast %mul3A_272 : vector<16xf32> to vector<16xf32>
        tpu.vector_store %arg10[%swap3A_273], %swap3A_276 {add = true, strides = array<i32>} : memref<1024xf32, #tpu.memory_space<vmem>>, vector<16xf32>,
        %mul3A_277 = arith.constant 16 : i32
        %mul3A_278 = arith.muli %scan3A_247, %mul3A_277 : i32
        %get3A_279 = arith.constant 2 : i32
        %get3A_280 = arith.index_cast %get3A_279 : i32 to index
        %get3A_281 = arith.index_cast %mul3A_278 : i32 to index
        %get3A_282 = tpu.vector_load %arg6[%get3A_280, %get3A_281] {strides = array<i32>} : memref<64x512xf32, #tpu.memory_space<vmem>>, vector<1x16xf32>,
        %get3A_283 = vector.shape_cast %get3A_282 : vector<1x16xf32> to vector<16xf32>
        %mul3A_284 = arith.mulf %get3A_253, %get3A_283 : vector<16xf32>
        %swap3A_285 = arith.constant 32 : index
        %swap3A_286 = tpu.vector_load %arg10[%swap3A_285] {strides = array<i32>} : memref<1024xf32, #tpu.memory_space<vmem>>, vector<16xf32>,
        %swap3A_287 = vector.shape_cast %swap3A_286 : vector<16xf32> to vector<16xf32>
        %swap3A_288 = vector.shape_cast %mul3A_284 : vector<16xf32> to vector<16xf32>
        tpu.vector_store %arg10[%swap3A_285], %swap3A_288 {add = true, strides = array<i32>} : memref<1024xf32, #tpu.memory_space<vmem>>, vector<16xf32>,
        %mul3A_289 = arith.constant 16 : i32
        %mul3A_290 = arith.muli %scan3A_247, %mul3A_289 : i32
        %get3A_291 = arith.constant 3 : i32
        %get3A_292 = arith.index_cast %get3A_291 : i32 to index
        %get3A_293 = arith.index_cast %mul3A_290 : i32 to index
        %get3A_294 = tpu.vector_load %arg6[%get3A_292, %get3A_293] {strides = array<i32>} : memref<64x512xf32, #tpu.memory_space<vmem>>, vector<1x16xf32>,
        %get3A_295 = vector.shape_cast %get3A_294 : vector<1x16xf32> to vector<16xf32>
        %mul3A_296 = arith.mulf %get3A_253, %get3A_295 : vector<16xf32>
        %swap3A_297 = arith.constant 48 : index
        %swap3A_298 = tpu.vector_load %arg10[%swap3A_297] {strides = array<i32>} : memref<1024xf32, #tpu.memory_space<vmem>>, vector<16xf32>,
        %swap3A_299 = vector.shape_cast %swap3A_298 : vector<16xf32> to vector<16xf32>
        %swap3A_300 = vector.shape_cast %mul3A_296 : vector<16xf32> to vector<16xf32>
        tpu.vector_store %arg10[%swap3A_297], %swap3A_300 {add = true, strides = array<i32>} : memref<1024xf32, #tpu.memory_space<vmem>>, vector<16xf32>,
        %mul3A_301 = arith.constant 16 : i32
        %mul3A_302 = arith.muli %scan3A_247, %mul3A_301 : i32
        %get3A_303 = arith.constant 4 : i32
        %get3A_304 = arith.index_cast %get3A_303 : i32 to index
        %get3A_305 = arith.index_cast %mul3A_302 : i32 to index
        %get3A_306 = tpu.vector_load %arg6[%get3A_304, %get3A_305] {strides = array<i32>} : memref<64x512xf32, #tpu.memory_space<vmem>>, vector<1x16xf32>,
        %get3A_307 = vector.shape_cast %get3A_306 : vector<1x16xf32> to vector<16xf32>
        %mul3A_308 = arith.mulf %get3A_253, %get3A_307 : vector<16xf32>
        %swap3A_309 = arith.constant 64 : index
        %swap3A_310 = tpu.vector_load %arg10[%swap3A_309] {strides = array<i32>} : memref<1024xf32, #tpu.memory_space<vmem>>, vector<16xf32>,
        %swap3A_311 = vector.shape_cast %swap3A_310 : vector<16xf32> to vector<16xf32>
        %swap3A_312 = vector.shape_cast %mul3A_308 : vector<16xf32> to vector<16xf32>
        tpu.vector_store %arg10[%swap3A_309], %swap3A_312 {add = true, strides = array<i32>} : memref<1024xf32, #tpu.memory_space<vmem>>, vector<16xf32>,
        %mul3A_313 = arith.constant 16 : i32
        %mul3A_314 = arith.muli %scan3A_247, %mul3A_313 : i32
        %get3A_315 = arith.constant 5 : i32
        %get3A_316 = arith.index_cast %get3A_315 : i32 to index
        %get3A_317 = arith.index_cast %mul3A_314 : i32 to index
        %get3A_318 = tpu.vector_load %arg6[%get3A_316, %get3A_317] {strides = array<i32>} : memref<64x512xf32, #tpu.memory_space<vmem>>, vector<1x16xf32>,
        %get3A_319 = vector.shape_cast %get3A_318 : vector<1x16xf32> to vector<16xf32>
        %mul3A_320 = arith.mulf %get3A_253, %get3A_319 : vector<16xf32>
        %swap3A_321 = arith.constant 80 : index
        %swap3A_322 = tpu.vector_load %arg10[%swap3A_321] {strides = array<i32>} : memref<1024xf32, #tpu.memory_space<vmem>>, vector<16xf32>,
        %swap3A_323 = vector.shape_cast %swap3A_322 : vector<16xf32> to vector<16xf32>
        %swap3A_324 = vector.shape_cast %mul3A_320 : vector<16xf32> to vector<16xf32>
        tpu.vector_store %arg10[%swap3A_321], %swap3A_324 {add = true, strides = array<i32>} : memref<1024xf32, #tpu.memory_space<vmem>>, vector<16xf32>,
        %mul3A_325 = arith.constant 16 : i32
        %mul3A_326 = arith.muli %scan3A_247, %mul3A_325 : i32
        %get3A_327 = arith.constant 6 : i32
        %get3A_328 = arith.index_cast %get3A_327 : i32 to index
        %get3A_329 = arith.index_cast %mul3A_326 : i32 to index
        %get3A_330 = tpu.vector_load %arg6[%get3A_328, %get3A_329] {strides = array<i32>} : memref<64x512xf32, #tpu.memory_space<vmem>>, vector<1x16xf32>,
        %get3A_331 = vector.shape_cast %get3A_330 : vector<1x16xf32> to vector<16xf32>
        %mul3A_332 = arith.mulf %get3A_253, %get3A_331 : vector<16xf32>
        %swap3A_333 = arith.constant 96 : index
        %swap3A_334 = tpu.vector_load %arg10[%swap3A_333] {strides = array<i32>} : memref<1024xf32, #tpu.memory_space<vmem>>, vector<16xf32>,
        %swap3A_335 = vector.shape_cast %swap3A_334 : vector<16xf32> to vector<16xf32>
        %swap3A_336 = vector.shape_cast %mul3A_332 : vector<16xf32> to vector<16xf32>
        tpu.vector_store %arg10[%swap3A_333], %swap3A_336 {add = true, strides = array<i32>} : memref<1024xf32, #tpu.memory_space<vmem>>, vector<16xf32>,
        %mul3A_337 = arith.constant 16 : i32
        %mul3A_338 = arith.muli %scan3A_247, %mul3A_337 : i32
        %get3A_339 = arith.constant 7 : i32
        %get3A_340 = arith.index_cast %get3A_339 : i32 to index
        %get3A_341 = arith.index_cast %mul3A_338 : i32 to index
        %get3A_342 = tpu.vector_load %arg6[%get3A_340, %get3A_341] {strides = array<i32>} : memref<64x512xf32, #tpu.memory_space<vmem>>, vector<1x16xf32>,
        %get3A_343 = vector.shape_cast %get3A_342 : vector<1x16xf32> to vector<16xf32>
        %mul3A_344 = arith.mulf %get3A_253, %get3A_343 : vector<16xf32>
        %swap3A_345 = arith.constant 112 : index
        %swap3A_346 = tpu.vector_load %arg10[%swap3A_345] {strides = array<i32>} : memref<1024xf32, #tpu.memory_space<vmem>>, vector<16xf32>,
        %swap3A_347 = vector.shape_cast %swap3A_346 : vector<16xf32> to vector<16xf32>
        %swap3A_348 = vector.shape_cast %mul3A_344 : vector<16xf32> to vector<16xf32>
        tpu.vector_store %arg10[%swap3A_345], %swap3A_348 {add = true, strides = array<i32>} : memref<1024xf32, #tpu.memory_space<vmem>>, vector<16xf32>,
        %mul3A_349 = arith.constant 16 : i32
        %mul3A_350 = arith.muli %scan3A_247, %mul3A_349 : i32
        %get3A_351 = arith.constant 8 : i32
        %get3A_352 = arith.index_cast %get3A_351 : i32 to index
        %get3A_353 = arith.index_cast %mul3A_350 : i32 to index
        %get3A_354 = tpu.vector_load %arg6[%get3A_352, %get3A_353] {strides = array<i32>} : memref<64x512xf32, #tpu.memory_space<vmem>>, vector<1x16xf32>,
        %get3A_355 = vector.shape_cast %get3A_354 : vector<1x16xf32> to vector<16xf32>
        %mul3A_356 = arith.mulf %get3A_253, %get3A_355 : vector<16xf32>
        %swap3A_357 = arith.constant 128 : index
        %swap3A_358 = tpu.vector_load %arg10[%swap3A_357] {strides = array<i32>} : memref<1024xf32, #tpu.memory_space<vmem>>, vector<16xf32>,
        %swap3A_359 = vector.shape_cast %swap3A_358 : vector<16xf32> to vector<16xf32>
        %swap3A_360 = vector.shape_cast %mul3A_356 : vector<16xf32> to vector<16xf32>
        tpu.vector_store %arg10[%swap3A_357], %swap3A_360 {add = true, strides = array<i32>} : memref<1024xf32, #tpu.memory_space<vmem>>, vector<16xf32>,
        %mul3A_361 = arith.constant 16 : i32
        %mul3A_362 = arith.muli %scan3A_247, %mul3A_361 : i32
        %get3A_363 = arith.constant 9 : i32
        %get3A_364 = arith.index_cast %get3A_363 : i32 to index
        %get3A_365 = arith.index_cast %mul3A_362 : i32 to index
        %get3A_366 = tpu.vector_load %arg6[%get3A_364, %get3A_365] {strides = array<i32>} : memref<64x512xf32, #tpu.memory_space<vmem>>, vector<1x16xf32>,
        %get3A_367 = vector.shape_cast %get3A_366 : vector<1x16xf32> to vector<16xf32>
        %mul3A_368 = arith.mulf %get3A_253, %get3A_367 : vector<16xf32>
        %swap3A_369 = arith.constant 144 : index
        %swap3A_370 = tpu.vector_load %arg10[%swap3A_369] {strides = array<i32>} : memref<1024xf32, #tpu.memory_space<vmem>>, vector<16xf32>,
        %swap3A_371 = vector.shape_cast %swap3A_370 : vector<16xf32> to vector<16xf32>
        %swap3A_372 = vector.shape_cast %mul3A_368 : vector<16xf32> to vector<16xf32>
        tpu.vector_store %arg10[%swap3A_369], %swap3A_372 {add = true, strides = array<i32>} : memref<1024xf32, #tpu.memory_space<vmem>>, vector<16xf32>,
        %mul3A_373 = arith.constant 16 : i32
        %mul3A_374 = arith.muli %scan3A_247, %mul3A_373 : i32
        %get3A_375 = arith.constant 10 : i32
        %get3A_376 = arith.index_cast %get3A_375 : i32 to index
        %get3A_377 = arith.index_cast %mul3A_374 : i32 to index
        %get3A_378 = tpu.vector_load %arg6[%get3A_376, %get3A_377] {strides = array<i32>} : memref<64x512xf32, #tpu.memory_space<vmem>>, vector<1x16xf32>,
        %get3A_379 = vector.shape_cast %get3A_378 : vector<1x16xf32> to vector<16xf32>
        %mul3A_380 = arith.mulf %get3A_253, %get3A_379 : vector<16xf32>
        %swap3A_381 = arith.constant 160 : index
        %swap3A_382 = tpu.vector_load %arg10[%swap3A_381] {strides = array<i32>} : memref<1024xf32, #tpu.memory_space<vmem>>, vector<16xf32>,
        %swap3A_383 = vector.shape_cast %swap3A_382 : vector<16xf32> to vector<16xf32>
        %swap3A_384 = vector.shape_cast %mul3A_380 : vector<16xf32> to vector<16xf32>
        tpu.vector_store %arg10[%swap3A_381], %swap3A_384 {add = true, strides = array<i32>} : memref<1024xf32, #tpu.memory_space<vmem>>, vector<16xf32>,
        %mul3A_385 = arith.constant 16 : i32
        %mul3A_386 = arith.muli %scan3A_247, %mul3A_385 : i32
        %get3A_387 = arith.constant 11 : i32
        %get3A_388 = arith.index_cast %get3A_387 : i32 to index
        %get3A_389 = arith.index_cast %mul3A_386 : i32 to index
        %get3A_390 = tpu.vector_load %arg6[%get3A_388, %get3A_389] {strides = array<i32>} : memref<64x512xf32, #tpu.memory_space<vmem>>, vector<1x16xf32>,
        %get3A_391 = vector.shape_cast %get3A_390 : vector<1x16xf32> to vector<16xf32>
        %mul3A_392 = arith.mulf %get3A_253, %get3A_391 : vector<16xf32>
        %swap3A_393 = arith.constant 176 : index
        %swap3A_394 = tpu.vector_load %arg10[%swap3A_393] {strides = array<i32>} : memref<1024xf32, #tpu.memory_space<vmem>>, vector<16xf32>,
        %swap3A_395 = vector.shape_cast %swap3A_394 : vector<16xf32> to vector<16xf32>
        %swap3A_396 = vector.shape_cast %mul3A_392 : vector<16xf32> to vector<16xf32>
        tpu.vector_store %arg10[%swap3A_393], %swap3A_396 {add = true, strides = array<i32>} : memref<1024xf32, #tpu.memory_space<vmem>>, vector<16xf32>,
        %mul3A_397 = arith.constant 16 : i32
        %mul3A_398 = arith.muli %scan3A_247, %mul3A_397 : i32
        %get3A_399 = arith.constant 12 : i32
        %get3A_400 = arith.index_cast %get3A_399 : i32 to index
        %get3A_401 = arith.index_cast %mul3A_398 : i32 to index
        %get3A_402 = tpu.vector_load %arg6[%get3A_400, %get3A_401] {strides = array<i32>} : memref<64x512xf32, #tpu.memory_space<vmem>>, vector<1x16xf32>,
        %get3A_403 = vector.shape_cast %get3A_402 : vector<1x16xf32> to vector<16xf32>
        %mul3A_404 = arith.mulf %get3A_253, %get3A_403 : vector<16xf32>
        %swap3A_405 = arith.constant 192 : index
        %swap3A_406 = tpu.vector_load %arg10[%swap3A_405] {strides = array<i32>} : memref<1024xf32, #tpu.memory_space<vmem>>, vector<16xf32>,
        %swap3A_407 = vector.shape_cast %swap3A_406 : vector<16xf32> to vector<16xf32>
        %swap3A_408 = vector.shape_cast %mul3A_404 : vector<16xf32> to vector<16xf32>
        tpu.vector_store %arg10[%swap3A_405], %swap3A_408 {add = true, strides = array<i32>} : memref<1024xf32, #tpu.memory_space<vmem>>, vector<16xf32>,
        %mul3A_409 = arith.constant 16 : i32
        %mul3A_410 = arith.muli %scan3A_247, %mul3A_409 : i32
        %get3A_411 = arith.constant 13 : i32
        %get3A_412 = arith.index_cast %get3A_411 : i32 to index
        %get3A_413 = arith.index_cast %mul3A_410 : i32 to index
        %get3A_414 = tpu.vector_load %arg6[%get3A_412, %get3A_413] {strides = array<i32>} : memref<64x512xf32, #tpu.memory_space<vmem>>, vector<1x16xf32>,
        %get3A_415 = vector.shape_cast %get3A_414 : vector<1x16xf32> to vector<16xf32>
        %mul3A_416 = arith.mulf %get3A_253, %get3A_415 : vector<16xf32>
        %swap3A_417 = arith.constant 208 : index
        %swap3A_418 = tpu.vector_load %arg10[%swap3A_417] {strides = array<i32>} : memref<1024xf32, #tpu.memory_space<vmem>>, vector<16xf32>,
        %swap3A_419 = vector.shape_cast %swap3A_418 : vector<16xf32> to vector<16xf32>
        %swap3A_420 = vector.shape_cast %mul3A_416 : vector<16xf32> to vector<16xf32>
        tpu.vector_store %arg10[%swap3A_417], %swap3A_420 {add = true, strides = array<i32>} : memref<1024xf32, #tpu.memory_space<vmem>>, vector<16xf32>,
        %mul3A_421 = arith.constant 16 : i32
        %mul3A_422 = arith.muli %scan3A_247, %mul3A_421 : i32
        %get3A_423 = arith.constant 14 : i32
        %get3A_424 = arith.index_cast %get3A_423 : i32 to index
        %get3A_425 = arith.index_cast %mul3A_422 : i32 to index
        %get3A_426 = tpu.vector_load %arg6[%get3A_424, %get3A_425] {strides = array<i32>} : memref<64x512xf32, #tpu.memory_space<vmem>>, vector<1x16xf32>,
        %get3A_427 = vector.shape_cast %get3A_426 : vector<1x16xf32> to vector<16xf32>
        %mul3A_428 = arith.mulf %get3A_253, %get3A_427 : vector<16xf32>
        %swap3A_429 = arith.constant 224 : index
        %swap3A_430 = tpu.vector_load %arg10[%swap3A_429] {strides = array<i32>} : memref<1024xf32, #tpu.memory_space<vmem>>, vector<16xf32>,
        %swap3A_431 = vector.shape_cast %swap3A_430 : vector<16xf32> to vector<16xf32>
        %swap3A_432 = vector.shape_cast %mul3A_428 : vector<16xf32> to vector<16xf32>
        tpu.vector_store %arg10[%swap3A_429], %swap3A_432 {add = true, strides = array<i32>} : memref<1024xf32, #tpu.memory_space<vmem>>, vector<16xf32>,
        %mul3A_433 = arith.constant 16 : i32
        %mul3A_434 = arith.muli %scan3A_247, %mul3A_433 : i32
        %get3A_435 = arith.constant 15 : i32
        %get3A_436 = arith.index_cast %get3A_435 : i32 to index
        %get3A_437 = arith.index_cast %mul3A_434 : i32 to index
        %get3A_438 = tpu.vector_load %arg6[%get3A_436, %get3A_437] {strides = array<i32>} : memref<64x512xf32, #tpu.memory_space<vmem>>, vector<1x16xf32>,
        %get3A_439 = vector.shape_cast %get3A_438 : vector<1x16xf32> to vector<16xf32>
        %mul3A_440 = arith.mulf %get3A_253, %get3A_439 : vector<16xf32>
        %swap3A_441 = arith.constant 240 : index
        %swap3A_442 = tpu.vector_load %arg10[%swap3A_441] {strides = array<i32>} : memref<1024xf32, #tpu.memory_space<vmem>>, vector<16xf32>,
        %swap3A_443 = vector.shape_cast %swap3A_442 : vector<16xf32> to vector<16xf32>
        %swap3A_444 = vector.shape_cast %mul3A_440 : vector<16xf32> to vector<16xf32>
        tpu.vector_store %arg10[%swap3A_441], %swap3A_444 {add = true, strides = array<i32>} : memref<1024xf32, #tpu.memory_space<vmem>>, vector<16xf32>,
        %mul3A_445 = arith.constant 16 : i32
        %mul3A_446 = arith.muli %scan3A_247, %mul3A_445 : i32
        %get3A_447 = arith.constant 16 : i32
        %get3A_448 = arith.index_cast %get3A_447 : i32 to index
        %get3A_449 = arith.index_cast %mul3A_446 : i32 to index
        %get3A_450 = tpu.vector_load %arg6[%get3A_448, %get3A_449] {strides = array<i32>} : memref<64x512xf32, #tpu.memory_space<vmem>>, vector<1x16xf32>,
        %get3A_451 = vector.shape_cast %get3A_450 : vector<1x16xf32> to vector<16xf32>
        %mul3A_452 = arith.mulf %get3A_253, %get3A_451 : vector<16xf32>
        %swap3A_453 = arith.constant 256 : index
        %swap3A_454 = tpu.vector_load %arg10[%swap3A_453] {strides = array<i32>} : memref<1024xf32, #tpu.memory_space<vmem>>, vector<16xf32>,
        %swap3A_455 = vector.shape_cast %swap3A_454 : vector<16xf32> to vector<16xf32>
        %swap3A_456 = vector.shape_cast %mul3A_452 : vector<16xf32> to vector<16xf32>
        tpu.vector_store %arg10[%swap3A_453], %swap3A_456 {add = true, strides = array<i32>} : memref<1024xf32, #tpu.memory_space<vmem>>, vector<16xf32>,
        %mul3A_457 = arith.constant 16 : i32
        %mul3A_458 = arith.muli %scan3A_247, %mul3A_457 : i32
        %get3A_459 = arith.constant 17 : i32
        %get3A_460 = arith.index_cast %get3A_459 : i32 to index
        %get3A_461 = arith.index_cast %mul3A_458 : i32 to index
        %get3A_462 = tpu.vector_load %arg6[%get3A_460, %get3A_461] {strides = array<i32>} : memref<64x512xf32, #tpu.memory_space<vmem>>, vector<1x16xf32>,
        %get3A_463 = vector.shape_cast %get3A_462 : vector<1x16xf32> to vector<16xf32>
        %mul3A_464 = arith.mulf %get3A_253, %get3A_463 : vector<16xf32>
        %swap3A_465 = arith.constant 272 : index
        %swap3A_466 = tpu.vector_load %arg10[%swap3A_465] {strides = array<i32>} : memref<1024xf32, #tpu.memory_space<vmem>>, vector<16xf32>,
        %swap3A_467 = vector.shape_cast %swap3A_466 : vector<16xf32> to vector<16xf32>
        %swap3A_468 = vector.shape_cast %mul3A_464 : vector<16xf32> to vector<16xf32>
        tpu.vector_store %arg10[%swap3A_465], %swap3A_468 {add = true, strides = array<i32>} : memref<1024xf32, #tpu.memory_space<vmem>>, vector<16xf32>,
        %mul3A_469 = arith.constant 16 : i32
        %mul3A_470 = arith.muli %scan3A_247, %mul3A_469 : i32
        %get3A_471 = arith.constant 18 : i32
        %get3A_472 = arith.index_cast %get3A_471 : i32 to index
        %get3A_473 = arith.index_cast %mul3A_470 : i32 to index
        %get3A_474 = tpu.vector_load %arg6[%get3A_472, %get3A_473] {strides = array<i32>} : memref<64x512xf32, #tpu.memory_space<vmem>>, vector<1x16xf32>,
        %get3A_475 = vector.shape_cast %get3A_474 : vector<1x16xf32> to vector<16xf32>
        %mul3A_476 = arith.mulf %get3A_253, %get3A_475 : vector<16xf32>
        %swap3A_477 = arith.constant 288 : index
        %swap3A_478 = tpu.vector_load %arg10[%swap3A_477] {strides = array<i32>} : memref<1024xf32, #tpu.memory_space<vmem>>, vector<16xf32>,
        %swap3A_479 = vector.shape_cast %swap3A_478 : vector<16xf32> to vector<16xf32>
        %swap3A_480 = vector.shape_cast %mul3A_476 : vector<16xf32> to vector<16xf32>
        tpu.vector_store %arg10[%swap3A_477], %swap3A_480 {add = true, strides = array<i32>} : memref<1024xf32, #tpu.memory_space<vmem>>, vector<16xf32>,
        %mul3A_481 = arith.constant 16 : i32
        %mul3A_482 = arith.muli %scan3A_247, %mul3A_481 : i32
        %get3A_483 = arith.constant 19 : i32
        %get3A_484 = arith.index_cast %get3A_483 : i32 to index
        %get3A_485 = arith.index_cast %mul3A_482 : i32 to index
        %get3A_486 = tpu.vector_load %arg6[%get3A_484, %get3A_485] {strides = array<i32>} : memref<64x512xf32, #tpu.memory_space<vmem>>, vector<1x16xf32>,
        %get3A_487 = vector.shape_cast %get3A_486 : vector<1x16xf32> to vector<16xf32>
        %mul3A_488 = arith.mulf %get3A_253, %get3A_487 : vector<16xf32>
        %swap3A_489 = arith.constant 304 : index
        %swap3A_490 = tpu.vector_load %arg10[%swap3A_489] {strides = array<i32>} : memref<1024xf32, #tpu.memory_space<vmem>>, vector<16xf32>,
        %swap3A_491 = vector.shape_cast %swap3A_490 : vector<16xf32> to vector<16xf32>
        %swap3A_492 = vector.shape_cast %mul3A_488 : vector<16xf32> to vector<16xf32>
        tpu.vector_store %arg10[%swap3A_489], %swap3A_492 {add = true, strides = array<i32>} : memref<1024xf32, #tpu.memory_space<vmem>>, vector<16xf32>,
        %mul3A_493 = arith.constant 16 : i32
        %mul3A_494 = arith.muli %scan3A_247, %mul3A_493 : i32
        %get3A_495 = arith.constant 20 : i32
        %get3A_496 = arith.index_cast %get3A_495 : i32 to index
        %get3A_497 = arith.index_cast %mul3A_494 : i32 to index
        %get3A_498 = tpu.vector_load %arg6[%get3A_496, %get3A_497] {strides = array<i32>} : memref<64x512xf32, #tpu.memory_space<vmem>>, vector<1x16xf32>,
        %get3A_499 = vector.shape_cast %get3A_498 : vector<1x16xf32> to vector<16xf32>
        %mul3A_500 = arith.mulf %get3A_253, %get3A_499 : vector<16xf32>
        %swap3A_501 = arith.constant 320 : index
        %swap3A_502 = tpu.vector_load %arg10[%swap3A_501] {strides = array<i32>} : memref<1024xf32, #tpu.memory_space<vmem>>, vector<16xf32>,
        %swap3A_503 = vector.shape_cast %swap3A_502 : vector<16xf32> to vector<16xf32>
        %swap3A_504 = vector.shape_cast %mul3A_500 : vector<16xf32> to vector<16xf32>
        tpu.vector_store %arg10[%swap3A_501], %swap3A_504 {add = true, strides = array<i32>} : memref<1024xf32, #tpu.memory_space<vmem>>, vector<16xf32>,
        %mul3A_505 = arith.constant 16 : i32
        %mul3A_506 = arith.muli %scan3A_247, %mul3A_505 : i32
        %get3A_507 = arith.constant 21 : i32
        %get3A_508 = arith.index_cast %get3A_507 : i32 to index
        %get3A_509 = arith.index_cast %mul3A_506 : i32 to index
        %get3A_510 = tpu.vector_load %arg6[%get3A_508, %get3A_509] {strides = array<i32>} : memref<64x512xf32, #tpu.memory_space<vmem>>, vector<1x16xf32>,
        %get3A_511 = vector.shape_cast %get3A_510 : vector<1x16xf32> to vector<16xf32>
        %mul3A_512 = arith.mulf %get3A_253, %get3A_511 : vector<16xf32>
        %swap3A_513 = arith.constant 336 : index
        %swap3A_514 = tpu.vector_load %arg10[%swap3A_513] {strides = array<i32>} : memref<1024xf32, #tpu.memory_space<vmem>>, vector<16xf32>,
        %swap3A_515 = vector.shape_cast %swap3A_514 : vector<16xf32> to vector<16xf32>
        %swap3A_516 = vector.shape_cast %mul3A_512 : vector<16xf32> to vector<16xf32>
        tpu.vector_store %arg10[%swap3A_513], %swap3A_516 {add = true, strides = array<i32>} : memref<1024xf32, #tpu.memory_space<vmem>>, vector<16xf32>,
        %mul3A_517 = arith.constant 16 : i32
        %mul3A_518 = arith.muli %scan3A_247, %mul3A_517 : i32
        %get3A_519 = arith.constant 22 : i32
        %get3A_520 = arith.index_cast %get3A_519 : i32 to index
        %get3A_521 = arith.index_cast %mul3A_518 : i32 to index
        %get3A_522 = tpu.vector_load %arg6[%get3A_520, %get3A_521] {strides = array<i32>} : memref<64x512xf32, #tpu.memory_space<vmem>>, vector<1x16xf32>,
        %get3A_523 = vector.shape_cast %get3A_522 : vector<1x16xf32> to vector<16xf32>
        %mul3A_524 = arith.mulf %get3A_253, %get3A_523 : vector<16xf32>
        %swap3A_525 = arith.constant 352 : index
        %swap3A_526 = tpu.vector_load %arg10[%swap3A_525] {strides = array<i32>} : memref<1024xf32, #tpu.memory_space<vmem>>, vector<16xf32>,
        %swap3A_527 = vector.shape_cast %swap3A_526 : vector<16xf32> to vector<16xf32>
        %swap3A_528 = vector.shape_cast %mul3A_524 : vector<16xf32> to vector<16xf32>
        tpu.vector_store %arg10[%swap3A_525], %swap3A_528 {add = true, strides = array<i32>} : memref<1024xf32, #tpu.memory_space<vmem>>, vector<16xf32>,
        %mul3A_529 = arith.constant 16 : i32
        %mul3A_530 = arith.muli %scan3A_247, %mul3A_529 : i32
        %get3A_531 = arith.constant 23 : i32
        %get3A_532 = arith.index_cast %get3A_531 : i32 to index
        %get3A_533 = arith.index_cast %mul3A_530 : i32 to index
        %get3A_534 = tpu.vector_load %arg6[%get3A_532, %get3A_533] {strides = array<i32>} : memref<64x512xf32, #tpu.memory_space<vmem>>, vector<1x16xf32>,
        %get3A_535 = vector.shape_cast %get3A_534 : vector<1x16xf32> to vector<16xf32>
        %mul3A_536 = arith.mulf %get3A_253, %get3A_535 : vector<16xf32>
        %swap3A_537 = arith.constant 368 : index
        %swap3A_538 = tpu.vector_load %arg10[%swap3A_537] {strides = array<i32>} : memref<1024xf32, #tpu.memory_space<vmem>>, vector<16xf32>,
        %swap3A_539 = vector.shape_cast %swap3A_538 : vector<16xf32> to vector<16xf32>
        %swap3A_540 = vector.shape_cast %mul3A_536 : vector<16xf32> to vector<16xf32>
        tpu.vector_store %arg10[%swap3A_537], %swap3A_540 {add = true, strides = array<i32>} : memref<1024xf32, #tpu.memory_space<vmem>>, vector<16xf32>,
        %mul3A_541 = arith.constant 16 : i32
        %mul3A_542 = arith.muli %scan3A_247, %mul3A_541 : i32
        %get3A_543 = arith.constant 24 : i32
        %get3A_544 = arith.index_cast %get3A_543 : i32 to index
        %get3A_545 = arith.index_cast %mul3A_542 : i32 to index
        %get3A_546 = tpu.vector_load %arg6[%get3A_544, %get3A_545] {strides = array<i32>} : memref<64x512xf32, #tpu.memory_space<vmem>>, vector<1x16xf32>,
        %get3A_547 = vector.shape_cast %get3A_546 : vector<1x16xf32> to vector<16xf32>
        %mul3A_548 = arith.mulf %get3A_253, %get3A_547 : vector<16xf32>
        %swap3A_549 = arith.constant 384 : index
        %swap3A_550 = tpu.vector_load %arg10[%swap3A_549] {strides = array<i32>} : memref<1024xf32, #tpu.memory_space<vmem>>, vector<16xf32>,
        %swap3A_551 = vector.shape_cast %swap3A_550 : vector<16xf32> to vector<16xf32>
        %swap3A_552 = vector.shape_cast %mul3A_548 : vector<16xf32> to vector<16xf32>
        tpu.vector_store %arg10[%swap3A_549], %swap3A_552 {add = true, strides = array<i32>} : memref<1024xf32, #tpu.memory_space<vmem>>, vector<16xf32>,
        %mul3A_553 = arith.constant 16 : i32
        %mul3A_554 = arith.muli %scan3A_247, %mul3A_553 : i32
        %get3A_555 = arith.constant 25 : i32
        %get3A_556 = arith.index_cast %get3A_555 : i32 to index
        %get3A_557 = arith.index_cast %mul3A_554 : i32 to index
        %get3A_558 = tpu.vector_load %arg6[%get3A_556, %get3A_557] {strides = array<i32>} : memref<64x512xf32, #tpu.memory_space<vmem>>, vector<1x16xf32>,
        %get3A_559 = vector.shape_cast %get3A_558 : vector<1x16xf32> to vector<16xf32>
        %mul3A_560 = arith.mulf %get3A_253, %get3A_559 : vector<16xf32>
        %swap3A_561 = arith.constant 400 : index
        %swap3A_562 = tpu.vector_load %arg10[%swap3A_561] {strides = array<i32>} : memref<1024xf32, #tpu.memory_space<vmem>>, vector<16xf32>,
        %swap3A_563 = vector.shape_cast %swap3A_562 : vector<16xf32> to vector<16xf32>
        %swap3A_564 = vector.shape_cast %mul3A_560 : vector<16xf32> to vector<16xf32>
        tpu.vector_store %arg10[%swap3A_561], %swap3A_564 {add = true, strides = array<i32>} : memref<1024xf32, #tpu.memory_space<vmem>>, vector<16xf32>,
        %mul3A_565 = arith.constant 16 : i32
        %mul3A_566 = arith.muli %scan3A_247, %mul3A_565 : i32
        %get3A_567 = arith.constant 26 : i32
        %get3A_568 = arith.index_cast %get3A_567 : i32 to index
        %get3A_569 = arith.index_cast %mul3A_566 : i32 to index
        %get3A_570 = tpu.vector_load %arg6[%get3A_568, %get3A_569] {strides = array<i32>} : memref<64x512xf32, #tpu.memory_space<vmem>>, vector<1x16xf32>,
        %get3A_571 = vector.shape_cast %get3A_570 : vector<1x16xf32> to vector<16xf32>
        %mul3A_572 = arith.mulf %get3A_253, %get3A_571 : vector<16xf32>
        %swap3A_573 = arith.constant 416 : index
        %swap3A_574 = tpu.vector_load %arg10[%swap3A_573] {strides = array<i32>} : memref<1024xf32, #tpu.memory_space<vmem>>, vector<16xf32>,
        %swap3A_575 = vector.shape_cast %swap3A_574 : vector<16xf32> to vector<16xf32>
        %swap3A_576 = vector.shape_cast %mul3A_572 : vector<16xf32> to vector<16xf32>
        tpu.vector_store %arg10[%swap3A_573], %swap3A_576 {add = true, strides = array<i32>} : memref<1024xf32, #tpu.memory_space<vmem>>, vector<16xf32>,
        %mul3A_577 = arith.constant 16 : i32
        %mul3A_578 = arith.muli %scan3A_247, %mul3A_577 : i32
        %get3A_579 = arith.constant 27 : i32
        %get3A_580 = arith.index_cast %get3A_579 : i32 to index
        %get3A_581 = arith.index_cast %mul3A_578 : i32 to index
        %get3A_582 = tpu.vector_load %arg6[%get3A_580, %get3A_581] {strides = array<i32>} : memref<64x512xf32, #tpu.memory_space<vmem>>, vector<1x16xf32>,
        %get3A_583 = vector.shape_cast %get3A_582 : vector<1x16xf32> to vector<16xf32>
        %mul3A_584 = arith.mulf %get3A_253, %get3A_583 : vector<16xf32>
        %swap3A_585 = arith.constant 432 : index
        %swap3A_586 = tpu.vector_load %arg10[%swap3A_585] {strides = array<i32>} : memref<1024xf32, #tpu.memory_space<vmem>>, vector<16xf32>,
        %swap3A_587 = vector.shape_cast %swap3A_586 : vector<16xf32> to vector<16xf32>
        %swap3A_588 = vector.shape_cast %mul3A_584 : vector<16xf32> to vector<16xf32>
        tpu.vector_store %arg10[%swap3A_585], %swap3A_588 {add = true, strides = array<i32>} : memref<1024xf32, #tpu.memory_space<vmem>>, vector<16xf32>,
        %mul3A_589 = arith.constant 16 : i32
        %mul3A_590 = arith.muli %scan3A_247, %mul3A_589 : i32
        %get3A_591 = arith.constant 28 : i32
        %get3A_592 = arith.index_cast %get3A_591 : i32 to index
        %get3A_593 = arith.index_cast %mul3A_590 : i32 to index
        %get3A_594 = tpu.vector_load %arg6[%get3A_592, %get3A_593] {strides = array<i32>} : memref<64x512xf32, #tpu.memory_space<vmem>>, vector<1x16xf32>,
        %get3A_595 = vector.shape_cast %get3A_594 : vector<1x16xf32> to vector<16xf32>
        %mul3A_596 = arith.mulf %get3A_253, %get3A_595 : vector<16xf32>
        %swap3A_597 = arith.constant 448 : index
        %swap3A_598 = tpu.vector_load %arg10[%swap3A_597] {strides = array<i32>} : memref<1024xf32, #tpu.memory_space<vmem>>, vector<16xf32>,
        %swap3A_599 = vector.shape_cast %swap3A_598 : vector<16xf32> to vector<16xf32>
        %swap3A_600 = vector.shape_cast %mul3A_596 : vector<16xf32> to vector<16xf32>
        tpu.vector_store %arg10[%swap3A_597], %swap3A_600 {add = true, strides = array<i32>} : memref<1024xf32, #tpu.memory_space<vmem>>, vector<16xf32>,
        %mul3A_601 = arith.constant 16 : i32
        %mul3A_602 = arith.muli %scan3A_247, %mul3A_601 : i32
        %get3A_603 = arith.constant 29 : i32
        %get3A_604 = arith.index_cast %get3A_603 : i32 to index
        %get3A_605 = arith.index_cast %mul3A_602 : i32 to index
        %get3A_606 = tpu.vector_load %arg6[%get3A_604, %get3A_605] {strides = array<i32>} : memref<64x512xf32, #tpu.memory_space<vmem>>, vector<1x16xf32>,
        %get3A_607 = vector.shape_cast %get3A_606 : vector<1x16xf32> to vector<16xf32>
        %mul3A_608 = arith.mulf %get3A_253, %get3A_607 : vector<16xf32>
        %swap3A_609 = arith.constant 464 : index
        %swap3A_610 = tpu.vector_load %arg10[%swap3A_609] {strides = array<i32>} : memref<1024xf32, #tpu.memory_space<vmem>>, vector<16xf32>,
        %swap3A_611 = vector.shape_cast %swap3A_610 : vector<16xf32> to vector<16xf32>
        %swap3A_612 = vector.shape_cast %mul3A_608 : vector<16xf32> to vector<16xf32>
        tpu.vector_store %arg10[%swap3A_609], %swap3A_612 {add = true, strides = array<i32>} : memref<1024xf32, #tpu.memory_space<vmem>>, vector<16xf32>,
        %mul3A_613 = arith.constant 16 : i32
        %mul3A_614 = arith.muli %scan3A_247, %mul3A_613 : i32
        %get3A_615 = arith.constant 30 : i32
        %get3A_616 = arith.index_cast %get3A_615 : i32 to index
        %get3A_617 = arith.index_cast %mul3A_614 : i32 to index
        %get3A_618 = tpu.vector_load %arg6[%get3A_616, %get3A_617] {strides = array<i32>} : memref<64x512xf32, #tpu.memory_space<vmem>>, vector<1x16xf32>,
        %get3A_619 = vector.shape_cast %get3A_618 : vector<1x16xf32> to vector<16xf32>
        %mul3A_620 = arith.mulf %get3A_253, %get3A_619 : vector<16xf32>
        %swap3A_621 = arith.constant 480 : index
        %swap3A_622 = tpu.vector_load %arg10[%swap3A_621] {strides = array<i32>} : memref<1024xf32, #tpu.memory_space<vmem>>, vector<16xf32>,
        %swap3A_623 = vector.shape_cast %swap3A_622 : vector<16xf32> to vector<16xf32>
        %swap3A_624 = vector.shape_cast %mul3A_620 : vector<16xf32> to vector<16xf32>
        tpu.vector_store %arg10[%swap3A_621], %swap3A_624 {add = true, strides = array<i32>} : memref<1024xf32, #tpu.memory_space<vmem>>, vector<16xf32>,
        %mul3A_625 = arith.constant 16 : i32
        %mul3A_626 = arith.muli %scan3A_247, %mul3A_625 : i32
        %get3A_627 = arith.constant 31 : i32
        %get3A_628 = arith.index_cast %get3A_627 : i32 to index
        %get3A_629 = arith.index_cast %mul3A_626 : i32 to index
        %get3A_630 = tpu.vector_load %arg6[%get3A_628, %get3A_629] {strides = array<i32>} : memref<64x512xf32, #tpu.memory_space<vmem>>, vector<1x16xf32>,
        %get3A_631 = vector.shape_cast %get3A_630 : vector<1x16xf32> to vector<16xf32>
        %mul3A_632 = arith.mulf %get3A_253, %get3A_631 : vector<16xf32>
        %swap3A_633 = arith.constant 496 : index
        %swap3A_634 = tpu.vector_load %arg10[%swap3A_633] {strides = array<i32>} : memref<1024xf32, #tpu.memory_space<vmem>>, vector<16xf32>,
        %swap3A_635 = vector.shape_cast %swap3A_634 : vector<16xf32> to vector<16xf32>
        %swap3A_636 = vector.shape_cast %mul3A_632 : vector<16xf32> to vector<16xf32>
        tpu.vector_store %arg10[%swap3A_633], %swap3A_636 {add = true, strides = array<i32>} : memref<1024xf32, #tpu.memory_space<vmem>>, vector<16xf32>,
        %mul3A_637 = arith.constant 16 : i32
        %mul3A_638 = arith.muli %scan3A_247, %mul3A_637 : i32
        %get3A_639 = arith.constant 32 : i32
        %get3A_640 = arith.index_cast %get3A_639 : i32 to index
        %get3A_641 = arith.index_cast %mul3A_638 : i32 to index
        %get3A_642 = tpu.vector_load %arg6[%get3A_640, %get3A_641] {strides = array<i32>} : memref<64x512xf32, #tpu.memory_space<vmem>>, vector<1x16xf32>,
        %get3A_643 = vector.shape_cast %get3A_642 : vector<1x16xf32> to vector<16xf32>
        %mul3A_644 = arith.mulf %get3A_253, %get3A_643 : vector<16xf32>
        %swap3A_645 = arith.constant 512 : index
        %swap3A_646 = tpu.vector_load %arg10[%swap3A_645] {strides = array<i32>} : memref<1024xf32, #tpu.memory_space<vmem>>, vector<16xf32>,
        %swap3A_647 = vector.shape_cast %swap3A_646 : vector<16xf32> to vector<16xf32>
        %swap3A_648 = vector.shape_cast %mul3A_644 : vector<16xf32> to vector<16xf32>
        tpu.vector_store %arg10[%swap3A_645], %swap3A_648 {add = true, strides = array<i32>} : memref<1024xf32, #tpu.memory_space<vmem>>, vector<16xf32>,
        %mul3A_649 = arith.constant 16 : i32
        %mul3A_650 = arith.muli %scan3A_247, %mul3A_649 : i32
        %get3A_651 = arith.constant 33 : i32
        %get3A_652 = arith.index_cast %get3A_651 : i32 to index
        %get3A_653 = arith.index_cast %mul3A_650 : i32 to index
        %get3A_654 = tpu.vector_load %arg6[%get3A_652, %get3A_653] {strides = array<i32>} : memref<64x512xf32, #tpu.memory_space<vmem>>, vector<1x16xf32>,
        %get3A_655 = vector.shape_cast %get3A_654 : vector<1x16xf32> to vector<16xf32>
        %mul3A_656 = arith.mulf %get3A_253, %get3A_655 : vector<16xf32>
        %swap3A_657 = arith.constant 528 : index
        %swap3A_658 = tpu.vector_load %arg10[%swap3A_657] {strides = array<i32>} : memref<1024xf32, #tpu.memory_space<vmem>>, vector<16xf32>,
        %swap3A_659 = vector.shape_cast %swap3A_658 : vector<16xf32> to vector<16xf32>
        %swap3A_660 = vector.shape_cast %mul3A_656 : vector<16xf32> to vector<16xf32>
        tpu.vector_store %arg10[%swap3A_657], %swap3A_660 {add = true, strides = array<i32>} : memref<1024xf32, #tpu.memory_space<vmem>>, vector<16xf32>,
        %mul3A_661 = arith.constant 16 : i32
        %mul3A_662 = arith.muli %scan3A_247, %mul3A_661 : i32
        %get3A_663 = arith.constant 34 : i32
        %get3A_664 = arith.index_cast %get3A_663 : i32 to index
        %get3A_665 = arith.index_cast %mul3A_662 : i32 to index
        %get3A_666 = tpu.vector_load %arg6[%get3A_664, %get3A_665] {strides = array<i32>} : memref<64x512xf32, #tpu.memory_space<vmem>>, vector<1x16xf32>,
        %get3A_667 = vector.shape_cast %get3A_666 : vector<1x16xf32> to vector<16xf32>
        %mul3A_668 = arith.mulf %get3A_253, %get3A_667 : vector<16xf32>
        %swap3A_669 = arith.constant 544 : index
        %swap3A_670 = tpu.vector_load %arg10[%swap3A_669] {strides = array<i32>} : memref<1024xf32, #tpu.memory_space<vmem>>, vector<16xf32>,
        %swap3A_671 = vector.shape_cast %swap3A_670 : vector<16xf32> to vector<16xf32>
        %swap3A_672 = vector.shape_cast %mul3A_668 : vector<16xf32> to vector<16xf32>
        tpu.vector_store %arg10[%swap3A_669], %swap3A_672 {add = true, strides = array<i32>} : memref<1024xf32, #tpu.memory_space<vmem>>, vector<16xf32>,
        %mul3A_673 = arith.constant 16 : i32
        %mul3A_674 = arith.muli %scan3A_247, %mul3A_673 : i32
        %get3A_675 = arith.constant 35 : i32
        %get3A_676 = arith.index_cast %get3A_675 : i32 to index
        %get3A_677 = arith.index_cast %mul3A_674 : i32 to index
        %get3A_678 = tpu.vector_load %arg6[%get3A_676, %get3A_677] {strides = array<i32>} : memref<64x512xf32, #tpu.memory_space<vmem>>, vector<1x16xf32>,
        %get3A_679 = vector.shape_cast %get3A_678 : vector<1x16xf32> to vector<16xf32>
        %mul3A_680 = arith.mulf %get3A_253, %get3A_679 : vector<16xf32>
        %swap3A_681 = arith.constant 560 : index
        %swap3A_682 = tpu.vector_load %arg10[%swap3A_681] {strides = array<i32>} : memref<1024xf32, #tpu.memory_space<vmem>>, vector<16xf32>,
        %swap3A_683 = vector.shape_cast %swap3A_682 : vector<16xf32> to vector<16xf32>
        %swap3A_684 = vector.shape_cast %mul3A_680 : vector<16xf32> to vector<16xf32>
        tpu.vector_store %arg10[%swap3A_681], %swap3A_684 {add = true, strides = array<i32>} : memref<1024xf32, #tpu.memory_space<vmem>>, vector<16xf32>,
        %mul3A_685 = arith.constant 16 : i32
        %mul3A_686 = arith.muli %scan3A_247, %mul3A_685 : i32
        %get3A_687 = arith.constant 36 : i32
        %get3A_688 = arith.index_cast %get3A_687 : i32 to index
        %get3A_689 = arith.index_cast %mul3A_686 : i32 to index
        %get3A_690 = tpu.vector_load %arg6[%get3A_688, %get3A_689] {strides = array<i32>} : memref<64x512xf32, #tpu.memory_space<vmem>>, vector<1x16xf32>,
        %get3A_691 = vector.shape_cast %get3A_690 : vector<1x16xf32> to vector<16xf32>
        %mul3A_692 = arith.mulf %get3A_253, %get3A_691 : vector<16xf32>
        %swap3A_693 = arith.constant 576 : index
        %swap3A_694 = tpu.vector_load %arg10[%swap3A_693] {strides = array<i32>} : memref<1024xf32, #tpu.memory_space<vmem>>, vector<16xf32>,
        %swap3A_695 = vector.shape_cast %swap3A_694 : vector<16xf32> to vector<16xf32>
        %swap3A_696 = vector.shape_cast %mul3A_692 : vector<16xf32> to vector<16xf32>
        tpu.vector_store %arg10[%swap3A_693], %swap3A_696 {add = true, strides = array<i32>} : memref<1024xf32, #tpu.memory_space<vmem>>, vector<16xf32>,
        %mul3A_697 = arith.constant 16 : i32
        %mul3A_698 = arith.muli %scan3A_247, %mul3A_697 : i32
        %get3A_699 = arith.constant 37 : i32
        %get3A_700 = arith.index_cast %get3A_699 : i32 to index
        %get3A_701 = arith.index_cast %mul3A_698 : i32 to index
        %get3A_702 = tpu.vector_load %arg6[%get3A_700, %get3A_701] {strides = array<i32>} : memref<64x512xf32, #tpu.memory_space<vmem>>, vector<1x16xf32>,
        %get3A_703 = vector.shape_cast %get3A_702 : vector<1x16xf32> to vector<16xf32>
        %mul3A_704 = arith.mulf %get3A_253, %get3A_703 : vector<16xf32>
        %swap3A_705 = arith.constant 592 : index
        %swap3A_706 = tpu.vector_load %arg10[%swap3A_705] {strides = array<i32>} : memref<1024xf32, #tpu.memory_space<vmem>>, vector<16xf32>,
        %swap3A_707 = vector.shape_cast %swap3A_706 : vector<16xf32> to vector<16xf32>
        %swap3A_708 = vector.shape_cast %mul3A_704 : vector<16xf32> to vector<16xf32>
        tpu.vector_store %arg10[%swap3A_705], %swap3A_708 {add = true, strides = array<i32>} : memref<1024xf32, #tpu.memory_space<vmem>>, vector<16xf32>,
        %mul3A_709 = arith.constant 16 : i32
        %mul3A_710 = arith.muli %scan3A_247, %mul3A_709 : i32
        %get3A_711 = arith.constant 38 : i32
        %get3A_712 = arith.index_cast %get3A_711 : i32 to index
        %get3A_713 = arith.index_cast %mul3A_710 : i32 to index
        %get3A_714 = tpu.vector_load %arg6[%get3A_712, %get3A_713] {strides = array<i32>} : memref<64x512xf32, #tpu.memory_space<vmem>>, vector<1x16xf32>,
        %get3A_715 = vector.shape_cast %get3A_714 : vector<1x16xf32> to vector<16xf32>
        %mul3A_716 = arith.mulf %get3A_253, %get3A_715 : vector<16xf32>
        %swap3A_717 = arith.constant 608 : index
        %swap3A_718 = tpu.vector_load %arg10[%swap3A_717] {strides = array<i32>} : memref<1024xf32, #tpu.memory_space<vmem>>, vector<16xf32>,
        %swap3A_719 = vector.shape_cast %swap3A_718 : vector<16xf32> to vector<16xf32>
        %swap3A_720 = vector.shape_cast %mul3A_716 : vector<16xf32> to vector<16xf32>
        tpu.vector_store %arg10[%swap3A_717], %swap3A_720 {add = true, strides = array<i32>} : memref<1024xf32, #tpu.memory_space<vmem>>, vector<16xf32>,
        %mul3A_721 = arith.constant 16 : i32
        %mul3A_722 = arith.muli %scan3A_247, %mul3A_721 : i32
        %get3A_723 = arith.constant 39 : i32
        %get3A_724 = arith.index_cast %get3A_723 : i32 to index
        %get3A_725 = arith.index_cast %mul3A_722 : i32 to index
        %get3A_726 = tpu.vector_load %arg6[%get3A_724, %get3A_725] {strides = array<i32>} : memref<64x512xf32, #tpu.memory_space<vmem>>, vector<1x16xf32>,
        %get3A_727 = vector.shape_cast %get3A_726 : vector<1x16xf32> to vector<16xf32>
        %mul3A_728 = arith.mulf %get3A_253, %get3A_727 : vector<16xf32>
        %swap3A_729 = arith.constant 624 : index
        %swap3A_730 = tpu.vector_load %arg10[%swap3A_729] {strides = array<i32>} : memref<1024xf32, #tpu.memory_space<vmem>>, vector<16xf32>,
        %swap3A_731 = vector.shape_cast %swap3A_730 : vector<16xf32> to vector<16xf32>
        %swap3A_732 = vector.shape_cast %mul3A_728 : vector<16xf32> to vector<16xf32>
        tpu.vector_store %arg10[%swap3A_729], %swap3A_732 {add = true, strides = array<i32>} : memref<1024xf32, #tpu.memory_space<vmem>>, vector<16xf32>,
        %mul3A_733 = arith.constant 16 : i32
        %mul3A_734 = arith.muli %scan3A_247, %mul3A_733 : i32
        %get3A_735 = arith.constant 40 : i32
        %get3A_736 = arith.index_cast %get3A_735 : i32 to index
        %get3A_737 = arith.index_cast %mul3A_734 : i32 to index
        %get3A_738 = tpu.vector_load %arg6[%get3A_736, %get3A_737] {strides = array<i32>} : memref<64x512xf32, #tpu.memory_space<vmem>>, vector<1x16xf32>,
        %get3A_739 = vector.shape_cast %get3A_738 : vector<1x16xf32> to vector<16xf32>
        %mul3A_740 = arith.mulf %get3A_253, %get3A_739 : vector<16xf32>
        %swap3A_741 = arith.constant 640 : index
        %swap3A_742 = tpu.vector_load %arg10[%swap3A_741] {strides = array<i32>} : memref<1024xf32, #tpu.memory_space<vmem>>, vector<16xf32>,
        %swap3A_743 = vector.shape_cast %swap3A_742 : vector<16xf32> to vector<16xf32>
        %swap3A_744 = vector.shape_cast %mul3A_740 : vector<16xf32> to vector<16xf32>
        tpu.vector_store %arg10[%swap3A_741], %swap3A_744 {add = true, strides = array<i32>} : memref<1024xf32, #tpu.memory_space<vmem>>, vector<16xf32>,
        %mul3A_745 = arith.constant 16 : i32
        %mul3A_746 = arith.muli %scan3A_247, %mul3A_745 : i32
        %get3A_747 = arith.constant 41 : i32
        %get3A_748 = arith.index_cast %get3A_747 : i32 to index
        %get3A_749 = arith.index_cast %mul3A_746 : i32 to index
        %get3A_750 = tpu.vector_load %arg6[%get3A_748, %get3A_749] {strides = array<i32>} : memref<64x512xf32, #tpu.memory_space<vmem>>, vector<1x16xf32>,
        %get3A_751 = vector.shape_cast %get3A_750 : vector<1x16xf32> to vector<16xf32>
        %mul3A_752 = arith.mulf %get3A_253, %get3A_751 : vector<16xf32>
        %swap3A_753 = arith.constant 656 : index
        %swap3A_754 = tpu.vector_load %arg10[%swap3A_753] {strides = array<i32>} : memref<1024xf32, #tpu.memory_space<vmem>>, vector<16xf32>,
        %swap3A_755 = vector.shape_cast %swap3A_754 : vector<16xf32> to vector<16xf32>
        %swap3A_756 = vector.shape_cast %mul3A_752 : vector<16xf32> to vector<16xf32>
        tpu.vector_store %arg10[%swap3A_753], %swap3A_756 {add = true, strides = array<i32>} : memref<1024xf32, #tpu.memory_space<vmem>>, vector<16xf32>,
        %mul3A_757 = arith.constant 16 : i32
        %mul3A_758 = arith.muli %scan3A_247, %mul3A_757 : i32
        %get3A_759 = arith.constant 42 : i32
        %get3A_760 = arith.index_cast %get3A_759 : i32 to index
        %get3A_761 = arith.index_cast %mul3A_758 : i32 to index
        %get3A_762 = tpu.vector_load %arg6[%get3A_760, %get3A_761] {strides = array<i32>} : memref<64x512xf32, #tpu.memory_space<vmem>>, vector<1x16xf32>,
        %get3A_763 = vector.shape_cast %get3A_762 : vector<1x16xf32> to vector<16xf32>
        %mul3A_764 = arith.mulf %get3A_253, %get3A_763 : vector<16xf32>
        %swap3A_765 = arith.constant 672 : index
        %swap3A_766 = tpu.vector_load %arg10[%swap3A_765] {strides = array<i32>} : memref<1024xf32, #tpu.memory_space<vmem>>, vector<16xf32>,
        %swap3A_767 = vector.shape_cast %swap3A_766 : vector<16xf32> to vector<16xf32>
        %swap3A_768 = vector.shape_cast %mul3A_764 : vector<16xf32> to vector<16xf32>
        tpu.vector_store %arg10[%swap3A_765], %swap3A_768 {add = true, strides = array<i32>} : memref<1024xf32, #tpu.memory_space<vmem>>, vector<16xf32>,
        %mul3A_769 = arith.constant 16 : i32
        %mul3A_770 = arith.muli %scan3A_247, %mul3A_769 : i32
        %get3A_771 = arith.constant 43 : i32
        %get3A_772 = arith.index_cast %get3A_771 : i32 to index
        %get3A_773 = arith.index_cast %mul3A_770 : i32 to index
        %get3A_774 = tpu.vector_load %arg6[%get3A_772, %get3A_773] {strides = array<i32>} : memref<64x512xf32, #tpu.memory_space<vmem>>, vector<1x16xf32>,
        %get3A_775 = vector.shape_cast %get3A_774 : vector<1x16xf32> to vector<16xf32>
        %mul3A_776 = arith.mulf %get3A_253, %get3A_775 : vector<16xf32>
        %swap3A_777 = arith.constant 688 : index
        %swap3A_778 = tpu.vector_load %arg10[%swap3A_777] {strides = array<i32>} : memref<1024xf32, #tpu.memory_space<vmem>>, vector<16xf32>,
        %swap3A_779 = vector.shape_cast %swap3A_778 : vector<16xf32> to vector<16xf32>
        %swap3A_780 = vector.shape_cast %mul3A_776 : vector<16xf32> to vector<16xf32>
        tpu.vector_store %arg10[%swap3A_777], %swap3A_780 {add = true, strides = array<i32>} : memref<1024xf32, #tpu.memory_space<vmem>>, vector<16xf32>,
        %mul3A_781 = arith.constant 16 : i32
        %mul3A_782 = arith.muli %scan3A_247, %mul3A_781 : i32
        %get3A_783 = arith.constant 44 : i32
        %get3A_784 = arith.index_cast %get3A_783 : i32 to index
        %get3A_785 = arith.index_cast %mul3A_782 : i32 to index
        %get3A_786 = tpu.vector_load %arg6[%get3A_784, %get3A_785] {strides = array<i32>} : memref<64x512xf32, #tpu.memory_space<vmem>>, vector<1x16xf32>,
        %get3A_787 = vector.shape_cast %get3A_786 : vector<1x16xf32> to vector<16xf32>
        %mul3A_788 = arith.mulf %get3A_253, %get3A_787 : vector<16xf32>
        %swap3A_789 = arith.constant 704 : index
        %swap3A_790 = tpu.vector_load %arg10[%swap3A_789] {strides = array<i32>} : memref<1024xf32, #tpu.memory_space<vmem>>, vector<16xf32>,
        %swap3A_791 = vector.shape_cast %swap3A_790 : vector<16xf32> to vector<16xf32>
        %swap3A_792 = vector.shape_cast %mul3A_788 : vector<16xf32> to vector<16xf32>
        tpu.vector_store %arg10[%swap3A_789], %swap3A_792 {add = true, strides = array<i32>} : memref<1024xf32, #tpu.memory_space<vmem>>, vector<16xf32>,
        %mul3A_793 = arith.constant 16 : i32
        %mul3A_794 = arith.muli %scan3A_247, %mul3A_793 : i32
        %get3A_795 = arith.constant 45 : i32
        %get3A_796 = arith.index_cast %get3A_795 : i32 to index
        %get3A_797 = arith.index_cast %mul3A_794 : i32 to index
        %get3A_798 = tpu.vector_load %arg6[%get3A_796, %get3A_797] {strides = array<i32>} : memref<64x512xf32, #tpu.memory_space<vmem>>, vector<1x16xf32>,
        %get3A_799 = vector.shape_cast %get3A_798 : vector<1x16xf32> to vector<16xf32>
        %mul3A_800 = arith.mulf %get3A_253, %get3A_799 : vector<16xf32>
        %swap3A_801 = arith.constant 720 : index
        %swap3A_802 = tpu.vector_load %arg10[%swap3A_801] {strides = array<i32>} : memref<1024xf32, #tpu.memory_space<vmem>>, vector<16xf32>,
        %swap3A_803 = vector.shape_cast %swap3A_802 : vector<16xf32> to vector<16xf32>
        %swap3A_804 = vector.shape_cast %mul3A_800 : vector<16xf32> to vector<16xf32>
        tpu.vector_store %arg10[%swap3A_801], %swap3A_804 {add = true, strides = array<i32>} : memref<1024xf32, #tpu.memory_space<vmem>>, vector<16xf32>,
        %mul3A_805 = arith.constant 16 : i32
        %mul3A_806 = arith.muli %scan3A_247, %mul3A_805 : i32
        %get3A_807 = arith.constant 46 : i32
        %get3A_808 = arith.index_cast %get3A_807 : i32 to index
        %get3A_809 = arith.index_cast %mul3A_806 : i32 to index
        %get3A_810 = tpu.vector_load %arg6[%get3A_808, %get3A_809] {strides = array<i32>} : memref<64x512xf32, #tpu.memory_space<vmem>>, vector<1x16xf32>,
        %get3A_811 = vector.shape_cast %get3A_810 : vector<1x16xf32> to vector<16xf32>
        %mul3A_812 = arith.mulf %get3A_253, %get3A_811 : vector<16xf32>
        %swap3A_813 = arith.constant 736 : index
        %swap3A_814 = tpu.vector_load %arg10[%swap3A_813] {strides = array<i32>} : memref<1024xf32, #tpu.memory_space<vmem>>, vector<16xf32>,
        %swap3A_815 = vector.shape_cast %swap3A_814 : vector<16xf32> to vector<16xf32>
        %swap3A_816 = vector.shape_cast %mul3A_812 : vector<16xf32> to vector<16xf32>
        tpu.vector_store %arg10[%swap3A_813], %swap3A_816 {add = true, strides = array<i32>} : memref<1024xf32, #tpu.memory_space<vmem>>, vector<16xf32>,
        %mul3A_817 = arith.constant 16 : i32
        %mul3A_818 = arith.muli %scan3A_247, %mul3A_817 : i32
        %get3A_819 = arith.constant 47 : i32
        %get3A_820 = arith.index_cast %get3A_819 : i32 to index
        %get3A_821 = arith.index_cast %mul3A_818 : i32 to index
        %get3A_822 = tpu.vector_load %arg6[%get3A_820, %get3A_821] {strides = array<i32>} : memref<64x512xf32, #tpu.memory_space<vmem>>, vector<1x16xf32>,
        %get3A_823 = vector.shape_cast %get3A_822 : vector<1x16xf32> to vector<16xf32>
        %mul3A_824 = arith.mulf %get3A_253, %get3A_823 : vector<16xf32>
        %swap3A_825 = arith.constant 752 : index
        %swap3A_826 = tpu.vector_load %arg10[%swap3A_825] {strides = array<i32>} : memref<1024xf32, #tpu.memory_space<vmem>>, vector<16xf32>,
        %swap3A_827 = vector.shape_cast %swap3A_826 : vector<16xf32> to vector<16xf32>
        %swap3A_828 = vector.shape_cast %mul3A_824 : vector<16xf32> to vector<16xf32>
        tpu.vector_store %arg10[%swap3A_825], %swap3A_828 {add = true, strides = array<i32>} : memref<1024xf32, #tpu.memory_space<vmem>>, vector<16xf32>,
        %mul3A_829 = arith.constant 16 : i32
        %mul3A_830 = arith.muli %scan3A_247, %mul3A_829 : i32
        %get3A_831 = arith.constant 48 : i32
        %get3A_832 = arith.index_cast %get3A_831 : i32 to index
        %get3A_833 = arith.index_cast %mul3A_830 : i32 to index
        %get3A_834 = tpu.vector_load %arg6[%get3A_832, %get3A_833] {strides = array<i32>} : memref<64x512xf32, #tpu.memory_space<vmem>>, vector<1x16xf32>,
        %get3A_835 = vector.shape_cast %get3A_834 : vector<1x16xf32> to vector<16xf32>
        %mul3A_836 = arith.mulf %get3A_253, %get3A_835 : vector<16xf32>
        %swap3A_837 = arith.constant 768 : index
        %swap3A_838 = tpu.vector_load %arg10[%swap3A_837] {strides = array<i32>} : memref<1024xf32, #tpu.memory_space<vmem>>, vector<16xf32>,
        %swap3A_839 = vector.shape_cast %swap3A_838 : vector<16xf32> to vector<16xf32>
        %swap3A_840 = vector.shape_cast %mul3A_836 : vector<16xf32> to vector<16xf32>
        tpu.vector_store %arg10[%swap3A_837], %swap3A_840 {add = true, strides = array<i32>} : memref<1024xf32, #tpu.memory_space<vmem>>, vector<16xf32>,
        %mul3A_841 = arith.constant 16 : i32
        %mul3A_842 = arith.muli %scan3A_247, %mul3A_841 : i32
        %get3A_843 = arith.constant 49 : i32
        %get3A_844 = arith.index_cast %get3A_843 : i32 to index
        %get3A_845 = arith.index_cast %mul3A_842 : i32 to index
        %get3A_846 = tpu.vector_load %arg6[%get3A_844, %get3A_845] {strides = array<i32>} : memref<64x512xf32, #tpu.memory_space<vmem>>, vector<1x16xf32>,
        %get3A_847 = vector.shape_cast %get3A_846 : vector<1x16xf32> to vector<16xf32>
        %mul3A_848 = arith.mulf %get3A_253, %get3A_847 : vector<16xf32>
        %swap3A_849 = arith.constant 784 : index
        %swap3A_850 = tpu.vector_load %arg10[%swap3A_849] {strides = array<i32>} : memref<1024xf32, #tpu.memory_space<vmem>>, vector<16xf32>,
        %swap3A_851 = vector.shape_cast %swap3A_850 : vector<16xf32> to vector<16xf32>
        %swap3A_852 = vector.shape_cast %mul3A_848 : vector<16xf32> to vector<16xf32>
        tpu.vector_store %arg10[%swap3A_849], %swap3A_852 {add = true, strides = array<i32>} : memref<1024xf32, #tpu.memory_space<vmem>>, vector<16xf32>,
        %mul3A_853 = arith.constant 16 : i32
        %mul3A_854 = arith.muli %scan3A_247, %mul3A_853 : i32
        %get3A_855 = arith.constant 50 : i32
        %get3A_856 = arith.index_cast %get3A_855 : i32 to index
        %get3A_857 = arith.index_cast %mul3A_854 : i32 to index
        %get3A_858 = tpu.vector_load %arg6[%get3A_856, %get3A_857] {strides = array<i32>} : memref<64x512xf32, #tpu.memory_space<vmem>>, vector<1x16xf32>,
        %get3A_859 = vector.shape_cast %get3A_858 : vector<1x16xf32> to vector<16xf32>
        %mul3A_860 = arith.mulf %get3A_253, %get3A_859 : vector<16xf32>
        %swap3A_861 = arith.constant 800 : index
        %swap3A_862 = tpu.vector_load %arg10[%swap3A_861] {strides = array<i32>} : memref<1024xf32, #tpu.memory_space<vmem>>, vector<16xf32>,
        %swap3A_863 = vector.shape_cast %swap3A_862 : vector<16xf32> to vector<16xf32>
        %swap3A_864 = vector.shape_cast %mul3A_860 : vector<16xf32> to vector<16xf32>
        tpu.vector_store %arg10[%swap3A_861], %swap3A_864 {add = true, strides = array<i32>} : memref<1024xf32, #tpu.memory_space<vmem>>, vector<16xf32>,
        %mul3A_865 = arith.constant 16 : i32
        %mul3A_866 = arith.muli %scan3A_247, %mul3A_865 : i32
        %get3A_867 = arith.constant 51 : i32
        %get3A_868 = arith.index_cast %get3A_867 : i32 to index
        %get3A_869 = arith.index_cast %mul3A_866 : i32 to index
        %get3A_870 = tpu.vector_load %arg6[%get3A_868, %get3A_869] {strides = array<i32>} : memref<64x512xf32, #tpu.memory_space<vmem>>, vector<1x16xf32>,
        %get3A_871 = vector.shape_cast %get3A_870 : vector<1x16xf32> to vector<16xf32>
        %mul3A_872 = arith.mulf %get3A_253, %get3A_871 : vector<16xf32>
        %swap3A_873 = arith.constant 816 : index
        %swap3A_874 = tpu.vector_load %arg10[%swap3A_873] {strides = array<i32>} : memref<1024xf32, #tpu.memory_space<vmem>>, vector<16xf32>,
        %swap3A_875 = vector.shape_cast %swap3A_874 : vector<16xf32> to vector<16xf32>
        %swap3A_876 = vector.shape_cast %mul3A_872 : vector<16xf32> to vector<16xf32>
        tpu.vector_store %arg10[%swap3A_873], %swap3A_876 {add = true, strides = array<i32>} : memref<1024xf32, #tpu.memory_space<vmem>>, vector<16xf32>,
        %mul3A_877 = arith.constant 16 : i32
        %mul3A_878 = arith.muli %scan3A_247, %mul3A_877 : i32
        %get3A_879 = arith.constant 52 : i32
        %get3A_880 = arith.index_cast %get3A_879 : i32 to index
        %get3A_881 = arith.index_cast %mul3A_878 : i32 to index
        %get3A_882 = tpu.vector_load %arg6[%get3A_880, %get3A_881] {strides = array<i32>} : memref<64x512xf32, #tpu.memory_space<vmem>>, vector<1x16xf32>,
        %get3A_883 = vector.shape_cast %get3A_882 : vector<1x16xf32> to vector<16xf32>
        %mul3A_884 = arith.mulf %get3A_253, %get3A_883 : vector<16xf32>
        %swap3A_885 = arith.constant 832 : index
        %swap3A_886 = tpu.vector_load %arg10[%swap3A_885] {strides = array<i32>} : memref<1024xf32, #tpu.memory_space<vmem>>, vector<16xf32>,
        %swap3A_887 = vector.shape_cast %swap3A_886 : vector<16xf32> to vector<16xf32>
        %swap3A_888 = vector.shape_cast %mul3A_884 : vector<16xf32> to vector<16xf32>
        tpu.vector_store %arg10[%swap3A_885], %swap3A_888 {add = true, strides = array<i32>} : memref<1024xf32, #tpu.memory_space<vmem>>, vector<16xf32>,
        %mul3A_889 = arith.constant 16 : i32
        %mul3A_890 = arith.muli %scan3A_247, %mul3A_889 : i32
        %get3A_891 = arith.constant 53 : i32
        %get3A_892 = arith.index_cast %get3A_891 : i32 to index
        %get3A_893 = arith.index_cast %mul3A_890 : i32 to index
        %get3A_894 = tpu.vector_load %arg6[%get3A_892, %get3A_893] {strides = array<i32>} : memref<64x512xf32, #tpu.memory_space<vmem>>, vector<1x16xf32>,
        %get3A_895 = vector.shape_cast %get3A_894 : vector<1x16xf32> to vector<16xf32>
        %mul3A_896 = arith.mulf %get3A_253, %get3A_895 : vector<16xf32>
        %swap3A_897 = arith.constant 848 : index
        %swap3A_898 = tpu.vector_load %arg10[%swap3A_897] {strides = array<i32>} : memref<1024xf32, #tpu.memory_space<vmem>>, vector<16xf32>,
        %swap3A_899 = vector.shape_cast %swap3A_898 : vector<16xf32> to vector<16xf32>
        %swap3A_900 = vector.shape_cast %mul3A_896 : vector<16xf32> to vector<16xf32>
        tpu.vector_store %arg10[%swap3A_897], %swap3A_900 {add = true, strides = array<i32>} : memref<1024xf32, #tpu.memory_space<vmem>>, vector<16xf32>,
        %mul3A_901 = arith.constant 16 : i32
        %mul3A_902 = arith.muli %scan3A_247, %mul3A_901 : i32
        %get3A_903 = arith.constant 54 : i32
        %get3A_904 = arith.index_cast %get3A_903 : i32 to index
        %get3A_905 = arith.index_cast %mul3A_902 : i32 to index
        %get3A_906 = tpu.vector_load %arg6[%get3A_904, %get3A_905] {strides = array<i32>} : memref<64x512xf32, #tpu.memory_space<vmem>>, vector<1x16xf32>,
        %get3A_907 = vector.shape_cast %get3A_906 : vector<1x16xf32> to vector<16xf32>
        %mul3A_908 = arith.mulf %get3A_253, %get3A_907 : vector<16xf32>
        %swap3A_909 = arith.constant 864 : index
        %swap3A_910 = tpu.vector_load %arg10[%swap3A_909] {strides = array<i32>} : memref<1024xf32, #tpu.memory_space<vmem>>, vector<16xf32>,
        %swap3A_911 = vector.shape_cast %swap3A_910 : vector<16xf32> to vector<16xf32>
        %swap3A_912 = vector.shape_cast %mul3A_908 : vector<16xf32> to vector<16xf32>
        tpu.vector_store %arg10[%swap3A_909], %swap3A_912 {add = true, strides = array<i32>} : memref<1024xf32, #tpu.memory_space<vmem>>, vector<16xf32>,
        %mul3A_913 = arith.constant 16 : i32
        %mul3A_914 = arith.muli %scan3A_247, %mul3A_913 : i32
        %get3A_915 = arith.constant 55 : i32
        %get3A_916 = arith.index_cast %get3A_915 : i32 to index
        %get3A_917 = arith.index_cast %mul3A_914 : i32 to index
        %get3A_918 = tpu.vector_load %arg6[%get3A_916, %get3A_917] {strides = array<i32>} : memref<64x512xf32, #tpu.memory_space<vmem>>, vector<1x16xf32>,
        %get3A_919 = vector.shape_cast %get3A_918 : vector<1x16xf32> to vector<16xf32>
        %mul3A_920 = arith.mulf %get3A_253, %get3A_919 : vector<16xf32>
        %swap3A_921 = arith.constant 880 : index
        %swap3A_922 = tpu.vector_load %arg10[%swap3A_921] {strides = array<i32>} : memref<1024xf32, #tpu.memory_space<vmem>>, vector<16xf32>,
        %swap3A_923 = vector.shape_cast %swap3A_922 : vector<16xf32> to vector<16xf32>
        %swap3A_924 = vector.shape_cast %mul3A_920 : vector<16xf32> to vector<16xf32>
        tpu.vector_store %arg10[%swap3A_921], %swap3A_924 {add = true, strides = array<i32>} : memref<1024xf32, #tpu.memory_space<vmem>>, vector<16xf32>,
        %mul3A_925 = arith.constant 16 : i32
        %mul3A_926 = arith.muli %scan3A_247, %mul3A_925 : i32
        %get3A_927 = arith.constant 56 : i32
        %get3A_928 = arith.index_cast %get3A_927 : i32 to index
        %get3A_929 = arith.index_cast %mul3A_926 : i32 to index
        %get3A_930 = tpu.vector_load %arg6[%get3A_928, %get3A_929] {strides = array<i32>} : memref<64x512xf32, #tpu.memory_space<vmem>>, vector<1x16xf32>,
        %get3A_931 = vector.shape_cast %get3A_930 : vector<1x16xf32> to vector<16xf32>
        %mul3A_932 = arith.mulf %get3A_253, %get3A_931 : vector<16xf32>
        %swap3A_933 = arith.constant 896 : index
        %swap3A_934 = tpu.vector_load %arg10[%swap3A_933] {strides = array<i32>} : memref<1024xf32, #tpu.memory_space<vmem>>, vector<16xf32>,
        %swap3A_935 = vector.shape_cast %swap3A_934 : vector<16xf32> to vector<16xf32>
        %swap3A_936 = vector.shape_cast %mul3A_932 : vector<16xf32> to vector<16xf32>
        tpu.vector_store %arg10[%swap3A_933], %swap3A_936 {add = true, strides = array<i32>} : memref<1024xf32, #tpu.memory_space<vmem>>, vector<16xf32>,
        %mul3A_937 = arith.constant 16 : i32
        %mul3A_938 = arith.muli %scan3A_247, %mul3A_937 : i32
        %get3A_939 = arith.constant 57 : i32
        %get3A_940 = arith.index_cast %get3A_939 : i32 to index
        %get3A_941 = arith.index_cast %mul3A_938 : i32 to index
        %get3A_942 = tpu.vector_load %arg6[%get3A_940, %get3A_941] {strides = array<i32>} : memref<64x512xf32, #tpu.memory_space<vmem>>, vector<1x16xf32>,
        %get3A_943 = vector.shape_cast %get3A_942 : vector<1x16xf32> to vector<16xf32>
        %mul3A_944 = arith.mulf %get3A_253, %get3A_943 : vector<16xf32>
        %swap3A_945 = arith.constant 912 : index
        %swap3A_946 = tpu.vector_load %arg10[%swap3A_945] {strides = array<i32>} : memref<1024xf32, #tpu.memory_space<vmem>>, vector<16xf32>,
        %swap3A_947 = vector.shape_cast %swap3A_946 : vector<16xf32> to vector<16xf32>
        %swap3A_948 = vector.shape_cast %mul3A_944 : vector<16xf32> to vector<16xf32>
        tpu.vector_store %arg10[%swap3A_945], %swap3A_948 {add = true, strides = array<i32>} : memref<1024xf32, #tpu.memory_space<vmem>>, vector<16xf32>,
        %mul3A_949 = arith.constant 16 : i32
        %mul3A_950 = arith.muli %scan3A_247, %mul3A_949 : i32
        %get3A_951 = arith.constant 58 : i32
        %get3A_952 = arith.index_cast %get3A_951 : i32 to index
        %get3A_953 = arith.index_cast %mul3A_950 : i32 to index
        %get3A_954 = tpu.vector_load %arg6[%get3A_952, %get3A_953] {strides = array<i32>} : memref<64x512xf32, #tpu.memory_space<vmem>>, vector<1x16xf32>,
        %get3A_955 = vector.shape_cast %get3A_954 : vector<1x16xf32> to vector<16xf32>
        %mul3A_956 = arith.mulf %get3A_253, %get3A_955 : vector<16xf32>
        %swap3A_957 = arith.constant 928 : index
        %swap3A_958 = tpu.vector_load %arg10[%swap3A_957] {strides = array<i32>} : memref<1024xf32, #tpu.memory_space<vmem>>, vector<16xf32>,
        %swap3A_959 = vector.shape_cast %swap3A_958 : vector<16xf32> to vector<16xf32>
        %swap3A_960 = vector.shape_cast %mul3A_956 : vector<16xf32> to vector<16xf32>
        tpu.vector_store %arg10[%swap3A_957], %swap3A_960 {add = true, strides = array<i32>} : memref<1024xf32, #tpu.memory_space<vmem>>, vector<16xf32>,
        %mul3A_961 = arith.constant 16 : i32
        %mul3A_962 = arith.muli %scan3A_247, %mul3A_961 : i32
        %get3A_963 = arith.constant 59 : i32
        %get3A_964 = arith.index_cast %get3A_963 : i32 to index
        %get3A_965 = arith.index_cast %mul3A_962 : i32 to index
        %get3A_966 = tpu.vector_load %arg6[%get3A_964, %get3A_965] {strides = array<i32>} : memref<64x512xf32, #tpu.memory_space<vmem>>, vector<1x16xf32>,
        %get3A_967 = vector.shape_cast %get3A_966 : vector<1x16xf32> to vector<16xf32>
        %mul3A_968 = arith.mulf %get3A_253, %get3A_967 : vector<16xf32>
        %swap3A_969 = arith.constant 944 : index
        %swap3A_970 = tpu.vector_load %arg10[%swap3A_969] {strides = array<i32>} : memref<1024xf32, #tpu.memory_space<vmem>>, vector<16xf32>,
        %swap3A_971 = vector.shape_cast %swap3A_970 : vector<16xf32> to vector<16xf32>
        %swap3A_972 = vector.shape_cast %mul3A_968 : vector<16xf32> to vector<16xf32>
        tpu.vector_store %arg10[%swap3A_969], %swap3A_972 {add = true, strides = array<i32>} : memref<1024xf32, #tpu.memory_space<vmem>>, vector<16xf32>,
        %mul3A_973 = arith.constant 16 : i32
        %mul3A_974 = arith.muli %scan3A_247, %mul3A_973 : i32
        %get3A_975 = arith.constant 60 : i32
        %get3A_976 = arith.index_cast %get3A_975 : i32 to index
        %get3A_977 = arith.index_cast %mul3A_974 : i32 to index
        %get3A_978 = tpu.vector_load %arg6[%get3A_976, %get3A_977] {strides = array<i32>} : memref<64x512xf32, #tpu.memory_space<vmem>>, vector<1x16xf32>,
        %get3A_979 = vector.shape_cast %get3A_978 : vector<1x16xf32> to vector<16xf32>
        %mul3A_980 = arith.mulf %get3A_253, %get3A_979 : vector<16xf32>
        %swap3A_981 = arith.constant 960 : index
        %swap3A_982 = tpu.vector_load %arg10[%swap3A_981] {strides = array<i32>} : memref<1024xf32, #tpu.memory_space<vmem>>, vector<16xf32>,
        %swap3A_983 = vector.shape_cast %swap3A_982 : vector<16xf32> to vector<16xf32>
        %swap3A_984 = vector.shape_cast %mul3A_980 : vector<16xf32> to vector<16xf32>
        tpu.vector_store %arg10[%swap3A_981], %swap3A_984 {add = true, strides = array<i32>} : memref<1024xf32, #tpu.memory_space<vmem>>, vector<16xf32>,
        %mul3A_985 = arith.constant 16 : i32
        %mul3A_986 = arith.muli %scan3A_247, %mul3A_985 : i32
        %get3A_987 = arith.constant 61 : i32
        %get3A_988 = arith.index_cast %get3A_987 : i32 to index
        %get3A_989 = arith.index_cast %mul3A_986 : i32 to index
        %get3A_990 = tpu.vector_load %arg6[%get3A_988, %get3A_989] {strides = array<i32>} : memref<64x512xf32, #tpu.memory_space<vmem>>, vector<1x16xf32>,
        %get3A_991 = vector.shape_cast %get3A_990 : vector<1x16xf32> to vector<16xf32>
        %mul3A_992 = arith.mulf %get3A_253, %get3A_991 : vector<16xf32>
        %swap3A_993 = arith.constant 976 : index
        %swap3A_994 = tpu.vector_load %arg10[%swap3A_993] {strides = array<i32>} : memref<1024xf32, #tpu.memory_space<vmem>>, vector<16xf32>,
        %swap3A_995 = vector.shape_cast %swap3A_994 : vector<16xf32> to vector<16xf32>
        %swap3A_996 = vector.shape_cast %mul3A_992 : vector<16xf32> to vector<16xf32>
        tpu.vector_store %arg10[%swap3A_993], %swap3A_996 {add = true, strides = array<i32>} : memref<1024xf32, #tpu.memory_space<vmem>>, vector<16xf32>,
        %mul3A_997 = arith.constant 16 : i32
        %mul3A_998 = arith.muli %scan3A_247, %mul3A_997 : i32
        %get3A_999 = arith.constant 62 : i32
        %get3A_1000 = arith.index_cast %get3A_999 : i32 to index
        %get3A_1001 = arith.index_cast %mul3A_998 : i32 to index
        %get3A_1002 = tpu.vector_load %arg6[%get3A_1000, %get3A_1001] {strides = array<i32>} : memref<64x512xf32, #tpu.memory_space<vmem>>, vector<1x16xf32>,
        %get3A_1003 = vector.shape_cast %get3A_1002 : vector<1x16xf32> to vector<16xf32>
        %mul3A_1004 = arith.mulf %get3A_253, %get3A_1003 : vector<16xf32>
        %swap3A_1005 = arith.constant 992 : index
        %swap3A_1006 = tpu.vector_load %arg10[%swap3A_1005] {strides = array<i32>} : memref<1024xf32, #tpu.memory_space<vmem>>, vector<16xf32>,
        %swap3A_1007 = vector.shape_cast %swap3A_1006 : vector<16xf32> to vector<16xf32>
        %swap3A_1008 = vector.shape_cast %mul3A_1004 : vector<16xf32> to vector<16xf32>
        tpu.vector_store %arg10[%swap3A_1005], %swap3A_1008 {add = true, strides = array<i32>} : memref<1024xf32, #tpu.memory_space<vmem>>, vector<16xf32>,
        %mul3A_1009 = arith.constant 16 : i32
        %mul3A_1010 = arith.muli %scan3A_247, %mul3A_1009 : i32
        %get3A_1011 = arith.constant 63 : i32
        %get3A_1012 = arith.index_cast %get3A_1011 : i32 to index
        %get3A_1013 = arith.index_cast %mul3A_1010 : i32 to index
        %get3A_1014 = tpu.vector_load %arg6[%get3A_1012, %get3A_1013] {strides = array<i32>} : memref<64x512xf32, #tpu.memory_space<vmem>>, vector<1x16xf32>,
        %get3A_1015 = vector.shape_cast %get3A_1014 : vector<1x16xf32> to vector<16xf32>
        %mul3A_1016 = arith.mulf %get3A_253, %get3A_1015 : vector<16xf32>
        %swap3A_1017 = arith.constant 1008 : index
        %swap3A_1018 = tpu.vector_load %arg10[%swap3A_1017] {strides = array<i32>} : memref<1024xf32, #tpu.memory_space<vmem>>, vector<16xf32>,
        %swap3A_1019 = vector.shape_cast %swap3A_1018 : vector<16xf32> to vector<16xf32>
        %swap3A_1020 = vector.shape_cast %mul3A_1016 : vector<16xf32> to vector<16xf32>
        tpu.vector_store %arg10[%swap3A_1017], %swap3A_1020 {add = true, strides = array<i32>} : memref<1024xf32, #tpu.memory_space<vmem>>, vector<16xf32>,
      }
      %scan3A_177 = arith.constant 32 : i32
      %add3A_178 = arith.constant 2 : i32
      %add3A_179 = arith.addi %mul3A_123, %add3A_178 : i32
      %lt3A_180 = arith.cmpi slt, %add3A_179, %mul3A_59 : i32
      %convert_element_type3A = arith.extui %lt3A_180 : i1 to i32
      %cond3A = arith.constant 0 : i32
      %cond3A_181 = arith.cmpi ne, %convert_element_type3A, %cond3A : i32
      scf.if %cond3A_181 {
        %add3A_247 = arith.constant 2 : i32
        %add3A_248 = arith.addi %mul3A_123, %add3A_247 : i32
        %jit3A_249 = arith.constant 2 : i32
        %div3A_250 = arith.divsi %add3A_248, %jit3A_249 : i32
        %sign3A_251 = arith.constant 0 : i32
        %sign3A_252 = arith.cmpi sgt, %add3A_248, %sign3A_251 : i32
        %sign3A_253 = arith.extui %sign3A_252 : i1 to i32
        %sign3A_254 = arith.constant 0 : i32
        %sign3A_255 = arith.cmpi slt, %add3A_248, %sign3A_254 : i32
        %sign3A_256 = arith.extui %sign3A_255 : i1 to i32
        %sign3A_257 = arith.subi %sign3A_253, %sign3A_256 : i32
        %sign3A_258 = arith.constant 0 : i32
        %sign3A_259 = arith.cmpi sgt, %jit3A_249, %sign3A_258 : i32
        %sign3A_260 = arith.extui %sign3A_259 : i1 to i32
        %sign3A_261 = arith.constant 0 : i32
        %sign3A_262 = arith.cmpi slt, %jit3A_249, %sign3A_261 : i32
        %sign3A_263 = arith.extui %sign3A_262 : i1 to i32
        %sign3A_264 = arith.subi %sign3A_260, %sign3A_263 : i32
        %ne3A_265 = arith.cmpi ne, %sign3A_257, %sign3A_264 : i32
        %rem3A_266 = arith.remsi %add3A_248, %jit3A_249 : i32
        %ne3A_267 = arith.constant 0 : i32
        %ne3A_268 = arith.cmpi ne, %rem3A_266, %ne3A_267 : i32
        %and3A_269 = arith.andi %ne3A_265, %ne3A_268 : i1
        %sub3A_270 = arith.constant 1 : i32
        %sub3A_271 = arith.subi %div3A_250, %sub3A_270 : i32
        %select_n3A_272 = arith.select %and3A_269, %sub3A_271, %div3A_250 : i32
        %mul3A_273 = arith.constant 32 : i32
        %mul3A_274 = arith.muli %select_n3A_272, %mul3A_273 : i32
        %add3A_275 = arith.addi %add3A, %mul3A_274 : i32
        %mul3A_276 = arith.constant 1024 : i32
        %mul3A_277 = arith.muli %add3A_275, %mul3A_276 : i32
        %add3A_278 = arith.constant 896000 : i32
        %add3A_279 = arith.addi %add3A_278, %mul3A_277 : i32
        %jit3A_280 = arith.constant 2 : i32
        %eq3A_281 = arith.constant 0 : i32
        %eq3A_282 = arith.cmpi eq, %jit3A_280, %eq3A_281 : i32
        %jit3A_283 = arith.constant 1 : i32
        %select_n3A_284 = arith.select %eq3A_282, %jit3A_283, %jit3A_280 : i32
        %rem3A_285 = arith.remsi %add3A_248, %select_n3A_284 : i32
        %ne3A_286 = arith.constant 0 : i32
        %ne3A_287 = arith.cmpi ne, %rem3A_285, %ne3A_286 : i32
        %lt3A_288 = arith.constant 0 : i32
        %lt3A_289 = arith.cmpi slt, %rem3A_285, %lt3A_288 : i32
        %lt3A_290 = arith.constant 0 : i32
        %lt3A_291 = arith.cmpi slt, %select_n3A_284, %lt3A_290 : i32
        %ne3A_292 = arith.xori %lt3A_289, %lt3A_291 : i1
        %and3A_293 = arith.andi %ne3A_292, %ne3A_287 : i1
        %add3A_294 = arith.addi %rem3A_285, %select_n3A_284 : i32
        %select_n3A_295 = arith.select %and3A_293, %add3A_294, %rem3A_285 : i32
        %mul3A_296 = arith.constant 512 : i32
        %mul3A_297 = arith.muli %select_n3A_295, %mul3A_296 : i32
        %add3A_298 = arith.addi %add3A_279, %mul3A_297 : i32
        %dma_start3A_299 = arith.constant 0 : i32
        %dma_start3A_300 = tpu.memref_slice %arg4[%dma_start3A_299, %add3A_298] : memref<64x1000000xf32, #tpu.memory_space<hbm>> -> memref<64x512xf32, #tpu.memory_space<hbm>>
        %dma_start3A_301 = arith.constant 0 : i32
        %dma_start3A_302 = tpu.memref_slice %arg4[%dma_start3A_301, %add3A_298] : memref<64x1000000xf32, #tpu.memory_space<hbm>> -> memref<64x512xf32, #tpu.memory_space<hbm>>
        tpu.enqueue_dma source(%dma_start3A_302 : memref<64x512xf32, #tpu.memory_space<hbm>>) target(%arg6 : memref<64x512xf32, #tpu.memory_space<vmem>>) target_semaphore(%arg11 : memref<!tpu.dma_semaphore, #tpu.memory_space<semaphore_mem>>)
      } else {
      }
      %dma_wait3A_182 = arith.constant 0 : i32
      %dma_wait3A_183 = arith.constant 0 : i32
      %dma_wait3A_184 = tpu.memref_slice %arg4[%dma_wait3A_182, %dma_wait3A_183] : memref<64x1000000xf32, #tpu.memory_space<hbm>> -> memref<64x512xf32, #tpu.memory_space<hbm>>
      %dma_wait3A_185 = arith.constant 0 : i32
      %dma_wait3A_186 = arith.constant 0 : i32
      %dma_wait3A_187 = tpu.memref_slice %arg4[%dma_wait3A_185, %dma_wait3A_186] : memref<64x1000000xf32, #tpu.memory_space<hbm>> -> memref<64x512xf32, #tpu.memory_space<hbm>>
      tpu.wait_dma2 semaphore(%arg12 : memref<!tpu.dma_semaphore, #tpu.memory_space<semaphore_mem>>) src(%dma_wait3A_187 : memref<64x512xf32, #tpu.memory_space<hbm>>) dst(%arg7 : memref<64x512xf32, #tpu.memory_space<vmem>>)
      %add3A_188 = arith.constant 1 : i32
      %add3A_189 = arith.addi %mul3A_123, %add3A_188 : i32
      %jit3A_190 = arith.constant 2 : i32
      %div3A_191 = arith.divsi %add3A_189, %jit3A_190 : i32
      %sign3A_192 = arith.constant 0 : i32
      %sign3A_193 = arith.cmpi sgt, %add3A_189, %sign3A_192 : i32
      %sign3A_194 = arith.extui %sign3A_193 : i1 to i32
      %sign3A_195 = arith.constant 0 : i32
      %sign3A_196 = arith.cmpi slt, %add3A_189, %sign3A_195 : i32
      %sign3A_197 = arith.extui %sign3A_196 : i1 to i32
      %sign3A_198 = arith.subi %sign3A_194, %sign3A_197 : i32
      %sign3A_199 = arith.constant 0 : i32
      %sign3A_200 = arith.cmpi sgt, %jit3A_190, %sign3A_199 : i32
      %sign3A_201 = arith.extui %sign3A_200 : i1 to i32
      %sign3A_202 = arith.constant 0 : i32
      %sign3A_203 = arith.cmpi slt, %jit3A_190, %sign3A_202 : i32
      %sign3A_204 = arith.extui %sign3A_203 : i1 to i32
      %sign3A_205 = arith.subi %sign3A_201, %sign3A_204 : i32
      %ne3A_206 = arith.cmpi ne, %sign3A_198, %sign3A_205 : i32
      %rem3A_207 = arith.remsi %add3A_189, %jit3A_190 : i32
      %ne3A_208 = arith.constant 0 : i32
      %ne3A_209 = arith.cmpi ne, %rem3A_207, %ne3A_208 : i32
      %and3A_210 = arith.andi %ne3A_206, %ne3A_209 : i1
      %sub3A_211 = arith.constant 1 : i32
      %sub3A_212 = arith.subi %div3A_191, %sub3A_211 : i32
      %select_n3A_213 = arith.select %and3A_210, %sub3A_212, %div3A_191 : i32
      %mul3A_214 = arith.constant 1024 : i32
      %mul3A_215 = arith.muli %select_n3A_213, %mul3A_214 : i32
      %jit3A_216 = arith.constant 2 : i32
      %eq3A_217 = arith.constant 0 : i32
      %eq3A_218 = arith.cmpi eq, %jit3A_216, %eq3A_217 : i32
      %jit3A_219 = arith.constant 1 : i32
      %select_n3A_220 = arith.select %eq3A_218, %jit3A_219, %jit3A_216 : i32
      %rem3A_221 = arith.remsi %add3A_189, %select_n3A_220 : i32
      %ne3A_222 = arith.constant 0 : i32
      %ne3A_223 = arith.cmpi ne, %rem3A_221, %ne3A_222 : i32
      %lt3A_224 = arith.constant 0 : i32
      %lt3A_225 = arith.cmpi slt, %rem3A_221, %lt3A_224 : i32
      %lt3A_226 = arith.constant 0 : i32
      %lt3A_227 = arith.cmpi slt, %select_n3A_220, %lt3A_226 : i32
      %ne3A_228 = arith.xori %lt3A_225, %lt3A_227 : i1
      %and3A_229 = arith.andi %ne3A_228, %ne3A_223 : i1
      %add3A_230 = arith.addi %rem3A_221, %select_n3A_220 : i32
      %select_n3A_231 = arith.select %and3A_229, %add3A_230, %rem3A_221 : i32
      %mul3A_232 = arith.constant 512 : i32
      %mul3A_233 = arith.muli %select_n3A_231, %mul3A_232 : i32
      %add3A_234 = arith.addi %mul3A_215, %mul3A_233 : i32
      %scan3A_235 = arith.constant 0 : i32
      %scan3A_236 = arith.constant 0 : i32
      %scan3A_237 = arith.constant 32 : i32
      %scan3A_238 = arith.addi %scan3A_236, %scan3A_237 : i32
      %scan3A_239 = arith.constant 1 : i32
      scf.for %scan3A_247 = %scan3A_236 to %scan3A_238 step %scan3A_239  : i32 {
        %mul3A_248 = arith.constant 16 : i32
        %mul3A_249 = arith.muli %scan3A_247, %mul3A_248 : i32
        %add3A_250 = arith.addi %add3A_234, %mul3A_249 : i32
        %get3A_251 = arith.index_cast %add3A_250 : i32 to index
        %get3A_252 = tpu.vector_load %arg8[%get3A_251] {strides = array<i32>} : memref<4096xf32, #tpu.memory_space<vmem>>, vector<16xf32>,
        %get3A_253 = vector.shape_cast %get3A_252 : vector<16xf32> to vector<16xf32>
        %mul3A_254 = arith.constant 16 : i32
        %mul3A_255 = arith.muli %scan3A_247, %mul3A_254 : i32
        %get3A_256 = arith.constant 0 : i32
        %get3A_257 = arith.index_cast %get3A_256 : i32 to index
        %get3A_258 = arith.index_cast %mul3A_255 : i32 to index
        %get3A_259 = tpu.vector_load %arg7[%get3A_257, %get3A_258] {strides = array<i32>} : memref<64x512xf32, #tpu.memory_space<vmem>>, vector<1x16xf32>,
        %get3A_260 = vector.shape_cast %get3A_259 : vector<1x16xf32> to vector<16xf32>
        %mul3A_261 = arith.mulf %get3A_253, %get3A_260 : vector<16xf32>
        %swap3A = arith.constant 0 : index
        %swap3A_262 = tpu.vector_load %arg10[%swap3A] {strides = array<i32>} : memref<1024xf32, #tpu.memory_space<vmem>>, vector<16xf32>,
        %swap3A_263 = vector.shape_cast %swap3A_262 : vector<16xf32> to vector<16xf32>
        %swap3A_264 = vector.shape_cast %mul3A_261 : vector<16xf32> to vector<16xf32>
        tpu.vector_store %arg10[%swap3A], %swap3A_264 {add = true, strides = array<i32>} : memref<1024xf32, #tpu.memory_space<vmem>>, vector<16xf32>,
        %mul3A_265 = arith.constant 16 : i32
        %mul3A_266 = arith.muli %scan3A_247, %mul3A_265 : i32
        %get3A_267 = arith.constant 1 : i32
        %get3A_268 = arith.index_cast %get3A_267 : i32 to index
        %get3A_269 = arith.index_cast %mul3A_266 : i32 to index
        %get3A_270 = tpu.vector_load %arg7[%get3A_268, %get3A_269] {strides = array<i32>} : memref<64x512xf32, #tpu.memory_space<vmem>>, vector<1x16xf32>,
        %get3A_271 = vector.shape_cast %get3A_270 : vector<1x16xf32> to vector<16xf32>
        %mul3A_272 = arith.mulf %get3A_253, %get3A_271 : vector<16xf32>
        %swap3A_273 = arith.constant 16 : index
        %swap3A_274 = tpu.vector_load %arg10[%swap3A_273] {strides = array<i32>} : memref<1024xf32, #tpu.memory_space<vmem>>, vector<16xf32>,
        %swap3A_275 = vector.shape_cast %swap3A_274 : vector<16xf32> to vector<16xf32>
        %swap3A_276 = vector.shape_cast %mul3A_272 : vector<16xf32> to vector<16xf32>
        tpu.vector_store %arg10[%swap3A_273], %swap3A_276 {add = true, strides = array<i32>} : memref<1024xf32, #tpu.memory_space<vmem>>, vector<16xf32>,
        %mul3A_277 = arith.constant 16 : i32
        %mul3A_278 = arith.muli %scan3A_247, %mul3A_277 : i32
        %get3A_279 = arith.constant 2 : i32
        %get3A_280 = arith.index_cast %get3A_279 : i32 to index
        %get3A_281 = arith.index_cast %mul3A_278 : i32 to index
        %get3A_282 = tpu.vector_load %arg7[%get3A_280, %get3A_281] {strides = array<i32>} : memref<64x512xf32, #tpu.memory_space<vmem>>, vector<1x16xf32>,
        %get3A_283 = vector.shape_cast %get3A_282 : vector<1x16xf32> to vector<16xf32>
        %mul3A_284 = arith.mulf %get3A_253, %get3A_283 : vector<16xf32>
        %swap3A_285 = arith.constant 32 : index
        %swap3A_286 = tpu.vector_load %arg10[%swap3A_285] {strides = array<i32>} : memref<1024xf32, #tpu.memory_space<vmem>>, vector<16xf32>,
        %swap3A_287 = vector.shape_cast %swap3A_286 : vector<16xf32> to vector<16xf32>
        %swap3A_288 = vector.shape_cast %mul3A_284 : vector<16xf32> to vector<16xf32>
        tpu.vector_store %arg10[%swap3A_285], %swap3A_288 {add = true, strides = array<i32>} : memref<1024xf32, #tpu.memory_space<vmem>>, vector<16xf32>,
        %mul3A_289 = arith.constant 16 : i32
        %mul3A_290 = arith.muli %scan3A_247, %mul3A_289 : i32
        %get3A_291 = arith.constant 3 : i32
        %get3A_292 = arith.index_cast %get3A_291 : i32 to index
        %get3A_293 = arith.index_cast %mul3A_290 : i32 to index
        %get3A_294 = tpu.vector_load %arg7[%get3A_292, %get3A_293] {strides = array<i32>} : memref<64x512xf32, #tpu.memory_space<vmem>>, vector<1x16xf32>,
        %get3A_295 = vector.shape_cast %get3A_294 : vector<1x16xf32> to vector<16xf32>
        %mul3A_296 = arith.mulf %get3A_253, %get3A_295 : vector<16xf32>
        %swap3A_297 = arith.constant 48 : index
        %swap3A_298 = tpu.vector_load %arg10[%swap3A_297] {strides = array<i32>} : memref<1024xf32, #tpu.memory_space<vmem>>, vector<16xf32>,
        %swap3A_299 = vector.shape_cast %swap3A_298 : vector<16xf32> to vector<16xf32>
        %swap3A_300 = vector.shape_cast %mul3A_296 : vector<16xf32> to vector<16xf32>
        tpu.vector_store %arg10[%swap3A_297], %swap3A_300 {add = true, strides = array<i32>} : memref<1024xf32, #tpu.memory_space<vmem>>, vector<16xf32>,
        %mul3A_301 = arith.constant 16 : i32
        %mul3A_302 = arith.muli %scan3A_247, %mul3A_301 : i32
        %get3A_303 = arith.constant 4 : i32
        %get3A_304 = arith.index_cast %get3A_303 : i32 to index
        %get3A_305 = arith.index_cast %mul3A_302 : i32 to index
        %get3A_306 = tpu.vector_load %arg7[%get3A_304, %get3A_305] {strides = array<i32>} : memref<64x512xf32, #tpu.memory_space<vmem>>, vector<1x16xf32>,
        %get3A_307 = vector.shape_cast %get3A_306 : vector<1x16xf32> to vector<16xf32>
        %mul3A_308 = arith.mulf %get3A_253, %get3A_307 : vector<16xf32>
        %swap3A_309 = arith.constant 64 : index
        %swap3A_310 = tpu.vector_load %arg10[%swap3A_309] {strides = array<i32>} : memref<1024xf32, #tpu.memory_space<vmem>>, vector<16xf32>,
        %swap3A_311 = vector.shape_cast %swap3A_310 : vector<16xf32> to vector<16xf32>
        %swap3A_312 = vector.shape_cast %mul3A_308 : vector<16xf32> to vector<16xf32>
        tpu.vector_store %arg10[%swap3A_309], %swap3A_312 {add = true, strides = array<i32>} : memref<1024xf32, #tpu.memory_space<vmem>>, vector<16xf32>,
        %mul3A_313 = arith.constant 16 : i32
        %mul3A_314 = arith.muli %scan3A_247, %mul3A_313 : i32
        %get3A_315 = arith.constant 5 : i32
        %get3A_316 = arith.index_cast %get3A_315 : i32 to index
        %get3A_317 = arith.index_cast %mul3A_314 : i32 to index
        %get3A_318 = tpu.vector_load %arg7[%get3A_316, %get3A_317] {strides = array<i32>} : memref<64x512xf32, #tpu.memory_space<vmem>>, vector<1x16xf32>,
        %get3A_319 = vector.shape_cast %get3A_318 : vector<1x16xf32> to vector<16xf32>
        %mul3A_320 = arith.mulf %get3A_253, %get3A_319 : vector<16xf32>
        %swap3A_321 = arith.constant 80 : index
        %swap3A_322 = tpu.vector_load %arg10[%swap3A_321] {strides = array<i32>} : memref<1024xf32, #tpu.memory_space<vmem>>, vector<16xf32>,
        %swap3A_323 = vector.shape_cast %swap3A_322 : vector<16xf32> to vector<16xf32>
        %swap3A_324 = vector.shape_cast %mul3A_320 : vector<16xf32> to vector<16xf32>
        tpu.vector_store %arg10[%swap3A_321], %swap3A_324 {add = true, strides = array<i32>} : memref<1024xf32, #tpu.memory_space<vmem>>, vector<16xf32>,
        %mul3A_325 = arith.constant 16 : i32
        %mul3A_326 = arith.muli %scan3A_247, %mul3A_325 : i32
        %get3A_327 = arith.constant 6 : i32
        %get3A_328 = arith.index_cast %get3A_327 : i32 to index
        %get3A_329 = arith.index_cast %mul3A_326 : i32 to index
        %get3A_330 = tpu.vector_load %arg7[%get3A_328, %get3A_329] {strides = array<i32>} : memref<64x512xf32, #tpu.memory_space<vmem>>, vector<1x16xf32>,
        %get3A_331 = vector.shape_cast %get3A_330 : vector<1x16xf32> to vector<16xf32>
        %mul3A_332 = arith.mulf %get3A_253, %get3A_331 : vector<16xf32>
        %swap3A_333 = arith.constant 96 : index
        %swap3A_334 = tpu.vector_load %arg10[%swap3A_333] {strides = array<i32>} : memref<1024xf32, #tpu.memory_space<vmem>>, vector<16xf32>,
        %swap3A_335 = vector.shape_cast %swap3A_334 : vector<16xf32> to vector<16xf32>
        %swap3A_336 = vector.shape_cast %mul3A_332 : vector<16xf32> to vector<16xf32>
        tpu.vector_store %arg10[%swap3A_333], %swap3A_336 {add = true, strides = array<i32>} : memref<1024xf32, #tpu.memory_space<vmem>>, vector<16xf32>,
        %mul3A_337 = arith.constant 16 : i32
        %mul3A_338 = arith.muli %scan3A_247, %mul3A_337 : i32
        %get3A_339 = arith.constant 7 : i32
        %get3A_340 = arith.index_cast %get3A_339 : i32 to index
        %get3A_341 = arith.index_cast %mul3A_338 : i32 to index
        %get3A_342 = tpu.vector_load %arg7[%get3A_340, %get3A_341] {strides = array<i32>} : memref<64x512xf32, #tpu.memory_space<vmem>>, vector<1x16xf32>,
        %get3A_343 = vector.shape_cast %get3A_342 : vector<1x16xf32> to vector<16xf32>
        %mul3A_344 = arith.mulf %get3A_253, %get3A_343 : vector<16xf32>
        %swap3A_345 = arith.constant 112 : index
        %swap3A_346 = tpu.vector_load %arg10[%swap3A_345] {strides = array<i32>} : memref<1024xf32, #tpu.memory_space<vmem>>, vector<16xf32>,
        %swap3A_347 = vector.shape_cast %swap3A_346 : vector<16xf32> to vector<16xf32>
        %swap3A_348 = vector.shape_cast %mul3A_344 : vector<16xf32> to vector<16xf32>
        tpu.vector_store %arg10[%swap3A_345], %swap3A_348 {add = true, strides = array<i32>} : memref<1024xf32, #tpu.memory_space<vmem>>, vector<16xf32>,
        %mul3A_349 = arith.constant 16 : i32
        %mul3A_350 = arith.muli %scan3A_247, %mul3A_349 : i32
        %get3A_351 = arith.constant 8 : i32
        %get3A_352 = arith.index_cast %get3A_351 : i32 to index
        %get3A_353 = arith.index_cast %mul3A_350 : i32 to index
        %get3A_354 = tpu.vector_load %arg7[%get3A_352, %get3A_353] {strides = array<i32>} : memref<64x512xf32, #tpu.memory_space<vmem>>, vector<1x16xf32>,
        %get3A_355 = vector.shape_cast %get3A_354 : vector<1x16xf32> to vector<16xf32>
        %mul3A_356 = arith.mulf %get3A_253, %get3A_355 : vector<16xf32>
        %swap3A_357 = arith.constant 128 : index
        %swap3A_358 = tpu.vector_load %arg10[%swap3A_357] {strides = array<i32>} : memref<1024xf32, #tpu.memory_space<vmem>>, vector<16xf32>,
        %swap3A_359 = vector.shape_cast %swap3A_358 : vector<16xf32> to vector<16xf32>
        %swap3A_360 = vector.shape_cast %mul3A_356 : vector<16xf32> to vector<16xf32>
        tpu.vector_store %arg10[%swap3A_357], %swap3A_360 {add = true, strides = array<i32>} : memref<1024xf32, #tpu.memory_space<vmem>>, vector<16xf32>,
        %mul3A_361 = arith.constant 16 : i32
        %mul3A_362 = arith.muli %scan3A_247, %mul3A_361 : i32
        %get3A_363 = arith.constant 9 : i32
        %get3A_364 = arith.index_cast %get3A_363 : i32 to index
        %get3A_365 = arith.index_cast %mul3A_362 : i32 to index
        %get3A_366 = tpu.vector_load %arg7[%get3A_364, %get3A_365] {strides = array<i32>} : memref<64x512xf32, #tpu.memory_space<vmem>>, vector<1x16xf32>,
        %get3A_367 = vector.shape_cast %get3A_366 : vector<1x16xf32> to vector<16xf32>
        %mul3A_368 = arith.mulf %get3A_253, %get3A_367 : vector<16xf32>
        %swap3A_369 = arith.constant 144 : index
        %swap3A_370 = tpu.vector_load %arg10[%swap3A_369] {strides = array<i32>} : memref<1024xf32, #tpu.memory_space<vmem>>, vector<16xf32>,
        %swap3A_371 = vector.shape_cast %swap3A_370 : vector<16xf32> to vector<16xf32>
        %swap3A_372 = vector.shape_cast %mul3A_368 : vector<16xf32> to vector<16xf32>
        tpu.vector_store %arg10[%swap3A_369], %swap3A_372 {add = true, strides = array<i32>} : memref<1024xf32, #tpu.memory_space<vmem>>, vector<16xf32>,
        %mul3A_373 = arith.constant 16 : i32
        %mul3A_374 = arith.muli %scan3A_247, %mul3A_373 : i32
        %get3A_375 = arith.constant 10 : i32
        %get3A_376 = arith.index_cast %get3A_375 : i32 to index
        %get3A_377 = arith.index_cast %mul3A_374 : i32 to index
        %get3A_378 = tpu.vector_load %arg7[%get3A_376, %get3A_377] {strides = array<i32>} : memref<64x512xf32, #tpu.memory_space<vmem>>, vector<1x16xf32>,
        %get3A_379 = vector.shape_cast %get3A_378 : vector<1x16xf32> to vector<16xf32>
        %mul3A_380 = arith.mulf %get3A_253, %get3A_379 : vector<16xf32>
        %swap3A_381 = arith.constant 160 : index
        %swap3A_382 = tpu.vector_load %arg10[%swap3A_381] {strides = array<i32>} : memref<1024xf32, #tpu.memory_space<vmem>>, vector<16xf32>,
        %swap3A_383 = vector.shape_cast %swap3A_382 : vector<16xf32> to vector<16xf32>
        %swap3A_384 = vector.shape_cast %mul3A_380 : vector<16xf32> to vector<16xf32>
        tpu.vector_store %arg10[%swap3A_381], %swap3A_384 {add = true, strides = array<i32>} : memref<1024xf32, #tpu.memory_space<vmem>>, vector<16xf32>,
        %mul3A_385 = arith.constant 16 : i32
        %mul3A_386 = arith.muli %scan3A_247, %mul3A_385 : i32
        %get3A_387 = arith.constant 11 : i32
        %get3A_388 = arith.index_cast %get3A_387 : i32 to index
        %get3A_389 = arith.index_cast %mul3A_386 : i32 to index
        %get3A_390 = tpu.vector_load %arg7[%get3A_388, %get3A_389] {strides = array<i32>} : memref<64x512xf32, #tpu.memory_space<vmem>>, vector<1x16xf32>,
        %get3A_391 = vector.shape_cast %get3A_390 : vector<1x16xf32> to vector<16xf32>
        %mul3A_392 = arith.mulf %get3A_253, %get3A_391 : vector<16xf32>
        %swap3A_393 = arith.constant 176 : index
        %swap3A_394 = tpu.vector_load %arg10[%swap3A_393] {strides = array<i32>} : memref<1024xf32, #tpu.memory_space<vmem>>, vector<16xf32>,
        %swap3A_395 = vector.shape_cast %swap3A_394 : vector<16xf32> to vector<16xf32>
        %swap3A_396 = vector.shape_cast %mul3A_392 : vector<16xf32> to vector<16xf32>
        tpu.vector_store %arg10[%swap3A_393], %swap3A_396 {add = true, strides = array<i32>} : memref<1024xf32, #tpu.memory_space<vmem>>, vector<16xf32>,
        %mul3A_397 = arith.constant 16 : i32
        %mul3A_398 = arith.muli %scan3A_247, %mul3A_397 : i32
        %get3A_399 = arith.constant 12 : i32
        %get3A_400 = arith.index_cast %get3A_399 : i32 to index
        %get3A_401 = arith.index_cast %mul3A_398 : i32 to index
        %get3A_402 = tpu.vector_load %arg7[%get3A_400, %get3A_401] {strides = array<i32>} : memref<64x512xf32, #tpu.memory_space<vmem>>, vector<1x16xf32>,
        %get3A_403 = vector.shape_cast %get3A_402 : vector<1x16xf32> to vector<16xf32>
        %mul3A_404 = arith.mulf %get3A_253, %get3A_403 : vector<16xf32>
        %swap3A_405 = arith.constant 192 : index
        %swap3A_406 = tpu.vector_load %arg10[%swap3A_405] {strides = array<i32>} : memref<1024xf32, #tpu.memory_space<vmem>>, vector<16xf32>,
        %swap3A_407 = vector.shape_cast %swap3A_406 : vector<16xf32> to vector<16xf32>
        %swap3A_408 = vector.shape_cast %mul3A_404 : vector<16xf32> to vector<16xf32>
        tpu.vector_store %arg10[%swap3A_405], %swap3A_408 {add = true, strides = array<i32>} : memref<1024xf32, #tpu.memory_space<vmem>>, vector<16xf32>,
        %mul3A_409 = arith.constant 16 : i32
        %mul3A_410 = arith.muli %scan3A_247, %mul3A_409 : i32
        %get3A_411 = arith.constant 13 : i32
        %get3A_412 = arith.index_cast %get3A_411 : i32 to index
        %get3A_413 = arith.index_cast %mul3A_410 : i32 to index
        %get3A_414 = tpu.vector_load %arg7[%get3A_412, %get3A_413] {strides = array<i32>} : memref<64x512xf32, #tpu.memory_space<vmem>>, vector<1x16xf32>,
        %get3A_415 = vector.shape_cast %get3A_414 : vector<1x16xf32> to vector<16xf32>
        %mul3A_416 = arith.mulf %get3A_253, %get3A_415 : vector<16xf32>
        %swap3A_417 = arith.constant 208 : index
        %swap3A_418 = tpu.vector_load %arg10[%swap3A_417] {strides = array<i32>} : memref<1024xf32, #tpu.memory_space<vmem>>, vector<16xf32>,
        %swap3A_419 = vector.shape_cast %swap3A_418 : vector<16xf32> to vector<16xf32>
        %swap3A_420 = vector.shape_cast %mul3A_416 : vector<16xf32> to vector<16xf32>
        tpu.vector_store %arg10[%swap3A_417], %swap3A_420 {add = true, strides = array<i32>} : memref<1024xf32, #tpu.memory_space<vmem>>, vector<16xf32>,
        %mul3A_421 = arith.constant 16 : i32
        %mul3A_422 = arith.muli %scan3A_247, %mul3A_421 : i32
        %get3A_423 = arith.constant 14 : i32
        %get3A_424 = arith.index_cast %get3A_423 : i32 to index
        %get3A_425 = arith.index_cast %mul3A_422 : i32 to index
        %get3A_426 = tpu.vector_load %arg7[%get3A_424, %get3A_425] {strides = array<i32>} : memref<64x512xf32, #tpu.memory_space<vmem>>, vector<1x16xf32>,
        %get3A_427 = vector.shape_cast %get3A_426 : vector<1x16xf32> to vector<16xf32>
        %mul3A_428 = arith.mulf %get3A_253, %get3A_427 : vector<16xf32>
        %swap3A_429 = arith.constant 224 : index
        %swap3A_430 = tpu.vector_load %arg10[%swap3A_429] {strides = array<i32>} : memref<1024xf32, #tpu.memory_space<vmem>>, vector<16xf32>,
        %swap3A_431 = vector.shape_cast %swap3A_430 : vector<16xf32> to vector<16xf32>
        %swap3A_432 = vector.shape_cast %mul3A_428 : vector<16xf32> to vector<16xf32>
        tpu.vector_store %arg10[%swap3A_429], %swap3A_432 {add = true, strides = array<i32>} : memref<1024xf32, #tpu.memory_space<vmem>>, vector<16xf32>,
        %mul3A_433 = arith.constant 16 : i32
        %mul3A_434 = arith.muli %scan3A_247, %mul3A_433 : i32
        %get3A_435 = arith.constant 15 : i32
        %get3A_436 = arith.index_cast %get3A_435 : i32 to index
        %get3A_437 = arith.index_cast %mul3A_434 : i32 to index
        %get3A_438 = tpu.vector_load %arg7[%get3A_436, %get3A_437] {strides = array<i32>} : memref<64x512xf32, #tpu.memory_space<vmem>>, vector<1x16xf32>,
        %get3A_439 = vector.shape_cast %get3A_438 : vector<1x16xf32> to vector<16xf32>
        %mul3A_440 = arith.mulf %get3A_253, %get3A_439 : vector<16xf32>
        %swap3A_441 = arith.constant 240 : index
        %swap3A_442 = tpu.vector_load %arg10[%swap3A_441] {strides = array<i32>} : memref<1024xf32, #tpu.memory_space<vmem>>, vector<16xf32>,
        %swap3A_443 = vector.shape_cast %swap3A_442 : vector<16xf32> to vector<16xf32>
        %swap3A_444 = vector.shape_cast %mul3A_440 : vector<16xf32> to vector<16xf32>
        tpu.vector_store %arg10[%swap3A_441], %swap3A_444 {add = true, strides = array<i32>} : memref<1024xf32, #tpu.memory_space<vmem>>, vector<16xf32>,
        %mul3A_445 = arith.constant 16 : i32
        %mul3A_446 = arith.muli %scan3A_247, %mul3A_445 : i32
        %get3A_447 = arith.constant 16 : i32
        %get3A_448 = arith.index_cast %get3A_447 : i32 to index
        %get3A_449 = arith.index_cast %mul3A_446 : i32 to index
        %get3A_450 = tpu.vector_load %arg7[%get3A_448, %get3A_449] {strides = array<i32>} : memref<64x512xf32, #tpu.memory_space<vmem>>, vector<1x16xf32>,
        %get3A_451 = vector.shape_cast %get3A_450 : vector<1x16xf32> to vector<16xf32>
        %mul3A_452 = arith.mulf %get3A_253, %get3A_451 : vector<16xf32>
        %swap3A_453 = arith.constant 256 : index
        %swap3A_454 = tpu.vector_load %arg10[%swap3A_453] {strides = array<i32>} : memref<1024xf32, #tpu.memory_space<vmem>>, vector<16xf32>,
        %swap3A_455 = vector.shape_cast %swap3A_454 : vector<16xf32> to vector<16xf32>
        %swap3A_456 = vector.shape_cast %mul3A_452 : vector<16xf32> to vector<16xf32>
        tpu.vector_store %arg10[%swap3A_453], %swap3A_456 {add = true, strides = array<i32>} : memref<1024xf32, #tpu.memory_space<vmem>>, vector<16xf32>,
        %mul3A_457 = arith.constant 16 : i32
        %mul3A_458 = arith.muli %scan3A_247, %mul3A_457 : i32
        %get3A_459 = arith.constant 17 : i32
        %get3A_460 = arith.index_cast %get3A_459 : i32 to index
        %get3A_461 = arith.index_cast %mul3A_458 : i32 to index
        %get3A_462 = tpu.vector_load %arg7[%get3A_460, %get3A_461] {strides = array<i32>} : memref<64x512xf32, #tpu.memory_space<vmem>>, vector<1x16xf32>,
        %get3A_463 = vector.shape_cast %get3A_462 : vector<1x16xf32> to vector<16xf32>
        %mul3A_464 = arith.mulf %get3A_253, %get3A_463 : vector<16xf32>
        %swap3A_465 = arith.constant 272 : index
        %swap3A_466 = tpu.vector_load %arg10[%swap3A_465] {strides = array<i32>} : memref<1024xf32, #tpu.memory_space<vmem>>, vector<16xf32>,
        %swap3A_467 = vector.shape_cast %swap3A_466 : vector<16xf32> to vector<16xf32>
        %swap3A_468 = vector.shape_cast %mul3A_464 : vector<16xf32> to vector<16xf32>
        tpu.vector_store %arg10[%swap3A_465], %swap3A_468 {add = true, strides = array<i32>} : memref<1024xf32, #tpu.memory_space<vmem>>, vector<16xf32>,
        %mul3A_469 = arith.constant 16 : i32
        %mul3A_470 = arith.muli %scan3A_247, %mul3A_469 : i32
        %get3A_471 = arith.constant 18 : i32
        %get3A_472 = arith.index_cast %get3A_471 : i32 to index
        %get3A_473 = arith.index_cast %mul3A_470 : i32 to index
        %get3A_474 = tpu.vector_load %arg7[%get3A_472, %get3A_473] {strides = array<i32>} : memref<64x512xf32, #tpu.memory_space<vmem>>, vector<1x16xf32>,
        %get3A_475 = vector.shape_cast %get3A_474 : vector<1x16xf32> to vector<16xf32>
        %mul3A_476 = arith.mulf %get3A_253, %get3A_475 : vector<16xf32>
        %swap3A_477 = arith.constant 288 : index
        %swap3A_478 = tpu.vector_load %arg10[%swap3A_477] {strides = array<i32>} : memref<1024xf32, #tpu.memory_space<vmem>>, vector<16xf32>,
        %swap3A_479 = vector.shape_cast %swap3A_478 : vector<16xf32> to vector<16xf32>
        %swap3A_480 = vector.shape_cast %mul3A_476 : vector<16xf32> to vector<16xf32>
        tpu.vector_store %arg10[%swap3A_477], %swap3A_480 {add = true, strides = array<i32>} : memref<1024xf32, #tpu.memory_space<vmem>>, vector<16xf32>,
        %mul3A_481 = arith.constant 16 : i32
        %mul3A_482 = arith.muli %scan3A_247, %mul3A_481 : i32
        %get3A_483 = arith.constant 19 : i32
        %get3A_484 = arith.index_cast %get3A_483 : i32 to index
        %get3A_485 = arith.index_cast %mul3A_482 : i32 to index
        %get3A_486 = tpu.vector_load %arg7[%get3A_484, %get3A_485] {strides = array<i32>} : memref<64x512xf32, #tpu.memory_space<vmem>>, vector<1x16xf32>,
        %get3A_487 = vector.shape_cast %get3A_486 : vector<1x16xf32> to vector<16xf32>
        %mul3A_488 = arith.mulf %get3A_253, %get3A_487 : vector<16xf32>
        %swap3A_489 = arith.constant 304 : index
        %swap3A_490 = tpu.vector_load %arg10[%swap3A_489] {strides = array<i32>} : memref<1024xf32, #tpu.memory_space<vmem>>, vector<16xf32>,
        %swap3A_491 = vector.shape_cast %swap3A_490 : vector<16xf32> to vector<16xf32>
        %swap3A_492 = vector.shape_cast %mul3A_488 : vector<16xf32> to vector<16xf32>
        tpu.vector_store %arg10[%swap3A_489], %swap3A_492 {add = true, strides = array<i32>} : memref<1024xf32, #tpu.memory_space<vmem>>, vector<16xf32>,
        %mul3A_493 = arith.constant 16 : i32
        %mul3A_494 = arith.muli %scan3A_247, %mul3A_493 : i32
        %get3A_495 = arith.constant 20 : i32
        %get3A_496 = arith.index_cast %get3A_495 : i32 to index
        %get3A_497 = arith.index_cast %mul3A_494 : i32 to index
        %get3A_498 = tpu.vector_load %arg7[%get3A_496, %get3A_497] {strides = array<i32>} : memref<64x512xf32, #tpu.memory_space<vmem>>, vector<1x16xf32>,
        %get3A_499 = vector.shape_cast %get3A_498 : vector<1x16xf32> to vector<16xf32>
        %mul3A_500 = arith.mulf %get3A_253, %get3A_499 : vector<16xf32>
        %swap3A_501 = arith.constant 320 : index
        %swap3A_502 = tpu.vector_load %arg10[%swap3A_501] {strides = array<i32>} : memref<1024xf32, #tpu.memory_space<vmem>>, vector<16xf32>,
        %swap3A_503 = vector.shape_cast %swap3A_502 : vector<16xf32> to vector<16xf32>
        %swap3A_504 = vector.shape_cast %mul3A_500 : vector<16xf32> to vector<16xf32>
        tpu.vector_store %arg10[%swap3A_501], %swap3A_504 {add = true, strides = array<i32>} : memref<1024xf32, #tpu.memory_space<vmem>>, vector<16xf32>,
        %mul3A_505 = arith.constant 16 : i32
        %mul3A_506 = arith.muli %scan3A_247, %mul3A_505 : i32
        %get3A_507 = arith.constant 21 : i32
        %get3A_508 = arith.index_cast %get3A_507 : i32 to index
        %get3A_509 = arith.index_cast %mul3A_506 : i32 to index
        %get3A_510 = tpu.vector_load %arg7[%get3A_508, %get3A_509] {strides = array<i32>} : memref<64x512xf32, #tpu.memory_space<vmem>>, vector<1x16xf32>,
        %get3A_511 = vector.shape_cast %get3A_510 : vector<1x16xf32> to vector<16xf32>
        %mul3A_512 = arith.mulf %get3A_253, %get3A_511 : vector<16xf32>
        %swap3A_513 = arith.constant 336 : index
        %swap3A_514 = tpu.vector_load %arg10[%swap3A_513] {strides = array<i32>} : memref<1024xf32, #tpu.memory_space<vmem>>, vector<16xf32>,
        %swap3A_515 = vector.shape_cast %swap3A_514 : vector<16xf32> to vector<16xf32>
        %swap3A_516 = vector.shape_cast %mul3A_512 : vector<16xf32> to vector<16xf32>
        tpu.vector_store %arg10[%swap3A_513], %swap3A_516 {add = true, strides = array<i32>} : memref<1024xf32, #tpu.memory_space<vmem>>, vector<16xf32>,
        %mul3A_517 = arith.constant 16 : i32
        %mul3A_518 = arith.muli %scan3A_247, %mul3A_517 : i32
        %get3A_519 = arith.constant 22 : i32
        %get3A_520 = arith.index_cast %get3A_519 : i32 to index
        %get3A_521 = arith.index_cast %mul3A_518 : i32 to index
        %get3A_522 = tpu.vector_load %arg7[%get3A_520, %get3A_521] {strides = array<i32>} : memref<64x512xf32, #tpu.memory_space<vmem>>, vector<1x16xf32>,
        %get3A_523 = vector.shape_cast %get3A_522 : vector<1x16xf32> to vector<16xf32>
        %mul3A_524 = arith.mulf %get3A_253, %get3A_523 : vector<16xf32>
        %swap3A_525 = arith.constant 352 : index
        %swap3A_526 = tpu.vector_load %arg10[%swap3A_525] {strides = array<i32>} : memref<1024xf32, #tpu.memory_space<vmem>>, vector<16xf32>,
        %swap3A_527 = vector.shape_cast %swap3A_526 : vector<16xf32> to vector<16xf32>
        %swap3A_528 = vector.shape_cast %mul3A_524 : vector<16xf32> to vector<16xf32>
        tpu.vector_store %arg10[%swap3A_525], %swap3A_528 {add = true, strides = array<i32>} : memref<1024xf32, #tpu.memory_space<vmem>>, vector<16xf32>,
        %mul3A_529 = arith.constant 16 : i32
        %mul3A_530 = arith.muli %scan3A_247, %mul3A_529 : i32
        %get3A_531 = arith.constant 23 : i32
        %get3A_532 = arith.index_cast %get3A_531 : i32 to index
        %get3A_533 = arith.index_cast %mul3A_530 : i32 to index
        %get3A_534 = tpu.vector_load %arg7[%get3A_532, %get3A_533] {strides = array<i32>} : memref<64x512xf32, #tpu.memory_space<vmem>>, vector<1x16xf32>,
        %get3A_535 = vector.shape_cast %get3A_534 : vector<1x16xf32> to vector<16xf32>
        %mul3A_536 = arith.mulf %get3A_253, %get3A_535 : vector<16xf32>
        %swap3A_537 = arith.constant 368 : index
        %swap3A_538 = tpu.vector_load %arg10[%swap3A_537] {strides = array<i32>} : memref<1024xf32, #tpu.memory_space<vmem>>, vector<16xf32>,
        %swap3A_539 = vector.shape_cast %swap3A_538 : vector<16xf32> to vector<16xf32>
        %swap3A_540 = vector.shape_cast %mul3A_536 : vector<16xf32> to vector<16xf32>
        tpu.vector_store %arg10[%swap3A_537], %swap3A_540 {add = true, strides = array<i32>} : memref<1024xf32, #tpu.memory_space<vmem>>, vector<16xf32>,
        %mul3A_541 = arith.constant 16 : i32
        %mul3A_542 = arith.muli %scan3A_247, %mul3A_541 : i32
        %get3A_543 = arith.constant 24 : i32
        %get3A_544 = arith.index_cast %get3A_543 : i32 to index
        %get3A_545 = arith.index_cast %mul3A_542 : i32 to index
        %get3A_546 = tpu.vector_load %arg7[%get3A_544, %get3A_545] {strides = array<i32>} : memref<64x512xf32, #tpu.memory_space<vmem>>, vector<1x16xf32>,
        %get3A_547 = vector.shape_cast %get3A_546 : vector<1x16xf32> to vector<16xf32>
        %mul3A_548 = arith.mulf %get3A_253, %get3A_547 : vector<16xf32>
        %swap3A_549 = arith.constant 384 : index
        %swap3A_550 = tpu.vector_load %arg10[%swap3A_549] {strides = array<i32>} : memref<1024xf32, #tpu.memory_space<vmem>>, vector<16xf32>,
        %swap3A_551 = vector.shape_cast %swap3A_550 : vector<16xf32> to vector<16xf32>
        %swap3A_552 = vector.shape_cast %mul3A_548 : vector<16xf32> to vector<16xf32>
        tpu.vector_store %arg10[%swap3A_549], %swap3A_552 {add = true, strides = array<i32>} : memref<1024xf32, #tpu.memory_space<vmem>>, vector<16xf32>,
        %mul3A_553 = arith.constant 16 : i32
        %mul3A_554 = arith.muli %scan3A_247, %mul3A_553 : i32
        %get3A_555 = arith.constant 25 : i32
        %get3A_556 = arith.index_cast %get3A_555 : i32 to index
        %get3A_557 = arith.index_cast %mul3A_554 : i32 to index
        %get3A_558 = tpu.vector_load %arg7[%get3A_556, %get3A_557] {strides = array<i32>} : memref<64x512xf32, #tpu.memory_space<vmem>>, vector<1x16xf32>,
        %get3A_559 = vector.shape_cast %get3A_558 : vector<1x16xf32> to vector<16xf32>
        %mul3A_560 = arith.mulf %get3A_253, %get3A_559 : vector<16xf32>
        %swap3A_561 = arith.constant 400 : index
        %swap3A_562 = tpu.vector_load %arg10[%swap3A_561] {strides = array<i32>} : memref<1024xf32, #tpu.memory_space<vmem>>, vector<16xf32>,
        %swap3A_563 = vector.shape_cast %swap3A_562 : vector<16xf32> to vector<16xf32>
        %swap3A_564 = vector.shape_cast %mul3A_560 : vector<16xf32> to vector<16xf32>
        tpu.vector_store %arg10[%swap3A_561], %swap3A_564 {add = true, strides = array<i32>} : memref<1024xf32, #tpu.memory_space<vmem>>, vector<16xf32>,
        %mul3A_565 = arith.constant 16 : i32
        %mul3A_566 = arith.muli %scan3A_247, %mul3A_565 : i32
        %get3A_567 = arith.constant 26 : i32
        %get3A_568 = arith.index_cast %get3A_567 : i32 to index
        %get3A_569 = arith.index_cast %mul3A_566 : i32 to index
        %get3A_570 = tpu.vector_load %arg7[%get3A_568, %get3A_569] {strides = array<i32>} : memref<64x512xf32, #tpu.memory_space<vmem>>, vector<1x16xf32>,
        %get3A_571 = vector.shape_cast %get3A_570 : vector<1x16xf32> to vector<16xf32>
        %mul3A_572 = arith.mulf %get3A_253, %get3A_571 : vector<16xf32>
        %swap3A_573 = arith.constant 416 : index
        %swap3A_574 = tpu.vector_load %arg10[%swap3A_573] {strides = array<i32>} : memref<1024xf32, #tpu.memory_space<vmem>>, vector<16xf32>,
        %swap3A_575 = vector.shape_cast %swap3A_574 : vector<16xf32> to vector<16xf32>
        %swap3A_576 = vector.shape_cast %mul3A_572 : vector<16xf32> to vector<16xf32>
        tpu.vector_store %arg10[%swap3A_573], %swap3A_576 {add = true, strides = array<i32>} : memref<1024xf32, #tpu.memory_space<vmem>>, vector<16xf32>,
        %mul3A_577 = arith.constant 16 : i32
        %mul3A_578 = arith.muli %scan3A_247, %mul3A_577 : i32
        %get3A_579 = arith.constant 27 : i32
        %get3A_580 = arith.index_cast %get3A_579 : i32 to index
        %get3A_581 = arith.index_cast %mul3A_578 : i32 to index
        %get3A_582 = tpu.vector_load %arg7[%get3A_580, %get3A_581] {strides = array<i32>} : memref<64x512xf32, #tpu.memory_space<vmem>>, vector<1x16xf32>,
        %get3A_583 = vector.shape_cast %get3A_582 : vector<1x16xf32> to vector<16xf32>
        %mul3A_584 = arith.mulf %get3A_253, %get3A_583 : vector<16xf32>
        %swap3A_585 = arith.constant 432 : index
        %swap3A_586 = tpu.vector_load %arg10[%swap3A_585] {strides = array<i32>} : memref<1024xf32, #tpu.memory_space<vmem>>, vector<16xf32>,
        %swap3A_587 = vector.shape_cast %swap3A_586 : vector<16xf32> to vector<16xf32>
        %swap3A_588 = vector.shape_cast %mul3A_584 : vector<16xf32> to vector<16xf32>
        tpu.vector_store %arg10[%swap3A_585], %swap3A_588 {add = true, strides = array<i32>} : memref<1024xf32, #tpu.memory_space<vmem>>, vector<16xf32>,
        %mul3A_589 = arith.constant 16 : i32
        %mul3A_590 = arith.muli %scan3A_247, %mul3A_589 : i32
        %get3A_591 = arith.constant 28 : i32
        %get3A_592 = arith.index_cast %get3A_591 : i32 to index
        %get3A_593 = arith.index_cast %mul3A_590 : i32 to index
        %get3A_594 = tpu.vector_load %arg7[%get3A_592, %get3A_593] {strides = array<i32>} : memref<64x512xf32, #tpu.memory_space<vmem>>, vector<1x16xf32>,
        %get3A_595 = vector.shape_cast %get3A_594 : vector<1x16xf32> to vector<16xf32>
        %mul3A_596 = arith.mulf %get3A_253, %get3A_595 : vector<16xf32>
        %swap3A_597 = arith.constant 448 : index
        %swap3A_598 = tpu.vector_load %arg10[%swap3A_597] {strides = array<i32>} : memref<1024xf32, #tpu.memory_space<vmem>>, vector<16xf32>,
        %swap3A_599 = vector.shape_cast %swap3A_598 : vector<16xf32> to vector<16xf32>
        %swap3A_600 = vector.shape_cast %mul3A_596 : vector<16xf32> to vector<16xf32>
        tpu.vector_store %arg10[%swap3A_597], %swap3A_600 {add = true, strides = array<i32>} : memref<1024xf32, #tpu.memory_space<vmem>>, vector<16xf32>,
        %mul3A_601 = arith.constant 16 : i32
        %mul3A_602 = arith.muli %scan3A_247, %mul3A_601 : i32
        %get3A_603 = arith.constant 29 : i32
        %get3A_604 = arith.index_cast %get3A_603 : i32 to index
        %get3A_605 = arith.index_cast %mul3A_602 : i32 to index
        %get3A_606 = tpu.vector_load %arg7[%get3A_604, %get3A_605] {strides = array<i32>} : memref<64x512xf32, #tpu.memory_space<vmem>>, vector<1x16xf32>,
        %get3A_607 = vector.shape_cast %get3A_606 : vector<1x16xf32> to vector<16xf32>
        %mul3A_608 = arith.mulf %get3A_253, %get3A_607 : vector<16xf32>
        %swap3A_609 = arith.constant 464 : index
        %swap3A_610 = tpu.vector_load %arg10[%swap3A_609] {strides = array<i32>} : memref<1024xf32, #tpu.memory_space<vmem>>, vector<16xf32>,
        %swap3A_611 = vector.shape_cast %swap3A_610 : vector<16xf32> to vector<16xf32>
        %swap3A_612 = vector.shape_cast %mul3A_608 : vector<16xf32> to vector<16xf32>
        tpu.vector_store %arg10[%swap3A_609], %swap3A_612 {add = true, strides = array<i32>} : memref<1024xf32, #tpu.memory_space<vmem>>, vector<16xf32>,
        %mul3A_613 = arith.constant 16 : i32
        %mul3A_614 = arith.muli %scan3A_247, %mul3A_613 : i32
        %get3A_615 = arith.constant 30 : i32
        %get3A_616 = arith.index_cast %get3A_615 : i32 to index
        %get3A_617 = arith.index_cast %mul3A_614 : i32 to index
        %get3A_618 = tpu.vector_load %arg7[%get3A_616, %get3A_617] {strides = array<i32>} : memref<64x512xf32, #tpu.memory_space<vmem>>, vector<1x16xf32>,
        %get3A_619 = vector.shape_cast %get3A_618 : vector<1x16xf32> to vector<16xf32>
        %mul3A_620 = arith.mulf %get3A_253, %get3A_619 : vector<16xf32>
        %swap3A_621 = arith.constant 480 : index
        %swap3A_622 = tpu.vector_load %arg10[%swap3A_621] {strides = array<i32>} : memref<1024xf32, #tpu.memory_space<vmem>>, vector<16xf32>,
        %swap3A_623 = vector.shape_cast %swap3A_622 : vector<16xf32> to vector<16xf32>
        %swap3A_624 = vector.shape_cast %mul3A_620 : vector<16xf32> to vector<16xf32>
        tpu.vector_store %arg10[%swap3A_621], %swap3A_624 {add = true, strides = array<i32>} : memref<1024xf32, #tpu.memory_space<vmem>>, vector<16xf32>,
        %mul3A_625 = arith.constant 16 : i32
        %mul3A_626 = arith.muli %scan3A_247, %mul3A_625 : i32
        %get3A_627 = arith.constant 31 : i32
        %get3A_628 = arith.index_cast %get3A_627 : i32 to index
        %get3A_629 = arith.index_cast %mul3A_626 : i32 to index
        %get3A_630 = tpu.vector_load %arg7[%get3A_628, %get3A_629] {strides = array<i32>} : memref<64x512xf32, #tpu.memory_space<vmem>>, vector<1x16xf32>,
        %get3A_631 = vector.shape_cast %get3A_630 : vector<1x16xf32> to vector<16xf32>
        %mul3A_632 = arith.mulf %get3A_253, %get3A_631 : vector<16xf32>
        %swap3A_633 = arith.constant 496 : index
        %swap3A_634 = tpu.vector_load %arg10[%swap3A_633] {strides = array<i32>} : memref<1024xf32, #tpu.memory_space<vmem>>, vector<16xf32>,
        %swap3A_635 = vector.shape_cast %swap3A_634 : vector<16xf32> to vector<16xf32>
        %swap3A_636 = vector.shape_cast %mul3A_632 : vector<16xf32> to vector<16xf32>
        tpu.vector_store %arg10[%swap3A_633], %swap3A_636 {add = true, strides = array<i32>} : memref<1024xf32, #tpu.memory_space<vmem>>, vector<16xf32>,
        %mul3A_637 = arith.constant 16 : i32
        %mul3A_638 = arith.muli %scan3A_247, %mul3A_637 : i32
        %get3A_639 = arith.constant 32 : i32
        %get3A_640 = arith.index_cast %get3A_639 : i32 to index
        %get3A_641 = arith.index_cast %mul3A_638 : i32 to index
        %get3A_642 = tpu.vector_load %arg7[%get3A_640, %get3A_641] {strides = array<i32>} : memref<64x512xf32, #tpu.memory_space<vmem>>, vector<1x16xf32>,
        %get3A_643 = vector.shape_cast %get3A_642 : vector<1x16xf32> to vector<16xf32>
        %mul3A_644 = arith.mulf %get3A_253, %get3A_643 : vector<16xf32>
        %swap3A_645 = arith.constant 512 : index
        %swap3A_646 = tpu.vector_load %arg10[%swap3A_645] {strides = array<i32>} : memref<1024xf32, #tpu.memory_space<vmem>>, vector<16xf32>,
        %swap3A_647 = vector.shape_cast %swap3A_646 : vector<16xf32> to vector<16xf32>
        %swap3A_648 = vector.shape_cast %mul3A_644 : vector<16xf32> to vector<16xf32>
        tpu.vector_store %arg10[%swap3A_645], %swap3A_648 {add = true, strides = array<i32>} : memref<1024xf32, #tpu.memory_space<vmem>>, vector<16xf32>,
        %mul3A_649 = arith.constant 16 : i32
        %mul3A_650 = arith.muli %scan3A_247, %mul3A_649 : i32
        %get3A_651 = arith.constant 33 : i32
        %get3A_652 = arith.index_cast %get3A_651 : i32 to index
        %get3A_653 = arith.index_cast %mul3A_650 : i32 to index
        %get3A_654 = tpu.vector_load %arg7[%get3A_652, %get3A_653] {strides = array<i32>} : memref<64x512xf32, #tpu.memory_space<vmem>>, vector<1x16xf32>,
        %get3A_655 = vector.shape_cast %get3A_654 : vector<1x16xf32> to vector<16xf32>
        %mul3A_656 = arith.mulf %get3A_253, %get3A_655 : vector<16xf32>
        %swap3A_657 = arith.constant 528 : index
        %swap3A_658 = tpu.vector_load %arg10[%swap3A_657] {strides = array<i32>} : memref<1024xf32, #tpu.memory_space<vmem>>, vector<16xf32>,
        %swap3A_659 = vector.shape_cast %swap3A_658 : vector<16xf32> to vector<16xf32>
        %swap3A_660 = vector.shape_cast %mul3A_656 : vector<16xf32> to vector<16xf32>
        tpu.vector_store %arg10[%swap3A_657], %swap3A_660 {add = true, strides = array<i32>} : memref<1024xf32, #tpu.memory_space<vmem>>, vector<16xf32>,
        %mul3A_661 = arith.constant 16 : i32
        %mul3A_662 = arith.muli %scan3A_247, %mul3A_661 : i32
        %get3A_663 = arith.constant 34 : i32
        %get3A_664 = arith.index_cast %get3A_663 : i32 to index
        %get3A_665 = arith.index_cast %mul3A_662 : i32 to index
        %get3A_666 = tpu.vector_load %arg7[%get3A_664, %get3A_665] {strides = array<i32>} : memref<64x512xf32, #tpu.memory_space<vmem>>, vector<1x16xf32>,
        %get3A_667 = vector.shape_cast %get3A_666 : vector<1x16xf32> to vector<16xf32>
        %mul3A_668 = arith.mulf %get3A_253, %get3A_667 : vector<16xf32>
        %swap3A_669 = arith.constant 544 : index
        %swap3A_670 = tpu.vector_load %arg10[%swap3A_669] {strides = array<i32>} : memref<1024xf32, #tpu.memory_space<vmem>>, vector<16xf32>,
        %swap3A_671 = vector.shape_cast %swap3A_670 : vector<16xf32> to vector<16xf32>
        %swap3A_672 = vector.shape_cast %mul3A_668 : vector<16xf32> to vector<16xf32>
        tpu.vector_store %arg10[%swap3A_669], %swap3A_672 {add = true, strides = array<i32>} : memref<1024xf32, #tpu.memory_space<vmem>>, vector<16xf32>,
        %mul3A_673 = arith.constant 16 : i32
        %mul3A_674 = arith.muli %scan3A_247, %mul3A_673 : i32
        %get3A_675 = arith.constant 35 : i32
        %get3A_676 = arith.index_cast %get3A_675 : i32 to index
        %get3A_677 = arith.index_cast %mul3A_674 : i32 to index
        %get3A_678 = tpu.vector_load %arg7[%get3A_676, %get3A_677] {strides = array<i32>} : memref<64x512xf32, #tpu.memory_space<vmem>>, vector<1x16xf32>,
        %get3A_679 = vector.shape_cast %get3A_678 : vector<1x16xf32> to vector<16xf32>
        %mul3A_680 = arith.mulf %get3A_253, %get3A_679 : vector<16xf32>
        %swap3A_681 = arith.constant 560 : index
        %swap3A_682 = tpu.vector_load %arg10[%swap3A_681] {strides = array<i32>} : memref<1024xf32, #tpu.memory_space<vmem>>, vector<16xf32>,
        %swap3A_683 = vector.shape_cast %swap3A_682 : vector<16xf32> to vector<16xf32>
        %swap3A_684 = vector.shape_cast %mul3A_680 : vector<16xf32> to vector<16xf32>
        tpu.vector_store %arg10[%swap3A_681], %swap3A_684 {add = true, strides = array<i32>} : memref<1024xf32, #tpu.memory_space<vmem>>, vector<16xf32>,
        %mul3A_685 = arith.constant 16 : i32
        %mul3A_686 = arith.muli %scan3A_247, %mul3A_685 : i32
        %get3A_687 = arith.constant 36 : i32
        %get3A_688 = arith.index_cast %get3A_687 : i32 to index
        %get3A_689 = arith.index_cast %mul3A_686 : i32 to index
        %get3A_690 = tpu.vector_load %arg7[%get3A_688, %get3A_689] {strides = array<i32>} : memref<64x512xf32, #tpu.memory_space<vmem>>, vector<1x16xf32>,
        %get3A_691 = vector.shape_cast %get3A_690 : vector<1x16xf32> to vector<16xf32>
        %mul3A_692 = arith.mulf %get3A_253, %get3A_691 : vector<16xf32>
        %swap3A_693 = arith.constant 576 : index
        %swap3A_694 = tpu.vector_load %arg10[%swap3A_693] {strides = array<i32>} : memref<1024xf32, #tpu.memory_space<vmem>>, vector<16xf32>,
        %swap3A_695 = vector.shape_cast %swap3A_694 : vector<16xf32> to vector<16xf32>
        %swap3A_696 = vector.shape_cast %mul3A_692 : vector<16xf32> to vector<16xf32>
        tpu.vector_store %arg10[%swap3A_693], %swap3A_696 {add = true, strides = array<i32>} : memref<1024xf32, #tpu.memory_space<vmem>>, vector<16xf32>,
        %mul3A_697 = arith.constant 16 : i32
        %mul3A_698 = arith.muli %scan3A_247, %mul3A_697 : i32
        %get3A_699 = arith.constant 37 : i32
        %get3A_700 = arith.index_cast %get3A_699 : i32 to index
        %get3A_701 = arith.index_cast %mul3A_698 : i32 to index
        %get3A_702 = tpu.vector_load %arg7[%get3A_700, %get3A_701] {strides = array<i32>} : memref<64x512xf32, #tpu.memory_space<vmem>>, vector<1x16xf32>,
        %get3A_703 = vector.shape_cast %get3A_702 : vector<1x16xf32> to vector<16xf32>
        %mul3A_704 = arith.mulf %get3A_253, %get3A_703 : vector<16xf32>
        %swap3A_705 = arith.constant 592 : index
        %swap3A_706 = tpu.vector_load %arg10[%swap3A_705] {strides = array<i32>} : memref<1024xf32, #tpu.memory_space<vmem>>, vector<16xf32>,
        %swap3A_707 = vector.shape_cast %swap3A_706 : vector<16xf32> to vector<16xf32>
        %swap3A_708 = vector.shape_cast %mul3A_704 : vector<16xf32> to vector<16xf32>
        tpu.vector_store %arg10[%swap3A_705], %swap3A_708 {add = true, strides = array<i32>} : memref<1024xf32, #tpu.memory_space<vmem>>, vector<16xf32>,
        %mul3A_709 = arith.constant 16 : i32
        %mul3A_710 = arith.muli %scan3A_247, %mul3A_709 : i32
        %get3A_711 = arith.constant 38 : i32
        %get3A_712 = arith.index_cast %get3A_711 : i32 to index
        %get3A_713 = arith.index_cast %mul3A_710 : i32 to index
        %get3A_714 = tpu.vector_load %arg7[%get3A_712, %get3A_713] {strides = array<i32>} : memref<64x512xf32, #tpu.memory_space<vmem>>, vector<1x16xf32>,
        %get3A_715 = vector.shape_cast %get3A_714 : vector<1x16xf32> to vector<16xf32>
        %mul3A_716 = arith.mulf %get3A_253, %get3A_715 : vector<16xf32>
        %swap3A_717 = arith.constant 608 : index
        %swap3A_718 = tpu.vector_load %arg10[%swap3A_717] {strides = array<i32>} : memref<1024xf32, #tpu.memory_space<vmem>>, vector<16xf32>,
        %swap3A_719 = vector.shape_cast %swap3A_718 : vector<16xf32> to vector<16xf32>
        %swap3A_720 = vector.shape_cast %mul3A_716 : vector<16xf32> to vector<16xf32>
        tpu.vector_store %arg10[%swap3A_717], %swap3A_720 {add = true, strides = array<i32>} : memref<1024xf32, #tpu.memory_space<vmem>>, vector<16xf32>,
        %mul3A_721 = arith.constant 16 : i32
        %mul3A_722 = arith.muli %scan3A_247, %mul3A_721 : i32
        %get3A_723 = arith.constant 39 : i32
        %get3A_724 = arith.index_cast %get3A_723 : i32 to index
        %get3A_725 = arith.index_cast %mul3A_722 : i32 to index
        %get3A_726 = tpu.vector_load %arg7[%get3A_724, %get3A_725] {strides = array<i32>} : memref<64x512xf32, #tpu.memory_space<vmem>>, vector<1x16xf32>,
        %get3A_727 = vector.shape_cast %get3A_726 : vector<1x16xf32> to vector<16xf32>
        %mul3A_728 = arith.mulf %get3A_253, %get3A_727 : vector<16xf32>
        %swap3A_729 = arith.constant 624 : index
        %swap3A_730 = tpu.vector_load %arg10[%swap3A_729] {strides = array<i32>} : memref<1024xf32, #tpu.memory_space<vmem>>, vector<16xf32>,
        %swap3A_731 = vector.shape_cast %swap3A_730 : vector<16xf32> to vector<16xf32>
        %swap3A_732 = vector.shape_cast %mul3A_728 : vector<16xf32> to vector<16xf32>
        tpu.vector_store %arg10[%swap3A_729], %swap3A_732 {add = true, strides = array<i32>} : memref<1024xf32, #tpu.memory_space<vmem>>, vector<16xf32>,
        %mul3A_733 = arith.constant 16 : i32
        %mul3A_734 = arith.muli %scan3A_247, %mul3A_733 : i32
        %get3A_735 = arith.constant 40 : i32
        %get3A_736 = arith.index_cast %get3A_735 : i32 to index
        %get3A_737 = arith.index_cast %mul3A_734 : i32 to index
        %get3A_738 = tpu.vector_load %arg7[%get3A_736, %get3A_737] {strides = array<i32>} : memref<64x512xf32, #tpu.memory_space<vmem>>, vector<1x16xf32>,
        %get3A_739 = vector.shape_cast %get3A_738 : vector<1x16xf32> to vector<16xf32>
        %mul3A_740 = arith.mulf %get3A_253, %get3A_739 : vector<16xf32>
        %swap3A_741 = arith.constant 640 : index
        %swap3A_742 = tpu.vector_load %arg10[%swap3A_741] {strides = array<i32>} : memref<1024xf32, #tpu.memory_space<vmem>>, vector<16xf32>,
        %swap3A_743 = vector.shape_cast %swap3A_742 : vector<16xf32> to vector<16xf32>
        %swap3A_744 = vector.shape_cast %mul3A_740 : vector<16xf32> to vector<16xf32>
        tpu.vector_store %arg10[%swap3A_741], %swap3A_744 {add = true, strides = array<i32>} : memref<1024xf32, #tpu.memory_space<vmem>>, vector<16xf32>,
        %mul3A_745 = arith.constant 16 : i32
        %mul3A_746 = arith.muli %scan3A_247, %mul3A_745 : i32
        %get3A_747 = arith.constant 41 : i32
        %get3A_748 = arith.index_cast %get3A_747 : i32 to index
        %get3A_749 = arith.index_cast %mul3A_746 : i32 to index
        %get3A_750 = tpu.vector_load %arg7[%get3A_748, %get3A_749] {strides = array<i32>} : memref<64x512xf32, #tpu.memory_space<vmem>>, vector<1x16xf32>,
        %get3A_751 = vector.shape_cast %get3A_750 : vector<1x16xf32> to vector<16xf32>
        %mul3A_752 = arith.mulf %get3A_253, %get3A_751 : vector<16xf32>
        %swap3A_753 = arith.constant 656 : index
        %swap3A_754 = tpu.vector_load %arg10[%swap3A_753] {strides = array<i32>} : memref<1024xf32, #tpu.memory_space<vmem>>, vector<16xf32>,
        %swap3A_755 = vector.shape_cast %swap3A_754 : vector<16xf32> to vector<16xf32>
        %swap3A_756 = vector.shape_cast %mul3A_752 : vector<16xf32> to vector<16xf32>
        tpu.vector_store %arg10[%swap3A_753], %swap3A_756 {add = true, strides = array<i32>} : memref<1024xf32, #tpu.memory_space<vmem>>, vector<16xf32>,
        %mul3A_757 = arith.constant 16 : i32
        %mul3A_758 = arith.muli %scan3A_247, %mul3A_757 : i32
        %get3A_759 = arith.constant 42 : i32
        %get3A_760 = arith.index_cast %get3A_759 : i32 to index
        %get3A_761 = arith.index_cast %mul3A_758 : i32 to index
        %get3A_762 = tpu.vector_load %arg7[%get3A_760, %get3A_761] {strides = array<i32>} : memref<64x512xf32, #tpu.memory_space<vmem>>, vector<1x16xf32>,
        %get3A_763 = vector.shape_cast %get3A_762 : vector<1x16xf32> to vector<16xf32>
        %mul3A_764 = arith.mulf %get3A_253, %get3A_763 : vector<16xf32>
        %swap3A_765 = arith.constant 672 : index
        %swap3A_766 = tpu.vector_load %arg10[%swap3A_765] {strides = array<i32>} : memref<1024xf32, #tpu.memory_space<vmem>>, vector<16xf32>,
        %swap3A_767 = vector.shape_cast %swap3A_766 : vector<16xf32> to vector<16xf32>
        %swap3A_768 = vector.shape_cast %mul3A_764 : vector<16xf32> to vector<16xf32>
        tpu.vector_store %arg10[%swap3A_765], %swap3A_768 {add = true, strides = array<i32>} : memref<1024xf32, #tpu.memory_space<vmem>>, vector<16xf32>,
        %mul3A_769 = arith.constant 16 : i32
        %mul3A_770 = arith.muli %scan3A_247, %mul3A_769 : i32
        %get3A_771 = arith.constant 43 : i32
        %get3A_772 = arith.index_cast %get3A_771 : i32 to index
        %get3A_773 = arith.index_cast %mul3A_770 : i32 to index
        %get3A_774 = tpu.vector_load %arg7[%get3A_772, %get3A_773] {strides = array<i32>} : memref<64x512xf32, #tpu.memory_space<vmem>>, vector<1x16xf32>,
        %get3A_775 = vector.shape_cast %get3A_774 : vector<1x16xf32> to vector<16xf32>
        %mul3A_776 = arith.mulf %get3A_253, %get3A_775 : vector<16xf32>
        %swap3A_777 = arith.constant 688 : index
        %swap3A_778 = tpu.vector_load %arg10[%swap3A_777] {strides = array<i32>} : memref<1024xf32, #tpu.memory_space<vmem>>, vector<16xf32>,
        %swap3A_779 = vector.shape_cast %swap3A_778 : vector<16xf32> to vector<16xf32>
        %swap3A_780 = vector.shape_cast %mul3A_776 : vector<16xf32> to vector<16xf32>
        tpu.vector_store %arg10[%swap3A_777], %swap3A_780 {add = true, strides = array<i32>} : memref<1024xf32, #tpu.memory_space<vmem>>, vector<16xf32>,
        %mul3A_781 = arith.constant 16 : i32
        %mul3A_782 = arith.muli %scan3A_247, %mul3A_781 : i32
        %get3A_783 = arith.constant 44 : i32
        %get3A_784 = arith.index_cast %get3A_783 : i32 to index
        %get3A_785 = arith.index_cast %mul3A_782 : i32 to index
        %get3A_786 = tpu.vector_load %arg7[%get3A_784, %get3A_785] {strides = array<i32>} : memref<64x512xf32, #tpu.memory_space<vmem>>, vector<1x16xf32>,
        %get3A_787 = vector.shape_cast %get3A_786 : vector<1x16xf32> to vector<16xf32>
        %mul3A_788 = arith.mulf %get3A_253, %get3A_787 : vector<16xf32>
        %swap3A_789 = arith.constant 704 : index
        %swap3A_790 = tpu.vector_load %arg10[%swap3A_789] {strides = array<i32>} : memref<1024xf32, #tpu.memory_space<vmem>>, vector<16xf32>,
        %swap3A_791 = vector.shape_cast %swap3A_790 : vector<16xf32> to vector<16xf32>
        %swap3A_792 = vector.shape_cast %mul3A_788 : vector<16xf32> to vector<16xf32>
        tpu.vector_store %arg10[%swap3A_789], %swap3A_792 {add = true, strides = array<i32>} : memref<1024xf32, #tpu.memory_space<vmem>>, vector<16xf32>,
        %mul3A_793 = arith.constant 16 : i32
        %mul3A_794 = arith.muli %scan3A_247, %mul3A_793 : i32
        %get3A_795 = arith.constant 45 : i32
        %get3A_796 = arith.index_cast %get3A_795 : i32 to index
        %get3A_797 = arith.index_cast %mul3A_794 : i32 to index
        %get3A_798 = tpu.vector_load %arg7[%get3A_796, %get3A_797] {strides = array<i32>} : memref<64x512xf32, #tpu.memory_space<vmem>>, vector<1x16xf32>,
        %get3A_799 = vector.shape_cast %get3A_798 : vector<1x16xf32> to vector<16xf32>
        %mul3A_800 = arith.mulf %get3A_253, %get3A_799 : vector<16xf32>
        %swap3A_801 = arith.constant 720 : index
        %swap3A_802 = tpu.vector_load %arg10[%swap3A_801] {strides = array<i32>} : memref<1024xf32, #tpu.memory_space<vmem>>, vector<16xf32>,
        %swap3A_803 = vector.shape_cast %swap3A_802 : vector<16xf32> to vector<16xf32>
        %swap3A_804 = vector.shape_cast %mul3A_800 : vector<16xf32> to vector<16xf32>
        tpu.vector_store %arg10[%swap3A_801], %swap3A_804 {add = true, strides = array<i32>} : memref<1024xf32, #tpu.memory_space<vmem>>, vector<16xf32>,
        %mul3A_805 = arith.constant 16 : i32
        %mul3A_806 = arith.muli %scan3A_247, %mul3A_805 : i32
        %get3A_807 = arith.constant 46 : i32
        %get3A_808 = arith.index_cast %get3A_807 : i32 to index
        %get3A_809 = arith.index_cast %mul3A_806 : i32 to index
        %get3A_810 = tpu.vector_load %arg7[%get3A_808, %get3A_809] {strides = array<i32>} : memref<64x512xf32, #tpu.memory_space<vmem>>, vector<1x16xf32>,
        %get3A_811 = vector.shape_cast %get3A_810 : vector<1x16xf32> to vector<16xf32>
        %mul3A_812 = arith.mulf %get3A_253, %get3A_811 : vector<16xf32>
        %swap3A_813 = arith.constant 736 : index
        %swap3A_814 = tpu.vector_load %arg10[%swap3A_813] {strides = array<i32>} : memref<1024xf32, #tpu.memory_space<vmem>>, vector<16xf32>,
        %swap3A_815 = vector.shape_cast %swap3A_814 : vector<16xf32> to vector<16xf32>
        %swap3A_816 = vector.shape_cast %mul3A_812 : vector<16xf32> to vector<16xf32>
        tpu.vector_store %arg10[%swap3A_813], %swap3A_816 {add = true, strides = array<i32>} : memref<1024xf32, #tpu.memory_space<vmem>>, vector<16xf32>,
        %mul3A_817 = arith.constant 16 : i32
        %mul3A_818 = arith.muli %scan3A_247, %mul3A_817 : i32
        %get3A_819 = arith.constant 47 : i32
        %get3A_820 = arith.index_cast %get3A_819 : i32 to index
        %get3A_821 = arith.index_cast %mul3A_818 : i32 to index
        %get3A_822 = tpu.vector_load %arg7[%get3A_820, %get3A_821] {strides = array<i32>} : memref<64x512xf32, #tpu.memory_space<vmem>>, vector<1x16xf32>,
        %get3A_823 = vector.shape_cast %get3A_822 : vector<1x16xf32> to vector<16xf32>
        %mul3A_824 = arith.mulf %get3A_253, %get3A_823 : vector<16xf32>
        %swap3A_825 = arith.constant 752 : index
        %swap3A_826 = tpu.vector_load %arg10[%swap3A_825] {strides = array<i32>} : memref<1024xf32, #tpu.memory_space<vmem>>, vector<16xf32>,
        %swap3A_827 = vector.shape_cast %swap3A_826 : vector<16xf32> to vector<16xf32>
        %swap3A_828 = vector.shape_cast %mul3A_824 : vector<16xf32> to vector<16xf32>
        tpu.vector_store %arg10[%swap3A_825], %swap3A_828 {add = true, strides = array<i32>} : memref<1024xf32, #tpu.memory_space<vmem>>, vector<16xf32>,
        %mul3A_829 = arith.constant 16 : i32
        %mul3A_830 = arith.muli %scan3A_247, %mul3A_829 : i32
        %get3A_831 = arith.constant 48 : i32
        %get3A_832 = arith.index_cast %get3A_831 : i32 to index
        %get3A_833 = arith.index_cast %mul3A_830 : i32 to index
        %get3A_834 = tpu.vector_load %arg7[%get3A_832, %get3A_833] {strides = array<i32>} : memref<64x512xf32, #tpu.memory_space<vmem>>, vector<1x16xf32>,
        %get3A_835 = vector.shape_cast %get3A_834 : vector<1x16xf32> to vector<16xf32>
        %mul3A_836 = arith.mulf %get3A_253, %get3A_835 : vector<16xf32>
        %swap3A_837 = arith.constant 768 : index
        %swap3A_838 = tpu.vector_load %arg10[%swap3A_837] {strides = array<i32>} : memref<1024xf32, #tpu.memory_space<vmem>>, vector<16xf32>,
        %swap3A_839 = vector.shape_cast %swap3A_838 : vector<16xf32> to vector<16xf32>
        %swap3A_840 = vector.shape_cast %mul3A_836 : vector<16xf32> to vector<16xf32>
        tpu.vector_store %arg10[%swap3A_837], %swap3A_840 {add = true, strides = array<i32>} : memref<1024xf32, #tpu.memory_space<vmem>>, vector<16xf32>,
        %mul3A_841 = arith.constant 16 : i32
        %mul3A_842 = arith.muli %scan3A_247, %mul3A_841 : i32
        %get3A_843 = arith.constant 49 : i32
        %get3A_844 = arith.index_cast %get3A_843 : i32 to index
        %get3A_845 = arith.index_cast %mul3A_842 : i32 to index
        %get3A_846 = tpu.vector_load %arg7[%get3A_844, %get3A_845] {strides = array<i32>} : memref<64x512xf32, #tpu.memory_space<vmem>>, vector<1x16xf32>,
        %get3A_847 = vector.shape_cast %get3A_846 : vector<1x16xf32> to vector<16xf32>
        %mul3A_848 = arith.mulf %get3A_253, %get3A_847 : vector<16xf32>
        %swap3A_849 = arith.constant 784 : index
        %swap3A_850 = tpu.vector_load %arg10[%swap3A_849] {strides = array<i32>} : memref<1024xf32, #tpu.memory_space<vmem>>, vector<16xf32>,
        %swap3A_851 = vector.shape_cast %swap3A_850 : vector<16xf32> to vector<16xf32>
        %swap3A_852 = vector.shape_cast %mul3A_848 : vector<16xf32> to vector<16xf32>
        tpu.vector_store %arg10[%swap3A_849], %swap3A_852 {add = true, strides = array<i32>} : memref<1024xf32, #tpu.memory_space<vmem>>, vector<16xf32>,
        %mul3A_853 = arith.constant 16 : i32
        %mul3A_854 = arith.muli %scan3A_247, %mul3A_853 : i32
        %get3A_855 = arith.constant 50 : i32
        %get3A_856 = arith.index_cast %get3A_855 : i32 to index
        %get3A_857 = arith.index_cast %mul3A_854 : i32 to index
        %get3A_858 = tpu.vector_load %arg7[%get3A_856, %get3A_857] {strides = array<i32>} : memref<64x512xf32, #tpu.memory_space<vmem>>, vector<1x16xf32>,
        %get3A_859 = vector.shape_cast %get3A_858 : vector<1x16xf32> to vector<16xf32>
        %mul3A_860 = arith.mulf %get3A_253, %get3A_859 : vector<16xf32>
        %swap3A_861 = arith.constant 800 : index
        %swap3A_862 = tpu.vector_load %arg10[%swap3A_861] {strides = array<i32>} : memref<1024xf32, #tpu.memory_space<vmem>>, vector<16xf32>,
        %swap3A_863 = vector.shape_cast %swap3A_862 : vector<16xf32> to vector<16xf32>
        %swap3A_864 = vector.shape_cast %mul3A_860 : vector<16xf32> to vector<16xf32>
        tpu.vector_store %arg10[%swap3A_861], %swap3A_864 {add = true, strides = array<i32>} : memref<1024xf32, #tpu.memory_space<vmem>>, vector<16xf32>,
        %mul3A_865 = arith.constant 16 : i32
        %mul3A_866 = arith.muli %scan3A_247, %mul3A_865 : i32
        %get3A_867 = arith.constant 51 : i32
        %get3A_868 = arith.index_cast %get3A_867 : i32 to index
        %get3A_869 = arith.index_cast %mul3A_866 : i32 to index
        %get3A_870 = tpu.vector_load %arg7[%get3A_868, %get3A_869] {strides = array<i32>} : memref<64x512xf32, #tpu.memory_space<vmem>>, vector<1x16xf32>,
        %get3A_871 = vector.shape_cast %get3A_870 : vector<1x16xf32> to vector<16xf32>
        %mul3A_872 = arith.mulf %get3A_253, %get3A_871 : vector<16xf32>
        %swap3A_873 = arith.constant 816 : index
        %swap3A_874 = tpu.vector_load %arg10[%swap3A_873] {strides = array<i32>} : memref<1024xf32, #tpu.memory_space<vmem>>, vector<16xf32>,
        %swap3A_875 = vector.shape_cast %swap3A_874 : vector<16xf32> to vector<16xf32>
        %swap3A_876 = vector.shape_cast %mul3A_872 : vector<16xf32> to vector<16xf32>
        tpu.vector_store %arg10[%swap3A_873], %swap3A_876 {add = true, strides = array<i32>} : memref<1024xf32, #tpu.memory_space<vmem>>, vector<16xf32>,
        %mul3A_877 = arith.constant 16 : i32
        %mul3A_878 = arith.muli %scan3A_247, %mul3A_877 : i32
        %get3A_879 = arith.constant 52 : i32
        %get3A_880 = arith.index_cast %get3A_879 : i32 to index
        %get3A_881 = arith.index_cast %mul3A_878 : i32 to index
        %get3A_882 = tpu.vector_load %arg7[%get3A_880, %get3A_881] {strides = array<i32>} : memref<64x512xf32, #tpu.memory_space<vmem>>, vector<1x16xf32>,
        %get3A_883 = vector.shape_cast %get3A_882 : vector<1x16xf32> to vector<16xf32>
        %mul3A_884 = arith.mulf %get3A_253, %get3A_883 : vector<16xf32>
        %swap3A_885 = arith.constant 832 : index
        %swap3A_886 = tpu.vector_load %arg10[%swap3A_885] {strides = array<i32>} : memref<1024xf32, #tpu.memory_space<vmem>>, vector<16xf32>,
        %swap3A_887 = vector.shape_cast %swap3A_886 : vector<16xf32> to vector<16xf32>
        %swap3A_888 = vector.shape_cast %mul3A_884 : vector<16xf32> to vector<16xf32>
        tpu.vector_store %arg10[%swap3A_885], %swap3A_888 {add = true, strides = array<i32>} : memref<1024xf32, #tpu.memory_space<vmem>>, vector<16xf32>,
        %mul3A_889 = arith.constant 16 : i32
        %mul3A_890 = arith.muli %scan3A_247, %mul3A_889 : i32
        %get3A_891 = arith.constant 53 : i32
        %get3A_892 = arith.index_cast %get3A_891 : i32 to index
        %get3A_893 = arith.index_cast %mul3A_890 : i32 to index
        %get3A_894 = tpu.vector_load %arg7[%get3A_892, %get3A_893] {strides = array<i32>} : memref<64x512xf32, #tpu.memory_space<vmem>>, vector<1x16xf32>,
        %get3A_895 = vector.shape_cast %get3A_894 : vector<1x16xf32> to vector<16xf32>
        %mul3A_896 = arith.mulf %get3A_253, %get3A_895 : vector<16xf32>
        %swap3A_897 = arith.constant 848 : index
        %swap3A_898 = tpu.vector_load %arg10[%swap3A_897] {strides = array<i32>} : memref<1024xf32, #tpu.memory_space<vmem>>, vector<16xf32>,
        %swap3A_899 = vector.shape_cast %swap3A_898 : vector<16xf32> to vector<16xf32>
        %swap3A_900 = vector.shape_cast %mul3A_896 : vector<16xf32> to vector<16xf32>
        tpu.vector_store %arg10[%swap3A_897], %swap3A_900 {add = true, strides = array<i32>} : memref<1024xf32, #tpu.memory_space<vmem>>, vector<16xf32>,
        %mul3A_901 = arith.constant 16 : i32
        %mul3A_902 = arith.muli %scan3A_247, %mul3A_901 : i32
        %get3A_903 = arith.constant 54 : i32
        %get3A_904 = arith.index_cast %get3A_903 : i32 to index
        %get3A_905 = arith.index_cast %mul3A_902 : i32 to index
        %get3A_906 = tpu.vector_load %arg7[%get3A_904, %get3A_905] {strides = array<i32>} : memref<64x512xf32, #tpu.memory_space<vmem>>, vector<1x16xf32>,
        %get3A_907 = vector.shape_cast %get3A_906 : vector<1x16xf32> to vector<16xf32>
        %mul3A_908 = arith.mulf %get3A_253, %get3A_907 : vector<16xf32>
        %swap3A_909 = arith.constant 864 : index
        %swap3A_910 = tpu.vector_load %arg10[%swap3A_909] {strides = array<i32>} : memref<1024xf32, #tpu.memory_space<vmem>>, vector<16xf32>,
        %swap3A_911 = vector.shape_cast %swap3A_910 : vector<16xf32> to vector<16xf32>
        %swap3A_912 = vector.shape_cast %mul3A_908 : vector<16xf32> to vector<16xf32>
        tpu.vector_store %arg10[%swap3A_909], %swap3A_912 {add = true, strides = array<i32>} : memref<1024xf32, #tpu.memory_space<vmem>>, vector<16xf32>,
        %mul3A_913 = arith.constant 16 : i32
        %mul3A_914 = arith.muli %scan3A_247, %mul3A_913 : i32
        %get3A_915 = arith.constant 55 : i32
        %get3A_916 = arith.index_cast %get3A_915 : i32 to index
        %get3A_917 = arith.index_cast %mul3A_914 : i32 to index
        %get3A_918 = tpu.vector_load %arg7[%get3A_916, %get3A_917] {strides = array<i32>} : memref<64x512xf32, #tpu.memory_space<vmem>>, vector<1x16xf32>,
        %get3A_919 = vector.shape_cast %get3A_918 : vector<1x16xf32> to vector<16xf32>
        %mul3A_920 = arith.mulf %get3A_253, %get3A_919 : vector<16xf32>
        %swap3A_921 = arith.constant 880 : index
        %swap3A_922 = tpu.vector_load %arg10[%swap3A_921] {strides = array<i32>} : memref<1024xf32, #tpu.memory_space<vmem>>, vector<16xf32>,
        %swap3A_923 = vector.shape_cast %swap3A_922 : vector<16xf32> to vector<16xf32>
        %swap3A_924 = vector.shape_cast %mul3A_920 : vector<16xf32> to vector<16xf32>
        tpu.vector_store %arg10[%swap3A_921], %swap3A_924 {add = true, strides = array<i32>} : memref<1024xf32, #tpu.memory_space<vmem>>, vector<16xf32>,
        %mul3A_925 = arith.constant 16 : i32
        %mul3A_926 = arith.muli %scan3A_247, %mul3A_925 : i32
        %get3A_927 = arith.constant 56 : i32
        %get3A_928 = arith.index_cast %get3A_927 : i32 to index
        %get3A_929 = arith.index_cast %mul3A_926 : i32 to index
        %get3A_930 = tpu.vector_load %arg7[%get3A_928, %get3A_929] {strides = array<i32>} : memref<64x512xf32, #tpu.memory_space<vmem>>, vector<1x16xf32>,
        %get3A_931 = vector.shape_cast %get3A_930 : vector<1x16xf32> to vector<16xf32>
        %mul3A_932 = arith.mulf %get3A_253, %get3A_931 : vector<16xf32>
        %swap3A_933 = arith.constant 896 : index
        %swap3A_934 = tpu.vector_load %arg10[%swap3A_933] {strides = array<i32>} : memref<1024xf32, #tpu.memory_space<vmem>>, vector<16xf32>,
        %swap3A_935 = vector.shape_cast %swap3A_934 : vector<16xf32> to vector<16xf32>
        %swap3A_936 = vector.shape_cast %mul3A_932 : vector<16xf32> to vector<16xf32>
        tpu.vector_store %arg10[%swap3A_933], %swap3A_936 {add = true, strides = array<i32>} : memref<1024xf32, #tpu.memory_space<vmem>>, vector<16xf32>,
        %mul3A_937 = arith.constant 16 : i32
        %mul3A_938 = arith.muli %scan3A_247, %mul3A_937 : i32
        %get3A_939 = arith.constant 57 : i32
        %get3A_940 = arith.index_cast %get3A_939 : i32 to index
        %get3A_941 = arith.index_cast %mul3A_938 : i32 to index
        %get3A_942 = tpu.vector_load %arg7[%get3A_940, %get3A_941] {strides = array<i32>} : memref<64x512xf32, #tpu.memory_space<vmem>>, vector<1x16xf32>,
        %get3A_943 = vector.shape_cast %get3A_942 : vector<1x16xf32> to vector<16xf32>
        %mul3A_944 = arith.mulf %get3A_253, %get3A_943 : vector<16xf32>
        %swap3A_945 = arith.constant 912 : index
        %swap3A_946 = tpu.vector_load %arg10[%swap3A_945] {strides = array<i32>} : memref<1024xf32, #tpu.memory_space<vmem>>, vector<16xf32>,
        %swap3A_947 = vector.shape_cast %swap3A_946 : vector<16xf32> to vector<16xf32>
        %swap3A_948 = vector.shape_cast %mul3A_944 : vector<16xf32> to vector<16xf32>
        tpu.vector_store %arg10[%swap3A_945], %swap3A_948 {add = true, strides = array<i32>} : memref<1024xf32, #tpu.memory_space<vmem>>, vector<16xf32>,
        %mul3A_949 = arith.constant 16 : i32
        %mul3A_950 = arith.muli %scan3A_247, %mul3A_949 : i32
        %get3A_951 = arith.constant 58 : i32
        %get3A_952 = arith.index_cast %get3A_951 : i32 to index
        %get3A_953 = arith.index_cast %mul3A_950 : i32 to index
        %get3A_954 = tpu.vector_load %arg7[%get3A_952, %get3A_953] {strides = array<i32>} : memref<64x512xf32, #tpu.memory_space<vmem>>, vector<1x16xf32>,
        %get3A_955 = vector.shape_cast %get3A_954 : vector<1x16xf32> to vector<16xf32>
        %mul3A_956 = arith.mulf %get3A_253, %get3A_955 : vector<16xf32>
        %swap3A_957 = arith.constant 928 : index
        %swap3A_958 = tpu.vector_load %arg10[%swap3A_957] {strides = array<i32>} : memref<1024xf32, #tpu.memory_space<vmem>>, vector<16xf32>,
        %swap3A_959 = vector.shape_cast %swap3A_958 : vector<16xf32> to vector<16xf32>
        %swap3A_960 = vector.shape_cast %mul3A_956 : vector<16xf32> to vector<16xf32>
        tpu.vector_store %arg10[%swap3A_957], %swap3A_960 {add = true, strides = array<i32>} : memref<1024xf32, #tpu.memory_space<vmem>>, vector<16xf32>,
        %mul3A_961 = arith.constant 16 : i32
        %mul3A_962 = arith.muli %scan3A_247, %mul3A_961 : i32
        %get3A_963 = arith.constant 59 : i32
        %get3A_964 = arith.index_cast %get3A_963 : i32 to index
        %get3A_965 = arith.index_cast %mul3A_962 : i32 to index
        %get3A_966 = tpu.vector_load %arg7[%get3A_964, %get3A_965] {strides = array<i32>} : memref<64x512xf32, #tpu.memory_space<vmem>>, vector<1x16xf32>,
        %get3A_967 = vector.shape_cast %get3A_966 : vector<1x16xf32> to vector<16xf32>
        %mul3A_968 = arith.mulf %get3A_253, %get3A_967 : vector<16xf32>
        %swap3A_969 = arith.constant 944 : index
        %swap3A_970 = tpu.vector_load %arg10[%swap3A_969] {strides = array<i32>} : memref<1024xf32, #tpu.memory_space<vmem>>, vector<16xf32>,
        %swap3A_971 = vector.shape_cast %swap3A_970 : vector<16xf32> to vector<16xf32>
        %swap3A_972 = vector.shape_cast %mul3A_968 : vector<16xf32> to vector<16xf32>
        tpu.vector_store %arg10[%swap3A_969], %swap3A_972 {add = true, strides = array<i32>} : memref<1024xf32, #tpu.memory_space<vmem>>, vector<16xf32>,
        %mul3A_973 = arith.constant 16 : i32
        %mul3A_974 = arith.muli %scan3A_247, %mul3A_973 : i32
        %get3A_975 = arith.constant 60 : i32
        %get3A_976 = arith.index_cast %get3A_975 : i32 to index
        %get3A_977 = arith.index_cast %mul3A_974 : i32 to index
        %get3A_978 = tpu.vector_load %arg7[%get3A_976, %get3A_977] {strides = array<i32>} : memref<64x512xf32, #tpu.memory_space<vmem>>, vector<1x16xf32>,
        %get3A_979 = vector.shape_cast %get3A_978 : vector<1x16xf32> to vector<16xf32>
        %mul3A_980 = arith.mulf %get3A_253, %get3A_979 : vector<16xf32>
        %swap3A_981 = arith.constant 960 : index
        %swap3A_982 = tpu.vector_load %arg10[%swap3A_981] {strides = array<i32>} : memref<1024xf32, #tpu.memory_space<vmem>>, vector<16xf32>,
        %swap3A_983 = vector.shape_cast %swap3A_982 : vector<16xf32> to vector<16xf32>
        %swap3A_984 = vector.shape_cast %mul3A_980 : vector<16xf32> to vector<16xf32>
        tpu.vector_store %arg10[%swap3A_981], %swap3A_984 {add = true, strides = array<i32>} : memref<1024xf32, #tpu.memory_space<vmem>>, vector<16xf32>,
        %mul3A_985 = arith.constant 16 : i32
        %mul3A_986 = arith.muli %scan3A_247, %mul3A_985 : i32
        %get3A_987 = arith.constant 61 : i32
        %get3A_988 = arith.index_cast %get3A_987 : i32 to index
        %get3A_989 = arith.index_cast %mul3A_986 : i32 to index
        %get3A_990 = tpu.vector_load %arg7[%get3A_988, %get3A_989] {strides = array<i32>} : memref<64x512xf32, #tpu.memory_space<vmem>>, vector<1x16xf32>,
        %get3A_991 = vector.shape_cast %get3A_990 : vector<1x16xf32> to vector<16xf32>
        %mul3A_992 = arith.mulf %get3A_253, %get3A_991 : vector<16xf32>
        %swap3A_993 = arith.constant 976 : index
        %swap3A_994 = tpu.vector_load %arg10[%swap3A_993] {strides = array<i32>} : memref<1024xf32, #tpu.memory_space<vmem>>, vector<16xf32>,
        %swap3A_995 = vector.shape_cast %swap3A_994 : vector<16xf32> to vector<16xf32>
        %swap3A_996 = vector.shape_cast %mul3A_992 : vector<16xf32> to vector<16xf32>
        tpu.vector_store %arg10[%swap3A_993], %swap3A_996 {add = true, strides = array<i32>} : memref<1024xf32, #tpu.memory_space<vmem>>, vector<16xf32>,
        %mul3A_997 = arith.constant 16 : i32
        %mul3A_998 = arith.muli %scan3A_247, %mul3A_997 : i32
        %get3A_999 = arith.constant 62 : i32
        %get3A_1000 = arith.index_cast %get3A_999 : i32 to index
        %get3A_1001 = arith.index_cast %mul3A_998 : i32 to index
        %get3A_1002 = tpu.vector_load %arg7[%get3A_1000, %get3A_1001] {strides = array<i32>} : memref<64x512xf32, #tpu.memory_space<vmem>>, vector<1x16xf32>,
        %get3A_1003 = vector.shape_cast %get3A_1002 : vector<1x16xf32> to vector<16xf32>
        %mul3A_1004 = arith.mulf %get3A_253, %get3A_1003 : vector<16xf32>
        %swap3A_1005 = arith.constant 992 : index
        %swap3A_1006 = tpu.vector_load %arg10[%swap3A_1005] {strides = array<i32>} : memref<1024xf32, #tpu.memory_space<vmem>>, vector<16xf32>,
        %swap3A_1007 = vector.shape_cast %swap3A_1006 : vector<16xf32> to vector<16xf32>
        %swap3A_1008 = vector.shape_cast %mul3A_1004 : vector<16xf32> to vector<16xf32>
        tpu.vector_store %arg10[%swap3A_1005], %swap3A_1008 {add = true, strides = array<i32>} : memref<1024xf32, #tpu.memory_space<vmem>>, vector<16xf32>,
        %mul3A_1009 = arith.constant 16 : i32
        %mul3A_1010 = arith.muli %scan3A_247, %mul3A_1009 : i32
        %get3A_1011 = arith.constant 63 : i32
        %get3A_1012 = arith.index_cast %get3A_1011 : i32 to index
        %get3A_1013 = arith.index_cast %mul3A_1010 : i32 to index
        %get3A_1014 = tpu.vector_load %arg7[%get3A_1012, %get3A_1013] {strides = array<i32>} : memref<64x512xf32, #tpu.memory_space<vmem>>, vector<1x16xf32>,
        %get3A_1015 = vector.shape_cast %get3A_1014 : vector<1x16xf32> to vector<16xf32>
        %mul3A_1016 = arith.mulf %get3A_253, %get3A_1015 : vector<16xf32>
        %swap3A_1017 = arith.constant 1008 : index
        %swap3A_1018 = tpu.vector_load %arg10[%swap3A_1017] {strides = array<i32>} : memref<1024xf32, #tpu.memory_space<vmem>>, vector<16xf32>,
        %swap3A_1019 = vector.shape_cast %swap3A_1018 : vector<16xf32> to vector<16xf32>
        %swap3A_1020 = vector.shape_cast %mul3A_1016 : vector<16xf32> to vector<16xf32>
        tpu.vector_store %arg10[%swap3A_1017], %swap3A_1020 {add = true, strides = array<i32>} : memref<1024xf32, #tpu.memory_space<vmem>>, vector<16xf32>,
      }
      %scan3A_240 = arith.constant 32 : i32
      %add3A_241 = arith.constant 3 : i32
      %add3A_242 = arith.addi %mul3A_123, %add3A_241 : i32
      %lt3A_243 = arith.cmpi slt, %add3A_242, %mul3A_59 : i32
      %convert_element_type3A_244 = arith.extui %lt3A_243 : i1 to i32
      %cond3A_245 = arith.constant 0 : i32
      %cond3A_246 = arith.cmpi ne, %convert_element_type3A_244, %cond3A_245 : i32
      scf.if %cond3A_246 {
        %add3A_247 = arith.constant 3 : i32
        %add3A_248 = arith.addi %mul3A_123, %add3A_247 : i32
        %jit3A_249 = arith.constant 2 : i32
        %div3A_250 = arith.divsi %add3A_248, %jit3A_249 : i32
        %sign3A_251 = arith.constant 0 : i32
        %sign3A_252 = arith.cmpi sgt, %add3A_248, %sign3A_251 : i32
        %sign3A_253 = arith.extui %sign3A_252 : i1 to i32
        %sign3A_254 = arith.constant 0 : i32
        %sign3A_255 = arith.cmpi slt, %add3A_248, %sign3A_254 : i32
        %sign3A_256 = arith.extui %sign3A_255 : i1 to i32
        %sign3A_257 = arith.subi %sign3A_253, %sign3A_256 : i32
        %sign3A_258 = arith.constant 0 : i32
        %sign3A_259 = arith.cmpi sgt, %jit3A_249, %sign3A_258 : i32
        %sign3A_260 = arith.extui %sign3A_259 : i1 to i32
        %sign3A_261 = arith.constant 0 : i32
        %sign3A_262 = arith.cmpi slt, %jit3A_249, %sign3A_261 : i32
        %sign3A_263 = arith.extui %sign3A_262 : i1 to i32
        %sign3A_264 = arith.subi %sign3A_260, %sign3A_263 : i32
        %ne3A_265 = arith.cmpi ne, %sign3A_257, %sign3A_264 : i32
        %rem3A_266 = arith.remsi %add3A_248, %jit3A_249 : i32
        %ne3A_267 = arith.constant 0 : i32
        %ne3A_268 = arith.cmpi ne, %rem3A_266, %ne3A_267 : i32
        %and3A_269 = arith.andi %ne3A_265, %ne3A_268 : i1
        %sub3A_270 = arith.constant 1 : i32
        %sub3A_271 = arith.subi %div3A_250, %sub3A_270 : i32
        %select_n3A_272 = arith.select %and3A_269, %sub3A_271, %div3A_250 : i32
        %mul3A_273 = arith.constant 32 : i32
        %mul3A_274 = arith.muli %select_n3A_272, %mul3A_273 : i32
        %add3A_275 = arith.addi %add3A, %mul3A_274 : i32
        %mul3A_276 = arith.constant 1024 : i32
        %mul3A_277 = arith.muli %add3A_275, %mul3A_276 : i32
        %add3A_278 = arith.constant 896000 : i32
        %add3A_279 = arith.addi %add3A_278, %mul3A_277 : i32
        %jit3A_280 = arith.constant 2 : i32
        %eq3A_281 = arith.constant 0 : i32
        %eq3A_282 = arith.cmpi eq, %jit3A_280, %eq3A_281 : i32
        %jit3A_283 = arith.constant 1 : i32
        %select_n3A_284 = arith.select %eq3A_282, %jit3A_283, %jit3A_280 : i32
        %rem3A_285 = arith.remsi %add3A_248, %select_n3A_284 : i32
        %ne3A_286 = arith.constant 0 : i32
        %ne3A_287 = arith.cmpi ne, %rem3A_285, %ne3A_286 : i32
        %lt3A_288 = arith.constant 0 : i32
        %lt3A_289 = arith.cmpi slt, %rem3A_285, %lt3A_288 : i32
        %lt3A_290 = arith.constant 0 : i32
        %lt3A_291 = arith.cmpi slt, %select_n3A_284, %lt3A_290 : i32
        %ne3A_292 = arith.xori %lt3A_289, %lt3A_291 : i1
        %and3A_293 = arith.andi %ne3A_292, %ne3A_287 : i1
        %add3A_294 = arith.addi %rem3A_285, %select_n3A_284 : i32
        %select_n3A_295 = arith.select %and3A_293, %add3A_294, %rem3A_285 : i32
        %mul3A_296 = arith.constant 512 : i32
        %mul3A_297 = arith.muli %select_n3A_295, %mul3A_296 : i32
        %add3A_298 = arith.addi %add3A_279, %mul3A_297 : i32
        %dma_start3A_299 = arith.constant 0 : i32
        %dma_start3A_300 = tpu.memref_slice %arg4[%dma_start3A_299, %add3A_298] : memref<64x1000000xf32, #tpu.memory_space<hbm>> -> memref<64x512xf32, #tpu.memory_space<hbm>>
        %dma_start3A_301 = arith.constant 0 : i32
        %dma_start3A_302 = tpu.memref_slice %arg4[%dma_start3A_301, %add3A_298] : memref<64x1000000xf32, #tpu.memory_space<hbm>> -> memref<64x512xf32, #tpu.memory_space<hbm>>
        tpu.enqueue_dma source(%dma_start3A_302 : memref<64x512xf32, #tpu.memory_space<hbm>>) target(%arg7 : memref<64x512xf32, #tpu.memory_space<vmem>>) target_semaphore(%arg12 : memref<!tpu.dma_semaphore, #tpu.memory_space<semaphore_mem>>)
      } else {
      }
    }
    %while3A_116 = arith.constant 1 : i32
    scf.for %while3A_121 = %while3A_114 to %while3A_110 step %while3A_116  : i32 {
      %mul3A_122 = arith.constant 2 : i32
      %mul3A_123 = arith.muli %mul3A_122, %while3A_121 : i32
      %dma_wait3A = arith.constant 0 : i32
      %dma_wait3A_124 = arith.constant 0 : i32
      %dma_wait3A_125 = tpu.memref_slice %arg4[%dma_wait3A, %dma_wait3A_124] : memref<64x1000000xf32, #tpu.memory_space<hbm>> -> memref<64x512xf32, #tpu.memory_space<hbm>>
      %dma_wait3A_126 = arith.constant 0 : i32
      %dma_wait3A_127 = arith.constant 0 : i32
      %dma_wait3A_128 = tpu.memref_slice %arg4[%dma_wait3A_126, %dma_wait3A_127] : memref<64x1000000xf32, #tpu.memory_space<hbm>> -> memref<64x512xf32, #tpu.memory_space<hbm>>
      tpu.wait_dma2 semaphore(%arg11 : memref<!tpu.dma_semaphore, #tpu.memory_space<semaphore_mem>>) src(%dma_wait3A_128 : memref<64x512xf32, #tpu.memory_space<hbm>>) dst(%arg6 : memref<64x512xf32, #tpu.memory_space<vmem>>)
      %jit3A_129 = arith.constant 2 : i32
      %div3A_130 = arith.divsi %mul3A_123, %jit3A_129 : i32
      %sign3A_131 = arith.constant 0 : i32
      %sign3A_132 = arith.cmpi sgt, %mul3A_123, %sign3A_131 : i32
      %sign3A_133 = arith.extui %sign3A_132 : i1 to i32
      %sign3A_134 = arith.constant 0 : i32
      %sign3A_135 = arith.cmpi slt, %mul3A_123, %sign3A_134 : i32
      %sign3A_136 = arith.extui %sign3A_135 : i1 to i32
      %sign3A_137 = arith.subi %sign3A_133, %sign3A_136 : i32
      %sign3A_138 = arith.constant 0 : i32
      %sign3A_139 = arith.cmpi sgt, %jit3A_129, %sign3A_138 : i32
      %sign3A_140 = arith.extui %sign3A_139 : i1 to i32
      %sign3A_141 = arith.constant 0 : i32
      %sign3A_142 = arith.cmpi slt, %jit3A_129, %sign3A_141 : i32
      %sign3A_143 = arith.extui %sign3A_142 : i1 to i32
      %sign3A_144 = arith.subi %sign3A_140, %sign3A_143 : i32
      %ne3A_145 = arith.cmpi ne, %sign3A_137, %sign3A_144 : i32
      %rem3A_146 = arith.remsi %mul3A_123, %jit3A_129 : i32
      %ne3A_147 = arith.constant 0 : i32
      %ne3A_148 = arith.cmpi ne, %rem3A_146, %ne3A_147 : i32
      %and3A_149 = arith.andi %ne3A_145, %ne3A_148 : i1
      %sub3A_150 = arith.constant 1 : i32
      %sub3A_151 = arith.subi %div3A_130, %sub3A_150 : i32
      %select_n3A_152 = arith.select %and3A_149, %sub3A_151, %div3A_130 : i32
      %mul3A_153 = arith.constant 1024 : i32
      %mul3A_154 = arith.muli %select_n3A_152, %mul3A_153 : i32
      %jit3A_155 = arith.constant 2 : i32
      %eq3A = arith.constant 0 : i32
      %eq3A_156 = arith.cmpi eq, %jit3A_155, %eq3A : i32
      %jit3A_157 = arith.constant 1 : i32
      %select_n3A_158 = arith.select %eq3A_156, %jit3A_157, %jit3A_155 : i32
      %rem3A_159 = arith.remsi %mul3A_123, %select_n3A_158 : i32
      %ne3A_160 = arith.constant 0 : i32
      %ne3A_161 = arith.cmpi ne, %rem3A_159, %ne3A_160 : i32
      %lt3A = arith.constant 0 : i32
      %lt3A_162 = arith.cmpi slt, %rem3A_159, %lt3A : i32
      %lt3A_163 = arith.constant 0 : i32
      %lt3A_164 = arith.cmpi slt, %select_n3A_158, %lt3A_163 : i32
      %ne3A_165 = arith.xori %lt3A_162, %lt3A_164 : i1
      %and3A_166 = arith.andi %ne3A_165, %ne3A_161 : i1
      %add3A_167 = arith.addi %rem3A_159, %select_n3A_158 : i32
      %select_n3A_168 = arith.select %and3A_166, %add3A_167, %rem3A_159 : i32
      %mul3A_169 = arith.constant 512 : i32
      %mul3A_170 = arith.muli %select_n3A_168, %mul3A_169 : i32
      %add3A_171 = arith.addi %mul3A_154, %mul3A_170 : i32
      %scan3A_172 = arith.constant 0 : i32
      %scan3A_173 = arith.constant 0 : i32
      %scan3A_174 = arith.constant 32 : i32
      %scan3A_175 = arith.addi %scan3A_173, %scan3A_174 : i32
      %scan3A_176 = arith.constant 1 : i32
      scf.for %scan3A_247 = %scan3A_173 to %scan3A_175 step %scan3A_176  : i32 {
        %mul3A_248 = arith.constant 16 : i32
        %mul3A_249 = arith.muli %scan3A_247, %mul3A_248 : i32
        %add3A_250 = arith.addi %add3A_171, %mul3A_249 : i32
        %get3A_251 = arith.index_cast %add3A_250 : i32 to index
        %get3A_252 = tpu.vector_load %arg8[%get3A_251] {strides = array<i32>} : memref<4096xf32, #tpu.memory_space<vmem>>, vector<16xf32>,
        %get3A_253 = vector.shape_cast %get3A_252 : vector<16xf32> to vector<16xf32>
        %mul3A_254 = arith.constant 16 : i32
        %mul3A_255 = arith.muli %scan3A_247, %mul3A_254 : i32
        %get3A_256 = arith.constant 0 : i32
        %get3A_257 = arith.index_cast %get3A_256 : i32 to index
        %get3A_258 = arith.index_cast %mul3A_255 : i32 to index
        %get3A_259 = tpu.vector_load %arg6[%get3A_257, %get3A_258] {strides = array<i32>} : memref<64x512xf32, #tpu.memory_space<vmem>>, vector<1x16xf32>,
        %get3A_260 = vector.shape_cast %get3A_259 : vector<1x16xf32> to vector<16xf32>
        %mul3A_261 = arith.mulf %get3A_253, %get3A_260 : vector<16xf32>
        %swap3A = arith.constant 0 : index
        %swap3A_262 = tpu.vector_load %arg10[%swap3A] {strides = array<i32>} : memref<1024xf32, #tpu.memory_space<vmem>>, vector<16xf32>,
        %swap3A_263 = vector.shape_cast %swap3A_262 : vector<16xf32> to vector<16xf32>
        %swap3A_264 = vector.shape_cast %mul3A_261 : vector<16xf32> to vector<16xf32>
        tpu.vector_store %arg10[%swap3A], %swap3A_264 {add = true, strides = array<i32>} : memref<1024xf32, #tpu.memory_space<vmem>>, vector<16xf32>,
        %mul3A_265 = arith.constant 16 : i32
        %mul3A_266 = arith.muli %scan3A_247, %mul3A_265 : i32
        %get3A_267 = arith.constant 1 : i32
        %get3A_268 = arith.index_cast %get3A_267 : i32 to index
        %get3A_269 = arith.index_cast %mul3A_266 : i32 to index
        %get3A_270 = tpu.vector_load %arg6[%get3A_268, %get3A_269] {strides = array<i32>} : memref<64x512xf32, #tpu.memory_space<vmem>>, vector<1x16xf32>,
        %get3A_271 = vector.shape_cast %get3A_270 : vector<1x16xf32> to vector<16xf32>
        %mul3A_272 = arith.mulf %get3A_253, %get3A_271 : vector<16xf32>
        %swap3A_273 = arith.constant 16 : index
        %swap3A_274 = tpu.vector_load %arg10[%swap3A_273] {strides = array<i32>} : memref<1024xf32, #tpu.memory_space<vmem>>, vector<16xf32>,
        %swap3A_275 = vector.shape_cast %swap3A_274 : vector<16xf32> to vector<16xf32>
        %swap3A_276 = vector.shape_cast %mul3A_272 : vector<16xf32> to vector<16xf32>
        tpu.vector_store %arg10[%swap3A_273], %swap3A_276 {add = true, strides = array<i32>} : memref<1024xf32, #tpu.memory_space<vmem>>, vector<16xf32>,
        %mul3A_277 = arith.constant 16 : i32
        %mul3A_278 = arith.muli %scan3A_247, %mul3A_277 : i32
        %get3A_279 = arith.constant 2 : i32
        %get3A_280 = arith.index_cast %get3A_279 : i32 to index
        %get3A_281 = arith.index_cast %mul3A_278 : i32 to index
        %get3A_282 = tpu.vector_load %arg6[%get3A_280, %get3A_281] {strides = array<i32>} : memref<64x512xf32, #tpu.memory_space<vmem>>, vector<1x16xf32>,
        %get3A_283 = vector.shape_cast %get3A_282 : vector<1x16xf32> to vector<16xf32>
        %mul3A_284 = arith.mulf %get3A_253, %get3A_283 : vector<16xf32>
        %swap3A_285 = arith.constant 32 : index
        %swap3A_286 = tpu.vector_load %arg10[%swap3A_285] {strides = array<i32>} : memref<1024xf32, #tpu.memory_space<vmem>>, vector<16xf32>,
        %swap3A_287 = vector.shape_cast %swap3A_286 : vector<16xf32> to vector<16xf32>
        %swap3A_288 = vector.shape_cast %mul3A_284 : vector<16xf32> to vector<16xf32>
        tpu.vector_store %arg10[%swap3A_285], %swap3A_288 {add = true, strides = array<i32>} : memref<1024xf32, #tpu.memory_space<vmem>>, vector<16xf32>,
        %mul3A_289 = arith.constant 16 : i32
        %mul3A_290 = arith.muli %scan3A_247, %mul3A_289 : i32
        %get3A_291 = arith.constant 3 : i32
        %get3A_292 = arith.index_cast %get3A_291 : i32 to index
        %get3A_293 = arith.index_cast %mul3A_290 : i32 to index
        %get3A_294 = tpu.vector_load %arg6[%get3A_292, %get3A_293] {strides = array<i32>} : memref<64x512xf32, #tpu.memory_space<vmem>>, vector<1x16xf32>,
        %get3A_295 = vector.shape_cast %get3A_294 : vector<1x16xf32> to vector<16xf32>
        %mul3A_296 = arith.mulf %get3A_253, %get3A_295 : vector<16xf32>
        %swap3A_297 = arith.constant 48 : index
        %swap3A_298 = tpu.vector_load %arg10[%swap3A_297] {strides = array<i32>} : memref<1024xf32, #tpu.memory_space<vmem>>, vector<16xf32>,
        %swap3A_299 = vector.shape_cast %swap3A_298 : vector<16xf32> to vector<16xf32>
        %swap3A_300 = vector.shape_cast %mul3A_296 : vector<16xf32> to vector<16xf32>
        tpu.vector_store %arg10[%swap3A_297], %swap3A_300 {add = true, strides = array<i32>} : memref<1024xf32, #tpu.memory_space<vmem>>, vector<16xf32>,
        %mul3A_301 = arith.constant 16 : i32
        %mul3A_302 = arith.muli %scan3A_247, %mul3A_301 : i32
        %get3A_303 = arith.constant 4 : i32
        %get3A_304 = arith.index_cast %get3A_303 : i32 to index
        %get3A_305 = arith.index_cast %mul3A_302 : i32 to index
        %get3A_306 = tpu.vector_load %arg6[%get3A_304, %get3A_305] {strides = array<i32>} : memref<64x512xf32, #tpu.memory_space<vmem>>, vector<1x16xf32>,
        %get3A_307 = vector.shape_cast %get3A_306 : vector<1x16xf32> to vector<16xf32>
        %mul3A_308 = arith.mulf %get3A_253, %get3A_307 : vector<16xf32>
        %swap3A_309 = arith.constant 64 : index
        %swap3A_310 = tpu.vector_load %arg10[%swap3A_309] {strides = array<i32>} : memref<1024xf32, #tpu.memory_space<vmem>>, vector<16xf32>,
        %swap3A_311 = vector.shape_cast %swap3A_310 : vector<16xf32> to vector<16xf32>
        %swap3A_312 = vector.shape_cast %mul3A_308 : vector<16xf32> to vector<16xf32>
        tpu.vector_store %arg10[%swap3A_309], %swap3A_312 {add = true, strides = array<i32>} : memref<1024xf32, #tpu.memory_space<vmem>>, vector<16xf32>,
        %mul3A_313 = arith.constant 16 : i32
        %mul3A_314 = arith.muli %scan3A_247, %mul3A_313 : i32
        %get3A_315 = arith.constant 5 : i32
        %get3A_316 = arith.index_cast %get3A_315 : i32 to index
        %get3A_317 = arith.index_cast %mul3A_314 : i32 to index
        %get3A_318 = tpu.vector_load %arg6[%get3A_316, %get3A_317] {strides = array<i32>} : memref<64x512xf32, #tpu.memory_space<vmem>>, vector<1x16xf32>,
        %get3A_319 = vector.shape_cast %get3A_318 : vector<1x16xf32> to vector<16xf32>
        %mul3A_320 = arith.mulf %get3A_253, %get3A_319 : vector<16xf32>
        %swap3A_321 = arith.constant 80 : index
        %swap3A_322 = tpu.vector_load %arg10[%swap3A_321] {strides = array<i32>} : memref<1024xf32, #tpu.memory_space<vmem>>, vector<16xf32>,
        %swap3A_323 = vector.shape_cast %swap3A_322 : vector<16xf32> to vector<16xf32>
        %swap3A_324 = vector.shape_cast %mul3A_320 : vector<16xf32> to vector<16xf32>
        tpu.vector_store %arg10[%swap3A_321], %swap3A_324 {add = true, strides = array<i32>} : memref<1024xf32, #tpu.memory_space<vmem>>, vector<16xf32>,
        %mul3A_325 = arith.constant 16 : i32
        %mul3A_326 = arith.muli %scan3A_247, %mul3A_325 : i32
        %get3A_327 = arith.constant 6 : i32
        %get3A_328 = arith.index_cast %get3A_327 : i32 to index
        %get3A_329 = arith.index_cast %mul3A_326 : i32 to index
        %get3A_330 = tpu.vector_load %arg6[%get3A_328, %get3A_329] {strides = array<i32>} : memref<64x512xf32, #tpu.memory_space<vmem>>, vector<1x16xf32>,
        %get3A_331 = vector.shape_cast %get3A_330 : vector<1x16xf32> to vector<16xf32>
        %mul3A_332 = arith.mulf %get3A_253, %get3A_331 : vector<16xf32>
        %swap3A_333 = arith.constant 96 : index
        %swap3A_334 = tpu.vector_load %arg10[%swap3A_333] {strides = array<i32>} : memref<1024xf32, #tpu.memory_space<vmem>>, vector<16xf32>,
        %swap3A_335 = vector.shape_cast %swap3A_334 : vector<16xf32> to vector<16xf32>
        %swap3A_336 = vector.shape_cast %mul3A_332 : vector<16xf32> to vector<16xf32>
        tpu.vector_store %arg10[%swap3A_333], %swap3A_336 {add = true, strides = array<i32>} : memref<1024xf32, #tpu.memory_space<vmem>>, vector<16xf32>,
        %mul3A_337 = arith.constant 16 : i32
        %mul3A_338 = arith.muli %scan3A_247, %mul3A_337 : i32
        %get3A_339 = arith.constant 7 : i32
        %get3A_340 = arith.index_cast %get3A_339 : i32 to index
        %get3A_341 = arith.index_cast %mul3A_338 : i32 to index
        %get3A_342 = tpu.vector_load %arg6[%get3A_340, %get3A_341] {strides = array<i32>} : memref<64x512xf32, #tpu.memory_space<vmem>>, vector<1x16xf32>,
        %get3A_343 = vector.shape_cast %get3A_342 : vector<1x16xf32> to vector<16xf32>
        %mul3A_344 = arith.mulf %get3A_253, %get3A_343 : vector<16xf32>
        %swap3A_345 = arith.constant 112 : index
        %swap3A_346 = tpu.vector_load %arg10[%swap3A_345] {strides = array<i32>} : memref<1024xf32, #tpu.memory_space<vmem>>, vector<16xf32>,
        %swap3A_347 = vector.shape_cast %swap3A_346 : vector<16xf32> to vector<16xf32>
        %swap3A_348 = vector.shape_cast %mul3A_344 : vector<16xf32> to vector<16xf32>
        tpu.vector_store %arg10[%swap3A_345], %swap3A_348 {add = true, strides = array<i32>} : memref<1024xf32, #tpu.memory_space<vmem>>, vector<16xf32>,
        %mul3A_349 = arith.constant 16 : i32
        %mul3A_350 = arith.muli %scan3A_247, %mul3A_349 : i32
        %get3A_351 = arith.constant 8 : i32
        %get3A_352 = arith.index_cast %get3A_351 : i32 to index
        %get3A_353 = arith.index_cast %mul3A_350 : i32 to index
        %get3A_354 = tpu.vector_load %arg6[%get3A_352, %get3A_353] {strides = array<i32>} : memref<64x512xf32, #tpu.memory_space<vmem>>, vector<1x16xf32>,
        %get3A_355 = vector.shape_cast %get3A_354 : vector<1x16xf32> to vector<16xf32>
        %mul3A_356 = arith.mulf %get3A_253, %get3A_355 : vector<16xf32>
        %swap3A_357 = arith.constant 128 : index
        %swap3A_358 = tpu.vector_load %arg10[%swap3A_357] {strides = array<i32>} : memref<1024xf32, #tpu.memory_space<vmem>>, vector<16xf32>,
        %swap3A_359 = vector.shape_cast %swap3A_358 : vector<16xf32> to vector<16xf32>
        %swap3A_360 = vector.shape_cast %mul3A_356 : vector<16xf32> to vector<16xf32>
        tpu.vector_store %arg10[%swap3A_357], %swap3A_360 {add = true, strides = array<i32>} : memref<1024xf32, #tpu.memory_space<vmem>>, vector<16xf32>,
        %mul3A_361 = arith.constant 16 : i32
        %mul3A_362 = arith.muli %scan3A_247, %mul3A_361 : i32
        %get3A_363 = arith.constant 9 : i32
        %get3A_364 = arith.index_cast %get3A_363 : i32 to index
        %get3A_365 = arith.index_cast %mul3A_362 : i32 to index
        %get3A_366 = tpu.vector_load %arg6[%get3A_364, %get3A_365] {strides = array<i32>} : memref<64x512xf32, #tpu.memory_space<vmem>>, vector<1x16xf32>,
        %get3A_367 = vector.shape_cast %get3A_366 : vector<1x16xf32> to vector<16xf32>
        %mul3A_368 = arith.mulf %get3A_253, %get3A_367 : vector<16xf32>
        %swap3A_369 = arith.constant 144 : index
        %swap3A_370 = tpu.vector_load %arg10[%swap3A_369] {strides = array<i32>} : memref<1024xf32, #tpu.memory_space<vmem>>, vector<16xf32>,
        %swap3A_371 = vector.shape_cast %swap3A_370 : vector<16xf32> to vector<16xf32>
        %swap3A_372 = vector.shape_cast %mul3A_368 : vector<16xf32> to vector<16xf32>
        tpu.vector_store %arg10[%swap3A_369], %swap3A_372 {add = true, strides = array<i32>} : memref<1024xf32, #tpu.memory_space<vmem>>, vector<16xf32>,
        %mul3A_373 = arith.constant 16 : i32
        %mul3A_374 = arith.muli %scan3A_247, %mul3A_373 : i32
        %get3A_375 = arith.constant 10 : i32
        %get3A_376 = arith.index_cast %get3A_375 : i32 to index
        %get3A_377 = arith.index_cast %mul3A_374 : i32 to index
        %get3A_378 = tpu.vector_load %arg6[%get3A_376, %get3A_377] {strides = array<i32>} : memref<64x512xf32, #tpu.memory_space<vmem>>, vector<1x16xf32>,
        %get3A_379 = vector.shape_cast %get3A_378 : vector<1x16xf32> to vector<16xf32>
        %mul3A_380 = arith.mulf %get3A_253, %get3A_379 : vector<16xf32>
        %swap3A_381 = arith.constant 160 : index
        %swap3A_382 = tpu.vector_load %arg10[%swap3A_381] {strides = array<i32>} : memref<1024xf32, #tpu.memory_space<vmem>>, vector<16xf32>,
        %swap3A_383 = vector.shape_cast %swap3A_382 : vector<16xf32> to vector<16xf32>
        %swap3A_384 = vector.shape_cast %mul3A_380 : vector<16xf32> to vector<16xf32>
        tpu.vector_store %arg10[%swap3A_381], %swap3A_384 {add = true, strides = array<i32>} : memref<1024xf32, #tpu.memory_space<vmem>>, vector<16xf32>,
        %mul3A_385 = arith.constant 16 : i32
        %mul3A_386 = arith.muli %scan3A_247, %mul3A_385 : i32
        %get3A_387 = arith.constant 11 : i32
        %get3A_388 = arith.index_cast %get3A_387 : i32 to index
        %get3A_389 = arith.index_cast %mul3A_386 : i32 to index
        %get3A_390 = tpu.vector_load %arg6[%get3A_388, %get3A_389] {strides = array<i32>} : memref<64x512xf32, #tpu.memory_space<vmem>>, vector<1x16xf32>,
        %get3A_391 = vector.shape_cast %get3A_390 : vector<1x16xf32> to vector<16xf32>
        %mul3A_392 = arith.mulf %get3A_253, %get3A_391 : vector<16xf32>
        %swap3A_393 = arith.constant 176 : index
        %swap3A_394 = tpu.vector_load %arg10[%swap3A_393] {strides = array<i32>} : memref<1024xf32, #tpu.memory_space<vmem>>, vector<16xf32>,
        %swap3A_395 = vector.shape_cast %swap3A_394 : vector<16xf32> to vector<16xf32>
        %swap3A_396 = vector.shape_cast %mul3A_392 : vector<16xf32> to vector<16xf32>
        tpu.vector_store %arg10[%swap3A_393], %swap3A_396 {add = true, strides = array<i32>} : memref<1024xf32, #tpu.memory_space<vmem>>, vector<16xf32>,
        %mul3A_397 = arith.constant 16 : i32
        %mul3A_398 = arith.muli %scan3A_247, %mul3A_397 : i32
        %get3A_399 = arith.constant 12 : i32
        %get3A_400 = arith.index_cast %get3A_399 : i32 to index
        %get3A_401 = arith.index_cast %mul3A_398 : i32 to index
        %get3A_402 = tpu.vector_load %arg6[%get3A_400, %get3A_401] {strides = array<i32>} : memref<64x512xf32, #tpu.memory_space<vmem>>, vector<1x16xf32>,
        %get3A_403 = vector.shape_cast %get3A_402 : vector<1x16xf32> to vector<16xf32>
        %mul3A_404 = arith.mulf %get3A_253, %get3A_403 : vector<16xf32>
        %swap3A_405 = arith.constant 192 : index
        %swap3A_406 = tpu.vector_load %arg10[%swap3A_405] {strides = array<i32>} : memref<1024xf32, #tpu.memory_space<vmem>>, vector<16xf32>,
        %swap3A_407 = vector.shape_cast %swap3A_406 : vector<16xf32> to vector<16xf32>
        %swap3A_408 = vector.shape_cast %mul3A_404 : vector<16xf32> to vector<16xf32>
        tpu.vector_store %arg10[%swap3A_405], %swap3A_408 {add = true, strides = array<i32>} : memref<1024xf32, #tpu.memory_space<vmem>>, vector<16xf32>,
        %mul3A_409 = arith.constant 16 : i32
        %mul3A_410 = arith.muli %scan3A_247, %mul3A_409 : i32
        %get3A_411 = arith.constant 13 : i32
        %get3A_412 = arith.index_cast %get3A_411 : i32 to index
        %get3A_413 = arith.index_cast %mul3A_410 : i32 to index
        %get3A_414 = tpu.vector_load %arg6[%get3A_412, %get3A_413] {strides = array<i32>} : memref<64x512xf32, #tpu.memory_space<vmem>>, vector<1x16xf32>,
        %get3A_415 = vector.shape_cast %get3A_414 : vector<1x16xf32> to vector<16xf32>
        %mul3A_416 = arith.mulf %get3A_253, %get3A_415 : vector<16xf32>
        %swap3A_417 = arith.constant 208 : index
        %swap3A_418 = tpu.vector_load %arg10[%swap3A_417] {strides = array<i32>} : memref<1024xf32, #tpu.memory_space<vmem>>, vector<16xf32>,
        %swap3A_419 = vector.shape_cast %swap3A_418 : vector<16xf32> to vector<16xf32>
        %swap3A_420 = vector.shape_cast %mul3A_416 : vector<16xf32> to vector<16xf32>
        tpu.vector_store %arg10[%swap3A_417], %swap3A_420 {add = true, strides = array<i32>} : memref<1024xf32, #tpu.memory_space<vmem>>, vector<16xf32>,
        %mul3A_421 = arith.constant 16 : i32
        %mul3A_422 = arith.muli %scan3A_247, %mul3A_421 : i32
        %get3A_423 = arith.constant 14 : i32
        %get3A_424 = arith.index_cast %get3A_423 : i32 to index
        %get3A_425 = arith.index_cast %mul3A_422 : i32 to index
        %get3A_426 = tpu.vector_load %arg6[%get3A_424, %get3A_425] {strides = array<i32>} : memref<64x512xf32, #tpu.memory_space<vmem>>, vector<1x16xf32>,
        %get3A_427 = vector.shape_cast %get3A_426 : vector<1x16xf32> to vector<16xf32>
        %mul3A_428 = arith.mulf %get3A_253, %get3A_427 : vector<16xf32>
        %swap3A_429 = arith.constant 224 : index
        %swap3A_430 = tpu.vector_load %arg10[%swap3A_429] {strides = array<i32>} : memref<1024xf32, #tpu.memory_space<vmem>>, vector<16xf32>,
        %swap3A_431 = vector.shape_cast %swap3A_430 : vector<16xf32> to vector<16xf32>
        %swap3A_432 = vector.shape_cast %mul3A_428 : vector<16xf32> to vector<16xf32>
        tpu.vector_store %arg10[%swap3A_429], %swap3A_432 {add = true, strides = array<i32>} : memref<1024xf32, #tpu.memory_space<vmem>>, vector<16xf32>,
        %mul3A_433 = arith.constant 16 : i32
        %mul3A_434 = arith.muli %scan3A_247, %mul3A_433 : i32
        %get3A_435 = arith.constant 15 : i32
        %get3A_436 = arith.index_cast %get3A_435 : i32 to index
        %get3A_437 = arith.index_cast %mul3A_434 : i32 to index
        %get3A_438 = tpu.vector_load %arg6[%get3A_436, %get3A_437] {strides = array<i32>} : memref<64x512xf32, #tpu.memory_space<vmem>>, vector<1x16xf32>,
        %get3A_439 = vector.shape_cast %get3A_438 : vector<1x16xf32> to vector<16xf32>
        %mul3A_440 = arith.mulf %get3A_253, %get3A_439 : vector<16xf32>
        %swap3A_441 = arith.constant 240 : index
        %swap3A_442 = tpu.vector_load %arg10[%swap3A_441] {strides = array<i32>} : memref<1024xf32, #tpu.memory_space<vmem>>, vector<16xf32>,
        %swap3A_443 = vector.shape_cast %swap3A_442 : vector<16xf32> to vector<16xf32>
        %swap3A_444 = vector.shape_cast %mul3A_440 : vector<16xf32> to vector<16xf32>
        tpu.vector_store %arg10[%swap3A_441], %swap3A_444 {add = true, strides = array<i32>} : memref<1024xf32, #tpu.memory_space<vmem>>, vector<16xf32>,
        %mul3A_445 = arith.constant 16 : i32
        %mul3A_446 = arith.muli %scan3A_247, %mul3A_445 : i32
        %get3A_447 = arith.constant 16 : i32
        %get3A_448 = arith.index_cast %get3A_447 : i32 to index
        %get3A_449 = arith.index_cast %mul3A_446 : i32 to index
        %get3A_450 = tpu.vector_load %arg6[%get3A_448, %get3A_449] {strides = array<i32>} : memref<64x512xf32, #tpu.memory_space<vmem>>, vector<1x16xf32>,
        %get3A_451 = vector.shape_cast %get3A_450 : vector<1x16xf32> to vector<16xf32>
        %mul3A_452 = arith.mulf %get3A_253, %get3A_451 : vector<16xf32>
        %swap3A_453 = arith.constant 256 : index
        %swap3A_454 = tpu.vector_load %arg10[%swap3A_453] {strides = array<i32>} : memref<1024xf32, #tpu.memory_space<vmem>>, vector<16xf32>,
        %swap3A_455 = vector.shape_cast %swap3A_454 : vector<16xf32> to vector<16xf32>
        %swap3A_456 = vector.shape_cast %mul3A_452 : vector<16xf32> to vector<16xf32>
        tpu.vector_store %arg10[%swap3A_453], %swap3A_456 {add = true, strides = array<i32>} : memref<1024xf32, #tpu.memory_space<vmem>>, vector<16xf32>,
        %mul3A_457 = arith.constant 16 : i32
        %mul3A_458 = arith.muli %scan3A_247, %mul3A_457 : i32
        %get3A_459 = arith.constant 17 : i32
        %get3A_460 = arith.index_cast %get3A_459 : i32 to index
        %get3A_461 = arith.index_cast %mul3A_458 : i32 to index
        %get3A_462 = tpu.vector_load %arg6[%get3A_460, %get3A_461] {strides = array<i32>} : memref<64x512xf32, #tpu.memory_space<vmem>>, vector<1x16xf32>,
        %get3A_463 = vector.shape_cast %get3A_462 : vector<1x16xf32> to vector<16xf32>
        %mul3A_464 = arith.mulf %get3A_253, %get3A_463 : vector<16xf32>
        %swap3A_465 = arith.constant 272 : index
        %swap3A_466 = tpu.vector_load %arg10[%swap3A_465] {strides = array<i32>} : memref<1024xf32, #tpu.memory_space<vmem>>, vector<16xf32>,
        %swap3A_467 = vector.shape_cast %swap3A_466 : vector<16xf32> to vector<16xf32>
        %swap3A_468 = vector.shape_cast %mul3A_464 : vector<16xf32> to vector<16xf32>
        tpu.vector_store %arg10[%swap3A_465], %swap3A_468 {add = true, strides = array<i32>} : memref<1024xf32, #tpu.memory_space<vmem>>, vector<16xf32>,
        %mul3A_469 = arith.constant 16 : i32
        %mul3A_470 = arith.muli %scan3A_247, %mul3A_469 : i32
        %get3A_471 = arith.constant 18 : i32
        %get3A_472 = arith.index_cast %get3A_471 : i32 to index
        %get3A_473 = arith.index_cast %mul3A_470 : i32 to index
        %get3A_474 = tpu.vector_load %arg6[%get3A_472, %get3A_473] {strides = array<i32>} : memref<64x512xf32, #tpu.memory_space<vmem>>, vector<1x16xf32>,
        %get3A_475 = vector.shape_cast %get3A_474 : vector<1x16xf32> to vector<16xf32>
        %mul3A_476 = arith.mulf %get3A_253, %get3A_475 : vector<16xf32>
        %swap3A_477 = arith.constant 288 : index
        %swap3A_478 = tpu.vector_load %arg10[%swap3A_477] {strides = array<i32>} : memref<1024xf32, #tpu.memory_space<vmem>>, vector<16xf32>,
        %swap3A_479 = vector.shape_cast %swap3A_478 : vector<16xf32> to vector<16xf32>
        %swap3A_480 = vector.shape_cast %mul3A_476 : vector<16xf32> to vector<16xf32>
        tpu.vector_store %arg10[%swap3A_477], %swap3A_480 {add = true, strides = array<i32>} : memref<1024xf32, #tpu.memory_space<vmem>>, vector<16xf32>,
        %mul3A_481 = arith.constant 16 : i32
        %mul3A_482 = arith.muli %scan3A_247, %mul3A_481 : i32
        %get3A_483 = arith.constant 19 : i32
        %get3A_484 = arith.index_cast %get3A_483 : i32 to index
        %get3A_485 = arith.index_cast %mul3A_482 : i32 to index
        %get3A_486 = tpu.vector_load %arg6[%get3A_484, %get3A_485] {strides = array<i32>} : memref<64x512xf32, #tpu.memory_space<vmem>>, vector<1x16xf32>,
        %get3A_487 = vector.shape_cast %get3A_486 : vector<1x16xf32> to vector<16xf32>
        %mul3A_488 = arith.mulf %get3A_253, %get3A_487 : vector<16xf32>
        %swap3A_489 = arith.constant 304 : index
        %swap3A_490 = tpu.vector_load %arg10[%swap3A_489] {strides = array<i32>} : memref<1024xf32, #tpu.memory_space<vmem>>, vector<16xf32>,
        %swap3A_491 = vector.shape_cast %swap3A_490 : vector<16xf32> to vector<16xf32>
        %swap3A_492 = vector.shape_cast %mul3A_488 : vector<16xf32> to vector<16xf32>
        tpu.vector_store %arg10[%swap3A_489], %swap3A_492 {add = true, strides = array<i32>} : memref<1024xf32, #tpu.memory_space<vmem>>, vector<16xf32>,
        %mul3A_493 = arith.constant 16 : i32
        %mul3A_494 = arith.muli %scan3A_247, %mul3A_493 : i32
        %get3A_495 = arith.constant 20 : i32
        %get3A_496 = arith.index_cast %get3A_495 : i32 to index
        %get3A_497 = arith.index_cast %mul3A_494 : i32 to index
        %get3A_498 = tpu.vector_load %arg6[%get3A_496, %get3A_497] {strides = array<i32>} : memref<64x512xf32, #tpu.memory_space<vmem>>, vector<1x16xf32>,
        %get3A_499 = vector.shape_cast %get3A_498 : vector<1x16xf32> to vector<16xf32>
        %mul3A_500 = arith.mulf %get3A_253, %get3A_499 : vector<16xf32>
        %swap3A_501 = arith.constant 320 : index
        %swap3A_502 = tpu.vector_load %arg10[%swap3A_501] {strides = array<i32>} : memref<1024xf32, #tpu.memory_space<vmem>>, vector<16xf32>,
        %swap3A_503 = vector.shape_cast %swap3A_502 : vector<16xf32> to vector<16xf32>
        %swap3A_504 = vector.shape_cast %mul3A_500 : vector<16xf32> to vector<16xf32>
        tpu.vector_store %arg10[%swap3A_501], %swap3A_504 {add = true, strides = array<i32>} : memref<1024xf32, #tpu.memory_space<vmem>>, vector<16xf32>,
        %mul3A_505 = arith.constant 16 : i32
        %mul3A_506 = arith.muli %scan3A_247, %mul3A_505 : i32
        %get3A_507 = arith.constant 21 : i32
        %get3A_508 = arith.index_cast %get3A_507 : i32 to index
        %get3A_509 = arith.index_cast %mul3A_506 : i32 to index
        %get3A_510 = tpu.vector_load %arg6[%get3A_508, %get3A_509] {strides = array<i32>} : memref<64x512xf32, #tpu.memory_space<vmem>>, vector<1x16xf32>,
        %get3A_511 = vector.shape_cast %get3A_510 : vector<1x16xf32> to vector<16xf32>
        %mul3A_512 = arith.mulf %get3A_253, %get3A_511 : vector<16xf32>
        %swap3A_513 = arith.constant 336 : index
        %swap3A_514 = tpu.vector_load %arg10[%swap3A_513] {strides = array<i32>} : memref<1024xf32, #tpu.memory_space<vmem>>, vector<16xf32>,
        %swap3A_515 = vector.shape_cast %swap3A_514 : vector<16xf32> to vector<16xf32>
        %swap3A_516 = vector.shape_cast %mul3A_512 : vector<16xf32> to vector<16xf32>
        tpu.vector_store %arg10[%swap3A_513], %swap3A_516 {add = true, strides = array<i32>} : memref<1024xf32, #tpu.memory_space<vmem>>, vector<16xf32>,
        %mul3A_517 = arith.constant 16 : i32
        %mul3A_518 = arith.muli %scan3A_247, %mul3A_517 : i32
        %get3A_519 = arith.constant 22 : i32
        %get3A_520 = arith.index_cast %get3A_519 : i32 to index
        %get3A_521 = arith.index_cast %mul3A_518 : i32 to index
        %get3A_522 = tpu.vector_load %arg6[%get3A_520, %get3A_521] {strides = array<i32>} : memref<64x512xf32, #tpu.memory_space<vmem>>, vector<1x16xf32>,
        %get3A_523 = vector.shape_cast %get3A_522 : vector<1x16xf32> to vector<16xf32>
        %mul3A_524 = arith.mulf %get3A_253, %get3A_523 : vector<16xf32>
        %swap3A_525 = arith.constant 352 : index
        %swap3A_526 = tpu.vector_load %arg10[%swap3A_525] {strides = array<i32>} : memref<1024xf32, #tpu.memory_space<vmem>>, vector<16xf32>,
        %swap3A_527 = vector.shape_cast %swap3A_526 : vector<16xf32> to vector<16xf32>
        %swap3A_528 = vector.shape_cast %mul3A_524 : vector<16xf32> to vector<16xf32>
        tpu.vector_store %arg10[%swap3A_525], %swap3A_528 {add = true, strides = array<i32>} : memref<1024xf32, #tpu.memory_space<vmem>>, vector<16xf32>,
        %mul3A_529 = arith.constant 16 : i32
        %mul3A_530 = arith.muli %scan3A_247, %mul3A_529 : i32
        %get3A_531 = arith.constant 23 : i32
        %get3A_532 = arith.index_cast %get3A_531 : i32 to index
        %get3A_533 = arith.index_cast %mul3A_530 : i32 to index
        %get3A_534 = tpu.vector_load %arg6[%get3A_532, %get3A_533] {strides = array<i32>} : memref<64x512xf32, #tpu.memory_space<vmem>>, vector<1x16xf32>,
        %get3A_535 = vector.shape_cast %get3A_534 : vector<1x16xf32> to vector<16xf32>
        %mul3A_536 = arith.mulf %get3A_253, %get3A_535 : vector<16xf32>
        %swap3A_537 = arith.constant 368 : index
        %swap3A_538 = tpu.vector_load %arg10[%swap3A_537] {strides = array<i32>} : memref<1024xf32, #tpu.memory_space<vmem>>, vector<16xf32>,
        %swap3A_539 = vector.shape_cast %swap3A_538 : vector<16xf32> to vector<16xf32>
        %swap3A_540 = vector.shape_cast %mul3A_536 : vector<16xf32> to vector<16xf32>
        tpu.vector_store %arg10[%swap3A_537], %swap3A_540 {add = true, strides = array<i32>} : memref<1024xf32, #tpu.memory_space<vmem>>, vector<16xf32>,
        %mul3A_541 = arith.constant 16 : i32
        %mul3A_542 = arith.muli %scan3A_247, %mul3A_541 : i32
        %get3A_543 = arith.constant 24 : i32
        %get3A_544 = arith.index_cast %get3A_543 : i32 to index
        %get3A_545 = arith.index_cast %mul3A_542 : i32 to index
        %get3A_546 = tpu.vector_load %arg6[%get3A_544, %get3A_545] {strides = array<i32>} : memref<64x512xf32, #tpu.memory_space<vmem>>, vector<1x16xf32>,
        %get3A_547 = vector.shape_cast %get3A_546 : vector<1x16xf32> to vector<16xf32>
        %mul3A_548 = arith.mulf %get3A_253, %get3A_547 : vector<16xf32>
        %swap3A_549 = arith.constant 384 : index
        %swap3A_550 = tpu.vector_load %arg10[%swap3A_549] {strides = array<i32>} : memref<1024xf32, #tpu.memory_space<vmem>>, vector<16xf32>,
        %swap3A_551 = vector.shape_cast %swap3A_550 : vector<16xf32> to vector<16xf32>
        %swap3A_552 = vector.shape_cast %mul3A_548 : vector<16xf32> to vector<16xf32>
        tpu.vector_store %arg10[%swap3A_549], %swap3A_552 {add = true, strides = array<i32>} : memref<1024xf32, #tpu.memory_space<vmem>>, vector<16xf32>,
        %mul3A_553 = arith.constant 16 : i32
        %mul3A_554 = arith.muli %scan3A_247, %mul3A_553 : i32
        %get3A_555 = arith.constant 25 : i32
        %get3A_556 = arith.index_cast %get3A_555 : i32 to index
        %get3A_557 = arith.index_cast %mul3A_554 : i32 to index
        %get3A_558 = tpu.vector_load %arg6[%get3A_556, %get3A_557] {strides = array<i32>} : memref<64x512xf32, #tpu.memory_space<vmem>>, vector<1x16xf32>,
        %get3A_559 = vector.shape_cast %get3A_558 : vector<1x16xf32> to vector<16xf32>
        %mul3A_560 = arith.mulf %get3A_253, %get3A_559 : vector<16xf32>
        %swap3A_561 = arith.constant 400 : index
        %swap3A_562 = tpu.vector_load %arg10[%swap3A_561] {strides = array<i32>} : memref<1024xf32, #tpu.memory_space<vmem>>, vector<16xf32>,
        %swap3A_563 = vector.shape_cast %swap3A_562 : vector<16xf32> to vector<16xf32>
        %swap3A_564 = vector.shape_cast %mul3A_560 : vector<16xf32> to vector<16xf32>
        tpu.vector_store %arg10[%swap3A_561], %swap3A_564 {add = true, strides = array<i32>} : memref<1024xf32, #tpu.memory_space<vmem>>, vector<16xf32>,
        %mul3A_565 = arith.constant 16 : i32
        %mul3A_566 = arith.muli %scan3A_247, %mul3A_565 : i32
        %get3A_567 = arith.constant 26 : i32
        %get3A_568 = arith.index_cast %get3A_567 : i32 to index
        %get3A_569 = arith.index_cast %mul3A_566 : i32 to index
        %get3A_570 = tpu.vector_load %arg6[%get3A_568, %get3A_569] {strides = array<i32>} : memref<64x512xf32, #tpu.memory_space<vmem>>, vector<1x16xf32>,
        %get3A_571 = vector.shape_cast %get3A_570 : vector<1x16xf32> to vector<16xf32>
        %mul3A_572 = arith.mulf %get3A_253, %get3A_571 : vector<16xf32>
        %swap3A_573 = arith.constant 416 : index
        %swap3A_574 = tpu.vector_load %arg10[%swap3A_573] {strides = array<i32>} : memref<1024xf32, #tpu.memory_space<vmem>>, vector<16xf32>,
        %swap3A_575 = vector.shape_cast %swap3A_574 : vector<16xf32> to vector<16xf32>
        %swap3A_576 = vector.shape_cast %mul3A_572 : vector<16xf32> to vector<16xf32>
        tpu.vector_store %arg10[%swap3A_573], %swap3A_576 {add = true, strides = array<i32>} : memref<1024xf32, #tpu.memory_space<vmem>>, vector<16xf32>,
        %mul3A_577 = arith.constant 16 : i32
        %mul3A_578 = arith.muli %scan3A_247, %mul3A_577 : i32
        %get3A_579 = arith.constant 27 : i32
        %get3A_580 = arith.index_cast %get3A_579 : i32 to index
        %get3A_581 = arith.index_cast %mul3A_578 : i32 to index
        %get3A_582 = tpu.vector_load %arg6[%get3A_580, %get3A_581] {strides = array<i32>} : memref<64x512xf32, #tpu.memory_space<vmem>>, vector<1x16xf32>,
        %get3A_583 = vector.shape_cast %get3A_582 : vector<1x16xf32> to vector<16xf32>
        %mul3A_584 = arith.mulf %get3A_253, %get3A_583 : vector<16xf32>
        %swap3A_585 = arith.constant 432 : index
        %swap3A_586 = tpu.vector_load %arg10[%swap3A_585] {strides = array<i32>} : memref<1024xf32, #tpu.memory_space<vmem>>, vector<16xf32>,
        %swap3A_587 = vector.shape_cast %swap3A_586 : vector<16xf32> to vector<16xf32>
        %swap3A_588 = vector.shape_cast %mul3A_584 : vector<16xf32> to vector<16xf32>
        tpu.vector_store %arg10[%swap3A_585], %swap3A_588 {add = true, strides = array<i32>} : memref<1024xf32, #tpu.memory_space<vmem>>, vector<16xf32>,
        %mul3A_589 = arith.constant 16 : i32
        %mul3A_590 = arith.muli %scan3A_247, %mul3A_589 : i32
        %get3A_591 = arith.constant 28 : i32
        %get3A_592 = arith.index_cast %get3A_591 : i32 to index
        %get3A_593 = arith.index_cast %mul3A_590 : i32 to index
        %get3A_594 = tpu.vector_load %arg6[%get3A_592, %get3A_593] {strides = array<i32>} : memref<64x512xf32, #tpu.memory_space<vmem>>, vector<1x16xf32>,
        %get3A_595 = vector.shape_cast %get3A_594 : vector<1x16xf32> to vector<16xf32>
        %mul3A_596 = arith.mulf %get3A_253, %get3A_595 : vector<16xf32>
        %swap3A_597 = arith.constant 448 : index
        %swap3A_598 = tpu.vector_load %arg10[%swap3A_597] {strides = array<i32>} : memref<1024xf32, #tpu.memory_space<vmem>>, vector<16xf32>,
        %swap3A_599 = vector.shape_cast %swap3A_598 : vector<16xf32> to vector<16xf32>
        %swap3A_600 = vector.shape_cast %mul3A_596 : vector<16xf32> to vector<16xf32>
        tpu.vector_store %arg10[%swap3A_597], %swap3A_600 {add = true, strides = array<i32>} : memref<1024xf32, #tpu.memory_space<vmem>>, vector<16xf32>,
        %mul3A_601 = arith.constant 16 : i32
        %mul3A_602 = arith.muli %scan3A_247, %mul3A_601 : i32
        %get3A_603 = arith.constant 29 : i32
        %get3A_604 = arith.index_cast %get3A_603 : i32 to index
        %get3A_605 = arith.index_cast %mul3A_602 : i32 to index
        %get3A_606 = tpu.vector_load %arg6[%get3A_604, %get3A_605] {strides = array<i32>} : memref<64x512xf32, #tpu.memory_space<vmem>>, vector<1x16xf32>,
        %get3A_607 = vector.shape_cast %get3A_606 : vector<1x16xf32> to vector<16xf32>
        %mul3A_608 = arith.mulf %get3A_253, %get3A_607 : vector<16xf32>
        %swap3A_609 = arith.constant 464 : index
        %swap3A_610 = tpu.vector_load %arg10[%swap3A_609] {strides = array<i32>} : memref<1024xf32, #tpu.memory_space<vmem>>, vector<16xf32>,
        %swap3A_611 = vector.shape_cast %swap3A_610 : vector<16xf32> to vector<16xf32>
        %swap3A_612 = vector.shape_cast %mul3A_608 : vector<16xf32> to vector<16xf32>
        tpu.vector_store %arg10[%swap3A_609], %swap3A_612 {add = true, strides = array<i32>} : memref<1024xf32, #tpu.memory_space<vmem>>, vector<16xf32>,
        %mul3A_613 = arith.constant 16 : i32
        %mul3A_614 = arith.muli %scan3A_247, %mul3A_613 : i32
        %get3A_615 = arith.constant 30 : i32
        %get3A_616 = arith.index_cast %get3A_615 : i32 to index
        %get3A_617 = arith.index_cast %mul3A_614 : i32 to index
        %get3A_618 = tpu.vector_load %arg6[%get3A_616, %get3A_617] {strides = array<i32>} : memref<64x512xf32, #tpu.memory_space<vmem>>, vector<1x16xf32>,
        %get3A_619 = vector.shape_cast %get3A_618 : vector<1x16xf32> to vector<16xf32>
        %mul3A_620 = arith.mulf %get3A_253, %get3A_619 : vector<16xf32>
        %swap3A_621 = arith.constant 480 : index
        %swap3A_622 = tpu.vector_load %arg10[%swap3A_621] {strides = array<i32>} : memref<1024xf32, #tpu.memory_space<vmem>>, vector<16xf32>,
        %swap3A_623 = vector.shape_cast %swap3A_622 : vector<16xf32> to vector<16xf32>
        %swap3A_624 = vector.shape_cast %mul3A_620 : vector<16xf32> to vector<16xf32>
        tpu.vector_store %arg10[%swap3A_621], %swap3A_624 {add = true, strides = array<i32>} : memref<1024xf32, #tpu.memory_space<vmem>>, vector<16xf32>,
        %mul3A_625 = arith.constant 16 : i32
        %mul3A_626 = arith.muli %scan3A_247, %mul3A_625 : i32
        %get3A_627 = arith.constant 31 : i32
        %get3A_628 = arith.index_cast %get3A_627 : i32 to index
        %get3A_629 = arith.index_cast %mul3A_626 : i32 to index
        %get3A_630 = tpu.vector_load %arg6[%get3A_628, %get3A_629] {strides = array<i32>} : memref<64x512xf32, #tpu.memory_space<vmem>>, vector<1x16xf32>,
        %get3A_631 = vector.shape_cast %get3A_630 : vector<1x16xf32> to vector<16xf32>
        %mul3A_632 = arith.mulf %get3A_253, %get3A_631 : vector<16xf32>
        %swap3A_633 = arith.constant 496 : index
        %swap3A_634 = tpu.vector_load %arg10[%swap3A_633] {strides = array<i32>} : memref<1024xf32, #tpu.memory_space<vmem>>, vector<16xf32>,
        %swap3A_635 = vector.shape_cast %swap3A_634 : vector<16xf32> to vector<16xf32>
        %swap3A_636 = vector.shape_cast %mul3A_632 : vector<16xf32> to vector<16xf32>
        tpu.vector_store %arg10[%swap3A_633], %swap3A_636 {add = true, strides = array<i32>} : memref<1024xf32, #tpu.memory_space<vmem>>, vector<16xf32>,
        %mul3A_637 = arith.constant 16 : i32
        %mul3A_638 = arith.muli %scan3A_247, %mul3A_637 : i32
        %get3A_639 = arith.constant 32 : i32
        %get3A_640 = arith.index_cast %get3A_639 : i32 to index
        %get3A_641 = arith.index_cast %mul3A_638 : i32 to index
        %get3A_642 = tpu.vector_load %arg6[%get3A_640, %get3A_641] {strides = array<i32>} : memref<64x512xf32, #tpu.memory_space<vmem>>, vector<1x16xf32>,
        %get3A_643 = vector.shape_cast %get3A_642 : vector<1x16xf32> to vector<16xf32>
        %mul3A_644 = arith.mulf %get3A_253, %get3A_643 : vector<16xf32>
        %swap3A_645 = arith.constant 512 : index
        %swap3A_646 = tpu.vector_load %arg10[%swap3A_645] {strides = array<i32>} : memref<1024xf32, #tpu.memory_space<vmem>>, vector<16xf32>,
        %swap3A_647 = vector.shape_cast %swap3A_646 : vector<16xf32> to vector<16xf32>
        %swap3A_648 = vector.shape_cast %mul3A_644 : vector<16xf32> to vector<16xf32>
        tpu.vector_store %arg10[%swap3A_645], %swap3A_648 {add = true, strides = array<i32>} : memref<1024xf32, #tpu.memory_space<vmem>>, vector<16xf32>,
        %mul3A_649 = arith.constant 16 : i32
        %mul3A_650 = arith.muli %scan3A_247, %mul3A_649 : i32
        %get3A_651 = arith.constant 33 : i32
        %get3A_652 = arith.index_cast %get3A_651 : i32 to index
        %get3A_653 = arith.index_cast %mul3A_650 : i32 to index
        %get3A_654 = tpu.vector_load %arg6[%get3A_652, %get3A_653] {strides = array<i32>} : memref<64x512xf32, #tpu.memory_space<vmem>>, vector<1x16xf32>,
        %get3A_655 = vector.shape_cast %get3A_654 : vector<1x16xf32> to vector<16xf32>
        %mul3A_656 = arith.mulf %get3A_253, %get3A_655 : vector<16xf32>
        %swap3A_657 = arith.constant 528 : index
        %swap3A_658 = tpu.vector_load %arg10[%swap3A_657] {strides = array<i32>} : memref<1024xf32, #tpu.memory_space<vmem>>, vector<16xf32>,
        %swap3A_659 = vector.shape_cast %swap3A_658 : vector<16xf32> to vector<16xf32>
        %swap3A_660 = vector.shape_cast %mul3A_656 : vector<16xf32> to vector<16xf32>
        tpu.vector_store %arg10[%swap3A_657], %swap3A_660 {add = true, strides = array<i32>} : memref<1024xf32, #tpu.memory_space<vmem>>, vector<16xf32>,
        %mul3A_661 = arith.constant 16 : i32
        %mul3A_662 = arith.muli %scan3A_247, %mul3A_661 : i32
        %get3A_663 = arith.constant 34 : i32
        %get3A_664 = arith.index_cast %get3A_663 : i32 to index
        %get3A_665 = arith.index_cast %mul3A_662 : i32 to index
        %get3A_666 = tpu.vector_load %arg6[%get3A_664, %get3A_665] {strides = array<i32>} : memref<64x512xf32, #tpu.memory_space<vmem>>, vector<1x16xf32>,
        %get3A_667 = vector.shape_cast %get3A_666 : vector<1x16xf32> to vector<16xf32>
        %mul3A_668 = arith.mulf %get3A_253, %get3A_667 : vector<16xf32>
        %swap3A_669 = arith.constant 544 : index
        %swap3A_670 = tpu.vector_load %arg10[%swap3A_669] {strides = array<i32>} : memref<1024xf32, #tpu.memory_space<vmem>>, vector<16xf32>,
        %swap3A_671 = vector.shape_cast %swap3A_670 : vector<16xf32> to vector<16xf32>
        %swap3A_672 = vector.shape_cast %mul3A_668 : vector<16xf32> to vector<16xf32>
        tpu.vector_store %arg10[%swap3A_669], %swap3A_672 {add = true, strides = array<i32>} : memref<1024xf32, #tpu.memory_space<vmem>>, vector<16xf32>,
        %mul3A_673 = arith.constant 16 : i32
        %mul3A_674 = arith.muli %scan3A_247, %mul3A_673 : i32
        %get3A_675 = arith.constant 35 : i32
        %get3A_676 = arith.index_cast %get3A_675 : i32 to index
        %get3A_677 = arith.index_cast %mul3A_674 : i32 to index
        %get3A_678 = tpu.vector_load %arg6[%get3A_676, %get3A_677] {strides = array<i32>} : memref<64x512xf32, #tpu.memory_space<vmem>>, vector<1x16xf32>,
        %get3A_679 = vector.shape_cast %get3A_678 : vector<1x16xf32> to vector<16xf32>
        %mul3A_680 = arith.mulf %get3A_253, %get3A_679 : vector<16xf32>
        %swap3A_681 = arith.constant 560 : index
        %swap3A_682 = tpu.vector_load %arg10[%swap3A_681] {strides = array<i32>} : memref<1024xf32, #tpu.memory_space<vmem>>, vector<16xf32>,
        %swap3A_683 = vector.shape_cast %swap3A_682 : vector<16xf32> to vector<16xf32>
        %swap3A_684 = vector.shape_cast %mul3A_680 : vector<16xf32> to vector<16xf32>
        tpu.vector_store %arg10[%swap3A_681], %swap3A_684 {add = true, strides = array<i32>} : memref<1024xf32, #tpu.memory_space<vmem>>, vector<16xf32>,
        %mul3A_685 = arith.constant 16 : i32
        %mul3A_686 = arith.muli %scan3A_247, %mul3A_685 : i32
        %get3A_687 = arith.constant 36 : i32
        %get3A_688 = arith.index_cast %get3A_687 : i32 to index
        %get3A_689 = arith.index_cast %mul3A_686 : i32 to index
        %get3A_690 = tpu.vector_load %arg6[%get3A_688, %get3A_689] {strides = array<i32>} : memref<64x512xf32, #tpu.memory_space<vmem>>, vector<1x16xf32>,
        %get3A_691 = vector.shape_cast %get3A_690 : vector<1x16xf32> to vector<16xf32>
        %mul3A_692 = arith.mulf %get3A_253, %get3A_691 : vector<16xf32>
        %swap3A_693 = arith.constant 576 : index
        %swap3A_694 = tpu.vector_load %arg10[%swap3A_693] {strides = array<i32>} : memref<1024xf32, #tpu.memory_space<vmem>>, vector<16xf32>,
        %swap3A_695 = vector.shape_cast %swap3A_694 : vector<16xf32> to vector<16xf32>
        %swap3A_696 = vector.shape_cast %mul3A_692 : vector<16xf32> to vector<16xf32>
        tpu.vector_store %arg10[%swap3A_693], %swap3A_696 {add = true, strides = array<i32>} : memref<1024xf32, #tpu.memory_space<vmem>>, vector<16xf32>,
        %mul3A_697 = arith.constant 16 : i32
        %mul3A_698 = arith.muli %scan3A_247, %mul3A_697 : i32
        %get3A_699 = arith.constant 37 : i32
        %get3A_700 = arith.index_cast %get3A_699 : i32 to index
        %get3A_701 = arith.index_cast %mul3A_698 : i32 to index
        %get3A_702 = tpu.vector_load %arg6[%get3A_700, %get3A_701] {strides = array<i32>} : memref<64x512xf32, #tpu.memory_space<vmem>>, vector<1x16xf32>,
        %get3A_703 = vector.shape_cast %get3A_702 : vector<1x16xf32> to vector<16xf32>
        %mul3A_704 = arith.mulf %get3A_253, %get3A_703 : vector<16xf32>
        %swap3A_705 = arith.constant 592 : index
        %swap3A_706 = tpu.vector_load %arg10[%swap3A_705] {strides = array<i32>} : memref<1024xf32, #tpu.memory_space<vmem>>, vector<16xf32>,
        %swap3A_707 = vector.shape_cast %swap3A_706 : vector<16xf32> to vector<16xf32>
        %swap3A_708 = vector.shape_cast %mul3A_704 : vector<16xf32> to vector<16xf32>
        tpu.vector_store %arg10[%swap3A_705], %swap3A_708 {add = true, strides = array<i32>} : memref<1024xf32, #tpu.memory_space<vmem>>, vector<16xf32>,
        %mul3A_709 = arith.constant 16 : i32
        %mul3A_710 = arith.muli %scan3A_247, %mul3A_709 : i32
        %get3A_711 = arith.constant 38 : i32
        %get3A_712 = arith.index_cast %get3A_711 : i32 to index
        %get3A_713 = arith.index_cast %mul3A_710 : i32 to index
        %get3A_714 = tpu.vector_load %arg6[%get3A_712, %get3A_713] {strides = array<i32>} : memref<64x512xf32, #tpu.memory_space<vmem>>, vector<1x16xf32>,
        %get3A_715 = vector.shape_cast %get3A_714 : vector<1x16xf32> to vector<16xf32>
        %mul3A_716 = arith.mulf %get3A_253, %get3A_715 : vector<16xf32>
        %swap3A_717 = arith.constant 608 : index
        %swap3A_718 = tpu.vector_load %arg10[%swap3A_717] {strides = array<i32>} : memref<1024xf32, #tpu.memory_space<vmem>>, vector<16xf32>,
        %swap3A_719 = vector.shape_cast %swap3A_718 : vector<16xf32> to vector<16xf32>
        %swap3A_720 = vector.shape_cast %mul3A_716 : vector<16xf32> to vector<16xf32>
        tpu.vector_store %arg10[%swap3A_717], %swap3A_720 {add = true, strides = array<i32>} : memref<1024xf32, #tpu.memory_space<vmem>>, vector<16xf32>,
        %mul3A_721 = arith.constant 16 : i32
        %mul3A_722 = arith.muli %scan3A_247, %mul3A_721 : i32
        %get3A_723 = arith.constant 39 : i32
        %get3A_724 = arith.index_cast %get3A_723 : i32 to index
        %get3A_725 = arith.index_cast %mul3A_722 : i32 to index
        %get3A_726 = tpu.vector_load %arg6[%get3A_724, %get3A_725] {strides = array<i32>} : memref<64x512xf32, #tpu.memory_space<vmem>>, vector<1x16xf32>,
        %get3A_727 = vector.shape_cast %get3A_726 : vector<1x16xf32> to vector<16xf32>
        %mul3A_728 = arith.mulf %get3A_253, %get3A_727 : vector<16xf32>
        %swap3A_729 = arith.constant 624 : index
        %swap3A_730 = tpu.vector_load %arg10[%swap3A_729] {strides = array<i32>} : memref<1024xf32, #tpu.memory_space<vmem>>, vector<16xf32>,
        %swap3A_731 = vector.shape_cast %swap3A_730 : vector<16xf32> to vector<16xf32>
        %swap3A_732 = vector.shape_cast %mul3A_728 : vector<16xf32> to vector<16xf32>
        tpu.vector_store %arg10[%swap3A_729], %swap3A_732 {add = true, strides = array<i32>} : memref<1024xf32, #tpu.memory_space<vmem>>, vector<16xf32>,
        %mul3A_733 = arith.constant 16 : i32
        %mul3A_734 = arith.muli %scan3A_247, %mul3A_733 : i32
        %get3A_735 = arith.constant 40 : i32
        %get3A_736 = arith.index_cast %get3A_735 : i32 to index
        %get3A_737 = arith.index_cast %mul3A_734 : i32 to index
        %get3A_738 = tpu.vector_load %arg6[%get3A_736, %get3A_737] {strides = array<i32>} : memref<64x512xf32, #tpu.memory_space<vmem>>, vector<1x16xf32>,
        %get3A_739 = vector.shape_cast %get3A_738 : vector<1x16xf32> to vector<16xf32>
        %mul3A_740 = arith.mulf %get3A_253, %get3A_739 : vector<16xf32>
        %swap3A_741 = arith.constant 640 : index
        %swap3A_742 = tpu.vector_load %arg10[%swap3A_741] {strides = array<i32>} : memref<1024xf32, #tpu.memory_space<vmem>>, vector<16xf32>,
        %swap3A_743 = vector.shape_cast %swap3A_742 : vector<16xf32> to vector<16xf32>
        %swap3A_744 = vector.shape_cast %mul3A_740 : vector<16xf32> to vector<16xf32>
        tpu.vector_store %arg10[%swap3A_741], %swap3A_744 {add = true, strides = array<i32>} : memref<1024xf32, #tpu.memory_space<vmem>>, vector<16xf32>,
        %mul3A_745 = arith.constant 16 : i32
        %mul3A_746 = arith.muli %scan3A_247, %mul3A_745 : i32
        %get3A_747 = arith.constant 41 : i32
        %get3A_748 = arith.index_cast %get3A_747 : i32 to index
        %get3A_749 = arith.index_cast %mul3A_746 : i32 to index
        %get3A_750 = tpu.vector_load %arg6[%get3A_748, %get3A_749] {strides = array<i32>} : memref<64x512xf32, #tpu.memory_space<vmem>>, vector<1x16xf32>,
        %get3A_751 = vector.shape_cast %get3A_750 : vector<1x16xf32> to vector<16xf32>
        %mul3A_752 = arith.mulf %get3A_253, %get3A_751 : vector<16xf32>
        %swap3A_753 = arith.constant 656 : index
        %swap3A_754 = tpu.vector_load %arg10[%swap3A_753] {strides = array<i32>} : memref<1024xf32, #tpu.memory_space<vmem>>, vector<16xf32>,
        %swap3A_755 = vector.shape_cast %swap3A_754 : vector<16xf32> to vector<16xf32>
        %swap3A_756 = vector.shape_cast %mul3A_752 : vector<16xf32> to vector<16xf32>
        tpu.vector_store %arg10[%swap3A_753], %swap3A_756 {add = true, strides = array<i32>} : memref<1024xf32, #tpu.memory_space<vmem>>, vector<16xf32>,
        %mul3A_757 = arith.constant 16 : i32
        %mul3A_758 = arith.muli %scan3A_247, %mul3A_757 : i32
        %get3A_759 = arith.constant 42 : i32
        %get3A_760 = arith.index_cast %get3A_759 : i32 to index
        %get3A_761 = arith.index_cast %mul3A_758 : i32 to index
        %get3A_762 = tpu.vector_load %arg6[%get3A_760, %get3A_761] {strides = array<i32>} : memref<64x512xf32, #tpu.memory_space<vmem>>, vector<1x16xf32>,
        %get3A_763 = vector.shape_cast %get3A_762 : vector<1x16xf32> to vector<16xf32>
        %mul3A_764 = arith.mulf %get3A_253, %get3A_763 : vector<16xf32>
        %swap3A_765 = arith.constant 672 : index
        %swap3A_766 = tpu.vector_load %arg10[%swap3A_765] {strides = array<i32>} : memref<1024xf32, #tpu.memory_space<vmem>>, vector<16xf32>,
        %swap3A_767 = vector.shape_cast %swap3A_766 : vector<16xf32> to vector<16xf32>
        %swap3A_768 = vector.shape_cast %mul3A_764 : vector<16xf32> to vector<16xf32>
        tpu.vector_store %arg10[%swap3A_765], %swap3A_768 {add = true, strides = array<i32>} : memref<1024xf32, #tpu.memory_space<vmem>>, vector<16xf32>,
        %mul3A_769 = arith.constant 16 : i32
        %mul3A_770 = arith.muli %scan3A_247, %mul3A_769 : i32
        %get3A_771 = arith.constant 43 : i32
        %get3A_772 = arith.index_cast %get3A_771 : i32 to index
        %get3A_773 = arith.index_cast %mul3A_770 : i32 to index
        %get3A_774 = tpu.vector_load %arg6[%get3A_772, %get3A_773] {strides = array<i32>} : memref<64x512xf32, #tpu.memory_space<vmem>>, vector<1x16xf32>,
        %get3A_775 = vector.shape_cast %get3A_774 : vector<1x16xf32> to vector<16xf32>
        %mul3A_776 = arith.mulf %get3A_253, %get3A_775 : vector<16xf32>
        %swap3A_777 = arith.constant 688 : index
        %swap3A_778 = tpu.vector_load %arg10[%swap3A_777] {strides = array<i32>} : memref<1024xf32, #tpu.memory_space<vmem>>, vector<16xf32>,
        %swap3A_779 = vector.shape_cast %swap3A_778 : vector<16xf32> to vector<16xf32>
        %swap3A_780 = vector.shape_cast %mul3A_776 : vector<16xf32> to vector<16xf32>
        tpu.vector_store %arg10[%swap3A_777], %swap3A_780 {add = true, strides = array<i32>} : memref<1024xf32, #tpu.memory_space<vmem>>, vector<16xf32>,
        %mul3A_781 = arith.constant 16 : i32
        %mul3A_782 = arith.muli %scan3A_247, %mul3A_781 : i32
        %get3A_783 = arith.constant 44 : i32
        %get3A_784 = arith.index_cast %get3A_783 : i32 to index
        %get3A_785 = arith.index_cast %mul3A_782 : i32 to index
        %get3A_786 = tpu.vector_load %arg6[%get3A_784, %get3A_785] {strides = array<i32>} : memref<64x512xf32, #tpu.memory_space<vmem>>, vector<1x16xf32>,
        %get3A_787 = vector.shape_cast %get3A_786 : vector<1x16xf32> to vector<16xf32>
        %mul3A_788 = arith.mulf %get3A_253, %get3A_787 : vector<16xf32>
        %swap3A_789 = arith.constant 704 : index
        %swap3A_790 = tpu.vector_load %arg10[%swap3A_789] {strides = array<i32>} : memref<1024xf32, #tpu.memory_space<vmem>>, vector<16xf32>,
        %swap3A_791 = vector.shape_cast %swap3A_790 : vector<16xf32> to vector<16xf32>
        %swap3A_792 = vector.shape_cast %mul3A_788 : vector<16xf32> to vector<16xf32>
        tpu.vector_store %arg10[%swap3A_789], %swap3A_792 {add = true, strides = array<i32>} : memref<1024xf32, #tpu.memory_space<vmem>>, vector<16xf32>,
        %mul3A_793 = arith.constant 16 : i32
        %mul3A_794 = arith.muli %scan3A_247, %mul3A_793 : i32
        %get3A_795 = arith.constant 45 : i32
        %get3A_796 = arith.index_cast %get3A_795 : i32 to index
        %get3A_797 = arith.index_cast %mul3A_794 : i32 to index
        %get3A_798 = tpu.vector_load %arg6[%get3A_796, %get3A_797] {strides = array<i32>} : memref<64x512xf32, #tpu.memory_space<vmem>>, vector<1x16xf32>,
        %get3A_799 = vector.shape_cast %get3A_798 : vector<1x16xf32> to vector<16xf32>
        %mul3A_800 = arith.mulf %get3A_253, %get3A_799 : vector<16xf32>
        %swap3A_801 = arith.constant 720 : index
        %swap3A_802 = tpu.vector_load %arg10[%swap3A_801] {strides = array<i32>} : memref<1024xf32, #tpu.memory_space<vmem>>, vector<16xf32>,
        %swap3A_803 = vector.shape_cast %swap3A_802 : vector<16xf32> to vector<16xf32>
        %swap3A_804 = vector.shape_cast %mul3A_800 : vector<16xf32> to vector<16xf32>
        tpu.vector_store %arg10[%swap3A_801], %swap3A_804 {add = true, strides = array<i32>} : memref<1024xf32, #tpu.memory_space<vmem>>, vector<16xf32>,
        %mul3A_805 = arith.constant 16 : i32
        %mul3A_806 = arith.muli %scan3A_247, %mul3A_805 : i32
        %get3A_807 = arith.constant 46 : i32
        %get3A_808 = arith.index_cast %get3A_807 : i32 to index
        %get3A_809 = arith.index_cast %mul3A_806 : i32 to index
        %get3A_810 = tpu.vector_load %arg6[%get3A_808, %get3A_809] {strides = array<i32>} : memref<64x512xf32, #tpu.memory_space<vmem>>, vector<1x16xf32>,
        %get3A_811 = vector.shape_cast %get3A_810 : vector<1x16xf32> to vector<16xf32>
        %mul3A_812 = arith.mulf %get3A_253, %get3A_811 : vector<16xf32>
        %swap3A_813 = arith.constant 736 : index
        %swap3A_814 = tpu.vector_load %arg10[%swap3A_813] {strides = array<i32>} : memref<1024xf32, #tpu.memory_space<vmem>>, vector<16xf32>,
        %swap3A_815 = vector.shape_cast %swap3A_814 : vector<16xf32> to vector<16xf32>
        %swap3A_816 = vector.shape_cast %mul3A_812 : vector<16xf32> to vector<16xf32>
        tpu.vector_store %arg10[%swap3A_813], %swap3A_816 {add = true, strides = array<i32>} : memref<1024xf32, #tpu.memory_space<vmem>>, vector<16xf32>,
        %mul3A_817 = arith.constant 16 : i32
        %mul3A_818 = arith.muli %scan3A_247, %mul3A_817 : i32
        %get3A_819 = arith.constant 47 : i32
        %get3A_820 = arith.index_cast %get3A_819 : i32 to index
        %get3A_821 = arith.index_cast %mul3A_818 : i32 to index
        %get3A_822 = tpu.vector_load %arg6[%get3A_820, %get3A_821] {strides = array<i32>} : memref<64x512xf32, #tpu.memory_space<vmem>>, vector<1x16xf32>,
        %get3A_823 = vector.shape_cast %get3A_822 : vector<1x16xf32> to vector<16xf32>
        %mul3A_824 = arith.mulf %get3A_253, %get3A_823 : vector<16xf32>
        %swap3A_825 = arith.constant 752 : index
        %swap3A_826 = tpu.vector_load %arg10[%swap3A_825] {strides = array<i32>} : memref<1024xf32, #tpu.memory_space<vmem>>, vector<16xf32>,
        %swap3A_827 = vector.shape_cast %swap3A_826 : vector<16xf32> to vector<16xf32>
        %swap3A_828 = vector.shape_cast %mul3A_824 : vector<16xf32> to vector<16xf32>
        tpu.vector_store %arg10[%swap3A_825], %swap3A_828 {add = true, strides = array<i32>} : memref<1024xf32, #tpu.memory_space<vmem>>, vector<16xf32>,
        %mul3A_829 = arith.constant 16 : i32
        %mul3A_830 = arith.muli %scan3A_247, %mul3A_829 : i32
        %get3A_831 = arith.constant 48 : i32
        %get3A_832 = arith.index_cast %get3A_831 : i32 to index
        %get3A_833 = arith.index_cast %mul3A_830 : i32 to index
        %get3A_834 = tpu.vector_load %arg6[%get3A_832, %get3A_833] {strides = array<i32>} : memref<64x512xf32, #tpu.memory_space<vmem>>, vector<1x16xf32>,
        %get3A_835 = vector.shape_cast %get3A_834 : vector<1x16xf32> to vector<16xf32>
        %mul3A_836 = arith.mulf %get3A_253, %get3A_835 : vector<16xf32>
        %swap3A_837 = arith.constant 768 : index
        %swap3A_838 = tpu.vector_load %arg10[%swap3A_837] {strides = array<i32>} : memref<1024xf32, #tpu.memory_space<vmem>>, vector<16xf32>,
        %swap3A_839 = vector.shape_cast %swap3A_838 : vector<16xf32> to vector<16xf32>
        %swap3A_840 = vector.shape_cast %mul3A_836 : vector<16xf32> to vector<16xf32>
        tpu.vector_store %arg10[%swap3A_837], %swap3A_840 {add = true, strides = array<i32>} : memref<1024xf32, #tpu.memory_space<vmem>>, vector<16xf32>,
        %mul3A_841 = arith.constant 16 : i32
        %mul3A_842 = arith.muli %scan3A_247, %mul3A_841 : i32
        %get3A_843 = arith.constant 49 : i32
        %get3A_844 = arith.index_cast %get3A_843 : i32 to index
        %get3A_845 = arith.index_cast %mul3A_842 : i32 to index
        %get3A_846 = tpu.vector_load %arg6[%get3A_844, %get3A_845] {strides = array<i32>} : memref<64x512xf32, #tpu.memory_space<vmem>>, vector<1x16xf32>,
        %get3A_847 = vector.shape_cast %get3A_846 : vector<1x16xf32> to vector<16xf32>
        %mul3A_848 = arith.mulf %get3A_253, %get3A_847 : vector<16xf32>
        %swap3A_849 = arith.constant 784 : index
        %swap3A_850 = tpu.vector_load %arg10[%swap3A_849] {strides = array<i32>} : memref<1024xf32, #tpu.memory_space<vmem>>, vector<16xf32>,
        %swap3A_851 = vector.shape_cast %swap3A_850 : vector<16xf32> to vector<16xf32>
        %swap3A_852 = vector.shape_cast %mul3A_848 : vector<16xf32> to vector<16xf32>
        tpu.vector_store %arg10[%swap3A_849], %swap3A_852 {add = true, strides = array<i32>} : memref<1024xf32, #tpu.memory_space<vmem>>, vector<16xf32>,
        %mul3A_853 = arith.constant 16 : i32
        %mul3A_854 = arith.muli %scan3A_247, %mul3A_853 : i32
        %get3A_855 = arith.constant 50 : i32
        %get3A_856 = arith.index_cast %get3A_855 : i32 to index
        %get3A_857 = arith.index_cast %mul3A_854 : i32 to index
        %get3A_858 = tpu.vector_load %arg6[%get3A_856, %get3A_857] {strides = array<i32>} : memref<64x512xf32, #tpu.memory_space<vmem>>, vector<1x16xf32>,
        %get3A_859 = vector.shape_cast %get3A_858 : vector<1x16xf32> to vector<16xf32>
        %mul3A_860 = arith.mulf %get3A_253, %get3A_859 : vector<16xf32>
        %swap3A_861 = arith.constant 800 : index
        %swap3A_862 = tpu.vector_load %arg10[%swap3A_861] {strides = array<i32>} : memref<1024xf32, #tpu.memory_space<vmem>>, vector<16xf32>,
        %swap3A_863 = vector.shape_cast %swap3A_862 : vector<16xf32> to vector<16xf32>
        %swap3A_864 = vector.shape_cast %mul3A_860 : vector<16xf32> to vector<16xf32>
        tpu.vector_store %arg10[%swap3A_861], %swap3A_864 {add = true, strides = array<i32>} : memref<1024xf32, #tpu.memory_space<vmem>>, vector<16xf32>,
        %mul3A_865 = arith.constant 16 : i32
        %mul3A_866 = arith.muli %scan3A_247, %mul3A_865 : i32
        %get3A_867 = arith.constant 51 : i32
        %get3A_868 = arith.index_cast %get3A_867 : i32 to index
        %get3A_869 = arith.index_cast %mul3A_866 : i32 to index
        %get3A_870 = tpu.vector_load %arg6[%get3A_868, %get3A_869] {strides = array<i32>} : memref<64x512xf32, #tpu.memory_space<vmem>>, vector<1x16xf32>,
        %get3A_871 = vector.shape_cast %get3A_870 : vector<1x16xf32> to vector<16xf32>
        %mul3A_872 = arith.mulf %get3A_253, %get3A_871 : vector<16xf32>
        %swap3A_873 = arith.constant 816 : index
        %swap3A_874 = tpu.vector_load %arg10[%swap3A_873] {strides = array<i32>} : memref<1024xf32, #tpu.memory_space<vmem>>, vector<16xf32>,
        %swap3A_875 = vector.shape_cast %swap3A_874 : vector<16xf32> to vector<16xf32>
        %swap3A_876 = vector.shape_cast %mul3A_872 : vector<16xf32> to vector<16xf32>
        tpu.vector_store %arg10[%swap3A_873], %swap3A_876 {add = true, strides = array<i32>} : memref<1024xf32, #tpu.memory_space<vmem>>, vector<16xf32>,
        %mul3A_877 = arith.constant 16 : i32
        %mul3A_878 = arith.muli %scan3A_247, %mul3A_877 : i32
        %get3A_879 = arith.constant 52 : i32
        %get3A_880 = arith.index_cast %get3A_879 : i32 to index
        %get3A_881 = arith.index_cast %mul3A_878 : i32 to index
        %get3A_882 = tpu.vector_load %arg6[%get3A_880, %get3A_881] {strides = array<i32>} : memref<64x512xf32, #tpu.memory_space<vmem>>, vector<1x16xf32>,
        %get3A_883 = vector.shape_cast %get3A_882 : vector<1x16xf32> to vector<16xf32>
        %mul3A_884 = arith.mulf %get3A_253, %get3A_883 : vector<16xf32>
        %swap3A_885 = arith.constant 832 : index
        %swap3A_886 = tpu.vector_load %arg10[%swap3A_885] {strides = array<i32>} : memref<1024xf32, #tpu.memory_space<vmem>>, vector<16xf32>,
        %swap3A_887 = vector.shape_cast %swap3A_886 : vector<16xf32> to vector<16xf32>
        %swap3A_888 = vector.shape_cast %mul3A_884 : vector<16xf32> to vector<16xf32>
        tpu.vector_store %arg10[%swap3A_885], %swap3A_888 {add = true, strides = array<i32>} : memref<1024xf32, #tpu.memory_space<vmem>>, vector<16xf32>,
        %mul3A_889 = arith.constant 16 : i32
        %mul3A_890 = arith.muli %scan3A_247, %mul3A_889 : i32
        %get3A_891 = arith.constant 53 : i32
        %get3A_892 = arith.index_cast %get3A_891 : i32 to index
        %get3A_893 = arith.index_cast %mul3A_890 : i32 to index
        %get3A_894 = tpu.vector_load %arg6[%get3A_892, %get3A_893] {strides = array<i32>} : memref<64x512xf32, #tpu.memory_space<vmem>>, vector<1x16xf32>,
        %get3A_895 = vector.shape_cast %get3A_894 : vector<1x16xf32> to vector<16xf32>
        %mul3A_896 = arith.mulf %get3A_253, %get3A_895 : vector<16xf32>
        %swap3A_897 = arith.constant 848 : index
        %swap3A_898 = tpu.vector_load %arg10[%swap3A_897] {strides = array<i32>} : memref<1024xf32, #tpu.memory_space<vmem>>, vector<16xf32>,
        %swap3A_899 = vector.shape_cast %swap3A_898 : vector<16xf32> to vector<16xf32>
        %swap3A_900 = vector.shape_cast %mul3A_896 : vector<16xf32> to vector<16xf32>
        tpu.vector_store %arg10[%swap3A_897], %swap3A_900 {add = true, strides = array<i32>} : memref<1024xf32, #tpu.memory_space<vmem>>, vector<16xf32>,
        %mul3A_901 = arith.constant 16 : i32
        %mul3A_902 = arith.muli %scan3A_247, %mul3A_901 : i32
        %get3A_903 = arith.constant 54 : i32
        %get3A_904 = arith.index_cast %get3A_903 : i32 to index
        %get3A_905 = arith.index_cast %mul3A_902 : i32 to index
        %get3A_906 = tpu.vector_load %arg6[%get3A_904, %get3A_905] {strides = array<i32>} : memref<64x512xf32, #tpu.memory_space<vmem>>, vector<1x16xf32>,
        %get3A_907 = vector.shape_cast %get3A_906 : vector<1x16xf32> to vector<16xf32>
        %mul3A_908 = arith.mulf %get3A_253, %get3A_907 : vector<16xf32>
        %swap3A_909 = arith.constant 864 : index
        %swap3A_910 = tpu.vector_load %arg10[%swap3A_909] {strides = array<i32>} : memref<1024xf32, #tpu.memory_space<vmem>>, vector<16xf32>,
        %swap3A_911 = vector.shape_cast %swap3A_910 : vector<16xf32> to vector<16xf32>
        %swap3A_912 = vector.shape_cast %mul3A_908 : vector<16xf32> to vector<16xf32>
        tpu.vector_store %arg10[%swap3A_909], %swap3A_912 {add = true, strides = array<i32>} : memref<1024xf32, #tpu.memory_space<vmem>>, vector<16xf32>,
        %mul3A_913 = arith.constant 16 : i32
        %mul3A_914 = arith.muli %scan3A_247, %mul3A_913 : i32
        %get3A_915 = arith.constant 55 : i32
        %get3A_916 = arith.index_cast %get3A_915 : i32 to index
        %get3A_917 = arith.index_cast %mul3A_914 : i32 to index
        %get3A_918 = tpu.vector_load %arg6[%get3A_916, %get3A_917] {strides = array<i32>} : memref<64x512xf32, #tpu.memory_space<vmem>>, vector<1x16xf32>,
        %get3A_919 = vector.shape_cast %get3A_918 : vector<1x16xf32> to vector<16xf32>
        %mul3A_920 = arith.mulf %get3A_253, %get3A_919 : vector<16xf32>
        %swap3A_921 = arith.constant 880 : index
        %swap3A_922 = tpu.vector_load %arg10[%swap3A_921] {strides = array<i32>} : memref<1024xf32, #tpu.memory_space<vmem>>, vector<16xf32>,
        %swap3A_923 = vector.shape_cast %swap3A_922 : vector<16xf32> to vector<16xf32>
        %swap3A_924 = vector.shape_cast %mul3A_920 : vector<16xf32> to vector<16xf32>
        tpu.vector_store %arg10[%swap3A_921], %swap3A_924 {add = true, strides = array<i32>} : memref<1024xf32, #tpu.memory_space<vmem>>, vector<16xf32>,
        %mul3A_925 = arith.constant 16 : i32
        %mul3A_926 = arith.muli %scan3A_247, %mul3A_925 : i32
        %get3A_927 = arith.constant 56 : i32
        %get3A_928 = arith.index_cast %get3A_927 : i32 to index
        %get3A_929 = arith.index_cast %mul3A_926 : i32 to index
        %get3A_930 = tpu.vector_load %arg6[%get3A_928, %get3A_929] {strides = array<i32>} : memref<64x512xf32, #tpu.memory_space<vmem>>, vector<1x16xf32>,
        %get3A_931 = vector.shape_cast %get3A_930 : vector<1x16xf32> to vector<16xf32>
        %mul3A_932 = arith.mulf %get3A_253, %get3A_931 : vector<16xf32>
        %swap3A_933 = arith.constant 896 : index
        %swap3A_934 = tpu.vector_load %arg10[%swap3A_933] {strides = array<i32>} : memref<1024xf32, #tpu.memory_space<vmem>>, vector<16xf32>,
        %swap3A_935 = vector.shape_cast %swap3A_934 : vector<16xf32> to vector<16xf32>
        %swap3A_936 = vector.shape_cast %mul3A_932 : vector<16xf32> to vector<16xf32>
        tpu.vector_store %arg10[%swap3A_933], %swap3A_936 {add = true, strides = array<i32>} : memref<1024xf32, #tpu.memory_space<vmem>>, vector<16xf32>,
        %mul3A_937 = arith.constant 16 : i32
        %mul3A_938 = arith.muli %scan3A_247, %mul3A_937 : i32
        %get3A_939 = arith.constant 57 : i32
        %get3A_940 = arith.index_cast %get3A_939 : i32 to index
        %get3A_941 = arith.index_cast %mul3A_938 : i32 to index
        %get3A_942 = tpu.vector_load %arg6[%get3A_940, %get3A_941] {strides = array<i32>} : memref<64x512xf32, #tpu.memory_space<vmem>>, vector<1x16xf32>,
        %get3A_943 = vector.shape_cast %get3A_942 : vector<1x16xf32> to vector<16xf32>
        %mul3A_944 = arith.mulf %get3A_253, %get3A_943 : vector<16xf32>
        %swap3A_945 = arith.constant 912 : index
        %swap3A_946 = tpu.vector_load %arg10[%swap3A_945] {strides = array<i32>} : memref<1024xf32, #tpu.memory_space<vmem>>, vector<16xf32>,
        %swap3A_947 = vector.shape_cast %swap3A_946 : vector<16xf32> to vector<16xf32>
        %swap3A_948 = vector.shape_cast %mul3A_944 : vector<16xf32> to vector<16xf32>
        tpu.vector_store %arg10[%swap3A_945], %swap3A_948 {add = true, strides = array<i32>} : memref<1024xf32, #tpu.memory_space<vmem>>, vector<16xf32>,
        %mul3A_949 = arith.constant 16 : i32
        %mul3A_950 = arith.muli %scan3A_247, %mul3A_949 : i32
        %get3A_951 = arith.constant 58 : i32
        %get3A_952 = arith.index_cast %get3A_951 : i32 to index
        %get3A_953 = arith.index_cast %mul3A_950 : i32 to index
        %get3A_954 = tpu.vector_load %arg6[%get3A_952, %get3A_953] {strides = array<i32>} : memref<64x512xf32, #tpu.memory_space<vmem>>, vector<1x16xf32>,
        %get3A_955 = vector.shape_cast %get3A_954 : vector<1x16xf32> to vector<16xf32>
        %mul3A_956 = arith.mulf %get3A_253, %get3A_955 : vector<16xf32>
        %swap3A_957 = arith.constant 928 : index
        %swap3A_958 = tpu.vector_load %arg10[%swap3A_957] {strides = array<i32>} : memref<1024xf32, #tpu.memory_space<vmem>>, vector<16xf32>,
        %swap3A_959 = vector.shape_cast %swap3A_958 : vector<16xf32> to vector<16xf32>
        %swap3A_960 = vector.shape_cast %mul3A_956 : vector<16xf32> to vector<16xf32>
        tpu.vector_store %arg10[%swap3A_957], %swap3A_960 {add = true, strides = array<i32>} : memref<1024xf32, #tpu.memory_space<vmem>>, vector<16xf32>,
        %mul3A_961 = arith.constant 16 : i32
        %mul3A_962 = arith.muli %scan3A_247, %mul3A_961 : i32
        %get3A_963 = arith.constant 59 : i32
        %get3A_964 = arith.index_cast %get3A_963 : i32 to index
        %get3A_965 = arith.index_cast %mul3A_962 : i32 to index
        %get3A_966 = tpu.vector_load %arg6[%get3A_964, %get3A_965] {strides = array<i32>} : memref<64x512xf32, #tpu.memory_space<vmem>>, vector<1x16xf32>,
        %get3A_967 = vector.shape_cast %get3A_966 : vector<1x16xf32> to vector<16xf32>
        %mul3A_968 = arith.mulf %get3A_253, %get3A_967 : vector<16xf32>
        %swap3A_969 = arith.constant 944 : index
        %swap3A_970 = tpu.vector_load %arg10[%swap3A_969] {strides = array<i32>} : memref<1024xf32, #tpu.memory_space<vmem>>, vector<16xf32>,
        %swap3A_971 = vector.shape_cast %swap3A_970 : vector<16xf32> to vector<16xf32>
        %swap3A_972 = vector.shape_cast %mul3A_968 : vector<16xf32> to vector<16xf32>
        tpu.vector_store %arg10[%swap3A_969], %swap3A_972 {add = true, strides = array<i32>} : memref<1024xf32, #tpu.memory_space<vmem>>, vector<16xf32>,
        %mul3A_973 = arith.constant 16 : i32
        %mul3A_974 = arith.muli %scan3A_247, %mul3A_973 : i32
        %get3A_975 = arith.constant 60 : i32
        %get3A_976 = arith.index_cast %get3A_975 : i32 to index
        %get3A_977 = arith.index_cast %mul3A_974 : i32 to index
        %get3A_978 = tpu.vector_load %arg6[%get3A_976, %get3A_977] {strides = array<i32>} : memref<64x512xf32, #tpu.memory_space<vmem>>, vector<1x16xf32>,
        %get3A_979 = vector.shape_cast %get3A_978 : vector<1x16xf32> to vector<16xf32>
        %mul3A_980 = arith.mulf %get3A_253, %get3A_979 : vector<16xf32>
        %swap3A_981 = arith.constant 960 : index
        %swap3A_982 = tpu.vector_load %arg10[%swap3A_981] {strides = array<i32>} : memref<1024xf32, #tpu.memory_space<vmem>>, vector<16xf32>,
        %swap3A_983 = vector.shape_cast %swap3A_982 : vector<16xf32> to vector<16xf32>
        %swap3A_984 = vector.shape_cast %mul3A_980 : vector<16xf32> to vector<16xf32>
        tpu.vector_store %arg10[%swap3A_981], %swap3A_984 {add = true, strides = array<i32>} : memref<1024xf32, #tpu.memory_space<vmem>>, vector<16xf32>,
        %mul3A_985 = arith.constant 16 : i32
        %mul3A_986 = arith.muli %scan3A_247, %mul3A_985 : i32
        %get3A_987 = arith.constant 61 : i32
        %get3A_988 = arith.index_cast %get3A_987 : i32 to index
        %get3A_989 = arith.index_cast %mul3A_986 : i32 to index
        %get3A_990 = tpu.vector_load %arg6[%get3A_988, %get3A_989] {strides = array<i32>} : memref<64x512xf32, #tpu.memory_space<vmem>>, vector<1x16xf32>,
        %get3A_991 = vector.shape_cast %get3A_990 : vector<1x16xf32> to vector<16xf32>
        %mul3A_992 = arith.mulf %get3A_253, %get3A_991 : vector<16xf32>
        %swap3A_993 = arith.constant 976 : index
        %swap3A_994 = tpu.vector_load %arg10[%swap3A_993] {strides = array<i32>} : memref<1024xf32, #tpu.memory_space<vmem>>, vector<16xf32>,
        %swap3A_995 = vector.shape_cast %swap3A_994 : vector<16xf32> to vector<16xf32>
        %swap3A_996 = vector.shape_cast %mul3A_992 : vector<16xf32> to vector<16xf32>
        tpu.vector_store %arg10[%swap3A_993], %swap3A_996 {add = true, strides = array<i32>} : memref<1024xf32, #tpu.memory_space<vmem>>, vector<16xf32>,
        %mul3A_997 = arith.constant 16 : i32
        %mul3A_998 = arith.muli %scan3A_247, %mul3A_997 : i32
        %get3A_999 = arith.constant 62 : i32
        %get3A_1000 = arith.index_cast %get3A_999 : i32 to index
        %get3A_1001 = arith.index_cast %mul3A_998 : i32 to index
        %get3A_1002 = tpu.vector_load %arg6[%get3A_1000, %get3A_1001] {strides = array<i32>} : memref<64x512xf32, #tpu.memory_space<vmem>>, vector<1x16xf32>,
        %get3A_1003 = vector.shape_cast %get3A_1002 : vector<1x16xf32> to vector<16xf32>
        %mul3A_1004 = arith.mulf %get3A_253, %get3A_1003 : vector<16xf32>
        %swap3A_1005 = arith.constant 992 : index
        %swap3A_1006 = tpu.vector_load %arg10[%swap3A_1005] {strides = array<i32>} : memref<1024xf32, #tpu.memory_space<vmem>>, vector<16xf32>,
        %swap3A_1007 = vector.shape_cast %swap3A_1006 : vector<16xf32> to vector<16xf32>
        %swap3A_1008 = vector.shape_cast %mul3A_1004 : vector<16xf32> to vector<16xf32>
        tpu.vector_store %arg10[%swap3A_1005], %swap3A_1008 {add = true, strides = array<i32>} : memref<1024xf32, #tpu.memory_space<vmem>>, vector<16xf32>,
        %mul3A_1009 = arith.constant 16 : i32
        %mul3A_1010 = arith.muli %scan3A_247, %mul3A_1009 : i32
        %get3A_1011 = arith.constant 63 : i32
        %get3A_1012 = arith.index_cast %get3A_1011 : i32 to index
        %get3A_1013 = arith.index_cast %mul3A_1010 : i32 to index
        %get3A_1014 = tpu.vector_load %arg6[%get3A_1012, %get3A_1013] {strides = array<i32>} : memref<64x512xf32, #tpu.memory_space<vmem>>, vector<1x16xf32>,
        %get3A_1015 = vector.shape_cast %get3A_1014 : vector<1x16xf32> to vector<16xf32>
        %mul3A_1016 = arith.mulf %get3A_253, %get3A_1015 : vector<16xf32>
        %swap3A_1017 = arith.constant 1008 : index
        %swap3A_1018 = tpu.vector_load %arg10[%swap3A_1017] {strides = array<i32>} : memref<1024xf32, #tpu.memory_space<vmem>>, vector<16xf32>,
        %swap3A_1019 = vector.shape_cast %swap3A_1018 : vector<16xf32> to vector<16xf32>
        %swap3A_1020 = vector.shape_cast %mul3A_1016 : vector<16xf32> to vector<16xf32>
        tpu.vector_store %arg10[%swap3A_1017], %swap3A_1020 {add = true, strides = array<i32>} : memref<1024xf32, #tpu.memory_space<vmem>>, vector<16xf32>,
      }
      %scan3A_177 = arith.constant 32 : i32
      %add3A_178 = arith.constant 2 : i32
      %add3A_179 = arith.addi %mul3A_123, %add3A_178 : i32
      %lt3A_180 = arith.cmpi slt, %add3A_179, %mul3A_59 : i32
      %convert_element_type3A = arith.extui %lt3A_180 : i1 to i32
      %cond3A = arith.constant 0 : i32
      %cond3A_181 = arith.cmpi ne, %convert_element_type3A, %cond3A : i32
      scf.if %cond3A_181 {
        %add3A_247 = arith.constant 2 : i32
        %add3A_248 = arith.addi %mul3A_123, %add3A_247 : i32
        %jit3A_249 = arith.constant 2 : i32
        %div3A_250 = arith.divsi %add3A_248, %jit3A_249 : i32
        %sign3A_251 = arith.constant 0 : i32
        %sign3A_252 = arith.cmpi sgt, %add3A_248, %sign3A_251 : i32
        %sign3A_253 = arith.extui %sign3A_252 : i1 to i32
        %sign3A_254 = arith.constant 0 : i32
        %sign3A_255 = arith.cmpi slt, %add3A_248, %sign3A_254 : i32
        %sign3A_256 = arith.extui %sign3A_255 : i1 to i32
        %sign3A_257 = arith.subi %sign3A_253, %sign3A_256 : i32
        %sign3A_258 = arith.constant 0 : i32
        %sign3A_259 = arith.cmpi sgt, %jit3A_249, %sign3A_258 : i32
        %sign3A_260 = arith.extui %sign3A_259 : i1 to i32
        %sign3A_261 = arith.constant 0 : i32
        %sign3A_262 = arith.cmpi slt, %jit3A_249, %sign3A_261 : i32
        %sign3A_263 = arith.extui %sign3A_262 : i1 to i32
        %sign3A_264 = arith.subi %sign3A_260, %sign3A_263 : i32
        %ne3A_265 = arith.cmpi ne, %sign3A_257, %sign3A_264 : i32
        %rem3A_266 = arith.remsi %add3A_248, %jit3A_249 : i32
        %ne3A_267 = arith.constant 0 : i32
        %ne3A_268 = arith.cmpi ne, %rem3A_266, %ne3A_267 : i32
        %and3A_269 = arith.andi %ne3A_265, %ne3A_268 : i1
        %sub3A_270 = arith.constant 1 : i32
        %sub3A_271 = arith.subi %div3A_250, %sub3A_270 : i32
        %select_n3A_272 = arith.select %and3A_269, %sub3A_271, %div3A_250 : i32
        %mul3A_273 = arith.constant 32 : i32
        %mul3A_274 = arith.muli %select_n3A_272, %mul3A_273 : i32
        %add3A_275 = arith.addi %add3A, %mul3A_274 : i32
        %mul3A_276 = arith.constant 1024 : i32
        %mul3A_277 = arith.muli %add3A_275, %mul3A_276 : i32
        %add3A_278 = arith.constant 896000 : i32
        %add3A_279 = arith.addi %add3A_278, %mul3A_277 : i32
        %jit3A_280 = arith.constant 2 : i32
        %eq3A_281 = arith.constant 0 : i32
        %eq3A_282 = arith.cmpi eq, %jit3A_280, %eq3A_281 : i32
        %jit3A_283 = arith.constant 1 : i32
        %select_n3A_284 = arith.select %eq3A_282, %jit3A_283, %jit3A_280 : i32
        %rem3A_285 = arith.remsi %add3A_248, %select_n3A_284 : i32
        %ne3A_286 = arith.constant 0 : i32
        %ne3A_287 = arith.cmpi ne, %rem3A_285, %ne3A_286 : i32
        %lt3A_288 = arith.constant 0 : i32
        %lt3A_289 = arith.cmpi slt, %rem3A_285, %lt3A_288 : i32
        %lt3A_290 = arith.constant 0 : i32
        %lt3A_291 = arith.cmpi slt, %select_n3A_284, %lt3A_290 : i32
        %ne3A_292 = arith.xori %lt3A_289, %lt3A_291 : i1
        %and3A_293 = arith.andi %ne3A_292, %ne3A_287 : i1
        %add3A_294 = arith.addi %rem3A_285, %select_n3A_284 : i32
        %select_n3A_295 = arith.select %and3A_293, %add3A_294, %rem3A_285 : i32
        %mul3A_296 = arith.constant 512 : i32
        %mul3A_297 = arith.muli %select_n3A_295, %mul3A_296 : i32
        %add3A_298 = arith.addi %add3A_279, %mul3A_297 : i32
        %dma_start3A_299 = arith.constant 0 : i32
        %dma_start3A_300 = tpu.memref_slice %arg4[%dma_start3A_299, %add3A_298] : memref<64x1000000xf32, #tpu.memory_space<hbm>> -> memref<64x512xf32, #tpu.memory_space<hbm>>
        %dma_start3A_301 = arith.constant 0 : i32
        %dma_start3A_302 = tpu.memref_slice %arg4[%dma_start3A_301, %add3A_298] : memref<64x1000000xf32, #tpu.memory_space<hbm>> -> memref<64x512xf32, #tpu.memory_space<hbm>>
        tpu.enqueue_dma source(%dma_start3A_302 : memref<64x512xf32, #tpu.memory_space<hbm>>) target(%arg6 : memref<64x512xf32, #tpu.memory_space<vmem>>) target_semaphore(%arg11 : memref<!tpu.dma_semaphore, #tpu.memory_space<semaphore_mem>>)
      } else {
      }
      %dma_wait3A_182 = arith.constant 0 : i32
      %dma_wait3A_183 = arith.constant 0 : i32
      %dma_wait3A_184 = tpu.memref_slice %arg4[%dma_wait3A_182, %dma_wait3A_183] : memref<64x1000000xf32, #tpu.memory_space<hbm>> -> memref<64x512xf32, #tpu.memory_space<hbm>>
      %dma_wait3A_185 = arith.constant 0 : i32
      %dma_wait3A_186 = arith.constant 0 : i32
      %dma_wait3A_187 = tpu.memref_slice %arg4[%dma_wait3A_185, %dma_wait3A_186] : memref<64x1000000xf32, #tpu.memory_space<hbm>> -> memref<64x512xf32, #tpu.memory_space<hbm>>
      tpu.wait_dma2 semaphore(%arg12 : memref<!tpu.dma_semaphore, #tpu.memory_space<semaphore_mem>>) src(%dma_wait3A_187 : memref<64x512xf32, #tpu.memory_space<hbm>>) dst(%arg7 : memref<64x512xf32, #tpu.memory_space<vmem>>)
      %add3A_188 = arith.constant 1 : i32
      %add3A_189 = arith.addi %mul3A_123, %add3A_188 : i32
      %jit3A_190 = arith.constant 2 : i32
      %div3A_191 = arith.divsi %add3A_189, %jit3A_190 : i32
      %sign3A_192 = arith.constant 0 : i32
      %sign3A_193 = arith.cmpi sgt, %add3A_189, %sign3A_192 : i32
      %sign3A_194 = arith.extui %sign3A_193 : i1 to i32
      %sign3A_195 = arith.constant 0 : i32
      %sign3A_196 = arith.cmpi slt, %add3A_189, %sign3A_195 : i32
      %sign3A_197 = arith.extui %sign3A_196 : i1 to i32
      %sign3A_198 = arith.subi %sign3A_194, %sign3A_197 : i32
      %sign3A_199 = arith.constant 0 : i32
      %sign3A_200 = arith.cmpi sgt, %jit3A_190, %sign3A_199 : i32
      %sign3A_201 = arith.extui %sign3A_200 : i1 to i32
      %sign3A_202 = arith.constant 0 : i32
      %sign3A_203 = arith.cmpi slt, %jit3A_190, %sign3A_202 : i32
      %sign3A_204 = arith.extui %sign3A_203 : i1 to i32
      %sign3A_205 = arith.subi %sign3A_201, %sign3A_204 : i32
      %ne3A_206 = arith.cmpi ne, %sign3A_198, %sign3A_205 : i32
      %rem3A_207 = arith.remsi %add3A_189, %jit3A_190 : i32
      %ne3A_208 = arith.constant 0 : i32
      %ne3A_209 = arith.cmpi ne, %rem3A_207, %ne3A_208 : i32
      %and3A_210 = arith.andi %ne3A_206, %ne3A_209 : i1
      %sub3A_211 = arith.constant 1 : i32
      %sub3A_212 = arith.subi %div3A_191, %sub3A_211 : i32
      %select_n3A_213 = arith.select %and3A_210, %sub3A_212, %div3A_191 : i32
      %mul3A_214 = arith.constant 1024 : i32
      %mul3A_215 = arith.muli %select_n3A_213, %mul3A_214 : i32
      %jit3A_216 = arith.constant 2 : i32
      %eq3A_217 = arith.constant 0 : i32
      %eq3A_218 = arith.cmpi eq, %jit3A_216, %eq3A_217 : i32
      %jit3A_219 = arith.constant 1 : i32
      %select_n3A_220 = arith.select %eq3A_218, %jit3A_219, %jit3A_216 : i32
      %rem3A_221 = arith.remsi %add3A_189, %select_n3A_220 : i32
      %ne3A_222 = arith.constant 0 : i32
      %ne3A_223 = arith.cmpi ne, %rem3A_221, %ne3A_222 : i32
      %lt3A_224 = arith.constant 0 : i32
      %lt3A_225 = arith.cmpi slt, %rem3A_221, %lt3A_224 : i32
      %lt3A_226 = arith.constant 0 : i32
      %lt3A_227 = arith.cmpi slt, %select_n3A_220, %lt3A_226 : i32
      %ne3A_228 = arith.xori %lt3A_225, %lt3A_227 : i1
      %and3A_229 = arith.andi %ne3A_228, %ne3A_223 : i1
      %add3A_230 = arith.addi %rem3A_221, %select_n3A_220 : i32
      %select_n3A_231 = arith.select %and3A_229, %add3A_230, %rem3A_221 : i32
      %mul3A_232 = arith.constant 512 : i32
      %mul3A_233 = arith.muli %select_n3A_231, %mul3A_232 : i32
      %add3A_234 = arith.addi %mul3A_215, %mul3A_233 : i32
      %scan3A_235 = arith.constant 0 : i32
      %scan3A_236 = arith.constant 0 : i32
      %scan3A_237 = arith.constant 32 : i32
      %scan3A_238 = arith.addi %scan3A_236, %scan3A_237 : i32
      %scan3A_239 = arith.constant 1 : i32
      scf.for %scan3A_247 = %scan3A_236 to %scan3A_238 step %scan3A_239  : i32 {
        %mul3A_248 = arith.constant 16 : i32
        %mul3A_249 = arith.muli %scan3A_247, %mul3A_248 : i32
        %add3A_250 = arith.addi %add3A_234, %mul3A_249 : i32
        %get3A_251 = arith.index_cast %add3A_250 : i32 to index
        %get3A_252 = tpu.vector_load %arg8[%get3A_251] {strides = array<i32>} : memref<4096xf32, #tpu.memory_space<vmem>>, vector<16xf32>,
        %get3A_253 = vector.shape_cast %get3A_252 : vector<16xf32> to vector<16xf32>
        %mul3A_254 = arith.constant 16 : i32
        %mul3A_255 = arith.muli %scan3A_247, %mul3A_254 : i32
        %get3A_256 = arith.constant 0 : i32
        %get3A_257 = arith.index_cast %get3A_256 : i32 to index
        %get3A_258 = arith.index_cast %mul3A_255 : i32 to index
        %get3A_259 = tpu.vector_load %arg7[%get3A_257, %get3A_258] {strides = array<i32>} : memref<64x512xf32, #tpu.memory_space<vmem>>, vector<1x16xf32>,
        %get3A_260 = vector.shape_cast %get3A_259 : vector<1x16xf32> to vector<16xf32>
        %mul3A_261 = arith.mulf %get3A_253, %get3A_260 : vector<16xf32>
        %swap3A = arith.constant 0 : index
        %swap3A_262 = tpu.vector_load %arg10[%swap3A] {strides = array<i32>} : memref<1024xf32, #tpu.memory_space<vmem>>, vector<16xf32>,
        %swap3A_263 = vector.shape_cast %swap3A_262 : vector<16xf32> to vector<16xf32>
        %swap3A_264 = vector.shape_cast %mul3A_261 : vector<16xf32> to vector<16xf32>
        tpu.vector_store %arg10[%swap3A], %swap3A_264 {add = true, strides = array<i32>} : memref<1024xf32, #tpu.memory_space<vmem>>, vector<16xf32>,
        %mul3A_265 = arith.constant 16 : i32
        %mul3A_266 = arith.muli %scan3A_247, %mul3A_265 : i32
        %get3A_267 = arith.constant 1 : i32
        %get3A_268 = arith.index_cast %get3A_267 : i32 to index
        %get3A_269 = arith.index_cast %mul3A_266 : i32 to index
        %get3A_270 = tpu.vector_load %arg7[%get3A_268, %get3A_269] {strides = array<i32>} : memref<64x512xf32, #tpu.memory_space<vmem>>, vector<1x16xf32>,
        %get3A_271 = vector.shape_cast %get3A_270 : vector<1x16xf32> to vector<16xf32>
        %mul3A_272 = arith.mulf %get3A_253, %get3A_271 : vector<16xf32>
        %swap3A_273 = arith.constant 16 : index
        %swap3A_274 = tpu.vector_load %arg10[%swap3A_273] {strides = array<i32>} : memref<1024xf32, #tpu.memory_space<vmem>>, vector<16xf32>,
        %swap3A_275 = vector.shape_cast %swap3A_274 : vector<16xf32> to vector<16xf32>
        %swap3A_276 = vector.shape_cast %mul3A_272 : vector<16xf32> to vector<16xf32>
        tpu.vector_store %arg10[%swap3A_273], %swap3A_276 {add = true, strides = array<i32>} : memref<1024xf32, #tpu.memory_space<vmem>>, vector<16xf32>,
        %mul3A_277 = arith.constant 16 : i32
        %mul3A_278 = arith.muli %scan3A_247, %mul3A_277 : i32
        %get3A_279 = arith.constant 2 : i32
        %get3A_280 = arith.index_cast %get3A_279 : i32 to index
        %get3A_281 = arith.index_cast %mul3A_278 : i32 to index
        %get3A_282 = tpu.vector_load %arg7[%get3A_280, %get3A_281] {strides = array<i32>} : memref<64x512xf32, #tpu.memory_space<vmem>>, vector<1x16xf32>,
        %get3A_283 = vector.shape_cast %get3A_282 : vector<1x16xf32> to vector<16xf32>
        %mul3A_284 = arith.mulf %get3A_253, %get3A_283 : vector<16xf32>
        %swap3A_285 = arith.constant 32 : index
        %swap3A_286 = tpu.vector_load %arg10[%swap3A_285] {strides = array<i32>} : memref<1024xf32, #tpu.memory_space<vmem>>, vector<16xf32>,
        %swap3A_287 = vector.shape_cast %swap3A_286 : vector<16xf32> to vector<16xf32>
        %swap3A_288 = vector.shape_cast %mul3A_284 : vector<16xf32> to vector<16xf32>
        tpu.vector_store %arg10[%swap3A_285], %swap3A_288 {add = true, strides = array<i32>} : memref<1024xf32, #tpu.memory_space<vmem>>, vector<16xf32>,
        %mul3A_289 = arith.constant 16 : i32
        %mul3A_290 = arith.muli %scan3A_247, %mul3A_289 : i32
        %get3A_291 = arith.constant 3 : i32
        %get3A_292 = arith.index_cast %get3A_291 : i32 to index
        %get3A_293 = arith.index_cast %mul3A_290 : i32 to index
        %get3A_294 = tpu.vector_load %arg7[%get3A_292, %get3A_293] {strides = array<i32>} : memref<64x512xf32, #tpu.memory_space<vmem>>, vector<1x16xf32>,
        %get3A_295 = vector.shape_cast %get3A_294 : vector<1x16xf32> to vector<16xf32>
        %mul3A_296 = arith.mulf %get3A_253, %get3A_295 : vector<16xf32>
        %swap3A_297 = arith.constant 48 : index
        %swap3A_298 = tpu.vector_load %arg10[%swap3A_297] {strides = array<i32>} : memref<1024xf32, #tpu.memory_space<vmem>>, vector<16xf32>,
        %swap3A_299 = vector.shape_cast %swap3A_298 : vector<16xf32> to vector<16xf32>
        %swap3A_300 = vector.shape_cast %mul3A_296 : vector<16xf32> to vector<16xf32>
        tpu.vector_store %arg10[%swap3A_297], %swap3A_300 {add = true, strides = array<i32>} : memref<1024xf32, #tpu.memory_space<vmem>>, vector<16xf32>,
        %mul3A_301 = arith.constant 16 : i32
        %mul3A_302 = arith.muli %scan3A_247, %mul3A_301 : i32
        %get3A_303 = arith.constant 4 : i32
        %get3A_304 = arith.index_cast %get3A_303 : i32 to index
        %get3A_305 = arith.index_cast %mul3A_302 : i32 to index
        %get3A_306 = tpu.vector_load %arg7[%get3A_304, %get3A_305] {strides = array<i32>} : memref<64x512xf32, #tpu.memory_space<vmem>>, vector<1x16xf32>,
        %get3A_307 = vector.shape_cast %get3A_306 : vector<1x16xf32> to vector<16xf32>
        %mul3A_308 = arith.mulf %get3A_253, %get3A_307 : vector<16xf32>
        %swap3A_309 = arith.constant 64 : index
        %swap3A_310 = tpu.vector_load %arg10[%swap3A_309] {strides = array<i32>} : memref<1024xf32, #tpu.memory_space<vmem>>, vector<16xf32>,
        %swap3A_311 = vector.shape_cast %swap3A_310 : vector<16xf32> to vector<16xf32>
        %swap3A_312 = vector.shape_cast %mul3A_308 : vector<16xf32> to vector<16xf32>
        tpu.vector_store %arg10[%swap3A_309], %swap3A_312 {add = true, strides = array<i32>} : memref<1024xf32, #tpu.memory_space<vmem>>, vector<16xf32>,
        %mul3A_313 = arith.constant 16 : i32
        %mul3A_314 = arith.muli %scan3A_247, %mul3A_313 : i32
        %get3A_315 = arith.constant 5 : i32
        %get3A_316 = arith.index_cast %get3A_315 : i32 to index
        %get3A_317 = arith.index_cast %mul3A_314 : i32 to index
        %get3A_318 = tpu.vector_load %arg7[%get3A_316, %get3A_317] {strides = array<i32>} : memref<64x512xf32, #tpu.memory_space<vmem>>, vector<1x16xf32>,
        %get3A_319 = vector.shape_cast %get3A_318 : vector<1x16xf32> to vector<16xf32>
        %mul3A_320 = arith.mulf %get3A_253, %get3A_319 : vector<16xf32>
        %swap3A_321 = arith.constant 80 : index
        %swap3A_322 = tpu.vector_load %arg10[%swap3A_321] {strides = array<i32>} : memref<1024xf32, #tpu.memory_space<vmem>>, vector<16xf32>,
        %swap3A_323 = vector.shape_cast %swap3A_322 : vector<16xf32> to vector<16xf32>
        %swap3A_324 = vector.shape_cast %mul3A_320 : vector<16xf32> to vector<16xf32>
        tpu.vector_store %arg10[%swap3A_321], %swap3A_324 {add = true, strides = array<i32>} : memref<1024xf32, #tpu.memory_space<vmem>>, vector<16xf32>,
        %mul3A_325 = arith.constant 16 : i32
        %mul3A_326 = arith.muli %scan3A_247, %mul3A_325 : i32
        %get3A_327 = arith.constant 6 : i32
        %get3A_328 = arith.index_cast %get3A_327 : i32 to index
        %get3A_329 = arith.index_cast %mul3A_326 : i32 to index
        %get3A_330 = tpu.vector_load %arg7[%get3A_328, %get3A_329] {strides = array<i32>} : memref<64x512xf32, #tpu.memory_space<vmem>>, vector<1x16xf32>,
        %get3A_331 = vector.shape_cast %get3A_330 : vector<1x16xf32> to vector<16xf32>
        %mul3A_332 = arith.mulf %get3A_253, %get3A_331 : vector<16xf32>
        %swap3A_333 = arith.constant 96 : index
        %swap3A_334 = tpu.vector_load %arg10[%swap3A_333] {strides = array<i32>} : memref<1024xf32, #tpu.memory_space<vmem>>, vector<16xf32>,
        %swap3A_335 = vector.shape_cast %swap3A_334 : vector<16xf32> to vector<16xf32>
        %swap3A_336 = vector.shape_cast %mul3A_332 : vector<16xf32> to vector<16xf32>
        tpu.vector_store %arg10[%swap3A_333], %swap3A_336 {add = true, strides = array<i32>} : memref<1024xf32, #tpu.memory_space<vmem>>, vector<16xf32>,
        %mul3A_337 = arith.constant 16 : i32
        %mul3A_338 = arith.muli %scan3A_247, %mul3A_337 : i32
        %get3A_339 = arith.constant 7 : i32
        %get3A_340 = arith.index_cast %get3A_339 : i32 to index
        %get3A_341 = arith.index_cast %mul3A_338 : i32 to index
        %get3A_342 = tpu.vector_load %arg7[%get3A_340, %get3A_341] {strides = array<i32>} : memref<64x512xf32, #tpu.memory_space<vmem>>, vector<1x16xf32>,
        %get3A_343 = vector.shape_cast %get3A_342 : vector<1x16xf32> to vector<16xf32>
        %mul3A_344 = arith.mulf %get3A_253, %get3A_343 : vector<16xf32>
        %swap3A_345 = arith.constant 112 : index
        %swap3A_346 = tpu.vector_load %arg10[%swap3A_345] {strides = array<i32>} : memref<1024xf32, #tpu.memory_space<vmem>>, vector<16xf32>,
        %swap3A_347 = vector.shape_cast %swap3A_346 : vector<16xf32> to vector<16xf32>
        %swap3A_348 = vector.shape_cast %mul3A_344 : vector<16xf32> to vector<16xf32>
        tpu.vector_store %arg10[%swap3A_345], %swap3A_348 {add = true, strides = array<i32>} : memref<1024xf32, #tpu.memory_space<vmem>>, vector<16xf32>,
        %mul3A_349 = arith.constant 16 : i32
        %mul3A_350 = arith.muli %scan3A_247, %mul3A_349 : i32
        %get3A_351 = arith.constant 8 : i32
        %get3A_352 = arith.index_cast %get3A_351 : i32 to index
        %get3A_353 = arith.index_cast %mul3A_350 : i32 to index
        %get3A_354 = tpu.vector_load %arg7[%get3A_352, %get3A_353] {strides = array<i32>} : memref<64x512xf32, #tpu.memory_space<vmem>>, vector<1x16xf32>,
        %get3A_355 = vector.shape_cast %get3A_354 : vector<1x16xf32> to vector<16xf32>
        %mul3A_356 = arith.mulf %get3A_253, %get3A_355 : vector<16xf32>
        %swap3A_357 = arith.constant 128 : index
        %swap3A_358 = tpu.vector_load %arg10[%swap3A_357] {strides = array<i32>} : memref<1024xf32, #tpu.memory_space<vmem>>, vector<16xf32>,
        %swap3A_359 = vector.shape_cast %swap3A_358 : vector<16xf32> to vector<16xf32>
        %swap3A_360 = vector.shape_cast %mul3A_356 : vector<16xf32> to vector<16xf32>
        tpu.vector_store %arg10[%swap3A_357], %swap3A_360 {add = true, strides = array<i32>} : memref<1024xf32, #tpu.memory_space<vmem>>, vector<16xf32>,
        %mul3A_361 = arith.constant 16 : i32
        %mul3A_362 = arith.muli %scan3A_247, %mul3A_361 : i32
        %get3A_363 = arith.constant 9 : i32
        %get3A_364 = arith.index_cast %get3A_363 : i32 to index
        %get3A_365 = arith.index_cast %mul3A_362 : i32 to index
        %get3A_366 = tpu.vector_load %arg7[%get3A_364, %get3A_365] {strides = array<i32>} : memref<64x512xf32, #tpu.memory_space<vmem>>, vector<1x16xf32>,
        %get3A_367 = vector.shape_cast %get3A_366 : vector<1x16xf32> to vector<16xf32>
        %mul3A_368 = arith.mulf %get3A_253, %get3A_367 : vector<16xf32>
        %swap3A_369 = arith.constant 144 : index
        %swap3A_370 = tpu.vector_load %arg10[%swap3A_369] {strides = array<i32>} : memref<1024xf32, #tpu.memory_space<vmem>>, vector<16xf32>,
        %swap3A_371 = vector.shape_cast %swap3A_370 : vector<16xf32> to vector<16xf32>
        %swap3A_372 = vector.shape_cast %mul3A_368 : vector<16xf32> to vector<16xf32>
        tpu.vector_store %arg10[%swap3A_369], %swap3A_372 {add = true, strides = array<i32>} : memref<1024xf32, #tpu.memory_space<vmem>>, vector<16xf32>,
        %mul3A_373 = arith.constant 16 : i32
        %mul3A_374 = arith.muli %scan3A_247, %mul3A_373 : i32
        %get3A_375 = arith.constant 10 : i32
        %get3A_376 = arith.index_cast %get3A_375 : i32 to index
        %get3A_377 = arith.index_cast %mul3A_374 : i32 to index
        %get3A_378 = tpu.vector_load %arg7[%get3A_376, %get3A_377] {strides = array<i32>} : memref<64x512xf32, #tpu.memory_space<vmem>>, vector<1x16xf32>,
        %get3A_379 = vector.shape_cast %get3A_378 : vector<1x16xf32> to vector<16xf32>
        %mul3A_380 = arith.mulf %get3A_253, %get3A_379 : vector<16xf32>
        %swap3A_381 = arith.constant 160 : index
        %swap3A_382 = tpu.vector_load %arg10[%swap3A_381] {strides = array<i32>} : memref<1024xf32, #tpu.memory_space<vmem>>, vector<16xf32>,
        %swap3A_383 = vector.shape_cast %swap3A_382 : vector<16xf32> to vector<16xf32>
        %swap3A_384 = vector.shape_cast %mul3A_380 : vector<16xf32> to vector<16xf32>
        tpu.vector_store %arg10[%swap3A_381], %swap3A_384 {add = true, strides = array<i32>} : memref<1024xf32, #tpu.memory_space<vmem>>, vector<16xf32>,
        %mul3A_385 = arith.constant 16 : i32
        %mul3A_386 = arith.muli %scan3A_247, %mul3A_385 : i32
        %get3A_387 = arith.constant 11 : i32
        %get3A_388 = arith.index_cast %get3A_387 : i32 to index
        %get3A_389 = arith.index_cast %mul3A_386 : i32 to index
        %get3A_390 = tpu.vector_load %arg7[%get3A_388, %get3A_389] {strides = array<i32>} : memref<64x512xf32, #tpu.memory_space<vmem>>, vector<1x16xf32>,
        %get3A_391 = vector.shape_cast %get3A_390 : vector<1x16xf32> to vector<16xf32>
        %mul3A_392 = arith.mulf %get3A_253, %get3A_391 : vector<16xf32>
        %swap3A_393 = arith.constant 176 : index
        %swap3A_394 = tpu.vector_load %arg10[%swap3A_393] {strides = array<i32>} : memref<1024xf32, #tpu.memory_space<vmem>>, vector<16xf32>,
        %swap3A_395 = vector.shape_cast %swap3A_394 : vector<16xf32> to vector<16xf32>
        %swap3A_396 = vector.shape_cast %mul3A_392 : vector<16xf32> to vector<16xf32>
        tpu.vector_store %arg10[%swap3A_393], %swap3A_396 {add = true, strides = array<i32>} : memref<1024xf32, #tpu.memory_space<vmem>>, vector<16xf32>,
        %mul3A_397 = arith.constant 16 : i32
        %mul3A_398 = arith.muli %scan3A_247, %mul3A_397 : i32
        %get3A_399 = arith.constant 12 : i32
        %get3A_400 = arith.index_cast %get3A_399 : i32 to index
        %get3A_401 = arith.index_cast %mul3A_398 : i32 to index
        %get3A_402 = tpu.vector_load %arg7[%get3A_400, %get3A_401] {strides = array<i32>} : memref<64x512xf32, #tpu.memory_space<vmem>>, vector<1x16xf32>,
        %get3A_403 = vector.shape_cast %get3A_402 : vector<1x16xf32> to vector<16xf32>
        %mul3A_404 = arith.mulf %get3A_253, %get3A_403 : vector<16xf32>
        %swap3A_405 = arith.constant 192 : index
        %swap3A_406 = tpu.vector_load %arg10[%swap3A_405] {strides = array<i32>} : memref<1024xf32, #tpu.memory_space<vmem>>, vector<16xf32>,
        %swap3A_407 = vector.shape_cast %swap3A_406 : vector<16xf32> to vector<16xf32>
        %swap3A_408 = vector.shape_cast %mul3A_404 : vector<16xf32> to vector<16xf32>
        tpu.vector_store %arg10[%swap3A_405], %swap3A_408 {add = true, strides = array<i32>} : memref<1024xf32, #tpu.memory_space<vmem>>, vector<16xf32>,
        %mul3A_409 = arith.constant 16 : i32
        %mul3A_410 = arith.muli %scan3A_247, %mul3A_409 : i32
        %get3A_411 = arith.constant 13 : i32
        %get3A_412 = arith.index_cast %get3A_411 : i32 to index
        %get3A_413 = arith.index_cast %mul3A_410 : i32 to index
        %get3A_414 = tpu.vector_load %arg7[%get3A_412, %get3A_413] {strides = array<i32>} : memref<64x512xf32, #tpu.memory_space<vmem>>, vector<1x16xf32>,
        %get3A_415 = vector.shape_cast %get3A_414 : vector<1x16xf32> to vector<16xf32>
        %mul3A_416 = arith.mulf %get3A_253, %get3A_415 : vector<16xf32>
        %swap3A_417 = arith.constant 208 : index
        %swap3A_418 = tpu.vector_load %arg10[%swap3A_417] {strides = array<i32>} : memref<1024xf32, #tpu.memory_space<vmem>>, vector<16xf32>,
        %swap3A_419 = vector.shape_cast %swap3A_418 : vector<16xf32> to vector<16xf32>
        %swap3A_420 = vector.shape_cast %mul3A_416 : vector<16xf32> to vector<16xf32>
        tpu.vector_store %arg10[%swap3A_417], %swap3A_420 {add = true, strides = array<i32>} : memref<1024xf32, #tpu.memory_space<vmem>>, vector<16xf32>,
        %mul3A_421 = arith.constant 16 : i32
        %mul3A_422 = arith.muli %scan3A_247, %mul3A_421 : i32
        %get3A_423 = arith.constant 14 : i32
        %get3A_424 = arith.index_cast %get3A_423 : i32 to index
        %get3A_425 = arith.index_cast %mul3A_422 : i32 to index
        %get3A_426 = tpu.vector_load %arg7[%get3A_424, %get3A_425] {strides = array<i32>} : memref<64x512xf32, #tpu.memory_space<vmem>>, vector<1x16xf32>,
        %get3A_427 = vector.shape_cast %get3A_426 : vector<1x16xf32> to vector<16xf32>
        %mul3A_428 = arith.mulf %get3A_253, %get3A_427 : vector<16xf32>
        %swap3A_429 = arith.constant 224 : index
        %swap3A_430 = tpu.vector_load %arg10[%swap3A_429] {strides = array<i32>} : memref<1024xf32, #tpu.memory_space<vmem>>, vector<16xf32>,
        %swap3A_431 = vector.shape_cast %swap3A_430 : vector<16xf32> to vector<16xf32>
        %swap3A_432 = vector.shape_cast %mul3A_428 : vector<16xf32> to vector<16xf32>
        tpu.vector_store %arg10[%swap3A_429], %swap3A_432 {add = true, strides = array<i32>} : memref<1024xf32, #tpu.memory_space<vmem>>, vector<16xf32>,
        %mul3A_433 = arith.constant 16 : i32
        %mul3A_434 = arith.muli %scan3A_247, %mul3A_433 : i32
        %get3A_435 = arith.constant 15 : i32
        %get3A_436 = arith.index_cast %get3A_435 : i32 to index
        %get3A_437 = arith.index_cast %mul3A_434 : i32 to index
        %get3A_438 = tpu.vector_load %arg7[%get3A_436, %get3A_437] {strides = array<i32>} : memref<64x512xf32, #tpu.memory_space<vmem>>, vector<1x16xf32>,
        %get3A_439 = vector.shape_cast %get3A_438 : vector<1x16xf32> to vector<16xf32>
        %mul3A_440 = arith.mulf %get3A_253, %get3A_439 : vector<16xf32>
        %swap3A_441 = arith.constant 240 : index
        %swap3A_442 = tpu.vector_load %arg10[%swap3A_441] {strides = array<i32>} : memref<1024xf32, #tpu.memory_space<vmem>>, vector<16xf32>,
        %swap3A_443 = vector.shape_cast %swap3A_442 : vector<16xf32> to vector<16xf32>
        %swap3A_444 = vector.shape_cast %mul3A_440 : vector<16xf32> to vector<16xf32>
        tpu.vector_store %arg10[%swap3A_441], %swap3A_444 {add = true, strides = array<i32>} : memref<1024xf32, #tpu.memory_space<vmem>>, vector<16xf32>,
        %mul3A_445 = arith.constant 16 : i32
        %mul3A_446 = arith.muli %scan3A_247, %mul3A_445 : i32
        %get3A_447 = arith.constant 16 : i32
        %get3A_448 = arith.index_cast %get3A_447 : i32 to index
        %get3A_449 = arith.index_cast %mul3A_446 : i32 to index
        %get3A_450 = tpu.vector_load %arg7[%get3A_448, %get3A_449] {strides = array<i32>} : memref<64x512xf32, #tpu.memory_space<vmem>>, vector<1x16xf32>,
        %get3A_451 = vector.shape_cast %get3A_450 : vector<1x16xf32> to vector<16xf32>
        %mul3A_452 = arith.mulf %get3A_253, %get3A_451 : vector<16xf32>
        %swap3A_453 = arith.constant 256 : index
        %swap3A_454 = tpu.vector_load %arg10[%swap3A_453] {strides = array<i32>} : memref<1024xf32, #tpu.memory_space<vmem>>, vector<16xf32>,
        %swap3A_455 = vector.shape_cast %swap3A_454 : vector<16xf32> to vector<16xf32>
        %swap3A_456 = vector.shape_cast %mul3A_452 : vector<16xf32> to vector<16xf32>
        tpu.vector_store %arg10[%swap3A_453], %swap3A_456 {add = true, strides = array<i32>} : memref<1024xf32, #tpu.memory_space<vmem>>, vector<16xf32>,
        %mul3A_457 = arith.constant 16 : i32
        %mul3A_458 = arith.muli %scan3A_247, %mul3A_457 : i32
        %get3A_459 = arith.constant 17 : i32
        %get3A_460 = arith.index_cast %get3A_459 : i32 to index
        %get3A_461 = arith.index_cast %mul3A_458 : i32 to index
        %get3A_462 = tpu.vector_load %arg7[%get3A_460, %get3A_461] {strides = array<i32>} : memref<64x512xf32, #tpu.memory_space<vmem>>, vector<1x16xf32>,
        %get3A_463 = vector.shape_cast %get3A_462 : vector<1x16xf32> to vector<16xf32>
        %mul3A_464 = arith.mulf %get3A_253, %get3A_463 : vector<16xf32>
        %swap3A_465 = arith.constant 272 : index
        %swap3A_466 = tpu.vector_load %arg10[%swap3A_465] {strides = array<i32>} : memref<1024xf32, #tpu.memory_space<vmem>>, vector<16xf32>,
        %swap3A_467 = vector.shape_cast %swap3A_466 : vector<16xf32> to vector<16xf32>
        %swap3A_468 = vector.shape_cast %mul3A_464 : vector<16xf32> to vector<16xf32>
        tpu.vector_store %arg10[%swap3A_465], %swap3A_468 {add = true, strides = array<i32>} : memref<1024xf32, #tpu.memory_space<vmem>>, vector<16xf32>,
        %mul3A_469 = arith.constant 16 : i32
        %mul3A_470 = arith.muli %scan3A_247, %mul3A_469 : i32
        %get3A_471 = arith.constant 18 : i32
        %get3A_472 = arith.index_cast %get3A_471 : i32 to index
        %get3A_473 = arith.index_cast %mul3A_470 : i32 to index
        %get3A_474 = tpu.vector_load %arg7[%get3A_472, %get3A_473] {strides = array<i32>} : memref<64x512xf32, #tpu.memory_space<vmem>>, vector<1x16xf32>,
        %get3A_475 = vector.shape_cast %get3A_474 : vector<1x16xf32> to vector<16xf32>
        %mul3A_476 = arith.mulf %get3A_253, %get3A_475 : vector<16xf32>
        %swap3A_477 = arith.constant 288 : index
        %swap3A_478 = tpu.vector_load %arg10[%swap3A_477] {strides = array<i32>} : memref<1024xf32, #tpu.memory_space<vmem>>, vector<16xf32>,
        %swap3A_479 = vector.shape_cast %swap3A_478 : vector<16xf32> to vector<16xf32>
        %swap3A_480 = vector.shape_cast %mul3A_476 : vector<16xf32> to vector<16xf32>
        tpu.vector_store %arg10[%swap3A_477], %swap3A_480 {add = true, strides = array<i32>} : memref<1024xf32, #tpu.memory_space<vmem>>, vector<16xf32>,
        %mul3A_481 = arith.constant 16 : i32
        %mul3A_482 = arith.muli %scan3A_247, %mul3A_481 : i32
        %get3A_483 = arith.constant 19 : i32
        %get3A_484 = arith.index_cast %get3A_483 : i32 to index
        %get3A_485 = arith.index_cast %mul3A_482 : i32 to index
        %get3A_486 = tpu.vector_load %arg7[%get3A_484, %get3A_485] {strides = array<i32>} : memref<64x512xf32, #tpu.memory_space<vmem>>, vector<1x16xf32>,
        %get3A_487 = vector.shape_cast %get3A_486 : vector<1x16xf32> to vector<16xf32>
        %mul3A_488 = arith.mulf %get3A_253, %get3A_487 : vector<16xf32>
        %swap3A_489 = arith.constant 304 : index
        %swap3A_490 = tpu.vector_load %arg10[%swap3A_489] {strides = array<i32>} : memref<1024xf32, #tpu.memory_space<vmem>>, vector<16xf32>,
        %swap3A_491 = vector.shape_cast %swap3A_490 : vector<16xf32> to vector<16xf32>
        %swap3A_492 = vector.shape_cast %mul3A_488 : vector<16xf32> to vector<16xf32>
        tpu.vector_store %arg10[%swap3A_489], %swap3A_492 {add = true, strides = array<i32>} : memref<1024xf32, #tpu.memory_space<vmem>>, vector<16xf32>,
        %mul3A_493 = arith.constant 16 : i32
        %mul3A_494 = arith.muli %scan3A_247, %mul3A_493 : i32
        %get3A_495 = arith.constant 20 : i32
        %get3A_496 = arith.index_cast %get3A_495 : i32 to index
        %get3A_497 = arith.index_cast %mul3A_494 : i32 to index
        %get3A_498 = tpu.vector_load %arg7[%get3A_496, %get3A_497] {strides = array<i32>} : memref<64x512xf32, #tpu.memory_space<vmem>>, vector<1x16xf32>,
        %get3A_499 = vector.shape_cast %get3A_498 : vector<1x16xf32> to vector<16xf32>
        %mul3A_500 = arith.mulf %get3A_253, %get3A_499 : vector<16xf32>
        %swap3A_501 = arith.constant 320 : index
        %swap3A_502 = tpu.vector_load %arg10[%swap3A_501] {strides = array<i32>} : memref<1024xf32, #tpu.memory_space<vmem>>, vector<16xf32>,
        %swap3A_503 = vector.shape_cast %swap3A_502 : vector<16xf32> to vector<16xf32>
        %swap3A_504 = vector.shape_cast %mul3A_500 : vector<16xf32> to vector<16xf32>
        tpu.vector_store %arg10[%swap3A_501], %swap3A_504 {add = true, strides = array<i32>} : memref<1024xf32, #tpu.memory_space<vmem>>, vector<16xf32>,
        %mul3A_505 = arith.constant 16 : i32
        %mul3A_506 = arith.muli %scan3A_247, %mul3A_505 : i32
        %get3A_507 = arith.constant 21 : i32
        %get3A_508 = arith.index_cast %get3A_507 : i32 to index
        %get3A_509 = arith.index_cast %mul3A_506 : i32 to index
        %get3A_510 = tpu.vector_load %arg7[%get3A_508, %get3A_509] {strides = array<i32>} : memref<64x512xf32, #tpu.memory_space<vmem>>, vector<1x16xf32>,
        %get3A_511 = vector.shape_cast %get3A_510 : vector<1x16xf32> to vector<16xf32>
        %mul3A_512 = arith.mulf %get3A_253, %get3A_511 : vector<16xf32>
        %swap3A_513 = arith.constant 336 : index
        %swap3A_514 = tpu.vector_load %arg10[%swap3A_513] {strides = array<i32>} : memref<1024xf32, #tpu.memory_space<vmem>>, vector<16xf32>,
        %swap3A_515 = vector.shape_cast %swap3A_514 : vector<16xf32> to vector<16xf32>
        %swap3A_516 = vector.shape_cast %mul3A_512 : vector<16xf32> to vector<16xf32>
        tpu.vector_store %arg10[%swap3A_513], %swap3A_516 {add = true, strides = array<i32>} : memref<1024xf32, #tpu.memory_space<vmem>>, vector<16xf32>,
        %mul3A_517 = arith.constant 16 : i32
        %mul3A_518 = arith.muli %scan3A_247, %mul3A_517 : i32
        %get3A_519 = arith.constant 22 : i32
        %get3A_520 = arith.index_cast %get3A_519 : i32 to index
        %get3A_521 = arith.index_cast %mul3A_518 : i32 to index
        %get3A_522 = tpu.vector_load %arg7[%get3A_520, %get3A_521] {strides = array<i32>} : memref<64x512xf32, #tpu.memory_space<vmem>>, vector<1x16xf32>,
        %get3A_523 = vector.shape_cast %get3A_522 : vector<1x16xf32> to vector<16xf32>
        %mul3A_524 = arith.mulf %get3A_253, %get3A_523 : vector<16xf32>
        %swap3A_525 = arith.constant 352 : index
        %swap3A_526 = tpu.vector_load %arg10[%swap3A_525] {strides = array<i32>} : memref<1024xf32, #tpu.memory_space<vmem>>, vector<16xf32>,
        %swap3A_527 = vector.shape_cast %swap3A_526 : vector<16xf32> to vector<16xf32>
        %swap3A_528 = vector.shape_cast %mul3A_524 : vector<16xf32> to vector<16xf32>
        tpu.vector_store %arg10[%swap3A_525], %swap3A_528 {add = true, strides = array<i32>} : memref<1024xf32, #tpu.memory_space<vmem>>, vector<16xf32>,
        %mul3A_529 = arith.constant 16 : i32
        %mul3A_530 = arith.muli %scan3A_247, %mul3A_529 : i32
        %get3A_531 = arith.constant 23 : i32
        %get3A_532 = arith.index_cast %get3A_531 : i32 to index
        %get3A_533 = arith.index_cast %mul3A_530 : i32 to index
        %get3A_534 = tpu.vector_load %arg7[%get3A_532, %get3A_533] {strides = array<i32>} : memref<64x512xf32, #tpu.memory_space<vmem>>, vector<1x16xf32>,
        %get3A_535 = vector.shape_cast %get3A_534 : vector<1x16xf32> to vector<16xf32>
        %mul3A_536 = arith.mulf %get3A_253, %get3A_535 : vector<16xf32>
        %swap3A_537 = arith.constant 368 : index
        %swap3A_538 = tpu.vector_load %arg10[%swap3A_537] {strides = array<i32>} : memref<1024xf32, #tpu.memory_space<vmem>>, vector<16xf32>,
        %swap3A_539 = vector.shape_cast %swap3A_538 : vector<16xf32> to vector<16xf32>
        %swap3A_540 = vector.shape_cast %mul3A_536 : vector<16xf32> to vector<16xf32>
        tpu.vector_store %arg10[%swap3A_537], %swap3A_540 {add = true, strides = array<i32>} : memref<1024xf32, #tpu.memory_space<vmem>>, vector<16xf32>,
        %mul3A_541 = arith.constant 16 : i32
        %mul3A_542 = arith.muli %scan3A_247, %mul3A_541 : i32
        %get3A_543 = arith.constant 24 : i32
        %get3A_544 = arith.index_cast %get3A_543 : i32 to index
        %get3A_545 = arith.index_cast %mul3A_542 : i32 to index
        %get3A_546 = tpu.vector_load %arg7[%get3A_544, %get3A_545] {strides = array<i32>} : memref<64x512xf32, #tpu.memory_space<vmem>>, vector<1x16xf32>,
        %get3A_547 = vector.shape_cast %get3A_546 : vector<1x16xf32> to vector<16xf32>
        %mul3A_548 = arith.mulf %get3A_253, %get3A_547 : vector<16xf32>
        %swap3A_549 = arith.constant 384 : index
        %swap3A_550 = tpu.vector_load %arg10[%swap3A_549] {strides = array<i32>} : memref<1024xf32, #tpu.memory_space<vmem>>, vector<16xf32>,
        %swap3A_551 = vector.shape_cast %swap3A_550 : vector<16xf32> to vector<16xf32>
        %swap3A_552 = vector.shape_cast %mul3A_548 : vector<16xf32> to vector<16xf32>
        tpu.vector_store %arg10[%swap3A_549], %swap3A_552 {add = true, strides = array<i32>} : memref<1024xf32, #tpu.memory_space<vmem>>, vector<16xf32>,
        %mul3A_553 = arith.constant 16 : i32
        %mul3A_554 = arith.muli %scan3A_247, %mul3A_553 : i32
        %get3A_555 = arith.constant 25 : i32
        %get3A_556 = arith.index_cast %get3A_555 : i32 to index
        %get3A_557 = arith.index_cast %mul3A_554 : i32 to index
        %get3A_558 = tpu.vector_load %arg7[%get3A_556, %get3A_557] {strides = array<i32>} : memref<64x512xf32, #tpu.memory_space<vmem>>, vector<1x16xf32>,
        %get3A_559 = vector.shape_cast %get3A_558 : vector<1x16xf32> to vector<16xf32>
        %mul3A_560 = arith.mulf %get3A_253, %get3A_559 : vector<16xf32>
        %swap3A_561 = arith.constant 400 : index
        %swap3A_562 = tpu.vector_load %arg10[%swap3A_561] {strides = array<i32>} : memref<1024xf32, #tpu.memory_space<vmem>>, vector<16xf32>,
        %swap3A_563 = vector.shape_cast %swap3A_562 : vector<16xf32> to vector<16xf32>
        %swap3A_564 = vector.shape_cast %mul3A_560 : vector<16xf32> to vector<16xf32>
        tpu.vector_store %arg10[%swap3A_561], %swap3A_564 {add = true, strides = array<i32>} : memref<1024xf32, #tpu.memory_space<vmem>>, vector<16xf32>,
        %mul3A_565 = arith.constant 16 : i32
        %mul3A_566 = arith.muli %scan3A_247, %mul3A_565 : i32
        %get3A_567 = arith.constant 26 : i32
        %get3A_568 = arith.index_cast %get3A_567 : i32 to index
        %get3A_569 = arith.index_cast %mul3A_566 : i32 to index
        %get3A_570 = tpu.vector_load %arg7[%get3A_568, %get3A_569] {strides = array<i32>} : memref<64x512xf32, #tpu.memory_space<vmem>>, vector<1x16xf32>,
        %get3A_571 = vector.shape_cast %get3A_570 : vector<1x16xf32> to vector<16xf32>
        %mul3A_572 = arith.mulf %get3A_253, %get3A_571 : vector<16xf32>
        %swap3A_573 = arith.constant 416 : index
        %swap3A_574 = tpu.vector_load %arg10[%swap3A_573] {strides = array<i32>} : memref<1024xf32, #tpu.memory_space<vmem>>, vector<16xf32>,
        %swap3A_575 = vector.shape_cast %swap3A_574 : vector<16xf32> to vector<16xf32>
        %swap3A_576 = vector.shape_cast %mul3A_572 : vector<16xf32> to vector<16xf32>
        tpu.vector_store %arg10[%swap3A_573], %swap3A_576 {add = true, strides = array<i32>} : memref<1024xf32, #tpu.memory_space<vmem>>, vector<16xf32>,
        %mul3A_577 = arith.constant 16 : i32
        %mul3A_578 = arith.muli %scan3A_247, %mul3A_577 : i32
        %get3A_579 = arith.constant 27 : i32
        %get3A_580 = arith.index_cast %get3A_579 : i32 to index
        %get3A_581 = arith.index_cast %mul3A_578 : i32 to index
        %get3A_582 = tpu.vector_load %arg7[%get3A_580, %get3A_581] {strides = array<i32>} : memref<64x512xf32, #tpu.memory_space<vmem>>, vector<1x16xf32>,
        %get3A_583 = vector.shape_cast %get3A_582 : vector<1x16xf32> to vector<16xf32>
        %mul3A_584 = arith.mulf %get3A_253, %get3A_583 : vector<16xf32>
        %swap3A_585 = arith.constant 432 : index
        %swap3A_586 = tpu.vector_load %arg10[%swap3A_585] {strides = array<i32>} : memref<1024xf32, #tpu.memory_space<vmem>>, vector<16xf32>,
        %swap3A_587 = vector.shape_cast %swap3A_586 : vector<16xf32> to vector<16xf32>
        %swap3A_588 = vector.shape_cast %mul3A_584 : vector<16xf32> to vector<16xf32>
        tpu.vector_store %arg10[%swap3A_585], %swap3A_588 {add = true, strides = array<i32>} : memref<1024xf32, #tpu.memory_space<vmem>>, vector<16xf32>,
        %mul3A_589 = arith.constant 16 : i32
        %mul3A_590 = arith.muli %scan3A_247, %mul3A_589 : i32
        %get3A_591 = arith.constant 28 : i32
        %get3A_592 = arith.index_cast %get3A_591 : i32 to index
        %get3A_593 = arith.index_cast %mul3A_590 : i32 to index
        %get3A_594 = tpu.vector_load %arg7[%get3A_592, %get3A_593] {strides = array<i32>} : memref<64x512xf32, #tpu.memory_space<vmem>>, vector<1x16xf32>,
        %get3A_595 = vector.shape_cast %get3A_594 : vector<1x16xf32> to vector<16xf32>
        %mul3A_596 = arith.mulf %get3A_253, %get3A_595 : vector<16xf32>
        %swap3A_597 = arith.constant 448 : index
        %swap3A_598 = tpu.vector_load %arg10[%swap3A_597] {strides = array<i32>} : memref<1024xf32, #tpu.memory_space<vmem>>, vector<16xf32>,
        %swap3A_599 = vector.shape_cast %swap3A_598 : vector<16xf32> to vector<16xf32>
        %swap3A_600 = vector.shape_cast %mul3A_596 : vector<16xf32> to vector<16xf32>
        tpu.vector_store %arg10[%swap3A_597], %swap3A_600 {add = true, strides = array<i32>} : memref<1024xf32, #tpu.memory_space<vmem>>, vector<16xf32>,
        %mul3A_601 = arith.constant 16 : i32
        %mul3A_602 = arith.muli %scan3A_247, %mul3A_601 : i32
        %get3A_603 = arith.constant 29 : i32
        %get3A_604 = arith.index_cast %get3A_603 : i32 to index
        %get3A_605 = arith.index_cast %mul3A_602 : i32 to index
        %get3A_606 = tpu.vector_load %arg7[%get3A_604, %get3A_605] {strides = array<i32>} : memref<64x512xf32, #tpu.memory_space<vmem>>, vector<1x16xf32>,
        %get3A_607 = vector.shape_cast %get3A_606 : vector<1x16xf32> to vector<16xf32>
        %mul3A_608 = arith.mulf %get3A_253, %get3A_607 : vector<16xf32>
        %swap3A_609 = arith.constant 464 : index
        %swap3A_610 = tpu.vector_load %arg10[%swap3A_609] {strides = array<i32>} : memref<1024xf32, #tpu.memory_space<vmem>>, vector<16xf32>,
        %swap3A_611 = vector.shape_cast %swap3A_610 : vector<16xf32> to vector<16xf32>
        %swap3A_612 = vector.shape_cast %mul3A_608 : vector<16xf32> to vector<16xf32>
        tpu.vector_store %arg10[%swap3A_609], %swap3A_612 {add = true, strides = array<i32>} : memref<1024xf32, #tpu.memory_space<vmem>>, vector<16xf32>,
        %mul3A_613 = arith.constant 16 : i32
        %mul3A_614 = arith.muli %scan3A_247, %mul3A_613 : i32
        %get3A_615 = arith.constant 30 : i32
        %get3A_616 = arith.index_cast %get3A_615 : i32 to index
        %get3A_617 = arith.index_cast %mul3A_614 : i32 to index
        %get3A_618 = tpu.vector_load %arg7[%get3A_616, %get3A_617] {strides = array<i32>} : memref<64x512xf32, #tpu.memory_space<vmem>>, vector<1x16xf32>,
        %get3A_619 = vector.shape_cast %get3A_618 : vector<1x16xf32> to vector<16xf32>
        %mul3A_620 = arith.mulf %get3A_253, %get3A_619 : vector<16xf32>
        %swap3A_621 = arith.constant 480 : index
        %swap3A_622 = tpu.vector_load %arg10[%swap3A_621] {strides = array<i32>} : memref<1024xf32, #tpu.memory_space<vmem>>, vector<16xf32>,
        %swap3A_623 = vector.shape_cast %swap3A_622 : vector<16xf32> to vector<16xf32>
        %swap3A_624 = vector.shape_cast %mul3A_620 : vector<16xf32> to vector<16xf32>
        tpu.vector_store %arg10[%swap3A_621], %swap3A_624 {add = true, strides = array<i32>} : memref<1024xf32, #tpu.memory_space<vmem>>, vector<16xf32>,
        %mul3A_625 = arith.constant 16 : i32
        %mul3A_626 = arith.muli %scan3A_247, %mul3A_625 : i32
        %get3A_627 = arith.constant 31 : i32
        %get3A_628 = arith.index_cast %get3A_627 : i32 to index
        %get3A_629 = arith.index_cast %mul3A_626 : i32 to index
        %get3A_630 = tpu.vector_load %arg7[%get3A_628, %get3A_629] {strides = array<i32>} : memref<64x512xf32, #tpu.memory_space<vmem>>, vector<1x16xf32>,
        %get3A_631 = vector.shape_cast %get3A_630 : vector<1x16xf32> to vector<16xf32>
        %mul3A_632 = arith.mulf %get3A_253, %get3A_631 : vector<16xf32>
        %swap3A_633 = arith.constant 496 : index
        %swap3A_634 = tpu.vector_load %arg10[%swap3A_633] {strides = array<i32>} : memref<1024xf32, #tpu.memory_space<vmem>>, vector<16xf32>,
        %swap3A_635 = vector.shape_cast %swap3A_634 : vector<16xf32> to vector<16xf32>
        %swap3A_636 = vector.shape_cast %mul3A_632 : vector<16xf32> to vector<16xf32>
        tpu.vector_store %arg10[%swap3A_633], %swap3A_636 {add = true, strides = array<i32>} : memref<1024xf32, #tpu.memory_space<vmem>>, vector<16xf32>,
        %mul3A_637 = arith.constant 16 : i32
        %mul3A_638 = arith.muli %scan3A_247, %mul3A_637 : i32
        %get3A_639 = arith.constant 32 : i32
        %get3A_640 = arith.index_cast %get3A_639 : i32 to index
        %get3A_641 = arith.index_cast %mul3A_638 : i32 to index
        %get3A_642 = tpu.vector_load %arg7[%get3A_640, %get3A_641] {strides = array<i32>} : memref<64x512xf32, #tpu.memory_space<vmem>>, vector<1x16xf32>,
        %get3A_643 = vector.shape_cast %get3A_642 : vector<1x16xf32> to vector<16xf32>
        %mul3A_644 = arith.mulf %get3A_253, %get3A_643 : vector<16xf32>
        %swap3A_645 = arith.constant 512 : index
        %swap3A_646 = tpu.vector_load %arg10[%swap3A_645] {strides = array<i32>} : memref<1024xf32, #tpu.memory_space<vmem>>, vector<16xf32>,
        %swap3A_647 = vector.shape_cast %swap3A_646 : vector<16xf32> to vector<16xf32>
        %swap3A_648 = vector.shape_cast %mul3A_644 : vector<16xf32> to vector<16xf32>
        tpu.vector_store %arg10[%swap3A_645], %swap3A_648 {add = true, strides = array<i32>} : memref<1024xf32, #tpu.memory_space<vmem>>, vector<16xf32>,
        %mul3A_649 = arith.constant 16 : i32
        %mul3A_650 = arith.muli %scan3A_247, %mul3A_649 : i32
        %get3A_651 = arith.constant 33 : i32
        %get3A_652 = arith.index_cast %get3A_651 : i32 to index
        %get3A_653 = arith.index_cast %mul3A_650 : i32 to index
        %get3A_654 = tpu.vector_load %arg7[%get3A_652, %get3A_653] {strides = array<i32>} : memref<64x512xf32, #tpu.memory_space<vmem>>, vector<1x16xf32>,
        %get3A_655 = vector.shape_cast %get3A_654 : vector<1x16xf32> to vector<16xf32>
        %mul3A_656 = arith.mulf %get3A_253, %get3A_655 : vector<16xf32>
        %swap3A_657 = arith.constant 528 : index
        %swap3A_658 = tpu.vector_load %arg10[%swap3A_657] {strides = array<i32>} : memref<1024xf32, #tpu.memory_space<vmem>>, vector<16xf32>,
        %swap3A_659 = vector.shape_cast %swap3A_658 : vector<16xf32> to vector<16xf32>
        %swap3A_660 = vector.shape_cast %mul3A_656 : vector<16xf32> to vector<16xf32>
        tpu.vector_store %arg10[%swap3A_657], %swap3A_660 {add = true, strides = array<i32>} : memref<1024xf32, #tpu.memory_space<vmem>>, vector<16xf32>,
        %mul3A_661 = arith.constant 16 : i32
        %mul3A_662 = arith.muli %scan3A_247, %mul3A_661 : i32
        %get3A_663 = arith.constant 34 : i32
        %get3A_664 = arith.index_cast %get3A_663 : i32 to index
        %get3A_665 = arith.index_cast %mul3A_662 : i32 to index
        %get3A_666 = tpu.vector_load %arg7[%get3A_664, %get3A_665] {strides = array<i32>} : memref<64x512xf32, #tpu.memory_space<vmem>>, vector<1x16xf32>,
        %get3A_667 = vector.shape_cast %get3A_666 : vector<1x16xf32> to vector<16xf32>
        %mul3A_668 = arith.mulf %get3A_253, %get3A_667 : vector<16xf32>
        %swap3A_669 = arith.constant 544 : index
        %swap3A_670 = tpu.vector_load %arg10[%swap3A_669] {strides = array<i32>} : memref<1024xf32, #tpu.memory_space<vmem>>, vector<16xf32>,
        %swap3A_671 = vector.shape_cast %swap3A_670 : vector<16xf32> to vector<16xf32>
        %swap3A_672 = vector.shape_cast %mul3A_668 : vector<16xf32> to vector<16xf32>
        tpu.vector_store %arg10[%swap3A_669], %swap3A_672 {add = true, strides = array<i32>} : memref<1024xf32, #tpu.memory_space<vmem>>, vector<16xf32>,
        %mul3A_673 = arith.constant 16 : i32
        %mul3A_674 = arith.muli %scan3A_247, %mul3A_673 : i32
        %get3A_675 = arith.constant 35 : i32
        %get3A_676 = arith.index_cast %get3A_675 : i32 to index
        %get3A_677 = arith.index_cast %mul3A_674 : i32 to index
        %get3A_678 = tpu.vector_load %arg7[%get3A_676, %get3A_677] {strides = array<i32>} : memref<64x512xf32, #tpu.memory_space<vmem>>, vector<1x16xf32>,
        %get3A_679 = vector.shape_cast %get3A_678 : vector<1x16xf32> to vector<16xf32>
        %mul3A_680 = arith.mulf %get3A_253, %get3A_679 : vector<16xf32>
        %swap3A_681 = arith.constant 560 : index
        %swap3A_682 = tpu.vector_load %arg10[%swap3A_681] {strides = array<i32>} : memref<1024xf32, #tpu.memory_space<vmem>>, vector<16xf32>,
        %swap3A_683 = vector.shape_cast %swap3A_682 : vector<16xf32> to vector<16xf32>
        %swap3A_684 = vector.shape_cast %mul3A_680 : vector<16xf32> to vector<16xf32>
        tpu.vector_store %arg10[%swap3A_681], %swap3A_684 {add = true, strides = array<i32>} : memref<1024xf32, #tpu.memory_space<vmem>>, vector<16xf32>,
        %mul3A_685 = arith.constant 16 : i32
        %mul3A_686 = arith.muli %scan3A_247, %mul3A_685 : i32
        %get3A_687 = arith.constant 36 : i32
        %get3A_688 = arith.index_cast %get3A_687 : i32 to index
        %get3A_689 = arith.index_cast %mul3A_686 : i32 to index
        %get3A_690 = tpu.vector_load %arg7[%get3A_688, %get3A_689] {strides = array<i32>} : memref<64x512xf32, #tpu.memory_space<vmem>>, vector<1x16xf32>,
        %get3A_691 = vector.shape_cast %get3A_690 : vector<1x16xf32> to vector<16xf32>
        %mul3A_692 = arith.mulf %get3A_253, %get3A_691 : vector<16xf32>
        %swap3A_693 = arith.constant 576 : index
        %swap3A_694 = tpu.vector_load %arg10[%swap3A_693] {strides = array<i32>} : memref<1024xf32, #tpu.memory_space<vmem>>, vector<16xf32>,
        %swap3A_695 = vector.shape_cast %swap3A_694 : vector<16xf32> to vector<16xf32>
        %swap3A_696 = vector.shape_cast %mul3A_692 : vector<16xf32> to vector<16xf32>
        tpu.vector_store %arg10[%swap3A_693], %swap3A_696 {add = true, strides = array<i32>} : memref<1024xf32, #tpu.memory_space<vmem>>, vector<16xf32>,
        %mul3A_697 = arith.constant 16 : i32
        %mul3A_698 = arith.muli %scan3A_247, %mul3A_697 : i32
        %get3A_699 = arith.constant 37 : i32
        %get3A_700 = arith.index_cast %get3A_699 : i32 to index
        %get3A_701 = arith.index_cast %mul3A_698 : i32 to index
        %get3A_702 = tpu.vector_load %arg7[%get3A_700, %get3A_701] {strides = array<i32>} : memref<64x512xf32, #tpu.memory_space<vmem>>, vector<1x16xf32>,
        %get3A_703 = vector.shape_cast %get3A_702 : vector<1x16xf32> to vector<16xf32>
        %mul3A_704 = arith.mulf %get3A_253, %get3A_703 : vector<16xf32>
        %swap3A_705 = arith.constant 592 : index
        %swap3A_706 = tpu.vector_load %arg10[%swap3A_705] {strides = array<i32>} : memref<1024xf32, #tpu.memory_space<vmem>>, vector<16xf32>,
        %swap3A_707 = vector.shape_cast %swap3A_706 : vector<16xf32> to vector<16xf32>
        %swap3A_708 = vector.shape_cast %mul3A_704 : vector<16xf32> to vector<16xf32>
        tpu.vector_store %arg10[%swap3A_705], %swap3A_708 {add = true, strides = array<i32>} : memref<1024xf32, #tpu.memory_space<vmem>>, vector<16xf32>,
        %mul3A_709 = arith.constant 16 : i32
        %mul3A_710 = arith.muli %scan3A_247, %mul3A_709 : i32
        %get3A_711 = arith.constant 38 : i32
        %get3A_712 = arith.index_cast %get3A_711 : i32 to index
        %get3A_713 = arith.index_cast %mul3A_710 : i32 to index
        %get3A_714 = tpu.vector_load %arg7[%get3A_712, %get3A_713] {strides = array<i32>} : memref<64x512xf32, #tpu.memory_space<vmem>>, vector<1x16xf32>,
        %get3A_715 = vector.shape_cast %get3A_714 : vector<1x16xf32> to vector<16xf32>
        %mul3A_716 = arith.mulf %get3A_253, %get3A_715 : vector<16xf32>
        %swap3A_717 = arith.constant 608 : index
        %swap3A_718 = tpu.vector_load %arg10[%swap3A_717] {strides = array<i32>} : memref<1024xf32, #tpu.memory_space<vmem>>, vector<16xf32>,
        %swap3A_719 = vector.shape_cast %swap3A_718 : vector<16xf32> to vector<16xf32>
        %swap3A_720 = vector.shape_cast %mul3A_716 : vector<16xf32> to vector<16xf32>
        tpu.vector_store %arg10[%swap3A_717], %swap3A_720 {add = true, strides = array<i32>} : memref<1024xf32, #tpu.memory_space<vmem>>, vector<16xf32>,
        %mul3A_721 = arith.constant 16 : i32
        %mul3A_722 = arith.muli %scan3A_247, %mul3A_721 : i32
        %get3A_723 = arith.constant 39 : i32
        %get3A_724 = arith.index_cast %get3A_723 : i32 to index
        %get3A_725 = arith.index_cast %mul3A_722 : i32 to index
        %get3A_726 = tpu.vector_load %arg7[%get3A_724, %get3A_725] {strides = array<i32>} : memref<64x512xf32, #tpu.memory_space<vmem>>, vector<1x16xf32>,
        %get3A_727 = vector.shape_cast %get3A_726 : vector<1x16xf32> to vector<16xf32>
        %mul3A_728 = arith.mulf %get3A_253, %get3A_727 : vector<16xf32>
        %swap3A_729 = arith.constant 624 : index
        %swap3A_730 = tpu.vector_load %arg10[%swap3A_729] {strides = array<i32>} : memref<1024xf32, #tpu.memory_space<vmem>>, vector<16xf32>,
        %swap3A_731 = vector.shape_cast %swap3A_730 : vector<16xf32> to vector<16xf32>
        %swap3A_732 = vector.shape_cast %mul3A_728 : vector<16xf32> to vector<16xf32>
        tpu.vector_store %arg10[%swap3A_729], %swap3A_732 {add = true, strides = array<i32>} : memref<1024xf32, #tpu.memory_space<vmem>>, vector<16xf32>,
        %mul3A_733 = arith.constant 16 : i32
        %mul3A_734 = arith.muli %scan3A_247, %mul3A_733 : i32
        %get3A_735 = arith.constant 40 : i32
        %get3A_736 = arith.index_cast %get3A_735 : i32 to index
        %get3A_737 = arith.index_cast %mul3A_734 : i32 to index
        %get3A_738 = tpu.vector_load %arg7[%get3A_736, %get3A_737] {strides = array<i32>} : memref<64x512xf32, #tpu.memory_space<vmem>>, vector<1x16xf32>,
        %get3A_739 = vector.shape_cast %get3A_738 : vector<1x16xf32> to vector<16xf32>
        %mul3A_740 = arith.mulf %get3A_253, %get3A_739 : vector<16xf32>
        %swap3A_741 = arith.constant 640 : index
        %swap3A_742 = tpu.vector_load %arg10[%swap3A_741] {strides = array<i32>} : memref<1024xf32, #tpu.memory_space<vmem>>, vector<16xf32>,
        %swap3A_743 = vector.shape_cast %swap3A_742 : vector<16xf32> to vector<16xf32>
        %swap3A_744 = vector.shape_cast %mul3A_740 : vector<16xf32> to vector<16xf32>
        tpu.vector_store %arg10[%swap3A_741], %swap3A_744 {add = true, strides = array<i32>} : memref<1024xf32, #tpu.memory_space<vmem>>, vector<16xf32>,
        %mul3A_745 = arith.constant 16 : i32
        %mul3A_746 = arith.muli %scan3A_247, %mul3A_745 : i32
        %get3A_747 = arith.constant 41 : i32
        %get3A_748 = arith.index_cast %get3A_747 : i32 to index
        %get3A_749 = arith.index_cast %mul3A_746 : i32 to index
        %get3A_750 = tpu.vector_load %arg7[%get3A_748, %get3A_749] {strides = array<i32>} : memref<64x512xf32, #tpu.memory_space<vmem>>, vector<1x16xf32>,
        %get3A_751 = vector.shape_cast %get3A_750 : vector<1x16xf32> to vector<16xf32>
        %mul3A_752 = arith.mulf %get3A_253, %get3A_751 : vector<16xf32>
        %swap3A_753 = arith.constant 656 : index
        %swap3A_754 = tpu.vector_load %arg10[%swap3A_753] {strides = array<i32>} : memref<1024xf32, #tpu.memory_space<vmem>>, vector<16xf32>,
        %swap3A_755 = vector.shape_cast %swap3A_754 : vector<16xf32> to vector<16xf32>
        %swap3A_756 = vector.shape_cast %mul3A_752 : vector<16xf32> to vector<16xf32>
        tpu.vector_store %arg10[%swap3A_753], %swap3A_756 {add = true, strides = array<i32>} : memref<1024xf32, #tpu.memory_space<vmem>>, vector<16xf32>,
        %mul3A_757 = arith.constant 16 : i32
        %mul3A_758 = arith.muli %scan3A_247, %mul3A_757 : i32
        %get3A_759 = arith.constant 42 : i32
        %get3A_760 = arith.index_cast %get3A_759 : i32 to index
        %get3A_761 = arith.index_cast %mul3A_758 : i32 to index
        %get3A_762 = tpu.vector_load %arg7[%get3A_760, %get3A_761] {strides = array<i32>} : memref<64x512xf32, #tpu.memory_space<vmem>>, vector<1x16xf32>,
        %get3A_763 = vector.shape_cast %get3A_762 : vector<1x16xf32> to vector<16xf32>
        %mul3A_764 = arith.mulf %get3A_253, %get3A_763 : vector<16xf32>
        %swap3A_765 = arith.constant 672 : index
        %swap3A_766 = tpu.vector_load %arg10[%swap3A_765] {strides = array<i32>} : memref<1024xf32, #tpu.memory_space<vmem>>, vector<16xf32>,
        %swap3A_767 = vector.shape_cast %swap3A_766 : vector<16xf32> to vector<16xf32>
        %swap3A_768 = vector.shape_cast %mul3A_764 : vector<16xf32> to vector<16xf32>
        tpu.vector_store %arg10[%swap3A_765], %swap3A_768 {add = true, strides = array<i32>} : memref<1024xf32, #tpu.memory_space<vmem>>, vector<16xf32>,
        %mul3A_769 = arith.constant 16 : i32
        %mul3A_770 = arith.muli %scan3A_247, %mul3A_769 : i32
        %get3A_771 = arith.constant 43 : i32
        %get3A_772 = arith.index_cast %get3A_771 : i32 to index
        %get3A_773 = arith.index_cast %mul3A_770 : i32 to index
        %get3A_774 = tpu.vector_load %arg7[%get3A_772, %get3A_773] {strides = array<i32>} : memref<64x512xf32, #tpu.memory_space<vmem>>, vector<1x16xf32>,
        %get3A_775 = vector.shape_cast %get3A_774 : vector<1x16xf32> to vector<16xf32>
        %mul3A_776 = arith.mulf %get3A_253, %get3A_775 : vector<16xf32>
        %swap3A_777 = arith.constant 688 : index
        %swap3A_778 = tpu.vector_load %arg10[%swap3A_777] {strides = array<i32>} : memref<1024xf32, #tpu.memory_space<vmem>>, vector<16xf32>,
        %swap3A_779 = vector.shape_cast %swap3A_778 : vector<16xf32> to vector<16xf32>
        %swap3A_780 = vector.shape_cast %mul3A_776 : vector<16xf32> to vector<16xf32>
        tpu.vector_store %arg10[%swap3A_777], %swap3A_780 {add = true, strides = array<i32>} : memref<1024xf32, #tpu.memory_space<vmem>>, vector<16xf32>,
        %mul3A_781 = arith.constant 16 : i32
        %mul3A_782 = arith.muli %scan3A_247, %mul3A_781 : i32
        %get3A_783 = arith.constant 44 : i32
        %get3A_784 = arith.index_cast %get3A_783 : i32 to index
        %get3A_785 = arith.index_cast %mul3A_782 : i32 to index
        %get3A_786 = tpu.vector_load %arg7[%get3A_784, %get3A_785] {strides = array<i32>} : memref<64x512xf32, #tpu.memory_space<vmem>>, vector<1x16xf32>,
        %get3A_787 = vector.shape_cast %get3A_786 : vector<1x16xf32> to vector<16xf32>
        %mul3A_788 = arith.mulf %get3A_253, %get3A_787 : vector<16xf32>
        %swap3A_789 = arith.constant 704 : index
        %swap3A_790 = tpu.vector_load %arg10[%swap3A_789] {strides = array<i32>} : memref<1024xf32, #tpu.memory_space<vmem>>, vector<16xf32>,
        %swap3A_791 = vector.shape_cast %swap3A_790 : vector<16xf32> to vector<16xf32>
        %swap3A_792 = vector.shape_cast %mul3A_788 : vector<16xf32> to vector<16xf32>
        tpu.vector_store %arg10[%swap3A_789], %swap3A_792 {add = true, strides = array<i32>} : memref<1024xf32, #tpu.memory_space<vmem>>, vector<16xf32>,
        %mul3A_793 = arith.constant 16 : i32
        %mul3A_794 = arith.muli %scan3A_247, %mul3A_793 : i32
        %get3A_795 = arith.constant 45 : i32
        %get3A_796 = arith.index_cast %get3A_795 : i32 to index
        %get3A_797 = arith.index_cast %mul3A_794 : i32 to index
        %get3A_798 = tpu.vector_load %arg7[%get3A_796, %get3A_797] {strides = array<i32>} : memref<64x512xf32, #tpu.memory_space<vmem>>, vector<1x16xf32>,
        %get3A_799 = vector.shape_cast %get3A_798 : vector<1x16xf32> to vector<16xf32>
        %mul3A_800 = arith.mulf %get3A_253, %get3A_799 : vector<16xf32>
        %swap3A_801 = arith.constant 720 : index
        %swap3A_802 = tpu.vector_load %arg10[%swap3A_801] {strides = array<i32>} : memref<1024xf32, #tpu.memory_space<vmem>>, vector<16xf32>,
        %swap3A_803 = vector.shape_cast %swap3A_802 : vector<16xf32> to vector<16xf32>
        %swap3A_804 = vector.shape_cast %mul3A_800 : vector<16xf32> to vector<16xf32>
        tpu.vector_store %arg10[%swap3A_801], %swap3A_804 {add = true, strides = array<i32>} : memref<1024xf32, #tpu.memory_space<vmem>>, vector<16xf32>,
        %mul3A_805 = arith.constant 16 : i32
        %mul3A_806 = arith.muli %scan3A_247, %mul3A_805 : i32
        %get3A_807 = arith.constant 46 : i32
        %get3A_808 = arith.index_cast %get3A_807 : i32 to index
        %get3A_809 = arith.index_cast %mul3A_806 : i32 to index
        %get3A_810 = tpu.vector_load %arg7[%get3A_808, %get3A_809] {strides = array<i32>} : memref<64x512xf32, #tpu.memory_space<vmem>>, vector<1x16xf32>,
        %get3A_811 = vector.shape_cast %get3A_810 : vector<1x16xf32> to vector<16xf32>
        %mul3A_812 = arith.mulf %get3A_253, %get3A_811 : vector<16xf32>
        %swap3A_813 = arith.constant 736 : index
        %swap3A_814 = tpu.vector_load %arg10[%swap3A_813] {strides = array<i32>} : memref<1024xf32, #tpu.memory_space<vmem>>, vector<16xf32>,
        %swap3A_815 = vector.shape_cast %swap3A_814 : vector<16xf32> to vector<16xf32>
        %swap3A_816 = vector.shape_cast %mul3A_812 : vector<16xf32> to vector<16xf32>
        tpu.vector_store %arg10[%swap3A_813], %swap3A_816 {add = true, strides = array<i32>} : memref<1024xf32, #tpu.memory_space<vmem>>, vector<16xf32>,
        %mul3A_817 = arith.constant 16 : i32
        %mul3A_818 = arith.muli %scan3A_247, %mul3A_817 : i32
        %get3A_819 = arith.constant 47 : i32
        %get3A_820 = arith.index_cast %get3A_819 : i32 to index
        %get3A_821 = arith.index_cast %mul3A_818 : i32 to index
        %get3A_822 = tpu.vector_load %arg7[%get3A_820, %get3A_821] {strides = array<i32>} : memref<64x512xf32, #tpu.memory_space<vmem>>, vector<1x16xf32>,
        %get3A_823 = vector.shape_cast %get3A_822 : vector<1x16xf32> to vector<16xf32>
        %mul3A_824 = arith.mulf %get3A_253, %get3A_823 : vector<16xf32>
        %swap3A_825 = arith.constant 752 : index
        %swap3A_826 = tpu.vector_load %arg10[%swap3A_825] {strides = array<i32>} : memref<1024xf32, #tpu.memory_space<vmem>>, vector<16xf32>,
        %swap3A_827 = vector.shape_cast %swap3A_826 : vector<16xf32> to vector<16xf32>
        %swap3A_828 = vector.shape_cast %mul3A_824 : vector<16xf32> to vector<16xf32>
        tpu.vector_store %arg10[%swap3A_825], %swap3A_828 {add = true, strides = array<i32>} : memref<1024xf32, #tpu.memory_space<vmem>>, vector<16xf32>,
        %mul3A_829 = arith.constant 16 : i32
        %mul3A_830 = arith.muli %scan3A_247, %mul3A_829 : i32
        %get3A_831 = arith.constant 48 : i32
        %get3A_832 = arith.index_cast %get3A_831 : i32 to index
        %get3A_833 = arith.index_cast %mul3A_830 : i32 to index
        %get3A_834 = tpu.vector_load %arg7[%get3A_832, %get3A_833] {strides = array<i32>} : memref<64x512xf32, #tpu.memory_space<vmem>>, vector<1x16xf32>,
        %get3A_835 = vector.shape_cast %get3A_834 : vector<1x16xf32> to vector<16xf32>
        %mul3A_836 = arith.mulf %get3A_253, %get3A_835 : vector<16xf32>
        %swap3A_837 = arith.constant 768 : index
        %swap3A_838 = tpu.vector_load %arg10[%swap3A_837] {strides = array<i32>} : memref<1024xf32, #tpu.memory_space<vmem>>, vector<16xf32>,
        %swap3A_839 = vector.shape_cast %swap3A_838 : vector<16xf32> to vector<16xf32>
        %swap3A_840 = vector.shape_cast %mul3A_836 : vector<16xf32> to vector<16xf32>
        tpu.vector_store %arg10[%swap3A_837], %swap3A_840 {add = true, strides = array<i32>} : memref<1024xf32, #tpu.memory_space<vmem>>, vector<16xf32>,
        %mul3A_841 = arith.constant 16 : i32
        %mul3A_842 = arith.muli %scan3A_247, %mul3A_841 : i32
        %get3A_843 = arith.constant 49 : i32
        %get3A_844 = arith.index_cast %get3A_843 : i32 to index
        %get3A_845 = arith.index_cast %mul3A_842 : i32 to index
        %get3A_846 = tpu.vector_load %arg7[%get3A_844, %get3A_845] {strides = array<i32>} : memref<64x512xf32, #tpu.memory_space<vmem>>, vector<1x16xf32>,
        %get3A_847 = vector.shape_cast %get3A_846 : vector<1x16xf32> to vector<16xf32>
        %mul3A_848 = arith.mulf %get3A_253, %get3A_847 : vector<16xf32>
        %swap3A_849 = arith.constant 784 : index
        %swap3A_850 = tpu.vector_load %arg10[%swap3A_849] {strides = array<i32>} : memref<1024xf32, #tpu.memory_space<vmem>>, vector<16xf32>,
        %swap3A_851 = vector.shape_cast %swap3A_850 : vector<16xf32> to vector<16xf32>
        %swap3A_852 = vector.shape_cast %mul3A_848 : vector<16xf32> to vector<16xf32>
        tpu.vector_store %arg10[%swap3A_849], %swap3A_852 {add = true, strides = array<i32>} : memref<1024xf32, #tpu.memory_space<vmem>>, vector<16xf32>,
        %mul3A_853 = arith.constant 16 : i32
        %mul3A_854 = arith.muli %scan3A_247, %mul3A_853 : i32
        %get3A_855 = arith.constant 50 : i32
        %get3A_856 = arith.index_cast %get3A_855 : i32 to index
        %get3A_857 = arith.index_cast %mul3A_854 : i32 to index
        %get3A_858 = tpu.vector_load %arg7[%get3A_856, %get3A_857] {strides = array<i32>} : memref<64x512xf32, #tpu.memory_space<vmem>>, vector<1x16xf32>,
        %get3A_859 = vector.shape_cast %get3A_858 : vector<1x16xf32> to vector<16xf32>
        %mul3A_860 = arith.mulf %get3A_253, %get3A_859 : vector<16xf32>
        %swap3A_861 = arith.constant 800 : index
        %swap3A_862 = tpu.vector_load %arg10[%swap3A_861] {strides = array<i32>} : memref<1024xf32, #tpu.memory_space<vmem>>, vector<16xf32>,
        %swap3A_863 = vector.shape_cast %swap3A_862 : vector<16xf32> to vector<16xf32>
        %swap3A_864 = vector.shape_cast %mul3A_860 : vector<16xf32> to vector<16xf32>
        tpu.vector_store %arg10[%swap3A_861], %swap3A_864 {add = true, strides = array<i32>} : memref<1024xf32, #tpu.memory_space<vmem>>, vector<16xf32>,
        %mul3A_865 = arith.constant 16 : i32
        %mul3A_866 = arith.muli %scan3A_247, %mul3A_865 : i32
        %get3A_867 = arith.constant 51 : i32
        %get3A_868 = arith.index_cast %get3A_867 : i32 to index
        %get3A_869 = arith.index_cast %mul3A_866 : i32 to index
        %get3A_870 = tpu.vector_load %arg7[%get3A_868, %get3A_869] {strides = array<i32>} : memref<64x512xf32, #tpu.memory_space<vmem>>, vector<1x16xf32>,
        %get3A_871 = vector.shape_cast %get3A_870 : vector<1x16xf32> to vector<16xf32>
        %mul3A_872 = arith.mulf %get3A_253, %get3A_871 : vector<16xf32>
        %swap3A_873 = arith.constant 816 : index
        %swap3A_874 = tpu.vector_load %arg10[%swap3A_873] {strides = array<i32>} : memref<1024xf32, #tpu.memory_space<vmem>>, vector<16xf32>,
        %swap3A_875 = vector.shape_cast %swap3A_874 : vector<16xf32> to vector<16xf32>
        %swap3A_876 = vector.shape_cast %mul3A_872 : vector<16xf32> to vector<16xf32>
        tpu.vector_store %arg10[%swap3A_873], %swap3A_876 {add = true, strides = array<i32>} : memref<1024xf32, #tpu.memory_space<vmem>>, vector<16xf32>,
        %mul3A_877 = arith.constant 16 : i32
        %mul3A_878 = arith.muli %scan3A_247, %mul3A_877 : i32
        %get3A_879 = arith.constant 52 : i32
        %get3A_880 = arith.index_cast %get3A_879 : i32 to index
        %get3A_881 = arith.index_cast %mul3A_878 : i32 to index
        %get3A_882 = tpu.vector_load %arg7[%get3A_880, %get3A_881] {strides = array<i32>} : memref<64x512xf32, #tpu.memory_space<vmem>>, vector<1x16xf32>,
        %get3A_883 = vector.shape_cast %get3A_882 : vector<1x16xf32> to vector<16xf32>
        %mul3A_884 = arith.mulf %get3A_253, %get3A_883 : vector<16xf32>
        %swap3A_885 = arith.constant 832 : index
        %swap3A_886 = tpu.vector_load %arg10[%swap3A_885] {strides = array<i32>} : memref<1024xf32, #tpu.memory_space<vmem>>, vector<16xf32>,
        %swap3A_887 = vector.shape_cast %swap3A_886 : vector<16xf32> to vector<16xf32>
        %swap3A_888 = vector.shape_cast %mul3A_884 : vector<16xf32> to vector<16xf32>
        tpu.vector_store %arg10[%swap3A_885], %swap3A_888 {add = true, strides = array<i32>} : memref<1024xf32, #tpu.memory_space<vmem>>, vector<16xf32>,
        %mul3A_889 = arith.constant 16 : i32
        %mul3A_890 = arith.muli %scan3A_247, %mul3A_889 : i32
        %get3A_891 = arith.constant 53 : i32
        %get3A_892 = arith.index_cast %get3A_891 : i32 to index
        %get3A_893 = arith.index_cast %mul3A_890 : i32 to index
        %get3A_894 = tpu.vector_load %arg7[%get3A_892, %get3A_893] {strides = array<i32>} : memref<64x512xf32, #tpu.memory_space<vmem>>, vector<1x16xf32>,
        %get3A_895 = vector.shape_cast %get3A_894 : vector<1x16xf32> to vector<16xf32>
        %mul3A_896 = arith.mulf %get3A_253, %get3A_895 : vector<16xf32>
        %swap3A_897 = arith.constant 848 : index
        %swap3A_898 = tpu.vector_load %arg10[%swap3A_897] {strides = array<i32>} : memref<1024xf32, #tpu.memory_space<vmem>>, vector<16xf32>,
        %swap3A_899 = vector.shape_cast %swap3A_898 : vector<16xf32> to vector<16xf32>
        %swap3A_900 = vector.shape_cast %mul3A_896 : vector<16xf32> to vector<16xf32>
        tpu.vector_store %arg10[%swap3A_897], %swap3A_900 {add = true, strides = array<i32>} : memref<1024xf32, #tpu.memory_space<vmem>>, vector<16xf32>,
        %mul3A_901 = arith.constant 16 : i32
        %mul3A_902 = arith.muli %scan3A_247, %mul3A_901 : i32
        %get3A_903 = arith.constant 54 : i32
        %get3A_904 = arith.index_cast %get3A_903 : i32 to index
        %get3A_905 = arith.index_cast %mul3A_902 : i32 to index
        %get3A_906 = tpu.vector_load %arg7[%get3A_904, %get3A_905] {strides = array<i32>} : memref<64x512xf32, #tpu.memory_space<vmem>>, vector<1x16xf32>,
        %get3A_907 = vector.shape_cast %get3A_906 : vector<1x16xf32> to vector<16xf32>
        %mul3A_908 = arith.mulf %get3A_253, %get3A_907 : vector<16xf32>
        %swap3A_909 = arith.constant 864 : index
        %swap3A_910 = tpu.vector_load %arg10[%swap3A_909] {strides = array<i32>} : memref<1024xf32, #tpu.memory_space<vmem>>, vector<16xf32>,
        %swap3A_911 = vector.shape_cast %swap3A_910 : vector<16xf32> to vector<16xf32>
        %swap3A_912 = vector.shape_cast %mul3A_908 : vector<16xf32> to vector<16xf32>
        tpu.vector_store %arg10[%swap3A_909], %swap3A_912 {add = true, strides = array<i32>} : memref<1024xf32, #tpu.memory_space<vmem>>, vector<16xf32>,
        %mul3A_913 = arith.constant 16 : i32
        %mul3A_914 = arith.muli %scan3A_247, %mul3A_913 : i32
        %get3A_915 = arith.constant 55 : i32
        %get3A_916 = arith.index_cast %get3A_915 : i32 to index
        %get3A_917 = arith.index_cast %mul3A_914 : i32 to index
        %get3A_918 = tpu.vector_load %arg7[%get3A_916, %get3A_917] {strides = array<i32>} : memref<64x512xf32, #tpu.memory_space<vmem>>, vector<1x16xf32>,
        %get3A_919 = vector.shape_cast %get3A_918 : vector<1x16xf32> to vector<16xf32>
        %mul3A_920 = arith.mulf %get3A_253, %get3A_919 : vector<16xf32>
        %swap3A_921 = arith.constant 880 : index
        %swap3A_922 = tpu.vector_load %arg10[%swap3A_921] {strides = array<i32>} : memref<1024xf32, #tpu.memory_space<vmem>>, vector<16xf32>,
        %swap3A_923 = vector.shape_cast %swap3A_922 : vector<16xf32> to vector<16xf32>
        %swap3A_924 = vector.shape_cast %mul3A_920 : vector<16xf32> to vector<16xf32>
        tpu.vector_store %arg10[%swap3A_921], %swap3A_924 {add = true, strides = array<i32>} : memref<1024xf32, #tpu.memory_space<vmem>>, vector<16xf32>,
        %mul3A_925 = arith.constant 16 : i32
        %mul3A_926 = arith.muli %scan3A_247, %mul3A_925 : i32
        %get3A_927 = arith.constant 56 : i32
        %get3A_928 = arith.index_cast %get3A_927 : i32 to index
        %get3A_929 = arith.index_cast %mul3A_926 : i32 to index
        %get3A_930 = tpu.vector_load %arg7[%get3A_928, %get3A_929] {strides = array<i32>} : memref<64x512xf32, #tpu.memory_space<vmem>>, vector<1x16xf32>,
        %get3A_931 = vector.shape_cast %get3A_930 : vector<1x16xf32> to vector<16xf32>
        %mul3A_932 = arith.mulf %get3A_253, %get3A_931 : vector<16xf32>
        %swap3A_933 = arith.constant 896 : index
        %swap3A_934 = tpu.vector_load %arg10[%swap3A_933] {strides = array<i32>} : memref<1024xf32, #tpu.memory_space<vmem>>, vector<16xf32>,
        %swap3A_935 = vector.shape_cast %swap3A_934 : vector<16xf32> to vector<16xf32>
        %swap3A_936 = vector.shape_cast %mul3A_932 : vector<16xf32> to vector<16xf32>
        tpu.vector_store %arg10[%swap3A_933], %swap3A_936 {add = true, strides = array<i32>} : memref<1024xf32, #tpu.memory_space<vmem>>, vector<16xf32>,
        %mul3A_937 = arith.constant 16 : i32
        %mul3A_938 = arith.muli %scan3A_247, %mul3A_937 : i32
        %get3A_939 = arith.constant 57 : i32
        %get3A_940 = arith.index_cast %get3A_939 : i32 to index
        %get3A_941 = arith.index_cast %mul3A_938 : i32 to index
        %get3A_942 = tpu.vector_load %arg7[%get3A_940, %get3A_941] {strides = array<i32>} : memref<64x512xf32, #tpu.memory_space<vmem>>, vector<1x16xf32>,
        %get3A_943 = vector.shape_cast %get3A_942 : vector<1x16xf32> to vector<16xf32>
        %mul3A_944 = arith.mulf %get3A_253, %get3A_943 : vector<16xf32>
        %swap3A_945 = arith.constant 912 : index
        %swap3A_946 = tpu.vector_load %arg10[%swap3A_945] {strides = array<i32>} : memref<1024xf32, #tpu.memory_space<vmem>>, vector<16xf32>,
        %swap3A_947 = vector.shape_cast %swap3A_946 : vector<16xf32> to vector<16xf32>
        %swap3A_948 = vector.shape_cast %mul3A_944 : vector<16xf32> to vector<16xf32>
        tpu.vector_store %arg10[%swap3A_945], %swap3A_948 {add = true, strides = array<i32>} : memref<1024xf32, #tpu.memory_space<vmem>>, vector<16xf32>,
        %mul3A_949 = arith.constant 16 : i32
        %mul3A_950 = arith.muli %scan3A_247, %mul3A_949 : i32
        %get3A_951 = arith.constant 58 : i32
        %get3A_952 = arith.index_cast %get3A_951 : i32 to index
        %get3A_953 = arith.index_cast %mul3A_950 : i32 to index
        %get3A_954 = tpu.vector_load %arg7[%get3A_952, %get3A_953] {strides = array<i32>} : memref<64x512xf32, #tpu.memory_space<vmem>>, vector<1x16xf32>,
        %get3A_955 = vector.shape_cast %get3A_954 : vector<1x16xf32> to vector<16xf32>
        %mul3A_956 = arith.mulf %get3A_253, %get3A_955 : vector<16xf32>
        %swap3A_957 = arith.constant 928 : index
        %swap3A_958 = tpu.vector_load %arg10[%swap3A_957] {strides = array<i32>} : memref<1024xf32, #tpu.memory_space<vmem>>, vector<16xf32>,
        %swap3A_959 = vector.shape_cast %swap3A_958 : vector<16xf32> to vector<16xf32>
        %swap3A_960 = vector.shape_cast %mul3A_956 : vector<16xf32> to vector<16xf32>
        tpu.vector_store %arg10[%swap3A_957], %swap3A_960 {add = true, strides = array<i32>} : memref<1024xf32, #tpu.memory_space<vmem>>, vector<16xf32>,
        %mul3A_961 = arith.constant 16 : i32
        %mul3A_962 = arith.muli %scan3A_247, %mul3A_961 : i32
        %get3A_963 = arith.constant 59 : i32
        %get3A_964 = arith.index_cast %get3A_963 : i32 to index
        %get3A_965 = arith.index_cast %mul3A_962 : i32 to index
        %get3A_966 = tpu.vector_load %arg7[%get3A_964, %get3A_965] {strides = array<i32>} : memref<64x512xf32, #tpu.memory_space<vmem>>, vector<1x16xf32>,
        %get3A_967 = vector.shape_cast %get3A_966 : vector<1x16xf32> to vector<16xf32>
        %mul3A_968 = arith.mulf %get3A_253, %get3A_967 : vector<16xf32>
        %swap3A_969 = arith.constant 944 : index
        %swap3A_970 = tpu.vector_load %arg10[%swap3A_969] {strides = array<i32>} : memref<1024xf32, #tpu.memory_space<vmem>>, vector<16xf32>,
        %swap3A_971 = vector.shape_cast %swap3A_970 : vector<16xf32> to vector<16xf32>
        %swap3A_972 = vector.shape_cast %mul3A_968 : vector<16xf32> to vector<16xf32>
        tpu.vector_store %arg10[%swap3A_969], %swap3A_972 {add = true, strides = array<i32>} : memref<1024xf32, #tpu.memory_space<vmem>>, vector<16xf32>,
        %mul3A_973 = arith.constant 16 : i32
        %mul3A_974 = arith.muli %scan3A_247, %mul3A_973 : i32
        %get3A_975 = arith.constant 60 : i32
        %get3A_976 = arith.index_cast %get3A_975 : i32 to index
        %get3A_977 = arith.index_cast %mul3A_974 : i32 to index
        %get3A_978 = tpu.vector_load %arg7[%get3A_976, %get3A_977] {strides = array<i32>} : memref<64x512xf32, #tpu.memory_space<vmem>>, vector<1x16xf32>,
        %get3A_979 = vector.shape_cast %get3A_978 : vector<1x16xf32> to vector<16xf32>
        %mul3A_980 = arith.mulf %get3A_253, %get3A_979 : vector<16xf32>
        %swap3A_981 = arith.constant 960 : index
        %swap3A_982 = tpu.vector_load %arg10[%swap3A_981] {strides = array<i32>} : memref<1024xf32, #tpu.memory_space<vmem>>, vector<16xf32>,
        %swap3A_983 = vector.shape_cast %swap3A_982 : vector<16xf32> to vector<16xf32>
        %swap3A_984 = vector.shape_cast %mul3A_980 : vector<16xf32> to vector<16xf32>
        tpu.vector_store %arg10[%swap3A_981], %swap3A_984 {add = true, strides = array<i32>} : memref<1024xf32, #tpu.memory_space<vmem>>, vector<16xf32>,
        %mul3A_985 = arith.constant 16 : i32
        %mul3A_986 = arith.muli %scan3A_247, %mul3A_985 : i32
        %get3A_987 = arith.constant 61 : i32
        %get3A_988 = arith.index_cast %get3A_987 : i32 to index
        %get3A_989 = arith.index_cast %mul3A_986 : i32 to index
        %get3A_990 = tpu.vector_load %arg7[%get3A_988, %get3A_989] {strides = array<i32>} : memref<64x512xf32, #tpu.memory_space<vmem>>, vector<1x16xf32>,
        %get3A_991 = vector.shape_cast %get3A_990 : vector<1x16xf32> to vector<16xf32>
        %mul3A_992 = arith.mulf %get3A_253, %get3A_991 : vector<16xf32>
        %swap3A_993 = arith.constant 976 : index
        %swap3A_994 = tpu.vector_load %arg10[%swap3A_993] {strides = array<i32>} : memref<1024xf32, #tpu.memory_space<vmem>>, vector<16xf32>,
        %swap3A_995 = vector.shape_cast %swap3A_994 : vector<16xf32> to vector<16xf32>
        %swap3A_996 = vector.shape_cast %mul3A_992 : vector<16xf32> to vector<16xf32>
        tpu.vector_store %arg10[%swap3A_993], %swap3A_996 {add = true, strides = array<i32>} : memref<1024xf32, #tpu.memory_space<vmem>>, vector<16xf32>,
        %mul3A_997 = arith.constant 16 : i32
        %mul3A_998 = arith.muli %scan3A_247, %mul3A_997 : i32
        %get3A_999 = arith.constant 62 : i32
        %get3A_1000 = arith.index_cast %get3A_999 : i32 to index
        %get3A_1001 = arith.index_cast %mul3A_998 : i32 to index
        %get3A_1002 = tpu.vector_load %arg7[%get3A_1000, %get3A_1001] {strides = array<i32>} : memref<64x512xf32, #tpu.memory_space<vmem>>, vector<1x16xf32>,
        %get3A_1003 = vector.shape_cast %get3A_1002 : vector<1x16xf32> to vector<16xf32>
        %mul3A_1004 = arith.mulf %get3A_253, %get3A_1003 : vector<16xf32>
        %swap3A_1005 = arith.constant 992 : index
        %swap3A_1006 = tpu.vector_load %arg10[%swap3A_1005] {strides = array<i32>} : memref<1024xf32, #tpu.memory_space<vmem>>, vector<16xf32>,
        %swap3A_1007 = vector.shape_cast %swap3A_1006 : vector<16xf32> to vector<16xf32>
        %swap3A_1008 = vector.shape_cast %mul3A_1004 : vector<16xf32> to vector<16xf32>
        tpu.vector_store %arg10[%swap3A_1005], %swap3A_1008 {add = true, strides = array<i32>} : memref<1024xf32, #tpu.memory_space<vmem>>, vector<16xf32>,
        %mul3A_1009 = arith.constant 16 : i32
        %mul3A_1010 = arith.muli %scan3A_247, %mul3A_1009 : i32
        %get3A_1011 = arith.constant 63 : i32
        %get3A_1012 = arith.index_cast %get3A_1011 : i32 to index
        %get3A_1013 = arith.index_cast %mul3A_1010 : i32 to index
        %get3A_1014 = tpu.vector_load %arg7[%get3A_1012, %get3A_1013] {strides = array<i32>} : memref<64x512xf32, #tpu.memory_space<vmem>>, vector<1x16xf32>,
        %get3A_1015 = vector.shape_cast %get3A_1014 : vector<1x16xf32> to vector<16xf32>
        %mul3A_1016 = arith.mulf %get3A_253, %get3A_1015 : vector<16xf32>
        %swap3A_1017 = arith.constant 1008 : index
        %swap3A_1018 = tpu.vector_load %arg10[%swap3A_1017] {strides = array<i32>} : memref<1024xf32, #tpu.memory_space<vmem>>, vector<16xf32>,
        %swap3A_1019 = vector.shape_cast %swap3A_1018 : vector<16xf32> to vector<16xf32>
        %swap3A_1020 = vector.shape_cast %mul3A_1016 : vector<16xf32> to vector<16xf32>
        tpu.vector_store %arg10[%swap3A_1017], %swap3A_1020 {add = true, strides = array<i32>} : memref<1024xf32, #tpu.memory_space<vmem>>, vector<16xf32>,
      }
      %scan3A_240 = arith.constant 32 : i32
      %add3A_241 = arith.constant 3 : i32
      %add3A_242 = arith.addi %mul3A_123, %add3A_241 : i32
      %lt3A_243 = arith.cmpi slt, %add3A_242, %mul3A_59 : i32
      %convert_element_type3A_244 = arith.extui %lt3A_243 : i1 to i32
      %cond3A_245 = arith.constant 0 : i32
      %cond3A_246 = arith.cmpi ne, %convert_element_type3A_244, %cond3A_245 : i32
      scf.if %cond3A_246 {
        %add3A_247 = arith.constant 3 : i32
        %add3A_248 = arith.addi %mul3A_123, %add3A_247 : i32
        %jit3A_249 = arith.constant 2 : i32
        %div3A_250 = arith.divsi %add3A_248, %jit3A_249 : i32
        %sign3A_251 = arith.constant 0 : i32
        %sign3A_252 = arith.cmpi sgt, %add3A_248, %sign3A_251 : i32
        %sign3A_253 = arith.extui %sign3A_252 : i1 to i32
        %sign3A_254 = arith.constant 0 : i32
        %sign3A_255 = arith.cmpi slt, %add3A_248, %sign3A_254 : i32
        %sign3A_256 = arith.extui %sign3A_255 : i1 to i32
        %sign3A_257 = arith.subi %sign3A_253, %sign3A_256 : i32
        %sign3A_258 = arith.constant 0 : i32
        %sign3A_259 = arith.cmpi sgt, %jit3A_249, %sign3A_258 : i32
        %sign3A_260 = arith.extui %sign3A_259 : i1 to i32
        %sign3A_261 = arith.constant 0 : i32
        %sign3A_262 = arith.cmpi slt, %jit3A_249, %sign3A_261 : i32
        %sign3A_263 = arith.extui %sign3A_262 : i1 to i32
        %sign3A_264 = arith.subi %sign3A_260, %sign3A_263 : i32
        %ne3A_265 = arith.cmpi ne, %sign3A_257, %sign3A_264 : i32
        %rem3A_266 = arith.remsi %add3A_248, %jit3A_249 : i32
        %ne3A_267 = arith.constant 0 : i32
        %ne3A_268 = arith.cmpi ne, %rem3A_266, %ne3A_267 : i32
        %and3A_269 = arith.andi %ne3A_265, %ne3A_268 : i1
        %sub3A_270 = arith.constant 1 : i32
        %sub3A_271 = arith.subi %div3A_250, %sub3A_270 : i32
        %select_n3A_272 = arith.select %and3A_269, %sub3A_271, %div3A_250 : i32
        %mul3A_273 = arith.constant 32 : i32
        %mul3A_274 = arith.muli %select_n3A_272, %mul3A_273 : i32
        %add3A_275 = arith.addi %add3A, %mul3A_274 : i32
        %mul3A_276 = arith.constant 1024 : i32
        %mul3A_277 = arith.muli %add3A_275, %mul3A_276 : i32
        %add3A_278 = arith.constant 896000 : i32
        %add3A_279 = arith.addi %add3A_278, %mul3A_277 : i32
        %jit3A_280 = arith.constant 2 : i32
        %eq3A_281 = arith.constant 0 : i32
        %eq3A_282 = arith.cmpi eq, %jit3A_280, %eq3A_281 : i32
        %jit3A_283 = arith.constant 1 : i32
        %select_n3A_284 = arith.select %eq3A_282, %jit3A_283, %jit3A_280 : i32
        %rem3A_285 = arith.remsi %add3A_248, %select_n3A_284 : i32
        %ne3A_286 = arith.constant 0 : i32
        %ne3A_287 = arith.cmpi ne, %rem3A_285, %ne3A_286 : i32
        %lt3A_288 = arith.constant 0 : i32
        %lt3A_289 = arith.cmpi slt, %rem3A_285, %lt3A_288 : i32
        %lt3A_290 = arith.constant 0 : i32
        %lt3A_291 = arith.cmpi slt, %select_n3A_284, %lt3A_290 : i32
        %ne3A_292 = arith.xori %lt3A_289, %lt3A_291 : i1
        %and3A_293 = arith.andi %ne3A_292, %ne3A_287 : i1
        %add3A_294 = arith.addi %rem3A_285, %select_n3A_284 : i32
        %select_n3A_295 = arith.select %and3A_293, %add3A_294, %rem3A_285 : i32
        %mul3A_296 = arith.constant 512 : i32
        %mul3A_297 = arith.muli %select_n3A_295, %mul3A_296 : i32
        %add3A_298 = arith.addi %add3A_279, %mul3A_297 : i32
        %dma_start3A_299 = arith.constant 0 : i32
        %dma_start3A_300 = tpu.memref_slice %arg4[%dma_start3A_299, %add3A_298] : memref<64x1000000xf32, #tpu.memory_space<hbm>> -> memref<64x512xf32, #tpu.memory_space<hbm>>
        %dma_start3A_301 = arith.constant 0 : i32
        %dma_start3A_302 = tpu.memref_slice %arg4[%dma_start3A_301, %add3A_298] : memref<64x1000000xf32, #tpu.memory_space<hbm>> -> memref<64x512xf32, #tpu.memory_space<hbm>>
        tpu.enqueue_dma source(%dma_start3A_302 : memref<64x512xf32, #tpu.memory_space<hbm>>) target(%arg7 : memref<64x512xf32, #tpu.memory_space<vmem>>) target_semaphore(%arg12 : memref<!tpu.dma_semaphore, #tpu.memory_space<semaphore_mem>>)
      } else {
      }
    }
    %mul3A_117 = arith.constant 64 : i32
    %mul3A_118 = arith.muli %add3A, %mul3A_117 : i32
    %mul3A_119 = arith.constant 16 : i32
    %mul3A_120 = arith.muli %mul3A_118, %mul3A_119 : i32
    "tpu.region"() ({
      %run_scoped3A = tpu.sem_alloc : memref<!tpu.dma_semaphore, #tpu.memory_space<semaphore_mem>>
      %dma_start3A_121 = tpu.memref_slice %arg5[%mul3A_120] : memref<32768xf32, #tpu.memory_space<hbm>> -> memref<1024xf32, #tpu.memory_space<hbm>>
      %dma_start3A_122 = tpu.memref_slice %arg5[%mul3A_120] : memref<32768xf32, #tpu.memory_space<hbm>> -> memref<1024xf32, #tpu.memory_space<hbm>>
      tpu.enqueue_dma source(%arg10 : memref<1024xf32, #tpu.memory_space<vmem>>) target(%dma_start3A_122 : memref<1024xf32, #tpu.memory_space<hbm>>) target_semaphore(%run_scoped3A : memref<!tpu.dma_semaphore, #tpu.memory_space<semaphore_mem>>)
      %dma_wait3A = tpu.memref_slice %arg5[%mul3A_120] : memref<32768xf32, #tpu.memory_space<hbm>> -> memref<1024xf32, #tpu.memory_space<hbm>>
      %dma_wait3A_123 = tpu.memref_slice %arg5[%mul3A_120] : memref<32768xf32, #tpu.memory_space<hbm>> -> memref<1024xf32, #tpu.memory_space<hbm>>
      tpu.wait_dma2 semaphore(%run_scoped3A : memref<!tpu.dma_semaphore, #tpu.memory_space<semaphore_mem>>) src(%arg10 : memref<1024xf32, #tpu.memory_space<vmem>>) dst(%dma_wait3A_123 : memref<1024xf32, #tpu.memory_space<hbm>>)
      tpu.yield
    }) : () -> ()
    return
  }
}

module attributes {stable_mosaic.version = 14 : i64} {
  func.func @_stats_tail_kernel(%arg0: memref<1000x1000xf32, #tpu.memory_space<vmem>>, %arg1: memref<1x1xf32, #tpu.memory_space<vmem>>, %arg2: memref<1x1600xf32, #tpu.memory_space<vmem>>, %arg3: memref<1600x64xf32, #tpu.memory_space<vmem>>, %arg4: memref<2x16xf32, #tpu.memory_space<vmem>>, %arg5: memref<1x64xf32, #tpu.memory_space<vmem>>) attributes {dimension_semantics = [], scalar_prefetch = 0 : i64, scratch_operands = 0 : i64, tpu.core_type = #tpu.core_type<tc>} {
    %get3A = arith.constant 0 : index
    %get3A_0 = arith.constant 0 : index
    %get3A_1 = vector.load %arg0[%get3A, %get3A_0] : memref<1000x1000xf32, #tpu.memory_space<vmem>>, vector<1000x1000xf32>
    %reduce_max3A = vector.shape_cast %get3A_1 : vector<1000x1000xf32> to vector<1x1000x1000xf32>
    %reduce_max3A_2 = arith.constant dense<0xFF800000> : vector<1xf32>
    %reduce_max3A_3 = vector.multi_reduction <maximumf>, %reduce_max3A, %reduce_max3A_2 [1, 2] : vector<1x1000x1000xf32> to vector<1xf32>
    %reduce_max3A_4 = vector.shape_cast %reduce_max3A_3 : vector<1xf32> to vector<1x1x1xf32>
    %reduce_max3A_5 = vector.extract %reduce_max3A_4[0, 0, 0] : f32 from vector<1x1x1xf32>
    %sub3A = vector.broadcast %reduce_max3A_5 : f32 to vector<1000x1000xf32>
    %sub3A_6 = arith.subf %get3A_1, %sub3A : vector<1000x1000xf32>
    %exp3A = math.exp %sub3A_6 : vector<1000x1000xf32>
    %reduce_sum3A = vector.shape_cast %exp3A : vector<1000x1000xf32> to vector<1x1000x1000xf32>
    %reduce_sum3A_7 = arith.constant dense<0.000000e+00> : vector<1xf32>
    %reduce_sum3A_8 = vector.multi_reduction <add>, %reduce_sum3A, %reduce_sum3A_7 [1, 2] : vector<1x1000x1000xf32> to vector<1xf32>
    %reduce_sum3A_9 = vector.shape_cast %reduce_sum3A_8 : vector<1xf32> to vector<1x1x1xf32>
    %reduce_sum3A_10 = vector.extract %reduce_sum3A_9[0, 0, 0] : f32 from vector<1x1x1xf32>
    %get3A_11 = arith.constant 0 : index
    %get3A_12 = arith.constant 0 : index
    %get3A_13 = vector.load %arg1[%get3A_11, %get3A_12] : memref<1x1xf32, #tpu.memory_space<vmem>>, vector<1x1xf32>
    %get3A_14 = vector.extract %get3A_13[0, 0] : f32 from vector<1x1xf32>
    %round3A = math.roundeven %get3A_14 : f32
    %mul3A = arith.constant 1.000000e+06 : f32
    %mul3A_15 = arith.mulf %mul3A, %reduce_sum3A_10 : f32
    %div3A = arith.divf %round3A, %mul3A_15 : f32
    %broadcast_in_dim3A = vector.broadcast %reduce_max3A_5 : f32 to vector<16xf32>
    %broadcast_in_dim3A_16 = vector.broadcast %div3A : f32 to vector<16xf32>
    %stack3A = vector.shape_cast %broadcast_in_dim3A : vector<16xf32> to vector<1x16xf32>
    %stack3A_17 = vector.shape_cast %broadcast_in_dim3A_16 : vector<16xf32> to vector<1x16xf32>
    %stack3A_18 = tpu.concatenate %stack3A, %stack3A_17 in 0 : vector<1x16xf32>, vector<1x16xf32> -> vector<2x16xf32>
    %swap3A = arith.constant 0 : index
    %swap3A_19 = arith.constant 0 : index
    %swap3A_20 = vector.load %arg4[%swap3A, %swap3A_19] : memref<2x16xf32, #tpu.memory_space<vmem>>, vector<2x16xf32>
    tpu.vector_store %arg4[%swap3A, %swap3A_19], %stack3A_18 {strides = array<i32>} : memref<2x16xf32, #tpu.memory_space<vmem>>, vector<2x16xf32>,
    %get3A_21 = arith.constant 0 : index
    %get3A_22 = arith.constant 0 : index
    %get3A_23 = vector.load %arg2[%get3A_21, %get3A_22] : memref<1x1600xf32, #tpu.memory_space<vmem>>, vector<1x1600xf32>
    %sub3A_24 = vector.broadcast %reduce_max3A_5 : f32 to vector<1x1600xf32>
    %sub3A_25 = arith.subf %get3A_23, %sub3A_24 : vector<1x1600xf32>
    %exp3A_26 = math.exp %sub3A_25 : vector<1x1600xf32>
    %mul3A_27 = vector.broadcast %div3A : f32 to vector<1x1600xf32>
    %mul3A_28 = arith.mulf %exp3A_26, %mul3A_27 : vector<1x1600xf32>
    %get3A_29 = arith.constant 0 : index
    %get3A_30 = arith.constant 0 : index
    %get3A_31 = vector.load %arg3[%get3A_29, %get3A_30] : memref<1600x64xf32, #tpu.memory_space<vmem>>, vector<1600x64xf32>
    %dot_general3A = arith.constant dense<0.000000e+00> : vector<1x64xf32>
    %dot_general3A_32 = tpu.matmul %mul3A_28, %get3A_31, %dot_general3A {dimension_numbers = #tpu.dot_dimension_numbers<[1], [0], [0], [1], [0, 0, 1, 1], [], []>, transpose_lhs_hint = false} : vector<1x1600xf32>, vector<1600x64xf32>, vector<1x64xf32> -> vector<1x64xf32>
    %swap3A_33 = arith.constant 0 : index
    %swap3A_34 = arith.constant 0 : index
    %swap3A_35 = vector.load %arg5[%swap3A_33, %swap3A_34] : memref<1x64xf32, #tpu.memory_space<vmem>>, vector<1x64xf32>
    tpu.vector_store %arg5[%swap3A_33, %swap3A_34], %dot_general3A_32 {strides = array<i32>} : memref<1x64xf32, #tpu.memory_space<vmem>>, vector<1x64xf32>,
    return
  }
}

module attributes {stable_mosaic.version = 14 : i64} {
  func.func @body(%arg0: memref<2x16xf32, #tpu.memory_space<hbm>>, %arg1: memref<1x64xf32, #tpu.memory_space<hbm>>, %arg2: memref<1000000xf32, #tpu.memory_space<hbm>>, %arg3: memref<64x1000000xf32, #tpu.memory_space<hbm>>, %arg4: memref<1x64xf32, #tpu.memory_space<vmem>>, %arg5: memref<64x25600xf32, #tpu.memory_space<vmem>>, %arg6: memref<64x25600xf32, #tpu.memory_space<vmem>>, %arg7: memref<25600xf32, #tpu.memory_space<vmem>>, %arg8: memref<25600xf32, #tpu.memory_space<vmem>>, %arg9: memref<2x16xf32, #tpu.memory_space<vmem>>, %arg10: memref<1x64xf32, #tpu.memory_space<vmem>>, %arg11: memref<64x25600xf32, #tpu.memory_space<vmem>>, %arg12: memref<!tpu.dma_semaphore, #tpu.memory_space<semaphore_mem>>, %arg13: memref<!tpu.dma_semaphore, #tpu.memory_space<semaphore_mem>>, %arg14: memref<!tpu.dma_semaphore, #tpu.memory_space<semaphore_mem>>, %arg15: memref<!tpu.dma_semaphore, #tpu.memory_space<semaphore_mem>>) attributes {dimension_semantics = [], scalar_prefetch = 0 : i64, scratch_operands = 11 : i64, tpu.core_type = #tpu.core_type<tc>} {
    "tpu.region"() ({
      %run_scoped3A = tpu.sem_alloc : memref<!tpu.dma_semaphore, #tpu.memory_space<semaphore_mem>>
      tpu.enqueue_dma source(%arg0 : memref<2x16xf32, #tpu.memory_space<hbm>>) target(%arg9 : memref<2x16xf32, #tpu.memory_space<vmem>>) target_semaphore(%run_scoped3A : memref<!tpu.dma_semaphore, #tpu.memory_space<semaphore_mem>>)
      tpu.wait_dma2 semaphore(%run_scoped3A : memref<!tpu.dma_semaphore, #tpu.memory_space<semaphore_mem>>) src(%arg0 : memref<2x16xf32, #tpu.memory_space<hbm>>) dst(%arg9 : memref<2x16xf32, #tpu.memory_space<vmem>>)
      tpu.yield
    }) : () -> ()
    "tpu.region"() ({
      %run_scoped3A = tpu.sem_alloc : memref<!tpu.dma_semaphore, #tpu.memory_space<semaphore_mem>>
      tpu.enqueue_dma source(%arg1 : memref<1x64xf32, #tpu.memory_space<hbm>>) target(%arg10 : memref<1x64xf32, #tpu.memory_space<vmem>>) target_semaphore(%run_scoped3A : memref<!tpu.dma_semaphore, #tpu.memory_space<semaphore_mem>>)
      tpu.wait_dma2 semaphore(%run_scoped3A : memref<!tpu.dma_semaphore, #tpu.memory_space<semaphore_mem>>) src(%arg1 : memref<1x64xf32, #tpu.memory_space<hbm>>) dst(%arg10 : memref<1x64xf32, #tpu.memory_space<vmem>>)
      tpu.yield
    }) : () -> ()
    %get3A = arith.constant 0 : index
    %get3A_0 = arith.constant 0 : index
    %get3A_1 = vector.load %arg9[%get3A, %get3A_0] : memref<2x16xf32, #tpu.memory_space<vmem>>, vector<1x1xf32>
    %get3A_2 = vector.extract %get3A_1[0, 0] : f32 from vector<1x1xf32>
    %get3A_3 = arith.constant 1 : index
    %get3A_4 = arith.constant 0 : index
    %get3A_5 = vector.load %arg9[%get3A_3, %get3A_4] : memref<2x16xf32, #tpu.memory_space<vmem>>, vector<1x1xf32>
    %get3A_6 = vector.extract %get3A_5[0, 0] : f32 from vector<1x1xf32>
    %dma_start3A = arith.constant 0 : i32
    %dma_start3A_7 = arith.constant 0 : i32
    %dma_start3A_8 = tpu.memref_slice %arg3[%dma_start3A, %dma_start3A_7] : memref<64x1000000xf32, #tpu.memory_space<hbm>> -> memref<64x25600xf32, #tpu.memory_space<hbm>>
    tpu.enqueue_dma source(%dma_start3A_8 : memref<64x25600xf32, #tpu.memory_space<hbm>>) target(%arg5 : memref<64x25600xf32, #tpu.memory_space<vmem>>) target_semaphore(%arg12 : memref<!tpu.dma_semaphore, #tpu.memory_space<semaphore_mem>>)
    %dma_start3A_9 = arith.constant 0 : i32
    %dma_start3A_10 = tpu.memref_slice %arg2[%dma_start3A_9] : memref<1000000xf32, #tpu.memory_space<hbm>> -> memref<25600xf32, #tpu.memory_space<hbm>>
    tpu.enqueue_dma source(%dma_start3A_10 : memref<25600xf32, #tpu.memory_space<hbm>>) target(%arg7 : memref<25600xf32, #tpu.memory_space<vmem>>) target_semaphore(%arg14 : memref<!tpu.dma_semaphore, #tpu.memory_space<semaphore_mem>>)
    %dma_start3A_11 = arith.constant 0 : i32
    %dma_start3A_12 = arith.constant 25600 : i32
    %dma_start3A_13 = tpu.memref_slice %arg3[%dma_start3A_11, %dma_start3A_12] : memref<64x1000000xf32, #tpu.memory_space<hbm>> -> memref<64x25600xf32, #tpu.memory_space<hbm>>
    tpu.enqueue_dma source(%dma_start3A_13 : memref<64x25600xf32, #tpu.memory_space<hbm>>) target(%arg6 : memref<64x25600xf32, #tpu.memory_space<vmem>>) target_semaphore(%arg13 : memref<!tpu.dma_semaphore, #tpu.memory_space<semaphore_mem>>)
    %dma_start3A_14 = arith.constant 25600 : i32
    %dma_start3A_15 = tpu.memref_slice %arg2[%dma_start3A_14] : memref<1000000xf32, #tpu.memory_space<hbm>> -> memref<25600xf32, #tpu.memory_space<hbm>>
    tpu.enqueue_dma source(%dma_start3A_15 : memref<25600xf32, #tpu.memory_space<hbm>>) target(%arg8 : memref<25600xf32, #tpu.memory_space<vmem>>) target_semaphore(%arg15 : memref<!tpu.dma_semaphore, #tpu.memory_space<semaphore_mem>>)
    %broadcast_in_dim3A = arith.constant 0.000000e+00 : f32
    %broadcast_in_dim3A_16 = vector.broadcast %broadcast_in_dim3A : f32 to vector<64x25600xf32>
    %swap3A = arith.constant 0 : index
    %swap3A_17 = arith.constant 0 : index
    %swap3A_18 = vector.load %arg11[%swap3A, %swap3A_17] : memref<64x25600xf32, #tpu.memory_space<vmem>>, vector<64x25600xf32>
    tpu.vector_store %arg11[%swap3A, %swap3A_17], %broadcast_in_dim3A_16 {strides = array<i32>} : memref<64x25600xf32, #tpu.memory_space<vmem>>, vector<64x25600xf32>,
    %scan3A = arith.constant 0 : i32
    %scan3A_19 = arith.constant 17 : i32
    %scan3A_20 = arith.addi %scan3A, %scan3A_19 : i32
    %scan3A_21 = arith.constant 1 : i32
    scf.for %scan3A_54 = %scan3A to %scan3A_20 step %scan3A_21  : i32 {
      %mul3A_55 = arith.constant 2 : i32
      %mul3A_56 = arith.muli %mul3A_55, %scan3A_54 : i32
      %dma_wait3A_57 = arith.constant 0 : i32
      %dma_wait3A_58 = arith.constant 0 : i32
      %dma_wait3A_59 = tpu.memref_slice %arg3[%dma_wait3A_57, %dma_wait3A_58] : memref<64x1000000xf32, #tpu.memory_space<hbm>> -> memref<64x25600xf32, #tpu.memory_space<hbm>>
      tpu.wait_dma2 semaphore(%arg12 : memref<!tpu.dma_semaphore, #tpu.memory_space<semaphore_mem>>) src(%dma_wait3A_59 : memref<64x25600xf32, #tpu.memory_space<hbm>>) dst(%arg5 : memref<64x25600xf32, #tpu.memory_space<vmem>>)
      %dma_wait3A_60 = arith.constant 0 : i32
      %dma_wait3A_61 = tpu.memref_slice %arg2[%dma_wait3A_60] : memref<1000000xf32, #tpu.memory_space<hbm>> -> memref<25600xf32, #tpu.memory_space<hbm>>
      tpu.wait_dma2 semaphore(%arg14 : memref<!tpu.dma_semaphore, #tpu.memory_space<semaphore_mem>>) src(%dma_wait3A_61 : memref<25600xf32, #tpu.memory_space<hbm>>) dst(%arg7 : memref<25600xf32, #tpu.memory_space<vmem>>)
      %get3A_62 = arith.constant 0 : index
      %get3A_63 = vector.load %arg7[%get3A_62] : memref<25600xf32, #tpu.memory_space<vmem>>, vector<25600xf32>
      %sub3A_64 = vector.broadcast %get3A_2 : f32 to vector<25600xf32>
      %sub3A_65 = arith.subf %get3A_63, %sub3A_64 : vector<25600xf32>
      %exp3A_66 = math.exp %sub3A_65 : vector<25600xf32>
      %mul3A_67 = vector.broadcast %get3A_6 : f32 to vector<25600xf32>
      %mul3A_68 = arith.mulf %exp3A_66, %mul3A_67 : vector<25600xf32>
      %reshape3A_69 = vector.shape_cast %mul3A_68 : vector<25600xf32> to vector<1x25600xf32>
      %get3A_70 = arith.constant 0 : index
      %get3A_71 = arith.constant 0 : index
      %get3A_72 = vector.load %arg11[%get3A_70, %get3A_71] : memref<64x25600xf32, #tpu.memory_space<vmem>>, vector<64x25600xf32>
      %get3A_73 = arith.constant 0 : index
      %get3A_74 = arith.constant 0 : index
      %get3A_75 = vector.load %arg5[%get3A_73, %get3A_74] : memref<64x25600xf32, #tpu.memory_space<vmem>>, vector<64x25600xf32>
      %mul3A_76 = vector.broadcast %reshape3A_69 : vector<1x25600xf32> to vector<64x25600xf32>
      %mul3A_77 = arith.mulf %get3A_75, %mul3A_76 : vector<64x25600xf32>
      %add3A_78 = arith.addf %get3A_72, %mul3A_77 : vector<64x25600xf32>
      %swap3A_79 = arith.constant 0 : index
      %swap3A_80 = arith.constant 0 : index
      %swap3A_81 = vector.load %arg11[%swap3A_79, %swap3A_80] : memref<64x25600xf32, #tpu.memory_space<vmem>>, vector<64x25600xf32>
      tpu.vector_store %arg11[%swap3A_79, %swap3A_80], %add3A_78 {strides = array<i32>} : memref<64x25600xf32, #tpu.memory_space<vmem>>, vector<64x25600xf32>,
      %add3A_82 = arith.constant 2 : i32
      %add3A_83 = arith.addi %mul3A_56, %add3A_82 : i32
      %lt3A = arith.constant 35 : i32
      %lt3A_84 = arith.cmpi slt, %add3A_83, %lt3A : i32
      %convert_element_type3A = arith.extui %lt3A_84 : i1 to i32
      %cond3A = arith.constant 0 : i32
      %cond3A_85 = arith.cmpi ne, %convert_element_type3A, %cond3A : i32
      scf.if %cond3A_85 {
        %add3A_118 = arith.constant 2 : i32
        %add3A_119 = arith.addi %mul3A_56, %add3A_118 : i32
        %mul3A_120 = arith.constant 25600 : i32
        %mul3A_121 = arith.muli %add3A_119, %mul3A_120 : i32
        %dma_start3A_122 = arith.constant 0 : i32
        %dma_start3A_123 = tpu.memref_slice %arg3[%dma_start3A_122, %mul3A_121] : memref<64x1000000xf32, #tpu.memory_space<hbm>> -> memref<64x25600xf32, #tpu.memory_space<hbm>>
        tpu.enqueue_dma source(%dma_start3A_123 : memref<64x25600xf32, #tpu.memory_space<hbm>>) target(%arg5 : memref<64x25600xf32, #tpu.memory_space<vmem>>) target_semaphore(%arg12 : memref<!tpu.dma_semaphore, #tpu.memory_space<semaphore_mem>>)
        %mul3A_124 = arith.constant 25600 : i32
        %mul3A_125 = arith.muli %add3A_119, %mul3A_124 : i32
        %dma_start3A_126 = tpu.memref_slice %arg2[%mul3A_125] : memref<1000000xf32, #tpu.memory_space<hbm>> -> memref<25600xf32, #tpu.memory_space<hbm>>
        tpu.enqueue_dma source(%dma_start3A_126 : memref<25600xf32, #tpu.memory_space<hbm>>) target(%arg7 : memref<25600xf32, #tpu.memory_space<vmem>>) target_semaphore(%arg14 : memref<!tpu.dma_semaphore, #tpu.memory_space<semaphore_mem>>)
      } else {
      }
      %dma_wait3A_86 = arith.constant 0 : i32
      %dma_wait3A_87 = arith.constant 0 : i32
      %dma_wait3A_88 = tpu.memref_slice %arg3[%dma_wait3A_86, %dma_wait3A_87] : memref<64x1000000xf32, #tpu.memory_space<hbm>> -> memref<64x25600xf32, #tpu.memory_space<hbm>>
      tpu.wait_dma2 semaphore(%arg13 : memref<!tpu.dma_semaphore, #tpu.memory_space<semaphore_mem>>) src(%dma_wait3A_88 : memref<64x25600xf32, #tpu.memory_space<hbm>>) dst(%arg6 : memref<64x25600xf32, #tpu.memory_space<vmem>>)
      %dma_wait3A_89 = arith.constant 0 : i32
      %dma_wait3A_90 = tpu.memref_slice %arg2[%dma_wait3A_89] : memref<1000000xf32, #tpu.memory_space<hbm>> -> memref<25600xf32, #tpu.memory_space<hbm>>
      tpu.wait_dma2 semaphore(%arg15 : memref<!tpu.dma_semaphore, #tpu.memory_space<semaphore_mem>>) src(%dma_wait3A_90 : memref<25600xf32, #tpu.memory_space<hbm>>) dst(%arg8 : memref<25600xf32, #tpu.memory_space<vmem>>)
      %get3A_91 = arith.constant 0 : index
      %get3A_92 = vector.load %arg8[%get3A_91] : memref<25600xf32, #tpu.memory_space<vmem>>, vector<25600xf32>
      %sub3A_93 = vector.broadcast %get3A_2 : f32 to vector<25600xf32>
      %sub3A_94 = arith.subf %get3A_92, %sub3A_93 : vector<25600xf32>
      %exp3A_95 = math.exp %sub3A_94 : vector<25600xf32>
      %mul3A_96 = vector.broadcast %get3A_6 : f32 to vector<25600xf32>
      %mul3A_97 = arith.mulf %exp3A_95, %mul3A_96 : vector<25600xf32>
      %reshape3A_98 = vector.shape_cast %mul3A_97 : vector<25600xf32> to vector<1x25600xf32>
      %get3A_99 = arith.constant 0 : index
      %get3A_100 = arith.constant 0 : index
      %get3A_101 = vector.load %arg11[%get3A_99, %get3A_100] : memref<64x25600xf32, #tpu.memory_space<vmem>>, vector<64x25600xf32>
      %get3A_102 = arith.constant 0 : index
      %get3A_103 = arith.constant 0 : index
      %get3A_104 = vector.load %arg6[%get3A_102, %get3A_103] : memref<64x25600xf32, #tpu.memory_space<vmem>>, vector<64x25600xf32>
      %mul3A_105 = vector.broadcast %reshape3A_98 : vector<1x25600xf32> to vector<64x25600xf32>
      %mul3A_106 = arith.mulf %get3A_104, %mul3A_105 : vector<64x25600xf32>
      %add3A_107 = arith.addf %get3A_101, %mul3A_106 : vector<64x25600xf32>
      %swap3A_108 = arith.constant 0 : index
      %swap3A_109 = arith.constant 0 : index
      %swap3A_110 = vector.load %arg11[%swap3A_108, %swap3A_109] : memref<64x25600xf32, #tpu.memory_space<vmem>>, vector<64x25600xf32>
      tpu.vector_store %arg11[%swap3A_108, %swap3A_109], %add3A_107 {strides = array<i32>} : memref<64x25600xf32, #tpu.memory_space<vmem>>, vector<64x25600xf32>,
      %add3A_111 = arith.constant 3 : i32
      %add3A_112 = arith.addi %mul3A_56, %add3A_111 : i32
      %lt3A_113 = arith.constant 35 : i32
      %lt3A_114 = arith.cmpi slt, %add3A_112, %lt3A_113 : i32
      %convert_element_type3A_115 = arith.extui %lt3A_114 : i1 to i32
      %cond3A_116 = arith.constant 0 : i32
      %cond3A_117 = arith.cmpi ne, %convert_element_type3A_115, %cond3A_116 : i32
      scf.if %cond3A_117 {
        %add3A_118 = arith.constant 3 : i32
        %add3A_119 = arith.addi %mul3A_56, %add3A_118 : i32
        %mul3A_120 = arith.constant 25600 : i32
        %mul3A_121 = arith.muli %add3A_119, %mul3A_120 : i32
        %dma_start3A_122 = arith.constant 0 : i32
        %dma_start3A_123 = tpu.memref_slice %arg3[%dma_start3A_122, %mul3A_121] : memref<64x1000000xf32, #tpu.memory_space<hbm>> -> memref<64x25600xf32, #tpu.memory_space<hbm>>
        tpu.enqueue_dma source(%dma_start3A_123 : memref<64x25600xf32, #tpu.memory_space<hbm>>) target(%arg6 : memref<64x25600xf32, #tpu.memory_space<vmem>>) target_semaphore(%arg13 : memref<!tpu.dma_semaphore, #tpu.memory_space<semaphore_mem>>)
        %mul3A_124 = arith.constant 25600 : i32
        %mul3A_125 = arith.muli %add3A_119, %mul3A_124 : i32
        %dma_start3A_126 = tpu.memref_slice %arg2[%mul3A_125] : memref<1000000xf32, #tpu.memory_space<hbm>> -> memref<25600xf32, #tpu.memory_space<hbm>>
        tpu.enqueue_dma source(%dma_start3A_126 : memref<25600xf32, #tpu.memory_space<hbm>>) target(%arg8 : memref<25600xf32, #tpu.memory_space<vmem>>) target_semaphore(%arg15 : memref<!tpu.dma_semaphore, #tpu.memory_space<semaphore_mem>>)
      } else {
      }
    }
    %scan3A_22 = arith.constant 17 : i32
    %dma_wait3A = arith.constant 0 : i32
    %dma_wait3A_23 = arith.constant 0 : i32
    %dma_wait3A_24 = tpu.memref_slice %arg3[%dma_wait3A, %dma_wait3A_23] : memref<64x1000000xf32, #tpu.memory_space<hbm>> -> memref<64x25600xf32, #tpu.memory_space<hbm>>
    tpu.wait_dma2 semaphore(%arg12 : memref<!tpu.dma_semaphore, #tpu.memory_space<semaphore_mem>>) src(%dma_wait3A_24 : memref<64x25600xf32, #tpu.memory_space<hbm>>) dst(%arg5 : memref<64x25600xf32, #tpu.memory_space<vmem>>)
    %dma_wait3A_25 = arith.constant 0 : i32
    %dma_wait3A_26 = tpu.memref_slice %arg2[%dma_wait3A_25] : memref<1000000xf32, #tpu.memory_space<hbm>> -> memref<25600xf32, #tpu.memory_space<hbm>>
    tpu.wait_dma2 semaphore(%arg14 : memref<!tpu.dma_semaphore, #tpu.memory_space<semaphore_mem>>) src(%dma_wait3A_26 : memref<25600xf32, #tpu.memory_space<hbm>>) dst(%arg7 : memref<25600xf32, #tpu.memory_space<vmem>>)
    %get3A_27 = arith.constant 0 : index
    %get3A_28 = vector.load %arg7[%get3A_27] : memref<25600xf32, #tpu.memory_space<vmem>>, vector<25600xf32>
    %sub3A = vector.broadcast %get3A_2 : f32 to vector<25600xf32>
    %sub3A_29 = arith.subf %get3A_28, %sub3A : vector<25600xf32>
    %exp3A = math.exp %sub3A_29 : vector<25600xf32>
    %mul3A = vector.broadcast %get3A_6 : f32 to vector<25600xf32>
    %mul3A_30 = arith.mulf %exp3A, %mul3A : vector<25600xf32>
    %reshape3A = vector.shape_cast %mul3A_30 : vector<25600xf32> to vector<1x25600xf32>
    %get3A_31 = arith.constant 0 : index
    %get3A_32 = arith.constant 0 : index
    %get3A_33 = vector.load %arg11[%get3A_31, %get3A_32] : memref<64x25600xf32, #tpu.memory_space<vmem>>, vector<64x25600xf32>
    %get3A_34 = arith.constant 0 : index
    %get3A_35 = arith.constant 0 : index
    %get3A_36 = vector.load %arg5[%get3A_34, %get3A_35] : memref<64x25600xf32, #tpu.memory_space<vmem>>, vector<64x25600xf32>
    %mul3A_37 = vector.broadcast %reshape3A : vector<1x25600xf32> to vector<64x25600xf32>
    %mul3A_38 = arith.mulf %get3A_36, %mul3A_37 : vector<64x25600xf32>
    %add3A = arith.addf %get3A_33, %mul3A_38 : vector<64x25600xf32>
    %swap3A_39 = arith.constant 0 : index
    %swap3A_40 = arith.constant 0 : index
    %swap3A_41 = vector.load %arg11[%swap3A_39, %swap3A_40] : memref<64x25600xf32, #tpu.memory_space<vmem>>, vector<64x25600xf32>
    tpu.vector_store %arg11[%swap3A_39, %swap3A_40], %add3A {strides = array<i32>} : memref<64x25600xf32, #tpu.memory_space<vmem>>, vector<64x25600xf32>,
    %get3A_42 = arith.constant 0 : index
    %get3A_43 = arith.constant 0 : index
    %get3A_44 = vector.load %arg11[%get3A_42, %get3A_43] : memref<64x25600xf32, #tpu.memory_space<vmem>>, vector<64x25600xf32>
    %reduce_sum3A = arith.constant dense<0.000000e+00> : vector<64xf32>
    %reduce_sum3A_45 = vector.multi_reduction <add>, %get3A_44, %reduce_sum3A [1] : vector<64x25600xf32> to vector<64xf32>
    %reshape3A_46 = vector.shape_cast %reduce_sum3A_45 : vector<64xf32> to vector<1x64xf32>
    %get3A_47 = arith.constant 0 : index
    %get3A_48 = arith.constant 0 : index
    %get3A_49 = vector.load %arg10[%get3A_47, %get3A_48] : memref<1x64xf32, #tpu.memory_space<vmem>>, vector<1x64xf32>
    %add3A_50 = arith.addf %reshape3A_46, %get3A_49 : vector<1x64xf32>
    %swap3A_51 = arith.constant 0 : index
    %swap3A_52 = arith.constant 0 : index
    %swap3A_53 = vector.load %arg4[%swap3A_51, %swap3A_52] : memref<1x64xf32, #tpu.memory_space<vmem>>, vector<1x64xf32>
    tpu.vector_store %arg4[%swap3A_51, %swap3A_52], %add3A_50 {strides = array<i32>} : memref<1x64xf32, #tpu.memory_space<vmem>>, vector<1x64xf32>,
    return
  }
}

module attributes {stable_mosaic.version = 14 : i64} {
  func.func @_combine_kernel(%arg0: memref<1x64xf32, #tpu.memory_space<vmem>>, %arg1: memref<2048x16xf32, #tpu.memory_space<vmem>>, %arg2: memref<1x64xf32, #tpu.memory_space<vmem>>) attributes {dimension_semantics = [], scalar_prefetch = 0 : i64, scratch_operands = 0 : i64, tpu.core_type = #tpu.core_type<tc>} {
    %get3A = arith.constant 0 : index
    %get3A_0 = arith.constant 0 : index
    %get3A_1 = vector.load %arg1[%get3A, %get3A_0] : memref<2048x16xf32, #tpu.memory_space<vmem>>, vector<2048x16xf32>
    %reshape3A = vector.shape_cast %get3A_1 : vector<2048x16xf32> to vector<32x64x16xf32>
    %get3A_2 = arith.constant 0 : index
    %get3A_3 = arith.constant 0 : index
    %get3A_4 = vector.load %arg0[%get3A_2, %get3A_3] : memref<1x64xf32, #tpu.memory_space<vmem>>, vector<1x64xf32>
    %reduce_sum3A = arith.constant dense<0.000000e+00> : vector<64xf32>
    %reduce_sum3A_5 = vector.multi_reduction <add>, %reshape3A, %reduce_sum3A [0, 2] : vector<32x64x16xf32> to vector<64xf32>
    %reshape3A_6 = vector.shape_cast %reduce_sum3A_5 : vector<64xf32> to vector<1x64xf32>
    %add3A = arith.addf %get3A_4, %reshape3A_6 : vector<1x64xf32>
    %swap3A = arith.constant 0 : index
    %swap3A_7 = arith.constant 0 : index
    %swap3A_8 = vector.load %arg2[%swap3A, %swap3A_7] : memref<1x64xf32, #tpu.memory_space<vmem>>, vector<1x64xf32>
    tpu.vector_store %arg2[%swap3A, %swap3A_7], %add3A {strides = array<i32>} : memref<1x64xf32, #tpu.memory_space<vmem>>, vector<1x64xf32>,
    return
  }
}

</mosaic_0001>

<sc_bundles>
// kernel: kernel.6.cloned.1.call-start
scs
__scs_entry_jumppad:
0x0: {  	(pc) =	sbr.rel $0x88, $3  }
0x1: {  	(tag) =	ssettag $0x0;
	lr =	simm.s32 $0x1  }
0x2: {  	[smem:$0x3F9E] =	sst lr;
	_ =	strace $0xD0000000  }
0x3: {  	_ = 	snop  }
0x4: {  	_ = 	snop  }
0x5: {  	_ = 	snop  }
0x6: {  	_ = 	snop  }
0x7: {  	_ = 	snop  }
__scs_overlays_trampoline_lowered:
0x8: {  	[smem:$0x3FAD] =	sst s0  }
0x9: {  	[smem:$0x3FAE] =	sst s1  }
0xa: {  	[smem:$0x3FAF] =	sst s2  }
0xb: {  	[smem:$0x3FB0] =	sst s3  }
0xc: {  	[smem:$0x3FB1] =	sst s4  }
0xd: {  	[smem:$0x3FB2] =	sst s5  }
0xe: {  	[smem:$0x3FB3] =	sst s6  }
0xf: {  	[smem:$0x3FB4] =	sst s7  }
0x10: {  	[smem:$0x3FB5] =	sst s8  }
0x11: {  	[smem:$0x3FB6] =	sst s9;
	s0 =	simm.s32 @!p0 $0x0  }
0x12: {  	s1 =	sld [smem:$0x3F9C];
	s0 =	simm.s32 @p0 $0x1  }
0x13: {  	[smem:$0x3FB7] =	sst s0;
	s0 =	simm.s32 @!p1 $0x0  }
0x14: {  	s2 =	sld [smem:$0x3F9B];
	s0 =	simm.s32 @p1 $0x1  }
0x15: {  	[smem:$0x3FB8] =	sst s0;
	s0 =	simm.s32 @!p2 $0x0  }
0x16: {  	s3 =	sld [smem:$0x3FDB];
	s0 =	simm.s32 @p2 $0x1  }
0x17: {  	s4 =	simm.s32 $0x1BF5;
	[smem:$0x3FBA] =	sst s0  }
0x18: {  	s0 =	sld [smem:$0x3F9D];
	_ =	swait.ge [sflag:s4], $0x0  }
0x19: {  	s7 =	sld [smem:$0x3F9E]  }
0x1a: {  	s8 =	sadd.s32 $0xFFFFE003, lr  }
0x1b: {  	s9 =	sadd.s32 $0xFFFFFEF7, lr;
	s5 =	simm.s32 $0xFFFFFFFF;
	p2 =	slt.u32 s8, $0xFFFFF086  }
0x1c: {  	p1 =	slt.u32 s9, $0xF7A;
	s5 =	simm.s32 @!p2 $0x0  }
0x1d: {  	s5 =	simm.s32 @p1 $0x1;
	p0 =	seq.s32 s7, s2  }
0x1e: {  	s7 =	smul.u32 @!p0 $0xF7A, s2;
	p2 =	seq.s32 @!p0 s5, $0x0  }
0x1f: {  	s9 =	smul.u32 $0xF7A, s1;
	s8 =	simm.s32 @!p0 $0x1BF5;
	p2 =	por !p2, p0  }
0x20: {  	[sflag:s8] =	ssyncset.s32 @!p0 $0xFFFFF086;
	s6 =	sadd.s32 @!p0 s3, s7;
	s7 =	simm.s32 @!p0 $0x108  }
0x21: {  	s3 =	sadd.s32 s3, s9;
	s6 =	sadd.s32 @!p0 $0x88, s6;
	s7 =	simm.s32 @p2 $0x1082  }
0x22: {  	[simem:s7], [sflag:s8] =	dma.local @!p0 [hbm:s6], $0xF7A  }
0x23: {  	s9 =	sor.u32 $0xD0000000, s2;
	s6 =	simm.s32 $0x108;
	_ =	swait.ge @!p0 [sflag:s8], $0x0  }
0x24: {  	s3 =	sadd.s32 $0x88, s3;
	s6 =	simm.s32 @!p1 $0x1082;
	[sflag:s4] =	ssyncset.s32 $0xFFFFF086  }
0x25: {  	[simem:s6], [sflag:s4] =	dma.local [hbm:s3], $0xF7A  }
0x26: {  	[smem:$0x3F9E] =	sst s1;
	(tag) =	ssettag s2;
	_ =	strace s9  }
0x27: {  	s1 =	sld [smem:$0x3FAE]  }
0x28: {  	s2 =	sld [smem:$0x3FAF]  }
0x29: {  	s4 =	sld [smem:$0x3FB1]  }
0x2a: {  	p0 =	seq.s32 s5, $0x0;
	s5 =	sld [smem:$0x3FB2]  }
0x2b: {  	s6 =	sld [smem:$0x3FB3]  }
0x2c: {  	s7 =	sld [smem:$0x3FB4]  }
0x2d: {  	s3 =	simm.s32 $0x108;
	s8 =	sld [smem:$0x3FB5]  }
0x2e: {  	s3 =	simm.s32 @!p0 $0x1082;
	s9 =	sld [smem:$0x3FB6]  }
0x2f: {  	lr =	sadd.s32 s0, s3;
	s0 =	sld [smem:$0x3FAD]  }
0x30: {  	s3 =	sld [smem:$0x3FB0]  }
0x31: {  	[smem:$0x3FB9] =	sst s10  }
0x32: {  	s10 =	sld [smem:$0x3FB7];
	_ =	sdelay $0x3  }
0x33: {  	p0 =	seq.s32 s10, $0x1;
	s10 =	sld [smem:$0x3FB9];
	_ =	sdelay $0x3  }
0x34: {  	[smem:$0x3FB9] =	sst s10  }
0x35: {  	s10 =	sld [smem:$0x3FB8];
	_ =	sdelay $0x3  }
0x36: {  	p1 =	seq.s32 s10, $0x1;
	s10 =	sld [smem:$0x3FB9];
	_ =	sdelay $0x3  }
0x37: {  	[smem:$0x3FB9] =	sst s10  }
0x38: {  	s10 =	sld [smem:$0x3FBA]  }
0x39: {  	_ = 	snop;
	(pc) =	sbr.ind lr, $3  }
0x3a: {  	_ = 	snop  }
0x3b: {  	_ = 	snop  }
0x3c: {  	p2 =	seq.s32 s10, $0x1;
	s10 =	sld [smem:$0x3FB9]  }
0x3d: {  	_ =	shalt  }
0x3e: {  	_ =	shalt  }
0x3f: {  	_ =	shalt  }
0x40: {  	_ =	shalt  }
0x41: {  	_ =	shalt  }
0x42: {  	_ =	shalt  }
0x43: {  	_ =	shalt  }
0x44: {  	_ =	shalt  }
0x45: {  	_ =	shalt  }
0x46: {  	_ =	shalt  }
0x47: {  	_ =	shalt  }
0x48: {  	_ =	shalt  }
0x49: {  	_ =	shalt  }
0x4a: {  	_ =	shalt  }
0x4b: {  	_ =	shalt  }
0x4c: {  	_ =	shalt  }
0x4d: {  	_ =	shalt  }
0x4e: {  	_ =	shalt  }
0x4f: {  	_ =	shalt  }
0x50: {  	_ =	shalt  }
0x51: {  	_ =	shalt  }
0x52: {  	_ =	shalt  }
0x53: {  	_ =	shalt  }
0x54: {  	_ =	shalt  }
0x55: {  	_ =	shalt  }
0x56: {  	_ =	shalt  }
0x57: {  	_ =	shalt  }
0x58: {  	_ =	shalt  }
0x59: {  	_ =	shalt  }
0x5a: {  	_ =	shalt  }
0x5b: {  	_ =	shalt  }
0x5c: {  	_ =	shalt  }
0x5d: {  	_ =	shalt  }
0x5e: {  	_ =	shalt  }
0x5f: {  	_ =	shalt  }
0x60: {  	_ =	shalt  }
0x61: {  	_ =	shalt  }
0x62: {  	_ =	shalt  }
0x63: {  	_ =	shalt  }
0x64: {  	_ =	shalt  }
0x65: {  	_ =	shalt  }
0x66: {  	_ =	shalt  }
0x67: {  	_ =	shalt  }
0x68: {  	_ =	shalt  }
0x69: {  	_ =	shalt  }
0x6a: {  	_ =	shalt  }
0x6b: {  	_ =	shalt  }
0x6c: {  	_ =	shalt  }
0x6d: {  	_ =	shalt  }
0x6e: {  	_ =	shalt  }
0x6f: {  	_ =	shalt  }
0x70: {  	_ =	shalt  }
0x71: {  	_ =	shalt  }
0x72: {  	_ =	shalt  }
0x73: {  	_ =	shalt  }
0x74: {  	_ =	shalt  }
0x75: {  	_ =	shalt  }
0x76: {  	_ =	shalt  }
0x77: {  	_ =	shalt  }
0x78: {  	_ =	shalt  }
0x79: {  	_ =	shalt  }
0x7a: {  	_ =	shalt  }
0x7b: {  	_ =	shalt  }
0x7c: {  	_ =	shalt  }
0x7d: {  	_ =	shalt  }
0x7e: {  	_ =	shalt  }
0x7f: {  	_ =	shalt  }
0x80: {  	_ =	shalt  }
0x81: {  	_ =	shalt  }
0x82: {  	_ =	shalt  }
0x83: {  	_ =	shalt  }
0x84: {  	_ =	shalt  }
0x85: {  	_ =	shalt  }
0x86: {  	_ =	shalt  }
0x87: {  	_ =	shalt  }
.Lfunc_end0:
.L_simem_size_0:
called_computation_lowered:
.L_overlay_start_0:
0x88: {  	s2 =	sld [smem:$0x3FD9]  }
0x89: {  	s3 =	sld [smem:$0x3FFE];
	_ =	sdelay $0x1  }
0x8a: {  	s1 =	srdreg.scid  }
0x8b: {  	s0 =	sand.u32 $0x1, s1  }
0x8c: {  	s17 =	sshll.u32 s0, $0xA;
	s2 =	sadd.s32 s3, s2  }
0x8d: {  	s2 =	sadd.s32 s2, s17  }
0x8e: {  	[smem:$0x3FC5] =	sst s2  }
0x8f: {  	_ = 	snop  }
0x90: {  	s2 =	sld [smem:$0x3FC9]  }
0x91: {  	s18 =	sld [smem:$0x3FC8];
	(tm) =	ssettm $0x1  }
0x92: {  	s4 =	sld [smem:$0x3FFB];
	_ =	sdelay $0x3  }
0x93: {  	_ =	strace s4  }
0x94: {  	s4 =	sld [smem:$0x3FFC];
	_ =	sdelay $0x3  }
0x95: {  	_ =	strace s4  }
0x96: {  	s4 =	sld [smem:$0x3FFD];
	_ =	sdelay $0x3  }
0x97: {  	_ =	strace s4  }
0x98: {  	_ =	strace $0x8FFFFFFF  }
0x99: {  	s19 =	sld [smem:$0x3FDB];
	_ =	sdelay $0x1  }
0x9a: {  	s5 =	simm.s32 $_scs_section_size  }
0x9b: {  	s6 =	simm.s32 $_size__tile_overlayer_lowered;
	s7 =	simm.s32 $_tile_overlayer_lowered  }
0x9c: {  	s22 =	simm.s32 $0x1BFF;
	s21 =	sshll.u32 s7, $0x1;
	s4 =	sadd.s32 s5, s19  }
0x9d: {  	s8 =	simm.s32 $0x0;
	s20 =	sshll.u32 s6, $0x1;
	s6 =	sadd.s32 s21, s4  }
0x9e: {  	[timem:s8], [sflag:s22] =	dma.local [hbm:s6], s20  }
0x9f: {  	_ =	swait.ge [sflag:s22], s20  }
0xa0: {  	s5 =	ssub.s32 $0x0, s20;
	[sflag:s22] =	ssyncset.done $0x0  }
0xa1: {  	[sflag:s22] =	ssyncadd.s32 s5;
	_ =	sdelay $0x1  }
0xa2: {  	s23 =	simm.s32 $0x1B8B  }
0xa3: {  	_ =	swait.ge [sflag:s23], $0x1  }
0xa4: {  	[sflag:s23] =	ssyncset.done $0x0  }
0xa5: {  	s25 =	simm.s32 $0x1B8E;
	s24 =	sld [smem:$0x3FFE];
	[sflag:s23] =	ssyncadd.s32 $0xFFFFFFFF  }
0xa6: {  	s26 =	simm.s32 $execute0_lowered;
	[smem:$0x3FD2] =	sst s25  }
0xa7: {  	s6 =	sshll.u32 s26, $0x1;
	_ =	strace $0x80000046;
	[dreg:$0x1] =	wrdreg $0xFFFFFFFF  }
0xa8: {  	s28 =	simm.s32 $_size_execute0_lowered;
	s4 =	sadd.s32 s4, s6;
	[dreg:$0x0] =	wrdreg $0x0  }
0xa9: {  	s6 =	sshll.u32 s28, $0x1;
	[dreg:$0x2] =	wrdreg s4  }
0xaa: {  	[dreg:$0x3] =	wrdreg s6  }
0xab: {  	[dreg:$0x4] =	wrdreg $0xC0  }
0xac: {  	_ =	task [dreg:s8], $0x5FFFF  }
0xad: {  	[dreg:$0x1] =	wrdreg $0xFFFFFFFF  }
0xae: {  	[dreg:$0x0] =	wrdreg $0x60  }
0xaf: {  	[dreg:$0x2] =	wrdreg s24  }
0xb0: {  	[dreg:$0x3] =	wrdreg s18  }
0xb1: {  	[dreg:$0x4] =	wrdreg s2  }
0xb2: {  	[dreg:$0x5] =	wrdreg $0x9  }
0xb3: {  	_ =	task.clear_ibuf [dreg:s8], $0x6FFFF;
	_ =	strace $0x90000046  }
0xb4: {  	s29 =	simm.s32 $0x9;
	_ =	strace $0x80000048  }
0xb5: {  	_ =	swait.ge [sflag:s29], $0x1  }
0xb6: {  	[sflag:s29] =	ssyncadd.s32 $0xFFFFFFFF  }
0xb7: {  	_ =	strace $0x90000048  }
0xb8: {  	_ =	sfence  }
0xb9: {  	s30 =	sld [smem:$0x0];
	_ =	sdelay $0x2  }
0xba: {  	s31 =	sshll.u32 s1, $0xD;
	s1 =	sshrl.u32 s1, $0x2  }
0xbb: {  	s3 =	sand.u32 $0x4000, s31;
	s1 =	sadd.s32 s1, s30  }
0xbc: {  	s0 =	sor.u32 s3, s0;
	s1 =	sshll.u32 s1, $0x11  }
0xbd: {  	s0 =	sor.u32 s1, s0  }
0xbe: {  	s0 =	sadd.s32 $0x8F2B, s0  }
0xbf: {  	[sflag:s0] =	ssyncadd.remote.s32 $0x1  }
0xc0: {  	_ =	sfence.sel $0xFFFF  }
0xc1: {  	[dreg:$0x0] =	wrdreg $0xFFFFFFFF;
	(pc) =	sbr.abs _section_cstart, $3  }
0xc2: {  	[dreg:$0x1] =	wrdreg $0xFFFFFFFF  }
0xc3: {  	_ =	task.clear_ibuf [dreg:s8], $0x2FFFF;
	_ =	strace $0x9FFFFFFF  }
0xc4: {  	(tm) =	ssettm $0x7FFFFFFF  }
0xc5: {  	_ =	shalt  }
tec
execute0_lowered:
.L_overlay_start_1:
0x0: {  	(tag) =	ssettag $0x1  }
0x1: {  	s0 =	rddreg [dreg:$0x0]  }
0x2: {  	s30 =	rddreg [dreg:$0x1]  }
0x3: {  	s8 =	rddreg [dreg:$0x2];
	s31 =	simm.s32 $0x0;
	s1 =	srdreg.scid  }
0x4: {  	s7 =	stileid.u32;
	s28 =	simm.s32 $0x4;
	s12 =	simm.s32 $0x113F0  }
0x5: {  	s17 =	simm.s32 $0x11470;
	s18 =	simm.s32 $0x114B0;
	s9 =	simm.s32 $0x11480  }
0x6: {  	s10 =	simm.s32 $0x114A0;
	s11 =	simm.s32 $0x114C0;
	s19 =	simm.s32 $0x114E0  }
0x7: {  	s13 =	simm.s32 $0x11420;
	s14 =	simm.s32 $0x11430;
	s15 =	simm.s32 $0x11440  }
0x8: {  	[smem:$0x7FF] =	sst s31;
	s1 =	sand.u32 $0x1, s1;
	s2 =	sshll.u32 s7, $0x1  }
0x9: {  	s4 =	sadd.s32 $0x1800, s0;
	s26 =	sshll.u32 s7, $0xB;
	s7 =	simm.s32 $0x113A0  }
0xa: {  	_ =	strace $0x80000047;
	s2 =	sor.u32 s1, s2;
	s3 =	ssub.s32 $0x2, s1  }
0xb: {  	[dreg:$0x6] =	wrdreg s4;
	s1 =	sshll.u32 s1, $0xA;
	s20 =	sshll.u32 s2, $0x7  }
0xc: {  	s5 =	sshrl.u32 s3, $0x1;
	s21 =	sshll.u32 s2, $0xD;
	s2 =	ssub.s32 $0x83, s2  }
0xd: {  	s0 =	sadd.s32 s20, s0;
	s3 =	ssub.s32 s3, s5;
	s22 =	sadd.s32 $0x6D6000, s21  }
0xe: {  	s6 =	sadd.s32 $0x6D7000, s21;
	s23 =	sshrl.u32 s2, $0x4;
	s2 =	sshrl.u32 s2, $0x5  }
0xf: {  	s21 =	simm.s32 $0x11410;
	s20 =	simm.s32 $0x114F0;
	[dreg:$0x7] =	wrdreg s22  }
0x10: {  	s5 =	sshrl.u32 s22, $0x3;
	[dreg:$0x8] =	wrdreg s6;
	s6 =	sshrl.u32 s6, $0x3  }
0x11: {  	s4 =	sand.u32 $0xE, s23;
	s0 =	sadd.s32 $0x1A00, s0;
	[dreg:$0xd] =	wrdreg s2  }
0x12: {  	s3 =	smax.u32 s3, $0x1;
	s29 =	sshll.u32 s2, $0x6;
	[dreg:$0x9] =	wrdreg s4  }
0x13: {  	s2 =	simm.s32 $0x0;
	s23 =	simm.s32 $0x11380;
	[dreg:$0xc] =	wrdreg s0  }
0x14: {  	s22 =	simm.s32 $0x11450;
	s24 =	sadd.s32 s8, s5;
	[dreg:$0xe] =	wrdreg s3  }
0x15: {  	s25 =	sadd.s32 s8, s6;
	s0 =	sor.u32 s1, s26;
	[dreg:$0x10] =	wrdreg s29  }
0x16: {  	s1 =	simm.s32 $0x3;
	s4 =	simm.s32 $0x11370;
	s6 =	simm.s32 $0x11390  }
0x17: {  	s8 =	simm.s32 $0x113B0;
	s26 =	simm.s32 $0x11490;
	[dreg:$0xa] =	wrdreg s24  }
0x18: {  	s5 =	simm.s32 $0x11460;
	[dreg:$0xb] =	wrdreg s25;
	s0 =	sadd.s32 $0xDAC00, s0  }
0x19: {  	v0 =	vimm.f32 $0.0e+00;
	s24 =	simm.s32 $0x113D0;
	s25 =	simm.s32 $0x113E0;
	[dreg:$0xf] =	wrdreg s0  }
.LBB2_1:
0x1a: {  	[dreg:$0x11] =	wrdreg s2  }
0x1b: {  	s0 =	rddreg [dreg:$0x6];
	s16 =	simm.s32 $0x11000  }
0x1c: {  	[tilespmem:s16], [sflag:$0x4] =	stream.linear.gather [hbm4b:s0+s31], $0x100, $0x38;
	[tilespmem:$0x11500] =	vst v63  }
0x1d: {  	_ =	swait.ge [sflag:s28], $0x100  }
0x1e: {  	s3 =	rddreg [dreg:$0xd]  }
0x1f: {  	s2 =	smov.u32 s30;
	p0 =	sne.s32 s3, $0x1  }
.Ltmp0:
0x20: {  	[sflag:s28] =	ssyncset.done $0x0;
	s16 =	rddreg [dreg:$0xf];
	(pc) =	sbr.rel @!p0 .LBB2_3-.Ltmp0, $4  }
0x21: {  	[sflag:s28] =	ssyncadd.s32 $0xFFFFFF00;
	s29 =	sshrl.u32 s16, $0x3;
	s28 =	simm.s32 $0x10000  }
0x22: {  	v2 =	vld [tilespmem:$0x11000];
	s29 =	sadd.s32 s30, s29;
	s30 =	sadd.s32 $0x8000, s16;
	s16 =	simm.s32 $0x0  }
0x23: {  	v1 =	vld [tilespmem:$0x11080];
	[tilespmem:s28], [sflag:$0x3] =	stream.linear.gather [hbm4b:s29+s31], $0x400, $0x38  }
0x24: {  	s29 =	sadd.s32 $0xFFFFFFFF, s3;
	s31 =	simm.s32 $0x10000;
	_ =	swait.ge [sflag:s1], $0x400  }
.LBB2_2:
0x25: {  	s0 =	sshrl.u32 s30, $0x3  }
0x26: {  	[sflag:s1] =	ssyncset.done $0x0;
	s31 =	sadd.s32 $0x400, s31;
	p0 =	sne.s32 s29, $0x1  }
.Ltmp1:
0x27: {  	s0 =	sadd.s32 s2, s0;
	[sflag:s1] =	ssyncadd.s32 $0xFFFFFC00;
	(pc) =	sbr.rel @p0 .LBB2_2-.Ltmp1, $3  }
0x28: {  	[tilespmem:s31], [sflag:$0x3] =	stream.linear.gather [hbm4b:s0+s16], $0x400, $0x38;
	[tilespmem:$0x11500] =	vst v63  }
0x29: {  	s29 =	sadd.s32 $0xFFFFFFFF, s29;
	_ =	sdelay $0x1  }
0x2a: {  	s30 =	sadd.s32 $0x8000, s30;
	_ =	swait.ge [sflag:s1], $0x400  }
.LBB2_3:
0x2b: {  	s0 =	rddreg [dreg:$0x10]  }
0x2c: {  	p0 =	sne.s32 s0, $0x1  }
.Ltmp2:
0x2d: {  	_ = 	snop;
	(pc) =	sbr.rel @!p0 .LBB2_5-.Ltmp2, $4  }
0x2e: {  	_ = 	snop  }
0x2f: {  	[sflag:s1] =	ssyncset.done $0x0  }
0x30: {  	[sflag:s1] =	ssyncadd.s32 $0xFFFFFC00  }
0x31: {  	s29 =	sadd.s32 $0xFFFFFFFF, s0;
	v3 =	vld [tilespmem:s28+$0x0]  }
.LBB2_4:
0x32: {  	p0 =	sne.s32 s29, $0x1;
	_ =	sdelay $0x3  }
0x33: {  	v3 =	vsub.f32 v3, v2;
	_ =	sdelay $0x1  }
0x34: {  	v3 =	vmul.f32 $1.442695020e+00, v3;
	_ =	sdelay $0x1  }
0x35: {  	(erf) = vpow2.f32 v3;
	_ =	sdelay $0x8  }
.Ltmp3:
0x36: {  	v3 =	vpop (erf);
	(pc) =	sbr.rel @p0 .LBB2_4-.Ltmp3, $3  }
0x37: {  	v3 =	vmul.f32 v3, v1;
	_ =	sdelay $0x1  }
0x38: {  	[tilespmem:s28+$0x0] =	vst v3;
	s28 =	sadd.s32 $0x10, s28  }
0x39: {  	s29 =	sadd.s32 $0xFFFFFFFF, s29;
	v3 =	vld [tilespmem:s28+$0x0]  }
.LBB2_5:
0x3a: {  	_ =	sdelay $0x3  }
0x3b: {  	v2 =	vsub.f32 v3, v2;
	_ =	sdelay $0x1  }
0x3c: {  	v2 =	vmul.f32 $1.442695020e+00, v2;
	_ =	sdelay $0x1  }
0x3d: {  	(erf) = vpow2.f32 v2;
	_ =	sdelay $0x8  }
0x3e: {  	v2 =	vpop (erf)  }
0x3f: {  	v1 =	vmul.f32 v2, v1;
	_ =	sdelay $0x1  }
0x40: {  	s29 =	simm.s32 $0x0;
	[tilespmem:s28+$0x0] =	vst v1;
	s28 =	simm.s32 $0x40  }
.LBB2_6:
0x41: {  	p0 =	sne.s32 s28, $0xFC0;
	[tilespmem:s29+$0x11100] =	vst v0;
	s0 =	smov.u32 s28;
	s28 =	sadd.s32 $0x40, s28  }
.Ltmp4:
0x42: {  	(pc) =	sbr.rel @p0 .LBB2_6-.Ltmp4, $2  }
0x43: {  	_ =	sdelay $0x2  }
0x44: {  	s29 =	sshra.s32 s0, $0x2  }
0x45: {  	s1 =	simm.s32 $0x0  }
0x46: {  	[tilespmem:s29+$0x11100] =	vst v0;
	s0 =	rddreg [dreg:$0xa];
	s28 =	simm.s32 $0x1000;
	s16 =	simm.s32 $0x7A1400  }
0x47: {  	[tilespmem:s1], [sflag:$0x1] =	stream.strided.gather [hbm4b:s0+s28], $0x8000, s16, s28, $0x38;
	[tilespmem:$0x11500] =	vst v63  }
0x48: {  	s31 =	rddreg [dreg:$0xb];
	s30 =	simm.s32 $0x8000  }
0x49: {  	[tilespmem:s30], [sflag:$0x2] =	stream.strided.gather [hbm4b:s31+s28], $0x8000, s16, s28, $0x38;
	[tilespmem:$0x11500] =	vst v63  }
.LBB2_8:
0x4a: {  	s28 =	simm.s32 $0x1;
	s0 =	sshll.u32 s1, $0xC  }
0x4b: {  	s29 =	simm.s32 $0x0;
	s16 =	simm.s32 $0x114D0;
	s2 =	simm.s32 $0x11400  }
0x4c: {  	_ =	swait.ge [sflag:s28], $0x8000;
	[dreg:$0x12] =	wrdreg s1;
	s0 =	sshra.s32 s0, $0x2  }
0x4d: {  	s1 =	simm.s32 $0x113C0;
	[sflag:s28] =	ssyncset.done $0x0;
	s0 =	sadd.s32 $0x10000, s0  }
0x4e: {  	[sflag:s28] =	ssyncadd.s32 $0xFFFF8000;
	[dreg:$0x4] =	wrdreg s0;
	s28 =	simm.s32 $0x0  }
.LBB2_9:
0x4f: {  	s0 =	rddreg [dreg:$0x4]  }
0x50: {  	s30 =	sand.u32 $0x180, s29;
	s31 =	sand.u32 $0x70, s29;
	s3 =	sand.u32 $0xC00, s28  }
0x51: {  	s0 =	sadd.s32 s30, s0;
	s30 =	sor.u32 s31, s3  }
0x52: {  	s0 =	sadd.s32 s31, s0;
	v2 =	vld [tilespmem:s30+$0x0]  }
0x53: {  	v1 =	vld [tilespmem:s0+$0x0];
	_ =	sdelay $0x4  }
0x54: {  	v2 =	vmul.f32 v2, v1  }
0x55: {  	s3 =	simm.s32 $0x11100  }
0x56: {  	[tilespmem:s3+$0x0] =	vst.add.f32.msk $0xffff, v2  }
0x57: {  	v2 =	vld [tilespmem:s30+$0x80];
	_ =	sdelay $0x4  }
0x58: {  	v2 =	vmul.f32 v2, v1  }
0x59: {  	s31 =	simm.s32 $0x11110  }
0x5a: {  	[tilespmem:s31+$0x0] =	vst.add.f32.msk $0xffff, v2  }
0x5b: {  	v2 =	vld [tilespmem:s30+$0x100];
	_ =	sdelay $0x4  }
0x5c: {  	v2 =	vmul.f32 v2, v1  }
0x5d: {  	s3 =	simm.s32 $0x11120  }
0x5e: {  	[tilespmem:s3+$0x0] =	vst.add.f32.msk $0xffff, v2  }
0x5f: {  	v2 =	vld [tilespmem:s30+$0x180];
	_ =	sdelay $0x4  }
0x60: {  	v2 =	vmul.f32 v2, v1  }
0x61: {  	s31 =	simm.s32 $0x11130  }
0x62: {  	[tilespmem:s31+$0x0] =	vst.add.f32.msk $0xffff, v2  }
0x63: {  	v2 =	vld [tilespmem:s30+$0x200];
	_ =	sdelay $0x4  }
0x64: {  	v2 =	vmul.f32 v2, v1  }
0x65: {  	s3 =	simm.s32 $0x11140  }
0x66: {  	[tilespmem:s3+$0x0] =	vst.add.f32.msk $0xffff, v2  }
0x67: {  	v2 =	vld [tilespmem:s30+$0x280];
	_ =	sdelay $0x4  }
0x68: {  	v2 =	vmul.f32 v2, v1  }
0x69: {  	s31 =	simm.s32 $0x11150  }
0x6a: {  	[tilespmem:s31+$0x0] =	vst.add.f32.msk $0xffff, v2  }
0x6b: {  	v2 =	vld [tilespmem:s30+$0x300];
	_ =	sdelay $0x4  }
0x6c: {  	v2 =	vmul.f32 v2, v1  }
0x6d: {  	s0 =	sor.u32 s28, s29;
	s3 =	simm.s32 $0x11160  }
0x6e: {  	s0 =	sor.u32 $0x380, s0;
	[tilespmem:s3+$0x0] =	vst.add.f32.msk $0xffff, v2  }
0x6f: {  	v2 =	vld [tilespmem:s0+$0x0];
	_ =	sdelay $0x4  }
0x70: {  	v2 =	vmul.f32 v2, v1  }
0x71: {  	s3 =	simm.s32 $0x11170  }
0x72: {  	[tilespmem:s3+$0x0] =	vst.add.f32.msk $0xffff, v2  }
0x73: {  	v2 =	vld [tilespmem:s30+$0x1000];
	_ =	sdelay $0x4  }
0x74: {  	v2 =	vmul.f32 v2, v1  }
0x75: {  	s31 =	simm.s32 $0x11180  }
0x76: {  	[tilespmem:s31+$0x0] =	vst.add.f32.msk $0xffff, v2  }
0x77: {  	v2 =	vld [tilespmem:s30+$0x1080];
	_ =	sdelay $0x4  }
0x78: {  	v2 =	vmul.f32 v2, v1  }
0x79: {  	s3 =	simm.s32 $0x11190  }
0x7a: {  	[tilespmem:s3+$0x0] =	vst.add.f32.msk $0xffff, v2  }
0x7b: {  	v2 =	vld [tilespmem:s30+$0x1100];
	_ =	sdelay $0x4  }
0x7c: {  	v2 =	vmul.f32 v2, v1  }
0x7d: {  	s31 =	simm.s32 $0x111A0  }
0x7e: {  	[tilespmem:s31+$0x0] =	vst.add.f32.msk $0xffff, v2  }
0x7f: {  	v2 =	vld [tilespmem:s30+$0x1180];
	_ =	sdelay $0x4  }
0x80: {  	v2 =	vmul.f32 v2, v1  }
0x81: {  	s3 =	simm.s32 $0x111B0  }
0x82: {  	[tilespmem:s3+$0x0] =	vst.add.f32.msk $0xffff, v2  }
0x83: {  	v2 =	vld [tilespmem:s30+$0x1200];
	_ =	sdelay $0x4  }
0x84: {  	v2 =	vmul.f32 v2, v1  }
0x85: {  	s31 =	simm.s32 $0x111C0  }
0x86: {  	[tilespmem:s31+$0x0] =	vst.add.f32.msk $0xffff, v2  }
0x87: {  	v2 =	vld [tilespmem:s30+$0x1280];
	_ =	sdelay $0x4  }
0x88: {  	v2 =	vmul.f32 v2, v1  }
0x89: {  	s3 =	simm.s32 $0x111D0  }
0x8a: {  	[tilespmem:s3+$0x0] =	vst.add.f32.msk $0xffff, v2  }
0x8b: {  	v2 =	vld [tilespmem:s30+$0x1300];
	_ =	sdelay $0x4  }
0x8c: {  	v2 =	vmul.f32 v2, v1  }
0x8d: {  	s31 =	simm.s32 $0x111E0  }
0x8e: {  	[tilespmem:s31+$0x0] =	vst.add.f32.msk $0xffff, v2  }
0x8f: {  	v2 =	vld [tilespmem:s30+$0x1380];
	_ =	sdelay $0x4  }
0x90: {  	v2 =	vmul.f32 v2, v1  }
0x91: {  	s3 =	simm.s32 $0x111F0  }
0x92: {  	[tilespmem:s3+$0x0] =	vst.add.f32.msk $0xffff, v2  }
0x93: {  	v2 =	vld [tilespmem:s30+$0x2000];
	_ =	sdelay $0x4  }
0x94: {  	v2 =	vmul.f32 v2, v1  }
0x95: {  	s31 =	simm.s32 $0x11200  }
0x96: {  	[tilespmem:s31+$0x0] =	vst.add.f32.msk $0xffff, v2  }
0x97: {  	v2 =	vld [tilespmem:s30+$0x2080];
	_ =	sdelay $0x4  }
0x98: {  	v2 =	vmul.f32 v2, v1  }
0x99: {  	s3 =	simm.s32 $0x11210  }
0x9a: {  	[tilespmem:s3+$0x0] =	vst.add.f32.msk $0xffff, v2  }
0x9b: {  	v2 =	vld [tilespmem:s30+$0x2100];
	_ =	sdelay $0x4  }
0x9c: {  	v2 =	vmul.f32 v2, v1  }
0x9d: {  	s31 =	simm.s32 $0x11220  }
0x9e: {  	[tilespmem:s31+$0x0] =	vst.add.f32.msk $0xffff, v2  }
0x9f: {  	v2 =	vld [tilespmem:s30+$0x2180];
	_ =	sdelay $0x4  }
0xa0: {  	v2 =	vmul.f32 v2, v1  }
0xa1: {  	s3 =	simm.s32 $0x11230  }
0xa2: {  	[tilespmem:s3+$0x0] =	vst.add.f32.msk $0xffff, v2  }
0xa3: {  	v2 =	vld [tilespmem:s30+$0x2200];
	_ =	sdelay $0x4  }
0xa4: {  	v2 =	vmul.f32 v2, v1  }
0xa5: {  	s31 =	simm.s32 $0x11240  }
0xa6: {  	[tilespmem:s31+$0x0] =	vst.add.f32.msk $0xffff, v2  }
0xa7: {  	v2 =	vld [tilespmem:s30+$0x2280];
	_ =	sdelay $0x4  }
0xa8: {  	v2 =	vmul.f32 v2, v1  }
0xa9: {  	s3 =	simm.s32 $0x11250  }
0xaa: {  	[tilespmem:s3+$0x0] =	vst.add.f32.msk $0xffff, v2  }
0xab: {  	v2 =	vld [tilespmem:s30+$0x2300];
	_ =	sdelay $0x4  }
0xac: {  	v2 =	vmul.f32 v2, v1  }
0xad: {  	s31 =	simm.s32 $0x11260  }
0xae: {  	[tilespmem:s31+$0x0] =	vst.add.f32.msk $0xffff, v2  }
0xaf: {  	v2 =	vld [tilespmem:s30+$0x2380];
	_ =	sdelay $0x4  }
0xb0: {  	v2 =	vmul.f32 v2, v1  }
0xb1: {  	s3 =	simm.s32 $0x11270  }
0xb2: {  	[tilespmem:s3+$0x0] =	vst.add.f32.msk $0xffff, v2  }
0xb3: {  	v2 =	vld [tilespmem:s30+$0x3000];
	_ =	sdelay $0x4  }
0xb4: {  	v2 =	vmul.f32 v2, v1  }
0xb5: {  	s31 =	simm.s32 $0x11280  }
0xb6: {  	[tilespmem:s31+$0x0] =	vst.add.f32.msk $0xffff, v2  }
0xb7: {  	v2 =	vld [tilespmem:s30+$0x3080];
	_ =	sdelay $0x4  }
0xb8: {  	v2 =	vmul.f32 v2, v1  }
0xb9: {  	s3 =	simm.s32 $0x11290  }
0xba: {  	[tilespmem:s3+$0x0] =	vst.add.f32.msk $0xffff, v2  }
0xbb: {  	v2 =	vld [tilespmem:s30+$0x3100];
	_ =	sdelay $0x4  }
0xbc: {  	v2 =	vmul.f32 v2, v1  }
0xbd: {  	s31 =	simm.s32 $0x112A0  }
0xbe: {  	[tilespmem:s31+$0x0] =	vst.add.f32.msk $0xffff, v2  }
0xbf: {  	v2 =	vld [tilespmem:s30+$0x3180];
	_ =	sdelay $0x4  }
0xc0: {  	v2 =	vmul.f32 v2, v1  }
0xc1: {  	s3 =	simm.s32 $0x112B0  }
0xc2: {  	[tilespmem:s3+$0x0] =	vst.add.f32.msk $0xffff, v2  }
0xc3: {  	v2 =	vld [tilespmem:s30+$0x3200];
	_ =	sdelay $0x4  }
0xc4: {  	v2 =	vmul.f32 v2, v1  }
0xc5: {  	s31 =	simm.s32 $0x112C0  }
0xc6: {  	[tilespmem:s31+$0x0] =	vst.add.f32.msk $0xffff, v2  }
0xc7: {  	v2 =	vld [tilespmem:s30+$0x3280];
	_ =	sdelay $0x4  }
0xc8: {  	v2 =	vmul.f32 v2, v1  }
0xc9: {  	s3 =	simm.s32 $0x112D0  }
0xca: {  	[tilespmem:s3+$0x0] =	vst.add.f32.msk $0xffff, v2  }
0xcb: {  	v2 =	vld [tilespmem:s30+$0x3300];
	_ =	sdelay $0x4  }
0xcc: {  	v2 =	vmul.f32 v2, v1  }
0xcd: {  	s31 =	simm.s32 $0x112E0  }
0xce: {  	[tilespmem:s31+$0x0] =	vst.add.f32.msk $0xffff, v2  }
0xcf: {  	v2 =	vld [tilespmem:s30+$0x3380];
	_ =	sdelay $0x4  }
0xd0: {  	v2 =	vmul.f32 v2, v1  }
0xd1: {  	s3 =	simm.s32 $0x112F0  }
0xd2: {  	[tilespmem:s3+$0x0] =	vst.add.f32.msk $0xffff, v2  }
0xd3: {  	v2 =	vld [tilespmem:s30+$0x4000];
	_ =	sdelay $0x4  }
0xd4: {  	v2 =	vmul.f32 v2, v1  }
0xd5: {  	s31 =	simm.s32 $0x11300  }
0xd6: {  	[tilespmem:s31+$0x0] =	vst.add.f32.msk $0xffff, v2  }
0xd7: {  	v2 =	vld [tilespmem:s30+$0x4080];
	_ =	sdelay $0x4  }
0xd8: {  	v2 =	vmul.f32 v2, v1  }
0xd9: {  	s3 =	simm.s32 $0x11310  }
0xda: {  	[tilespmem:s3+$0x0] =	vst.add.f32.msk $0xffff, v2  }
0xdb: {  	v2 =	vld [tilespmem:s30+$0x4100];
	_ =	sdelay $0x4  }
0xdc: {  	v2 =	vmul.f32 v2, v1  }
0xdd: {  	s31 =	simm.s32 $0x11320  }
0xde: {  	[tilespmem:s31+$0x0] =	vst.add.f32.msk $0xffff, v2  }
0xdf: {  	v2 =	vld [tilespmem:s30+$0x4180];
	_ =	sdelay $0x4  }
0xe0: {  	v2 =	vmul.f32 v2, v1  }
0xe1: {  	s3 =	simm.s32 $0x11330  }
0xe2: {  	[tilespmem:s3+$0x0] =	vst.add.f32.msk $0xffff, v2  }
0xe3: {  	v2 =	vld [tilespmem:s30+$0x4200];
	_ =	sdelay $0x4  }
0xe4: {  	v2 =	vmul.f32 v2, v1  }
0xe5: {  	s31 =	simm.s32 $0x11340  }
0xe6: {  	[tilespmem:s31+$0x0] =	vst.add.f32.msk $0xffff, v2  }
0xe7: {  	v2 =	vld [tilespmem:s30+$0x4280];
	_ =	sdelay $0x4  }
0xe8: {  	v2 =	vmul.f32 v2, v1  }
0xe9: {  	s3 =	simm.s32 $0x11350  }
0xea: {  	[tilespmem:s3+$0x0] =	vst.add.f32.msk $0xffff, v2  }
0xeb: {  	v2 =	vld [tilespmem:s30+$0x4300];
	_ =	sdelay $0x4  }
0xec: {  	v2 =	vmul.f32 v2, v1  }
0xed: {  	s31 =	simm.s32 $0x11360  }
0xee: {  	[tilespmem:s31+$0x0] =	vst.add.f32.msk $0xffff, v2  }
0xef: {  	v2 =	vld [tilespmem:s30+$0x4380];
	_ =	sdelay $0x4  }
0xf0: {  	v2 =	vmul.f32 v2, v1;
	_ =	sdelay $0x1  }
0xf1: {  	[tilespmem:s4+$0x0] =	vst.add.f32.msk $0xffff, v2  }
0xf2: {  	v2 =	vld [tilespmem:s30+$0x5000];
	_ =	sdelay $0x4  }
0xf3: {  	v2 =	vmul.f32 v2, v1;
	_ =	sdelay $0x1  }
0xf4: {  	[tilespmem:s23+$0x0] =	vst.add.f32.msk $0xffff, v2  }
0xf5: {  	v2 =	vld [tilespmem:s30+$0x5080];
	_ =	sdelay $0x4  }
0xf6: {  	v2 =	vmul.f32 v2, v1;
	_ =	sdelay $0x1  }
0xf7: {  	[tilespmem:s6+$0x0] =	vst.add.f32.msk $0xffff, v2  }
0xf8: {  	v2 =	vld [tilespmem:s30+$0x5100];
	_ =	sdelay $0x4  }
0xf9: {  	v2 =	vmul.f32 v2, v1;
	_ =	sdelay $0x1  }
0xfa: {  	[tilespmem:s7+$0x0] =	vst.add.f32.msk $0xffff, v2  }
0xfb: {  	v2 =	vld [tilespmem:s30+$0x5180];
	_ =	sdelay $0x4  }
0xfc: {  	v2 =	vmul.f32 v2, v1;
	_ =	sdelay $0x1  }
0xfd: {  	[tilespmem:s8+$0x0] =	vst.add.f32.msk $0xffff, v2  }
0xfe: {  	v2 =	vld [tilespmem:s30+$0x5200];
	_ =	sdelay $0x4  }
0xff: {  	v2 =	vmul.f32 v2, v1;
	_ =	sdelay $0x1  }
0x100: {  	[tilespmem:s1+$0x0] =	vst.add.f32.msk $0xffff, v2  }
0x101: {  	v2 =	vld [tilespmem:s30+$0x5280];
	_ =	sdelay $0x4  }
0x102: {  	v2 =	vmul.f32 v2, v1;
	_ =	sdelay $0x1  }
0x103: {  	[tilespmem:s24+$0x0] =	vst.add.f32.msk $0xffff, v2  }
0x104: {  	v2 =	vld [tilespmem:s30+$0x5300];
	_ =	sdelay $0x4  }
0x105: {  	v2 =	vmul.f32 v2, v1;
	_ =	sdelay $0x1  }
0x106: {  	[tilespmem:s25+$0x0] =	vst.add.f32.msk $0xffff, v2  }
0x107: {  	v2 =	vld [tilespmem:s30+$0x5380];
	_ =	sdelay $0x4  }
0x108: {  	v2 =	vmul.f32 v2, v1;
	_ =	sdelay $0x1  }
0x109: {  	[tilespmem:s12+$0x0] =	vst.add.f32.msk $0xffff, v2  }
0x10a: {  	v2 =	vld [tilespmem:s30+$0x6000];
	_ =	sdelay $0x4  }
0x10b: {  	v2 =	vmul.f32 v2, v1;
	_ =	sdelay $0x1  }
0x10c: {  	[tilespmem:s2+$0x0] =	vst.add.f32.msk $0xffff, v2  }
0x10d: {  	v2 =	vld [tilespmem:s30+$0x6080];
	_ =	sdelay $0x4  }
0x10e: {  	v2 =	vmul.f32 v2, v1;
	_ =	sdelay $0x1  }
0x10f: {  	[tilespmem:s21+$0x0] =	vst.add.f32.msk $0xffff, v2  }
0x110: {  	v2 =	vld [tilespmem:s30+$0x6100];
	_ =	sdelay $0x4  }
0x111: {  	v2 =	vmul.f32 v2, v1;
	_ =	sdelay $0x1  }
0x112: {  	[tilespmem:s13+$0x0] =	vst.add.f32.msk $0xffff, v2  }
0x113: {  	v2 =	vld [tilespmem:s30+$0x6180];
	_ =	sdelay $0x4  }
0x114: {  	v2 =	vmul.f32 v2, v1;
	_ =	sdelay $0x1  }
0x115: {  	[tilespmem:s14+$0x0] =	vst.add.f32.msk $0xffff, v2  }
0x116: {  	v2 =	vld [tilespmem:s30+$0x6200];
	_ =	sdelay $0x4  }
0x117: {  	v2 =	vmul.f32 v2, v1;
	_ =	sdelay $0x1  }
0x118: {  	[tilespmem:s15+$0x0] =	vst.add.f32.msk $0xffff, v2  }
0x119: {  	v2 =	vld [tilespmem:s30+$0x6280];
	_ =	sdelay $0x4  }
0x11a: {  	v2 =	vmul.f32 v2, v1;
	_ =	sdelay $0x1  }
0x11b: {  	[tilespmem:s22+$0x0] =	vst.add.f32.msk $0xffff, v2  }
0x11c: {  	v2 =	vld [tilespmem:s30+$0x6300];
	_ =	sdelay $0x4  }
0x11d: {  	v2 =	vmul.f32 v2, v1;
	_ =	sdelay $0x1  }
0x11e: {  	[tilespmem:s5+$0x0] =	vst.add.f32.msk $0xffff, v2  }
0x11f: {  	v2 =	vld [tilespmem:s30+$0x6380];
	_ =	sdelay $0x4  }
0x120: {  	v2 =	vmul.f32 v2, v1;
	_ =	sdelay $0x1  }
0x121: {  	[tilespmem:s17+$0x0] =	vst.add.f32.msk $0xffff, v2  }
0x122: {  	v2 =	vld [tilespmem:s30+$0x7000];
	_ =	sdelay $0x4  }
0x123: {  	v2 =	vmul.f32 v2, v1;
	_ =	sdelay $0x1  }
0x124: {  	[tilespmem:s9+$0x0] =	vst.add.f32.msk $0xffff, v2  }
0x125: {  	v2 =	vld [tilespmem:s30+$0x7080];
	_ =	sdelay $0x4  }
0x126: {  	v2 =	vmul.f32 v2, v1;
	_ =	sdelay $0x1  }
0x127: {  	[tilespmem:s26+$0x0] =	vst.add.f32.msk $0xffff, v2  }
0x128: {  	v2 =	vld [tilespmem:s30+$0x7100];
	_ =	sdelay $0x4  }
0x129: {  	v2 =	vmul.f32 v2, v1;
	_ =	sdelay $0x1  }
0x12a: {  	[tilespmem:s10+$0x0] =	vst.add.f32.msk $0xffff, v2  }
0x12b: {  	v2 =	vld [tilespmem:s30+$0x7180];
	_ =	sdelay $0x4  }
0x12c: {  	v2 =	vmul.f32 v2, v1;
	_ =	sdelay $0x1  }
0x12d: {  	[tilespmem:s18+$0x0] =	vst.add.f32.msk $0xffff, v2  }
0x12e: {  	v2 =	vld [tilespmem:s30+$0x7200];
	_ =	sdelay $0x4  }
0x12f: {  	v2 =	vmul.f32 v2, v1;
	_ =	sdelay $0x1  }
0x130: {  	[tilespmem:s11+$0x0] =	vst.add.f32.msk $0xffff, v2  }
0x131: {  	v2 =	vld [tilespmem:s30+$0x7280];
	_ =	sdelay $0x4  }
0x132: {  	v2 =	vmul.f32 v2, v1;
	_ =	sdelay $0x1  }
0x133: {  	[tilespmem:s16+$0x0] =	vst.add.f32.msk $0xffff, v2  }
0x134: {  	v2 =	vld [tilespmem:s30+$0x7300];
	_ =	sdelay $0x4  }
0x135: {  	v2 =	vmul.f32 v2, v1;
	_ =	sdelay $0x1  }
0x136: {  	[tilespmem:s19+$0x0] =	vst.add.f32.msk $0xffff, v2  }
0x137: {  	v2 =	vld [tilespmem:s30+$0x7380];
	_ =	sdelay $0x1  }
0x138: {  	p0 =	sne.s32 s29, $0x1F0  }
.Ltmp5:
0x139: {  	_ = 	snop;
	(pc) =	sbr.rel @p0 .LBB2_9-.Ltmp5, $3  }
0x13a: {  	_ = 	snop  }
0x13b: {  	v1 =	vmul.f32 v2, v1;
	_ =	sdelay $0x1  }
0x13c: {  	s28 =	sadd.s32 $0x80, s28;
	s29 =	sadd.s32 $0x10, s29;
	[tilespmem:s20+$0x0] =	vst.add.f32.msk $0xffff, v1  }
0x13d: {  	s31 =	rddreg [dreg:$0x12]  }
0x13e: {  	s3 =	sshll.u32 s31, $0x1  }
0x13f: {  	s28 =	rddreg [dreg:$0x9];
	s0 =	sadd.s32 $0x2, s3  }
0x140: {  	p0 =	sge.u32 s0, s28  }
0x141: {  	s28 =	rddreg [dreg:$0x7];
	s0 =	sshll.u32 @!p0 s0, $0x11  }
0x142: {  	s0 =	sadd.s32 @!p0 s0, s28  }
0x143: {  	s29 =	simm.s32 @!p0 $0x7A1400;
	s28 =	rddreg [dreg:$0x2];
	s0 =	sshrl.u32 @!p0 s0, $0x3  }
0x144: {  	s30 =	simm.s32 @!p0 $0x0;
	s0 =	sadd.s32 @!p0 s28, s0;
	s28 =	simm.s32 @!p0 $0x1000  }
0x145: {  	[tilespmem:s30], [sflag:$0x1] =	stream.strided.gather @!p0 [hbm4b:s0+s28], $0x8000, s29, s28, $0x38;
	[tilespmem:$0x11500] =	vst v63  }
0x146: {  	s30 =	sshra.s32 s3, $0x1F  }
0x147: {  	s0 =	sadd.s32 s30, s31  }
0x148: {  	[dreg:$0x13] =	wrdreg s3;
	s28 =	simm.s32 $0x2;
	s0 =	sshll.u32 s0, $0xC  }
0x149: {  	_ =	swait.ge [sflag:s28], $0x8000;
	s0 =	sshra.s32 s0, $0x2  }
0x14a: {  	s29 =	simm.s32 $0x0;
	[sflag:s28] =	ssyncset.done $0x0;
	s0 =	sadd.s32 $0x10000, s0  }
0x14b: {  	[sflag:s28] =	ssyncadd.s32 $0xFFFF8000;
	s28 =	simm.s32 $0x0;
	[dreg:$0x5] =	wrdreg s0  }
.LBB2_11:
0x14c: {  	s0 =	rddreg [dreg:$0x5]  }
0x14d: {  	s30 =	sand.u32 $0x180, s29;
	s31 =	sand.u32 $0x70, s29;
	s3 =	sand.u32 $0xC00, s28  }
0x14e: {  	s0 =	sadd.s32 s30, s0;
	s30 =	sor.u32 s31, s3  }
0x14f: {  	s0 =	sadd.s32 s31, s0;
	v2 =	vld [tilespmem:s30+$0x8000]  }
0x150: {  	v1 =	vld [tilespmem:s0+$0x200];
	_ =	sdelay $0x4  }
0x151: {  	v2 =	vmul.f32 v2, v1  }
0x152: {  	s3 =	simm.s32 $0x11100  }
0x153: {  	[tilespmem:s3+$0x0] =	vst.add.f32.msk $0xffff, v2  }
0x154: {  	v2 =	vld [tilespmem:s30+$0x8080];
	_ =	sdelay $0x4  }
0x155: {  	v2 =	vmul.f32 v2, v1  }
0x156: {  	s31 =	simm.s32 $0x11110  }
0x157: {  	[tilespmem:s31+$0x0] =	vst.add.f32.msk $0xffff, v2  }
0x158: {  	v2 =	vld [tilespmem:s30+$0x8100];
	_ =	sdelay $0x4  }
0x159: {  	v2 =	vmul.f32 v2, v1  }
0x15a: {  	s3 =	simm.s32 $0x11120  }
0x15b: {  	[tilespmem:s3+$0x0] =	vst.add.f32.msk $0xffff, v2  }
0x15c: {  	v2 =	vld [tilespmem:s30+$0x8180];
	_ =	sdelay $0x4  }
0x15d: {  	v2 =	vmul.f32 v2, v1  }
0x15e: {  	s31 =	simm.s32 $0x11130  }
0x15f: {  	[tilespmem:s31+$0x0] =	vst.add.f32.msk $0xffff, v2  }
0x160: {  	v2 =	vld [tilespmem:s30+$0x8200];
	_ =	sdelay $0x4  }
0x161: {  	v2 =	vmul.f32 v2, v1  }
0x162: {  	s3 =	simm.s32 $0x11140  }
0x163: {  	[tilespmem:s3+$0x0] =	vst.add.f32.msk $0xffff, v2  }
0x164: {  	v2 =	vld [tilespmem:s30+$0x8280];
	_ =	sdelay $0x4  }
0x165: {  	v2 =	vmul.f32 v2, v1  }
0x166: {  	s31 =	simm.s32 $0x11150  }
0x167: {  	[tilespmem:s31+$0x0] =	vst.add.f32.msk $0xffff, v2  }
0x168: {  	v2 =	vld [tilespmem:s30+$0x8300];
	_ =	sdelay $0x4  }
0x169: {  	v2 =	vmul.f32 v2, v1  }
0x16a: {  	s0 =	sor.u32 s28, s29;
	s3 =	simm.s32 $0x11160  }
0x16b: {  	s0 =	sor.u32 $0x380, s0;
	[tilespmem:s3+$0x0] =	vst.add.f32.msk $0xffff, v2  }
0x16c: {  	v2 =	vld [tilespmem:s0+$0x8000];
	_ =	sdelay $0x4  }
0x16d: {  	v2 =	vmul.f32 v2, v1  }
0x16e: {  	s3 =	simm.s32 $0x11170  }
0x16f: {  	[tilespmem:s3+$0x0] =	vst.add.f32.msk $0xffff, v2  }
0x170: {  	v2 =	vld [tilespmem:s30+$0x9000];
	_ =	sdelay $0x4  }
0x171: {  	v2 =	vmul.f32 v2, v1  }
0x172: {  	s31 =	simm.s32 $0x11180  }
0x173: {  	[tilespmem:s31+$0x0] =	vst.add.f32.msk $0xffff, v2  }
0x174: {  	v2 =	vld [tilespmem:s30+$0x9080];
	_ =	sdelay $0x4  }
0x175: {  	v2 =	vmul.f32 v2, v1  }
0x176: {  	s3 =	simm.s32 $0x11190  }
0x177: {  	[tilespmem:s3+$0x0] =	vst.add.f32.msk $0xffff, v2  }
0x178: {  	v2 =	vld [tilespmem:s30+$0x9100];
	_ =	sdelay $0x4  }
0x179: {  	v2 =	vmul.f32 v2, v1  }
0x17a: {  	s31 =	simm.s32 $0x111A0  }
0x17b: {  	[tilespmem:s31+$0x0] =	vst.add.f32.msk $0xffff, v2  }
0x17c: {  	v2 =	vld [tilespmem:s30+$0x9180];
	_ =	sdelay $0x4  }
0x17d: {  	v2 =	vmul.f32 v2, v1  }
0x17e: {  	s3 =	simm.s32 $0x111B0  }
0x17f: {  	[tilespmem:s3+$0x0] =	vst.add.f32.msk $0xffff, v2  }
0x180: {  	v2 =	vld [tilespmem:s30+$0x9200];
	_ =	sdelay $0x4  }
0x181: {  	v2 =	vmul.f32 v2, v1  }
0x182: {  	s31 =	simm.s32 $0x111C0  }
0x183: {  	[tilespmem:s31+$0x0] =	vst.add.f32.msk $0xffff, v2  }
0x184: {  	v2 =	vld [tilespmem:s30+$0x9280];
	_ =	sdelay $0x4  }
0x185: {  	v2 =	vmul.f32 v2, v1  }
0x186: {  	s3 =	simm.s32 $0x111D0  }
0x187: {  	[tilespmem:s3+$0x0] =	vst.add.f32.msk $0xffff, v2  }
0x188: {  	v2 =	vld [tilespmem:s30+$0x9300];
	_ =	sdelay $0x4  }
0x189: {  	v2 =	vmul.f32 v2, v1  }
0x18a: {  	s31 =	simm.s32 $0x111E0  }
0x18b: {  	[tilespmem:s31+$0x0] =	vst.add.f32.msk $0xffff, v2  }
0x18c: {  	v2 =	vld [tilespmem:s30+$0x9380];
	_ =	sdelay $0x4  }
0x18d: {  	v2 =	vmul.f32 v2, v1  }
0x18e: {  	s3 =	simm.s32 $0x111F0  }
0x18f: {  	[tilespmem:s3+$0x0] =	vst.add.f32.msk $0xffff, v2  }
0x190: {  	v2 =	vld [tilespmem:s30+$0xA000];
	_ =	sdelay $0x4  }
0x191: {  	v2 =	vmul.f32 v2, v1  }
0x192: {  	s31 =	simm.s32 $0x11200  }
0x193: {  	[tilespmem:s31+$0x0] =	vst.add.f32.msk $0xffff, v2  }
0x194: {  	v2 =	vld [tilespmem:s30+$0xA080];
	_ =	sdelay $0x4  }
0x195: {  	v2 =	vmul.f32 v2, v1  }
0x196: {  	s3 =	simm.s32 $0x11210  }
0x197: {  	[tilespmem:s3+$0x0] =	vst.add.f32.msk $0xffff, v2  }
0x198: {  	v2 =	vld [tilespmem:s30+$0xA100];
	_ =	sdelay $0x4  }
0x199: {  	v2 =	vmul.f32 v2, v1  }
0x19a: {  	s31 =	simm.s32 $0x11220  }
0x19b: {  	[tilespmem:s31+$0x0] =	vst.add.f32.msk $0xffff, v2  }
0x19c: {  	v2 =	vld [tilespmem:s30+$0xA180];
	_ =	sdelay $0x4  }
0x19d: {  	v2 =	vmul.f32 v2, v1  }
0x19e: {  	s3 =	simm.s32 $0x11230  }
0x19f: {  	[tilespmem:s3+$0x0] =	vst.add.f32.msk $0xffff, v2  }
0x1a0: {  	v2 =	vld [tilespmem:s30+$0xA200];
	_ =	sdelay $0x4  }
0x1a1: {  	v2 =	vmul.f32 v2, v1  }
0x1a2: {  	s31 =	simm.s32 $0x11240  }
0x1a3: {  	[tilespmem:s31+$0x0] =	vst.add.f32.msk $0xffff, v2  }
0x1a4: {  	v2 =	vld [tilespmem:s30+$0xA280];
	_ =	sdelay $0x4  }
0x1a5: {  	v2 =	vmul.f32 v2, v1  }
0x1a6: {  	s3 =	simm.s32 $0x11250  }
0x1a7: {  	[tilespmem:s3+$0x0] =	vst.add.f32.msk $0xffff, v2  }
0x1a8: {  	v2 =	vld [tilespmem:s30+$0xA300];
	_ =	sdelay $0x4  }
0x1a9: {  	v2 =	vmul.f32 v2, v1  }
0x1aa: {  	s31 =	simm.s32 $0x11260  }
0x1ab: {  	[tilespmem:s31+$0x0] =	vst.add.f32.msk $0xffff, v2  }
0x1ac: {  	v2 =	vld [tilespmem:s30+$0xA380];
	_ =	sdelay $0x4  }
0x1ad: {  	v2 =	vmul.f32 v2, v1  }
0x1ae: {  	s3 =	simm.s32 $0x11270  }
0x1af: {  	[tilespmem:s3+$0x0] =	vst.add.f32.msk $0xffff, v2  }
0x1b0: {  	v2 =	vld [tilespmem:s30+$0xB000];
	_ =	sdelay $0x4  }
0x1b1: {  	v2 =	vmul.f32 v2, v1  }
0x1b2: {  	s31 =	simm.s32 $0x11280  }
0x1b3: {  	[tilespmem:s31+$0x0] =	vst.add.f32.msk $0xffff, v2  }
0x1b4: {  	v2 =	vld [tilespmem:s30+$0xB080];
	_ =	sdelay $0x4  }
0x1b5: {  	v2 =	vmul.f32 v2, v1  }
0x1b6: {  	s3 =	simm.s32 $0x11290  }
0x1b7: {  	[tilespmem:s3+$0x0] =	vst.add.f32.msk $0xffff, v2  }
0x1b8: {  	v2 =	vld [tilespmem:s30+$0xB100];
	_ =	sdelay $0x4  }
0x1b9: {  	v2 =	vmul.f32 v2, v1  }
0x1ba: {  	s31 =	simm.s32 $0x112A0  }
0x1bb: {  	[tilespmem:s31+$0x0] =	vst.add.f32.msk $0xffff, v2  }
0x1bc: {  	v2 =	vld [tilespmem:s30+$0xB180];
	_ =	sdelay $0x4  }
0x1bd: {  	v2 =	vmul.f32 v2, v1  }
0x1be: {  	s3 =	simm.s32 $0x112B0  }
0x1bf: {  	[tilespmem:s3+$0x0] =	vst.add.f32.msk $0xffff, v2  }
0x1c0: {  	v2 =	vld [tilespmem:s30+$0xB200];
	_ =	sdelay $0x4  }
0x1c1: {  	v2 =	vmul.f32 v2, v1  }
0x1c2: {  	s31 =	simm.s32 $0x112C0  }
0x1c3: {  	[tilespmem:s31+$0x0] =	vst.add.f32.msk $0xffff, v2  }
0x1c4: {  	v2 =	vld [tilespmem:s30+$0xB280];
	_ =	sdelay $0x4  }
0x1c5: {  	v2 =	vmul.f32 v2, v1  }
0x1c6: {  	s3 =	simm.s32 $0x112D0  }
0x1c7: {  	[tilespmem:s3+$0x0] =	vst.add.f32.msk $0xffff, v2  }
0x1c8: {  	v2 =	vld [tilespmem:s30+$0xB300];
	_ =	sdelay $0x4  }
0x1c9: {  	v2 =	vmul.f32 v2, v1  }
0x1ca: {  	s31 =	simm.s32 $0x112E0  }
0x1cb: {  	[tilespmem:s31+$0x0] =	vst.add.f32.msk $0xffff, v2  }
0x1cc: {  	v2 =	vld [tilespmem:s30+$0xB380];
	_ =	sdelay $0x4  }
0x1cd: {  	v2 =	vmul.f32 v2, v1  }
0x1ce: {  	s3 =	simm.s32 $0x112F0  }
0x1cf: {  	[tilespmem:s3+$0x0] =	vst.add.f32.msk $0xffff, v2  }
0x1d0: {  	v2 =	vld [tilespmem:s30+$0xC000];
	_ =	sdelay $0x4  }
0x1d1: {  	v2 =	vmul.f32 v2, v1  }
0x1d2: {  	s31 =	simm.s32 $0x11300  }
0x1d3: {  	[tilespmem:s31+$0x0] =	vst.add.f32.msk $0xffff, v2  }
0x1d4: {  	v2 =	vld [tilespmem:s30+$0xC080];
	_ =	sdelay $0x4  }
0x1d5: {  	v2 =	vmul.f32 v2, v1  }
0x1d6: {  	s3 =	simm.s32 $0x11310  }
0x1d7: {  	[tilespmem:s3+$0x0] =	vst.add.f32.msk $0xffff, v2  }
0x1d8: {  	v2 =	vld [tilespmem:s30+$0xC100];
	_ =	sdelay $0x4  }
0x1d9: {  	v2 =	vmul.f32 v2, v1  }
0x1da: {  	s31 =	simm.s32 $0x11320  }
0x1db: {  	[tilespmem:s31+$0x0] =	vst.add.f32.msk $0xffff, v2  }
0x1dc: {  	v2 =	vld [tilespmem:s30+$0xC180];
	_ =	sdelay $0x4  }
0x1dd: {  	v2 =	vmul.f32 v2, v1  }
0x1de: {  	s3 =	simm.s32 $0x11330  }
0x1df: {  	[tilespmem:s3+$0x0] =	vst.add.f32.msk $0xffff, v2  }
0x1e0: {  	v2 =	vld [tilespmem:s30+$0xC200];
	_ =	sdelay $0x4  }
0x1e1: {  	v2 =	vmul.f32 v2, v1  }
0x1e2: {  	s31 =	simm.s32 $0x11340  }
0x1e3: {  	[tilespmem:s31+$0x0] =	vst.add.f32.msk $0xffff, v2  }
0x1e4: {  	v2 =	vld [tilespmem:s30+$0xC280];
	_ =	sdelay $0x4  }
0x1e5: {  	v2 =	vmul.f32 v2, v1  }
0x1e6: {  	s3 =	simm.s32 $0x11350  }
0x1e7: {  	[tilespmem:s3+$0x0] =	vst.add.f32.msk $0xffff, v2  }
0x1e8: {  	v2 =	vld [tilespmem:s30+$0xC300];
	_ =	sdelay $0x4  }
0x1e9: {  	v2 =	vmul.f32 v2, v1  }
0x1ea: {  	s31 =	simm.s32 $0x11360  }
0x1eb: {  	[tilespmem:s31+$0x0] =	vst.add.f32.msk $0xffff, v2  }
0x1ec: {  	v2 =	vld [tilespmem:s30+$0xC380];
	_ =	sdelay $0x4  }
0x1ed: {  	v2 =	vmul.f32 v2, v1;
	_ =	sdelay $0x1  }
0x1ee: {  	[tilespmem:s4+$0x0] =	vst.add.f32.msk $0xffff, v2  }
0x1ef: {  	v2 =	vld [tilespmem:s30+$0xD000];
	_ =	sdelay $0x4  }
0x1f0: {  	v2 =	vmul.f32 v2, v1;
	_ =	sdelay $0x1  }
0x1f1: {  	[tilespmem:s23+$0x0] =	vst.add.f32.msk $0xffff, v2  }
0x1f2: {  	v2 =	vld [tilespmem:s30+$0xD080];
	_ =	sdelay $0x4  }
0x1f3: {  	v2 =	vmul.f32 v2, v1;
	_ =	sdelay $0x1  }
0x1f4: {  	[tilespmem:s6+$0x0] =	vst.add.f32.msk $0xffff, v2  }
0x1f5: {  	v2 =	vld [tilespmem:s30+$0xD100];
	_ =	sdelay $0x4  }
0x1f6: {  	v2 =	vmul.f32 v2, v1;
	_ =	sdelay $0x1  }
0x1f7: {  	[tilespmem:s7+$0x0] =	vst.add.f32.msk $0xffff, v2  }
0x1f8: {  	v2 =	vld [tilespmem:s30+$0xD180];
	_ =	sdelay $0x4  }
0x1f9: {  	v2 =	vmul.f32 v2, v1;
	_ =	sdelay $0x1  }
0x1fa: {  	[tilespmem:s8+$0x0] =	vst.add.f32.msk $0xffff, v2  }
0x1fb: {  	v2 =	vld [tilespmem:s30+$0xD200];
	_ =	sdelay $0x4  }
0x1fc: {  	v2 =	vmul.f32 v2, v1;
	_ =	sdelay $0x1  }
0x1fd: {  	[tilespmem:s1+$0x0] =	vst.add.f32.msk $0xffff, v2  }
0x1fe: {  	v2 =	vld [tilespmem:s30+$0xD280];
	_ =	sdelay $0x4  }
0x1ff: {  	v2 =	vmul.f32 v2, v1;
	_ =	sdelay $0x1  }
0x200: {  	[tilespmem:s24+$0x0] =	vst.add.f32.msk $0xffff, v2  }
0x201: {  	v2 =	vld [tilespmem:s30+$0xD300];
	_ =	sdelay $0x4  }
0x202: {  	v2 =	vmul.f32 v2, v1;
	_ =	sdelay $0x1  }
0x203: {  	[tilespmem:s25+$0x0] =	vst.add.f32.msk $0xffff, v2  }
0x204: {  	v2 =	vld [tilespmem:s30+$0xD380];
	_ =	sdelay $0x4  }
0x205: {  	v2 =	vmul.f32 v2, v1;
	_ =	sdelay $0x1  }
0x206: {  	[tilespmem:s12+$0x0] =	vst.add.f32.msk $0xffff, v2  }
0x207: {  	v2 =	vld [tilespmem:s30+$0xE000];
	_ =	sdelay $0x4  }
0x208: {  	v2 =	vmul.f32 v2, v1;
	_ =	sdelay $0x1  }
0x209: {  	[tilespmem:s2+$0x0] =	vst.add.f32.msk $0xffff, v2  }
0x20a: {  	v2 =	vld [tilespmem:s30+$0xE080];
	_ =	sdelay $0x4  }
0x20b: {  	v2 =	vmul.f32 v2, v1;
	_ =	sdelay $0x1  }
0x20c: {  	[tilespmem:s21+$0x0] =	vst.add.f32.msk $0xffff, v2  }
0x20d: {  	v2 =	vld [tilespmem:s30+$0xE100];
	_ =	sdelay $0x4  }
0x20e: {  	v2 =	vmul.f32 v2, v1;
	_ =	sdelay $0x1  }
0x20f: {  	[tilespmem:s13+$0x0] =	vst.add.f32.msk $0xffff, v2  }
0x210: {  	v2 =	vld [tilespmem:s30+$0xE180];
	_ =	sdelay $0x4  }
0x211: {  	v2 =	vmul.f32 v2, v1;
	_ =	sdelay $0x1  }
0x212: {  	[tilespmem:s14+$0x0] =	vst.add.f32.msk $0xffff, v2  }
0x213: {  	v2 =	vld [tilespmem:s30+$0xE200];
	_ =	sdelay $0x4  }
0x214: {  	v2 =	vmul.f32 v2, v1;
	_ =	sdelay $0x1  }
0x215: {  	[tilespmem:s15+$0x0] =	vst.add.f32.msk $0xffff, v2  }
0x216: {  	v2 =	vld [tilespmem:s30+$0xE280];
	_ =	sdelay $0x4  }
0x217: {  	v2 =	vmul.f32 v2, v1;
	_ =	sdelay $0x1  }
0x218: {  	[tilespmem:s22+$0x0] =	vst.add.f32.msk $0xffff, v2  }
0x219: {  	v2 =	vld [tilespmem:s30+$0xE300];
	_ =	sdelay $0x4  }
0x21a: {  	v2 =	vmul.f32 v2, v1;
	_ =	sdelay $0x1  }
0x21b: {  	[tilespmem:s5+$0x0] =	vst.add.f32.msk $0xffff, v2  }
0x21c: {  	v2 =	vld [tilespmem:s30+$0xE380];
	_ =	sdelay $0x4  }
0x21d: {  	v2 =	vmul.f32 v2, v1;
	_ =	sdelay $0x1  }
0x21e: {  	[tilespmem:s17+$0x0] =	vst.add.f32.msk $0xffff, v2  }
0x21f: {  	v2 =	vld [tilespmem:s30+$0xF000];
	_ =	sdelay $0x4  }
0x220: {  	v2 =	vmul.f32 v2, v1;
	_ =	sdelay $0x1  }
0x221: {  	[tilespmem:s9+$0x0] =	vst.add.f32.msk $0xffff, v2  }
0x222: {  	v2 =	vld [tilespmem:s30+$0xF080];
	_ =	sdelay $0x4  }
0x223: {  	v2 =	vmul.f32 v2, v1;
	_ =	sdelay $0x1  }
0x224: {  	[tilespmem:s26+$0x0] =	vst.add.f32.msk $0xffff, v2  }
0x225: {  	v2 =	vld [tilespmem:s30+$0xF100];
	_ =	sdelay $0x4  }
0x226: {  	v2 =	vmul.f32 v2, v1;
	_ =	sdelay $0x1  }
0x227: {  	[tilespmem:s10+$0x0] =	vst.add.f32.msk $0xffff, v2  }
0x228: {  	v2 =	vld [tilespmem:s30+$0xF180];
	_ =	sdelay $0x4  }
0x229: {  	v2 =	vmul.f32 v2, v1;
	_ =	sdelay $0x1  }
0x22a: {  	[tilespmem:s18+$0x0] =	vst.add.f32.msk $0xffff, v2  }
0x22b: {  	v2 =	vld [tilespmem:s30+$0xF200];
	_ =	sdelay $0x4  }
0x22c: {  	v2 =	vmul.f32 v2, v1;
	_ =	sdelay $0x1  }
0x22d: {  	[tilespmem:s11+$0x0] =	vst.add.f32.msk $0xffff, v2  }
0x22e: {  	v2 =	vld [tilespmem:s30+$0xF280];
	_ =	sdelay $0x4  }
0x22f: {  	v2 =	vmul.f32 v2, v1;
	_ =	sdelay $0x1  }
0x230: {  	[tilespmem:s16+$0x0] =	vst.add.f32.msk $0xffff, v2  }
0x231: {  	v2 =	vld [tilespmem:s30+$0xF300];
	_ =	sdelay $0x4  }
0x232: {  	v2 =	vmul.f32 v2, v1;
	_ =	sdelay $0x1  }
0x233: {  	[tilespmem:s19+$0x0] =	vst.add.f32.msk $0xffff, v2  }
0x234: {  	v2 =	vld [tilespmem:s30+$0xF380];
	_ =	sdelay $0x1  }
0x235: {  	p0 =	sne.s32 s29, $0x1F0  }
.Ltmp6:
0x236: {  	_ = 	snop;
	(pc) =	sbr.rel @p0 .LBB2_11-.Ltmp6, $3  }
0x237: {  	_ = 	snop  }
0x238: {  	v1 =	vmul.f32 v2, v1;
	_ =	sdelay $0x1  }
0x239: {  	s28 =	sadd.s32 $0x80, s28;
	s29 =	sadd.s32 $0x10, s29;
	[tilespmem:s20+$0x0] =	vst.add.f32.msk $0xffff, v1  }
0x23a: {  	s0 =	rddreg [dreg:$0x13]  }
0x23b: {  	s28 =	rddreg [dreg:$0x9];
	s0 =	sadd.s32 $0x3, s0  }
0x23c: {  	p0 =	sge.u32 s0, s28  }
0x23d: {  	s0 =	sshll.u32 @!p0 s0, $0x11  }
0x23e: {  	s28 =	rddreg [dreg:$0x8];
	s0 =	sand.u32 @!p0 $0x7FFC0000, s0  }
0x23f: {  	s0 =	sadd.s32 @!p0 s0, s28  }
0x240: {  	s1 =	rddreg [dreg:$0x2];
	s29 =	simm.s32 @!p0 $0x7A1400;
	s0 =	sshrl.u32 @!p0 s0, $0x3  }
0x241: {  	s30 =	simm.s32 @!p0 $0x8000;
	s28 =	simm.s32 @!p0 $0x1000;
	s0 =	sadd.s32 @!p0 s1, s0  }
0x242: {  	[tilespmem:s30], [sflag:$0x2] =	stream.strided.gather @!p0 [hbm4b:s0+s28], $0x8000, s29, s28, $0x38;
	[tilespmem:$0x11500] =	vst v63  }
0x243: {  	s30 =	rddreg [dreg:$0x12]  }
0x244: {  	s31 =	rddreg [dreg:$0xd];
	s1 =	sadd.s32 $0x1, s30  }
0x245: {  	p0 =	sne.s32 s1, s31  }
.Ltmp7:
0x246: {  	_ = 	snop;
	(pc) =	sbr.rel @p0 .LBB2_8-.Ltmp7, $1  }
0x247: {  	_ =	sdelay $0x3  }
0x248: {  	s31 =	simm.s32 $0x0  }
0x249: {  	s0 =	rddreg [dreg:$0xc];
	s2 =	simm.s32 $0x11100;
	s28 =	simm.s32 $0x4  }
0x24a: {  	[hbm4b:s0+s31] =	stream.linear.scatter [tilespmem:s2], [sflag:$0x4], $0x400, $0x38;
	[tilespmem:$0x11500] =	vst v63  }
0x24b: {  	_ =	swait.ge [sflag:s28], $0x400  }
0x24c: {  	s16 =	rddreg [dreg:$0x11]  }
0x24d: {  	s29 =	rddreg [dreg:$0xe];
	s2 =	sadd.s32 $0x1, s16  }
0x24e: {  	p0 =	sne.s32 s2, s29  }
.Ltmp8:
0x24f: {  	_ = 	snop;
	(pc) =	sbr.rel @p0 .LBB2_1-.Ltmp8, $4  }
0x250: {  	_ = 	snop  }
0x251: {  	[sflag:s28] =	ssyncset.done $0x0  }
0x252: {  	[sflag:s28] =	ssyncadd.s32 $0xFFFFFC00  }
0x253: {  	s1 =	simm.s32 $0x3;
	s30 =	rddreg [dreg:$0x1]  }
0x254: {  	_ =	sfence.sel $0x180000  }
0x255: {  	[bflag:$0x0] =	sbarrier.arrive $0xFFFF  }
0x256: {  	_ =	strace $0x90000047  }
0x257: {  	s0 =	stileid.u32;
	[bflag:$0x2] =	sbarrier.arrive $0xFFFF  }
0x258: {  	p0 =	sne.s32 s0, $0x0;
	s0 =	rddreg [dreg:$0x3]  }
0x259: {  	s0 =	sadd.s32 @!p0 $0x100000, s0  }
0x25a: {  	[sflag:s0] =	ssyncadd.tile.s32 @!p0 $0x1;
	_ =	shalt  }
.Lfunc_end2:
_tile_overlayer_lowered:
.L_overlay_start_2:
0x25b: {  	(tag) =	ssettag $0x2  }
0x25c: {  	s0 =	rddreg [dreg:$0x0];
	s2 =	stileid.u32  }
0x25d: {  	s1 =	rddreg [dreg:$0x1];
	p0 =	sne.s32 s2, $0x0  }
0x25e: {  	s3 =	rddreg [dreg:$0x2];
	[bflag:$0x3] =	sbarrier.arrive $0xFFFF;
	s2 =	simm.s32 @!p0 $0x1C04  }
0x25f: {  	[timem:s3], [sflag:s2] =	dma.local @!p0 [hbm:s0], s1  }
0x260: {  	s0 =	simm.s32 @!p0 $0x4  }
0x261: {  	_ =	swait.ge @!p0 [sflag:s0], s1  }
0x262: {  	s1 =	ssub.s32 @!p0 $0x0, s1;
	[sflag:s0] =	ssyncset.done @!p0 $0x0  }
0x263: {  	[sflag:s0] =	ssyncadd.s32 @!p0 s1  }
0x264: {  	[bflag:$0x3] =	sbarrier.arrive $0xFFFF  }
0x265: {  	_ =	shalt  }

</sc_bundles>
